<compile_context>
chip_gen: v7x
topology: tpu7x:2x2x1
jax: 0.10.2.dev20260603
libtpu: 0.0.44.dev20260713+nightly
codegen_flags: <defaults>
</compile_context>

<pallas_src>
import functools

import numpy as np

import jax
import jax.numpy as jnp
from jax import lax
from jax.experimental import pallas as pl
from jax.experimental.pallas import tpu as pltpu
from jax.experimental.pallas import tpu_sc as plsc

_NC = 2
_NS = 16
_NW = _NC * _NS
_L = 16

_B = 80
_ROW_BLK = 1000


def _tc_build_tables(h, pos, p, pos_p, Wq_s, bq_s, Wk, bk, Wv, bv, NH):
    N, C = h.shape
    M = p.shape[0]
    HD = Wq_s.shape[1]
    QW = NH * _L // 2 + 16
    KVW = NH * _L + 16

    def pack_pair(x, o):
        ua = lax.bitcast_convert_type(
            x[:, o:o + _L].astype(jnp.bfloat16), jnp.uint16).astype(jnp.uint32)
        ub = lax.bitcast_convert_type(
            x[:, o + _L:o + 2 * _L].astype(jnp.bfloat16),
            jnp.uint16).astype(jnp.uint32)
        return lax.bitcast_convert_type(ua | (ub << 16), jnp.float32)

    def body(h_ref, pos_ref, p_ref, posp_ref, wq_ref, bq_ref, wk_ref, bk_ref,
             wv_ref, bv_ref, qa_ref, qb_ref, kva_ref, kvb_ref):
        hb = h_ref[...]
        q = jnp.dot(hb, wq_ref[...], preferred_element_type=jnp.float32) + bq_ref[...]
        po = pos_ref[...]
        n2 = jnp.sum(po * po, axis=1, keepdims=True)
        one = jnp.ones_like(n2)
        zpad = jnp.zeros((hb.shape[0], 11), jnp.float32)
        qext = jnp.concatenate([po, n2, one, zpad], axis=1)
        NHW = NH * _L
        qa_ref[...] = jnp.concatenate(
            [pack_pair(q, 2 * _L * pr) for pr in range(NH // 2)] + [qext],
            axis=1)
        qb_ref[...] = jnp.concatenate(
            [pack_pair(q, NHW + 2 * _L * pr) for pr in range(NH // 2)] + [qext],
            axis=1)

        pb = p_ref[...]
        k = jnp.dot(pb, wk_ref[...], preferred_element_type=jnp.float32) + bk_ref[...]
        v = jnp.dot(pb, wv_ref[...], preferred_element_type=jnp.float32) + bv_ref[...]
        pp = posp_ref[...]
        pn2 = jnp.sum(pp * pp, axis=1, keepdims=True)
        pone = jnp.ones_like(pn2)
        kext = jnp.concatenate([-2.0 * pp, pone, pn2, zpad], axis=1)
        kva_ref[...] = jnp.concatenate(
            [pack_pair(k, 2 * _L * pr) for pr in range(NH // 2)] + [kext]
            + [pack_pair(v, 2 * _L * pr) for pr in range(NH // 2)], axis=1)
        kvb_ref[...] = jnp.concatenate(
            [pack_pair(k, NHW + 2 * _L * pr) for pr in range(NH // 2)] + [kext]
            + [pack_pair(v, NHW + 2 * _L * pr) for pr in range(NH // 2)],
            axis=1)

    grid = (N // _ROW_BLK,)
    full = lambda s: pl.BlockSpec(s, lambda i: (0,) * len(s))
    rows = lambda w: pl.BlockSpec((_ROW_BLK, w), lambda i: (i, 0))
    return pl.pallas_call(
        body,
        grid=grid,
        in_specs=[rows(C), rows(3), rows(C), rows(3),
                  full((C, HD)), full((1, HD)), full((C, HD)), full((1, HD)),
                  full((C, HD)), full((1, HD))],
        out_specs=[rows(QW), rows(QW), rows(KVW), rows(KVW)],
        out_shape=[jax.ShapeDtypeStruct((N, QW), jnp.float32),
                   jax.ShapeDtypeStruct((N, QW), jnp.float32),
                   jax.ShapeDtypeStruct((M, KVW), jnp.float32),
                   jax.ShapeDtypeStruct((M, KVW), jnp.float32)],
    )(h, pos, p, pos_p, Wq_s, bq_s.reshape(1, -1), Wk, bk.reshape(1, -1),
      Wv, bv.reshape(1, -1))


def _sc_edge_pass(qt, kvt, row, col, WcTp, step, coeff, n_pad, NH):
    NB = row.shape[1]
    EDIM = WcTp.shape[1]
    NEC = EDIM // _L
    NP = NH // 2
    RW = NH * _L + 16
    QW = NP * _L + 16
    KVW = 2 * NP * _L + 16
    RPT = n_pad // _NS
    NZ = 8 if RPT % 8 == 0 else 5
    ZC = RPT // NZ

    mesh = plsc.VectorSubcoreMesh(core_axis_name="c", subcore_axis_name="s",
                                  num_cores=_NC, num_subcores=_NS)

    @functools.partial(
        pl.kernel,
        out_type=jax.ShapeDtypeStruct((_NC, n_pad, RW), jnp.float32),
        mesh=mesh,
        compiler_params=pltpu.CompilerParams(use_tc_tiling_on_sc=False,
                                             needs_layout_passes=False),
        scratch_types=[
            pltpu.VMEM((NB, _B), jnp.int32),
            pltpu.VMEM((NB, _B), jnp.int32),
            pltpu.VMEM((2, _B, QW), jnp.float32),
            pltpu.VMEM((2, _B, KVW), jnp.float32),
            pltpu.VMEM((2, _B, RW), jnp.float32),
            pltpu.VMEM((ZC, RW), jnp.float32),
            pltpu.VMEM((NH, EDIM), jnp.float32),
            pltpu.VMEM_SHARED((n_pad, RW), jnp.float32),
            pltpu.SemaphoreType.DMA,
            pltpu.SemaphoreType.DMA,
            pltpu.SemaphoreType.DMA,
            pltpu.SemaphoreType.DMA,
        ],
    )
    def edge_kernel(qt_hbm, kvt_hbm, row_hbm, col_hbm, wct_hbm, out_hbm,
                    rix_all, cix_all, qrows2, kvrows2, contrib2, stage, wct_v,
                    acc_sh, sg0, sg1, ss0, ss1):
        cid = lax.axis_index("c")
        sid = lax.axis_index("s")
        wid = sid * _NC + cid
        lane_i = lax.iota(jnp.int32, _L)
        lane = lane_i.astype(jnp.float32)
        sg = [sg0, sg1]
        ss = [ss0, ss1]

        pltpu.sync_copy(wct_hbm, wct_v)
        wct = [[wct_v[hh, pl.ds(j * _L, _L)] for j in range(NEC)]
               for hh in range(NH)]
        offs = [(lane + float(j * _L)) * step for j in range(NEC)]

        pltpu.sync_copy(row_hbm.at[wid], rix_all)
        pltpu.sync_copy(col_hbm.at[wid], cix_all)

        def zbody(i, _):
            r = i // (RW // _L)
            c = i % (RW // _L)
            stage[r, pl.ds(c * _L, _L)] = jnp.zeros((_L,), jnp.float32)
            return 0
        lax.fori_loop(0, ZC * (RW // _L), zbody, 0)
        tb = sid * RPT
        for k in range(NZ):
            pltpu.sync_copy(stage, acc_sh.at[pl.ds(tb + k * ZC, ZC)])
        plsc.subcore_barrier()

        def gathers(bi, pp):
            return (pltpu.make_async_copy(qt_hbm.at[rix_all.at[bi]],
                                          qrows2.at[pp], sg[pp]),
                    pltpu.make_async_copy(kvt_hbm.at[cix_all.at[bi]],
                                          kvrows2.at[pp], sg[pp]))

        def scatter(bi, pp):
            return pltpu.make_async_copy(contrib2.at[pp],
                                         acc_sh.at[rix_all.at[bi]], ss[pp])

        def issue_gathers(bi, pp):
            for c in gathers(bi, pp):
                c.start()

        def compute(pp):
            qr = qrows2.at[pp]
            kvr = kvrows2.at[pp]
            ctr = contrib2.at[pp]

            def unpk(w):
                return plsc.unpack(plsc.bitcast(w, jnp.bfloat16),
                                   format=plsc.PackFormat.INTERLEAVED)

            @plsc.parallel_loop(0, _B, 1, unroll=4)
            def edge(i):
                qe = qr[i, pl.ds(NP * _L, _L)]
                ke = kvr[i, pl.ds(NP * _L, _L)]
                dist = jnp.sum(qe * ke, axis=0)
                rbf = []
                for j in range(NEC):
                    d = dist - offs[j]
                    rbf.append(jnp.exp(coeff * (d * d)))
                qk = []
                for pr in range(NP):
                    qa_, qb_ = unpk(qr[i, pl.ds(pr * _L, _L)])
                    ka_, kb_ = unpk(kvr[i, pl.ds(pr * _L, _L)])
                    qk.append(qa_ * ka_)
                    qk.append(qb_ * kb_)
                den = jnp.zeros((_L,), jnp.float32)
                wbs = []
                for hh in range(NH):
                    t = qk[hh] + rbf[0] * wct[hh][0]
                    for j in range(1, NEC):
                        t = t + rbf[j] * wct[hh][j]
                    s = jnp.sum(t, axis=0)
                    wb = jnp.exp(jnp.full((_L,), s))
                    wbs.append(wb)
                    den = jnp.where(lane_i == hh, wb, den)
                for pr in range(NP):
                    va_, vb_ = unpk(kvr[i, pl.ds((NP + 1 + pr) * _L, _L)])
                    ctr[i, pl.ds(2 * pr * _L, _L)] = va_ * wbs[2 * pr]
                    ctr[i, pl.ds((2 * pr + 1) * _L, _L)] = vb_ * wbs[2 * pr + 1]
                ctr[i, pl.ds(NH * _L, _L)] = den

        issue_gathers(0, 0)

        def group(g, _):
            for pp in range(2):
                bi = 2 * g + pp

                @pl.when(bi < NB)
                def _():
                    @pl.when(bi + 1 < NB)
                    def _():
                        issue_gathers(bi + 1, 1 - pp)
                    for c in gathers(bi, pp):
                        c.wait()

                    @pl.when(bi >= 2)
                    def _():
                        scatter(bi - 2, pp).wait()
                    compute(pp)
                    scatter(bi, pp).start(add=True)
            return 0
        lax.fori_loop(0, (NB + 1) // 2, group, 0)
        scatter(NB - 2, (NB - 2) % 2).wait()
        scatter(NB - 1, (NB - 1) % 2).wait()

        plsc.subcore_barrier()
        for k in range(NZ):
            pltpu.sync_copy(acc_sh.at[pl.ds(tb + k * ZC, ZC)], stage)
            pltpu.sync_copy(stage, out_hbm.at[cid, pl.ds(tb + k * ZC, ZC)])

    return edge_kernel(qt, kvt, row, col, WcTp)


def _tc_output(acc_a, acc_b, Wo, bo, W1, b1, W2, b2, Erep, n_rows, NH):
    C = Wo.shape[1]
    HD = Wo.shape[0]
    C2 = W1.shape[1]
    RW = acc_a.shape[2]
    NCQ = acc_a.shape[0]
    NHW = NH * _L

    def body(acca_ref, accb_ref, wo_ref, bo_ref, w1_ref, b1_ref, w2_ref,
             b2_ref, erep_ref, out_ref):
        sa = jnp.sum(acca_ref[...], axis=0)
        sb = jnp.sum(accb_ref[...], axis=0)
        num = jnp.concatenate([sa[:, :NHW], sb[:, :NHW]], axis=1)
        den = jnp.concatenate([sa[:, NHW:NHW + NH], sb[:, NHW:NHW + NH]],
                              axis=1) + 1e-16
        den_wide = jnp.dot(den, erep_ref[...],
                           preferred_element_type=jnp.float32)
        agg = num / den_wide
        x = jnp.dot(agg, wo_ref[...], preferred_element_type=jnp.float32) + bo_ref[...]
        hid = jnp.dot(x, w1_ref[...], preferred_element_type=jnp.float32) + b1_ref[...]
        hid = hid * (1.0 / (1.0 + jnp.exp(-hid)))
        out_ref[...] = jnp.dot(hid, w2_ref[...],
                               preferred_element_type=jnp.float32) + b2_ref[...]

    grid = (n_rows // _ROW_BLK,)
    full = lambda s: pl.BlockSpec(s, lambda i: (0,) * len(s))
    accs = pl.BlockSpec((NCQ, _ROW_BLK, RW), lambda i: (0, i, 0))
    return pl.pallas_call(
        body,
        grid=grid,
        in_specs=[accs, accs,
                  full((HD, C)), full((1, C)), full((C, C2)), full((1, C2)),
                  full((C2, C)), full((1, C)), full((2 * NH, HD))],
        out_specs=pl.BlockSpec((_ROW_BLK, C), lambda i: (i, 0)),
        out_shape=jax.ShapeDtypeStruct((n_rows, C), jnp.float32),
    )(acc_a, acc_b, Wo, bo.reshape(1, -1), W1, b1.reshape(1, -1), W2,
      b2.reshape(1, -1), Erep)


def kernel(pos, h, edge_index, pos_p, p, W_edge, b_edge, Wq, bq, Wk, bk,
           Wv, bv, We, be, Wo, bo, W1, b1, W2, b2):
    N, C = h.shape
    M = p.shape[0]
    E = edge_index.shape[1]
    EDIM = W_edge.shape[0]
    H = We.shape[1]
    DH = Wq.shape[1] // H
    NH = H // 2

    scale = 1.0 / float(np.sqrt(DH))
    Wq_s = Wq * scale
    bq_s = bq * scale
    WcT = (W_edge @ We).T
    offs_np = np.linspace(0.0, 30.0, EDIM)
    step = float(offs_np[1] - offs_np[0])
    coeff = float(-0.5 / step ** 2)

    qa, qb, kva, kvb = _tc_build_tables(h, pos, p, pos_p, Wq_s, bq_s, Wk, bk,
                                        Wv, bv, NH)

    tile = _NW * _B
    E_pad = ((E + tile - 1) // tile) * tile
    row = edge_index[0]
    col = edge_index[1]
    if E_pad != E:
        row = jnp.concatenate([row, jnp.full((E_pad - E,), N, jnp.int32)])
        col = jnp.concatenate([col, jnp.zeros((E_pad - E,), jnp.int32)])
    row = row.reshape(_NW, E_pad // (_NW * _B), _B)
    col = col.reshape(_NW, E_pad // (_NW * _B), _B)
    if E_pad == E and N % _NS == 0:
        n_pad = N
    else:
        n_pad = ((N + 1 + 16 * _NS - 1) // (16 * _NS)) * (16 * _NS)

    acc_a = _sc_edge_pass(qa, kva, row, col, WcT[:NH], step, coeff, n_pad, NH)
    acc_b = _sc_edge_pass(qb, kvb, row, col, WcT[NH:], step, coeff, n_pad, NH)

    lane_h = jnp.arange(H * DH) // DH
    Erep = (lane_h[None, :] == jnp.arange(H)[:, None]).astype(jnp.float32)
    if n_pad != N:
        acc_a = acc_a[:, :N]
        acc_b = acc_b[:, :N]
    return _tc_output(acc_a, acc_b, Wo, bo, W1, b1, W2, b2, Erep, N, NH)

# --- scband reference (transcript-rebuilt; emitter-appended) ---
"""Pipeline reference for scband-p2-l-inter-layer-21131239096468 (READ-ONLY COPY).

The authoritative reference and input builder live on the scoring server;
editing this copy changes nothing except your own understanding.
"""

import jax, jax.numpy as jnp
import numpy as np

N = 10000
M = 10000
E = 320000
C = 128
H = 8
DH = C // H
EDIM = C // 4

def _lin_init(key, fan_in, fan_out):
    return jax.random.normal(key, (fan_in, fan_out), jnp.float32) / np.sqrt(fan_in)

def setup_inputs(seed: int = 0):
    key = jax.random.key(seed)
    ks = jax.random.split(key, 20)
    inp = {}
    inp["pos"] = jax.random.normal(ks[0], (N, 3), jnp.float32) * 5.0
    inp["h"] = jax.random.normal(ks[1], (N, C), jnp.float32)
    inp["edge_index"] = jax.random.randint(ks[2], (2, E), 0, N, dtype=jnp.int32)
    inp["pos_p"] = jax.random.normal(ks[3], (M, 3), jnp.float32) * 5.0
    inp["p"] = jax.random.normal(ks[4], (M, C), jnp.float32)
    inp["W_edge"] = _lin_init(ks[5], EDIM, EDIM)
    inp["b_edge"] = jnp.zeros((EDIM,), jnp.float32)
    inp["Wq"] = _lin_init(ks[6], C, H * DH)
    inp["bq"] = jnp.zeros((H * DH,), jnp.float32)
    inp["Wk"] = _lin_init(ks[7], C, H * DH)
    inp["bk"] = jnp.zeros((H * DH,), jnp.float32)
    inp["Wv"] = _lin_init(ks[8], C, H * DH)
    inp["bv"] = jnp.zeros((H * DH,), jnp.float32)
    inp["We"] = _lin_init(ks[9], EDIM, H)
    inp["be"] = jnp.zeros((H,), jnp.float32)
    inp["Wo"] = _lin_init(ks[10], H * DH, C)
    inp["bo"] = jnp.zeros((C,), jnp.float32)
    inp["W1"] = _lin_init(ks[11], C, 2 * C)
    inp["b1"] = jnp.zeros((2 * C,), jnp.float32)
    inp["W2"] = _lin_init(ks[12], 2 * C, C)
    inp["b2"] = jnp.zeros((C,), jnp.float32)
    return inp

def _forward(pos, h, pos_p, p, W_edge, b_edge, Wq, bq, Wk, bk, Wv, bv, We, be, Wo, bo, W1, b1, W2, b2, edge_index):
    n = h.shape[0]
    row = edge_index[0]
    col = edge_index[1]
    # GaussianSmearing on squared distance of coord diffs (per original forward)
    coord_diff = pos[row] - pos_p[col]
    distance = jnp.sum(coord_diff ** 2, axis=1)
    offset = jnp.linspace(0.0, 30.0, EDIM)
    coeff = -0.5 / (offset[1] - offset[0]) ** 2
    d = distance[:, None] - offset[None, :]
    rbf = jnp.exp(coeff * d ** 2)
    # edge embedding
    edge_attr = rbf @ W_edge + b_edge
    # inter attention: queries from ligand h, keys/values from protein p, edge bias
    q = (h @ Wq + bq).reshape(n, H, DH)
    k = (p @ Wk + bk).reshape(-1, H, DH)
    v = (p @ Wv + bv).reshape(-1, H, DH)
    eb = edge_attr @ We + be
    logits = jnp.sum(q[row] * k[col], axis=-1) / jnp.sqrt(float(DH)) + eb
    seg_max = jax.ops.segment_max(logits, row, num_segments=n)
    seg_max = jnp.where(jnp.isfinite(seg_max), seg_max, 0.0)
    ex = jnp.exp(logits - seg_max[row])
    denom = jax.ops.segment_sum(ex, row, num_segments=n) + 1e-16
    alpha = ex / denom[row]
    agg = jax.ops.segment_sum(alpha[:, :, None] * v[col], row, num_segments=n).reshape(n, H * DH)
    h_node = agg @ Wo + bo
    # ln_out MLP
    hid = jax.nn.silu(h_node @ W1 + b1)
    return hid @ W2 + b2

def reference(pos, h, edge_index, pos_p, p, W_edge, b_edge, Wq, bq, Wk, bk, Wv, bv, We, be, Wo, bo, W1, b1, W2, b2):
    return _forward(pos, h, pos_p, p, W_edge, b_edge, Wq, bq, Wk, bk, Wv, bv, We, be, Wo, bo, W1, b1, W2, b2, edge_index)

if __name__ == "__main__":
    import jax
    _d = setup_inputs()
    print(jax.jit(kernel)(*tuple(_d.values())))

</pallas_src>

<mosaic_0001>
#map = affine_map<(d0, d1) -> (0, 0)>
#map1 = affine_map<(d0, d1) -> (0, 0, 0)>
module attributes {stable_mosaic.version = 14 : i64} {
  func.func @edge_kernel(%arg0: i32, %arg1: i32, %arg2: memref<10000x48xf32, #tpu.memory_space<hbm>>, %arg3: memref<10000x80xf32, #tpu.memory_space<hbm>>, %arg4: memref<32x125x80xi32, #tpu.memory_space<hbm>>, %arg5: memref<32x125x80xi32, #tpu.memory_space<hbm>>, %arg6: memref<4x32xf32, #tpu.memory_space<hbm>>, %arg7: memref<2x10000x80xf32, #tpu.memory_space<hbm>>, %arg8: memref<125x80xi32, #tpu.memory_space<vmem>>, %arg9: memref<125x80xi32, #tpu.memory_space<vmem>>, %arg10: memref<2x80x48xf32, #tpu.memory_space<vmem>>, %arg11: memref<2x80x80xf32, #tpu.memory_space<vmem>>, %arg12: memref<2x80x80xf32, #tpu.memory_space<vmem>>, %arg13: memref<125x80xf32, #tpu.memory_space<vmem>>, %arg14: memref<4x32xf32, #tpu.memory_space<vmem>>, %arg15: memref<10000x80xf32, #tpu.memory_space<vmem_shared>>, %arg16: memref<!tpu.dma_semaphore, #tpu.memory_space<semaphore_mem>>, %arg17: memref<!tpu.dma_semaphore, #tpu.memory_space<semaphore_mem>>, %arg18: memref<!tpu.dma_semaphore, #tpu.memory_space<semaphore_mem>>, %arg19: memref<!tpu.dma_semaphore, #tpu.memory_space<semaphore_mem>>) attributes {dimension_semantics = [#tpu.dimension_semantics<core_parallel>, #tpu.dimension_semantics<subcore_parallel>], iteration_bounds = array<i64: 2, 16>, scalar_prefetch = 0 : i64, scratch_operands = 12 : i64, tpu.core_type = #tpu.core_type<sc_vector_subcore>, window_params = [{transform_indices = #map}, {transform_indices = #map}, {transform_indices = #map1}, {transform_indices = #map1}, {transform_indices = #map}, {transform_indices = #map1}]} {
    %mul3A = arith.constant 2 : i32
    %mul3A_0 = arith.muli %arg1, %mul3A : i32
    %add3A = arith.addi %mul3A_0, %arg0 : i32
    %iota3A = tpu.iota {dimensions = array<i32: 0>} : vector<16xi32>
    %convert_element_type3A = arith.sitofp %iota3A : vector<16xi32> to vector<16xf32>
    "tpu.region"() ({
      %run_scoped3A = tpu.sem_alloc : memref<!tpu.dma_semaphore, #tpu.memory_space<semaphore_mem>>
      tpu.enqueue_dma source(%arg6 : memref<4x32xf32, #tpu.memory_space<hbm>>) target(%arg14 : memref<4x32xf32, #tpu.memory_space<vmem>>) target_semaphore(%run_scoped3A : memref<!tpu.dma_semaphore, #tpu.memory_space<semaphore_mem>>)
      tpu.wait_dma2 semaphore(%run_scoped3A : memref<!tpu.dma_semaphore, #tpu.memory_space<semaphore_mem>>) src(%arg6 : memref<4x32xf32, #tpu.memory_space<hbm>>) dst(%arg14 : memref<4x32xf32, #tpu.memory_space<vmem>>)
      tpu.yield
    }) : () -> ()
    %get3A = arith.constant 0 : i32
    %get3A_1 = arith.index_cast %get3A : i32 to index
    %get3A_2 = arith.constant 0 : index
    %get3A_3 = tpu.vector_load %arg14[%get3A_1, %get3A_2] {strides = array<i32>} : memref<4x32xf32, #tpu.memory_space<vmem>>, vector<16xf32>,
    %get3A_4 = arith.constant 0 : i32
    %get3A_5 = arith.index_cast %get3A_4 : i32 to index
    %get3A_6 = arith.constant 16 : index
    %get3A_7 = tpu.vector_load %arg14[%get3A_5, %get3A_6] {strides = array<i32>} : memref<4x32xf32, #tpu.memory_space<vmem>>, vector<16xf32>,
    %get3A_8 = arith.constant 1 : i32
    %get3A_9 = arith.index_cast %get3A_8 : i32 to index
    %get3A_10 = arith.constant 0 : index
    %get3A_11 = tpu.vector_load %arg14[%get3A_9, %get3A_10] {strides = array<i32>} : memref<4x32xf32, #tpu.memory_space<vmem>>, vector<16xf32>,
    %get3A_12 = arith.constant 1 : i32
    %get3A_13 = arith.index_cast %get3A_12 : i32 to index
    %get3A_14 = arith.constant 16 : index
    %get3A_15 = tpu.vector_load %arg14[%get3A_13, %get3A_14] {strides = array<i32>} : memref<4x32xf32, #tpu.memory_space<vmem>>, vector<16xf32>,
    %get3A_16 = arith.constant 2 : i32
    %get3A_17 = arith.index_cast %get3A_16 : i32 to index
    %get3A_18 = arith.constant 0 : index
    %get3A_19 = tpu.vector_load %arg14[%get3A_17, %get3A_18] {strides = array<i32>} : memref<4x32xf32, #tpu.memory_space<vmem>>, vector<16xf32>,
    %get3A_20 = arith.constant 2 : i32
    %get3A_21 = arith.index_cast %get3A_20 : i32 to index
    %get3A_22 = arith.constant 16 : index
    %get3A_23 = tpu.vector_load %arg14[%get3A_21, %get3A_22] {strides = array<i32>} : memref<4x32xf32, #tpu.memory_space<vmem>>, vector<16xf32>,
    %get3A_24 = arith.constant 3 : i32
    %get3A_25 = arith.index_cast %get3A_24 : i32 to index
    %get3A_26 = arith.constant 0 : index
    %get3A_27 = tpu.vector_load %arg14[%get3A_25, %get3A_26] {strides = array<i32>} : memref<4x32xf32, #tpu.memory_space<vmem>>, vector<16xf32>,
    %get3A_28 = arith.constant 3 : i32
    %get3A_29 = arith.index_cast %get3A_28 : i32 to index
    %get3A_30 = arith.constant 16 : index
    %get3A_31 = tpu.vector_load %arg14[%get3A_29, %get3A_30] {strides = array<i32>} : memref<4x32xf32, #tpu.memory_space<vmem>>, vector<16xf32>,
    %add3A_32 = arith.constant 0.000000e+00 : f32
    %add3A_33 = vector.broadcast %add3A_32 : f32 to vector<16xf32>
    %add3A_34 = arith.addf %convert_element_type3A, %add3A_33 : vector<16xf32>
    %mul3A_35 = arith.constant 0.967741906 : f32
    %mul3A_36 = vector.broadcast %mul3A_35 : f32 to vector<16xf32>
    %mul3A_37 = arith.mulf %add3A_34, %mul3A_36 : vector<16xf32>
    %add3A_38 = arith.constant 1.600000e+01 : f32
    %add3A_39 = vector.broadcast %add3A_38 : f32 to vector<16xf32>
    %add3A_40 = arith.addf %convert_element_type3A, %add3A_39 : vector<16xf32>
    %mul3A_41 = arith.constant 0.967741906 : f32
    %mul3A_42 = vector.broadcast %mul3A_41 : f32 to vector<16xf32>
    %mul3A_43 = arith.mulf %add3A_40, %mul3A_42 : vector<16xf32>
    "tpu.region"() ({
      %run_scoped3A = tpu.sem_alloc : memref<!tpu.dma_semaphore, #tpu.memory_space<semaphore_mem>>
      %dma_start3A_136 = arith.constant 0 : i32
      %dma_start3A_137 = arith.constant 0 : i32
      %dma_start3A_138 = tpu.memref_slice %arg4[%add3A, %dma_start3A_136, %dma_start3A_137] : memref<32x125x80xi32, #tpu.memory_space<hbm>> -> memref<1x125x80xi32, #tpu.memory_space<hbm>>
      %dma_start3A_139 = tpu.memref_squeeze %dma_start3A_138 : memref<1x125x80xi32, #tpu.memory_space<hbm>> -> memref<125x80xi32, #tpu.memory_space<hbm>>
      %dma_start3A_140 = arith.constant 0 : i32
      %dma_start3A_141 = arith.constant 0 : i32
      %dma_start3A_142 = tpu.memref_slice %arg4[%add3A, %dma_start3A_140, %dma_start3A_141] : memref<32x125x80xi32, #tpu.memory_space<hbm>> -> memref<1x125x80xi32, #tpu.memory_space<hbm>>
      %dma_start3A_143 = tpu.memref_squeeze %dma_start3A_142 : memref<1x125x80xi32, #tpu.memory_space<hbm>> -> memref<125x80xi32, #tpu.memory_space<hbm>>
      tpu.enqueue_dma source(%dma_start3A_143 : memref<125x80xi32, #tpu.memory_space<hbm>>) target(%arg8 : memref<125x80xi32, #tpu.memory_space<vmem>>) target_semaphore(%run_scoped3A : memref<!tpu.dma_semaphore, #tpu.memory_space<semaphore_mem>>)
      %dma_wait3A_144 = arith.constant 0 : i32
      %dma_wait3A_145 = arith.constant 0 : i32
      %dma_wait3A_146 = tpu.memref_slice %arg4[%add3A, %dma_wait3A_144, %dma_wait3A_145] : memref<32x125x80xi32, #tpu.memory_space<hbm>> -> memref<1x125x80xi32, #tpu.memory_space<hbm>>
      %dma_wait3A_147 = tpu.memref_squeeze %dma_wait3A_146 : memref<1x125x80xi32, #tpu.memory_space<hbm>> -> memref<125x80xi32, #tpu.memory_space<hbm>>
      %dma_wait3A_148 = arith.constant 0 : i32
      %dma_wait3A_149 = arith.constant 0 : i32
      %dma_wait3A_150 = tpu.memref_slice %arg4[%add3A, %dma_wait3A_148, %dma_wait3A_149] : memref<32x125x80xi32, #tpu.memory_space<hbm>> -> memref<1x125x80xi32, #tpu.memory_space<hbm>>
      %dma_wait3A_151 = tpu.memref_squeeze %dma_wait3A_150 : memref<1x125x80xi32, #tpu.memory_space<hbm>> -> memref<125x80xi32, #tpu.memory_space<hbm>>
      tpu.wait_dma2 semaphore(%run_scoped3A : memref<!tpu.dma_semaphore, #tpu.memory_space<semaphore_mem>>) src(%dma_wait3A_151 : memref<125x80xi32, #tpu.memory_space<hbm>>) dst(%arg8 : memref<125x80xi32, #tpu.memory_space<vmem>>)
      tpu.yield
    }) : () -> ()
    "tpu.region"() ({
      %run_scoped3A = tpu.sem_alloc : memref<!tpu.dma_semaphore, #tpu.memory_space<semaphore_mem>>
      %dma_start3A_136 = arith.constant 0 : i32
      %dma_start3A_137 = arith.constant 0 : i32
      %dma_start3A_138 = tpu.memref_slice %arg5[%add3A, %dma_start3A_136, %dma_start3A_137] : memref<32x125x80xi32, #tpu.memory_space<hbm>> -> memref<1x125x80xi32, #tpu.memory_space<hbm>>
      %dma_start3A_139 = tpu.memref_squeeze %dma_start3A_138 : memref<1x125x80xi32, #tpu.memory_space<hbm>> -> memref<125x80xi32, #tpu.memory_space<hbm>>
      %dma_start3A_140 = arith.constant 0 : i32
      %dma_start3A_141 = arith.constant 0 : i32
      %dma_start3A_142 = tpu.memref_slice %arg5[%add3A, %dma_start3A_140, %dma_start3A_141] : memref<32x125x80xi32, #tpu.memory_space<hbm>> -> memref<1x125x80xi32, #tpu.memory_space<hbm>>
      %dma_start3A_143 = tpu.memref_squeeze %dma_start3A_142 : memref<1x125x80xi32, #tpu.memory_space<hbm>> -> memref<125x80xi32, #tpu.memory_space<hbm>>
      tpu.enqueue_dma source(%dma_start3A_143 : memref<125x80xi32, #tpu.memory_space<hbm>>) target(%arg9 : memref<125x80xi32, #tpu.memory_space<vmem>>) target_semaphore(%run_scoped3A : memref<!tpu.dma_semaphore, #tpu.memory_space<semaphore_mem>>)
      %dma_wait3A_144 = arith.constant 0 : i32
      %dma_wait3A_145 = arith.constant 0 : i32
      %dma_wait3A_146 = tpu.memref_slice %arg5[%add3A, %dma_wait3A_144, %dma_wait3A_145] : memref<32x125x80xi32, #tpu.memory_space<hbm>> -> memref<1x125x80xi32, #tpu.memory_space<hbm>>
      %dma_wait3A_147 = tpu.memref_squeeze %dma_wait3A_146 : memref<1x125x80xi32, #tpu.memory_space<hbm>> -> memref<125x80xi32, #tpu.memory_space<hbm>>
      %dma_wait3A_148 = arith.constant 0 : i32
      %dma_wait3A_149 = arith.constant 0 : i32
      %dma_wait3A_150 = tpu.memref_slice %arg5[%add3A, %dma_wait3A_148, %dma_wait3A_149] : memref<32x125x80xi32, #tpu.memory_space<hbm>> -> memref<1x125x80xi32, #tpu.memory_space<hbm>>
      %dma_wait3A_151 = tpu.memref_squeeze %dma_wait3A_150 : memref<1x125x80xi32, #tpu.memory_space<hbm>> -> memref<125x80xi32, #tpu.memory_space<hbm>>
      tpu.wait_dma2 semaphore(%run_scoped3A : memref<!tpu.dma_semaphore, #tpu.memory_space<semaphore_mem>>) src(%dma_wait3A_151 : memref<125x80xi32, #tpu.memory_space<hbm>>) dst(%arg9 : memref<125x80xi32, #tpu.memory_space<vmem>>)
      tpu.yield
    }) : () -> ()
    %scan3A = arith.constant 0 : i32
    %scan3A_44 = arith.constant 0 : i32
    %scan3A_45 = arith.constant 625 : i32
    %scan3A_46 = arith.addi %scan3A_44, %scan3A_45 : i32
    %scan3A_47 = arith.constant 1 : i32
    %scan3A_48 = scf.for %scan3A_136 = %scan3A_44 to %scan3A_46 step %scan3A_47 iter_args(%scan3A_137 = %scan3A) -> (i32)  : i32 {
      %jit3A = arith.constant 5 : i32
      %div3A = arith.divsi %scan3A_136, %jit3A : i32
      %sign3A = arith.constant 0 : i32
      %sign3A_138 = arith.cmpi sgt, %scan3A_136, %sign3A : i32
      %sign3A_139 = arith.extui %sign3A_138 : i1 to i32
      %sign3A_140 = arith.constant 0 : i32
      %sign3A_141 = arith.cmpi slt, %scan3A_136, %sign3A_140 : i32
      %sign3A_142 = arith.extui %sign3A_141 : i1 to i32
      %sign3A_143 = arith.subi %sign3A_139, %sign3A_142 : i32
      %sign3A_144 = arith.constant 0 : i32
      %sign3A_145 = arith.cmpi sgt, %jit3A, %sign3A_144 : i32
      %sign3A_146 = arith.extui %sign3A_145 : i1 to i32
      %sign3A_147 = arith.constant 0 : i32
      %sign3A_148 = arith.cmpi slt, %jit3A, %sign3A_147 : i32
      %sign3A_149 = arith.extui %sign3A_148 : i1 to i32
      %sign3A_150 = arith.subi %sign3A_146, %sign3A_149 : i32
      %ne3A = arith.cmpi ne, %sign3A_143, %sign3A_150 : i32
      %rem3A = arith.remsi %scan3A_136, %jit3A : i32
      %ne3A_151 = arith.constant 0 : i32
      %ne3A_152 = arith.cmpi ne, %rem3A, %ne3A_151 : i32
      %and3A = arith.andi %ne3A, %ne3A_152 : i1
      %sub3A = arith.constant 1 : i32
      %sub3A_153 = arith.subi %div3A, %sub3A : i32
      %select_n3A = arith.select %and3A, %sub3A_153, %div3A : i32
      %jit3A_154 = arith.constant 5 : i32
      %eq3A = arith.constant 0 : i32
      %eq3A_155 = arith.cmpi eq, %jit3A_154, %eq3A : i32
      %jit3A_156 = arith.constant 1 : i32
      %select_n3A_157 = arith.select %eq3A_155, %jit3A_156, %jit3A_154 : i32
      %rem3A_158 = arith.remsi %scan3A_136, %select_n3A_157 : i32
      %ne3A_159 = arith.constant 0 : i32
      %ne3A_160 = arith.cmpi ne, %rem3A_158, %ne3A_159 : i32
      %lt3A = arith.constant 0 : i32
      %lt3A_161 = arith.cmpi slt, %rem3A_158, %lt3A : i32
      %lt3A_162 = arith.constant 0 : i32
      %lt3A_163 = arith.cmpi slt, %select_n3A_157, %lt3A_162 : i32
      %ne3A_164 = arith.xori %lt3A_161, %lt3A_163 : i1
      %and3A_165 = arith.andi %ne3A_164, %ne3A_160 : i1
      %add3A_166 = arith.addi %rem3A_158, %select_n3A_157 : i32
      %select_n3A_167 = arith.select %and3A_165, %add3A_166, %rem3A_158 : i32
      %broadcast_in_dim3A = arith.constant 0.000000e+00 : f32
      %broadcast_in_dim3A_168 = vector.broadcast %broadcast_in_dim3A : f32 to vector<16xf32>
      %mul3A_169 = arith.constant 16 : i32
      %mul3A_170 = arith.muli %select_n3A_167, %mul3A_169 : i32
      %swap3A = arith.index_cast %select_n3A : i32 to index
      %swap3A_171 = arith.index_cast %mul3A_170 : i32 to index
      %swap3A_172 = tpu.vector_load %arg13[%swap3A, %swap3A_171] {strides = array<i32>} : memref<125x80xf32, #tpu.memory_space<vmem>>, vector<16xf32>,
      tpu.vector_store %arg13[%swap3A, %swap3A_171], %broadcast_in_dim3A_168 {strides = array<i32>} : memref<125x80xf32, #tpu.memory_space<vmem>>, vector<16xf32>,
      %scan3A_173 = arith.constant 0 : i32
      scf.yield %scan3A_173 : i32
    }
    %scan3A_49 = arith.constant 625 : i32
    %mul3A_50 = arith.constant 625 : i32
    %mul3A_51 = arith.muli %arg1, %mul3A_50 : i32
    %add3A_52 = arith.constant 0 : i32
    %add3A_53 = arith.addi %mul3A_51, %add3A_52 : i32
    "tpu.region"() ({
      %run_scoped3A = tpu.sem_alloc : memref<!tpu.dma_semaphore, #tpu.memory_space<semaphore_mem>>
      %dma_start3A_136 = arith.constant 0 : i32
      %dma_start3A_137 = tpu.memref_slice %arg15[%add3A_53, %dma_start3A_136] : memref<10000x80xf32, #tpu.memory_space<vmem_shared>> -> memref<125x80xf32, #tpu.memory_space<vmem_shared>>
      %dma_start3A_138 = arith.constant 0 : i32
      %dma_start3A_139 = tpu.memref_slice %arg15[%add3A_53, %dma_start3A_138] : memref<10000x80xf32, #tpu.memory_space<vmem_shared>> -> memref<125x80xf32, #tpu.memory_space<vmem_shared>>
      tpu.enqueue_dma source(%arg13 : memref<125x80xf32, #tpu.memory_space<vmem>>) target(%dma_start3A_139 : memref<125x80xf32, #tpu.memory_space<vmem_shared>>) target_semaphore(%run_scoped3A : memref<!tpu.dma_semaphore, #tpu.memory_space<semaphore_mem>>)
      %dma_wait3A_140 = arith.constant 0 : i32
      %dma_wait3A_141 = tpu.memref_slice %arg15[%add3A_53, %dma_wait3A_140] : memref<10000x80xf32, #tpu.memory_space<vmem_shared>> -> memref<125x80xf32, #tpu.memory_space<vmem_shared>>
      %dma_wait3A_142 = arith.constant 0 : i32
      %dma_wait3A_143 = tpu.memref_slice %arg15[%add3A_53, %dma_wait3A_142] : memref<10000x80xf32, #tpu.memory_space<vmem_shared>> -> memref<125x80xf32, #tpu.memory_space<vmem_shared>>
      tpu.wait_dma2 semaphore(%run_scoped3A : memref<!tpu.dma_semaphore, #tpu.memory_space<semaphore_mem>>) src(%arg13 : memref<125x80xf32, #tpu.memory_space<vmem>>) dst(%dma_wait3A_143 : memref<125x80xf32, #tpu.memory_space<vmem_shared>>)
      tpu.yield
    }) : () -> ()
    %add3A_54 = arith.constant 125 : i32
    %add3A_55 = arith.addi %mul3A_51, %add3A_54 : i32
    "tpu.region"() ({
      %run_scoped3A = tpu.sem_alloc : memref<!tpu.dma_semaphore, #tpu.memory_space<semaphore_mem>>
      %dma_start3A_136 = arith.constant 0 : i32
      %dma_start3A_137 = tpu.memref_slice %arg15[%add3A_55, %dma_start3A_136] : memref<10000x80xf32, #tpu.memory_space<vmem_shared>> -> memref<125x80xf32, #tpu.memory_space<vmem_shared>>
      %dma_start3A_138 = arith.constant 0 : i32
      %dma_start3A_139 = tpu.memref_slice %arg15[%add3A_55, %dma_start3A_138] : memref<10000x80xf32, #tpu.memory_space<vmem_shared>> -> memref<125x80xf32, #tpu.memory_space<vmem_shared>>
      tpu.enqueue_dma source(%arg13 : memref<125x80xf32, #tpu.memory_space<vmem>>) target(%dma_start3A_139 : memref<125x80xf32, #tpu.memory_space<vmem_shared>>) target_semaphore(%run_scoped3A : memref<!tpu.dma_semaphore, #tpu.memory_space<semaphore_mem>>)
      %dma_wait3A_140 = arith.constant 0 : i32
      %dma_wait3A_141 = tpu.memref_slice %arg15[%add3A_55, %dma_wait3A_140] : memref<10000x80xf32, #tpu.memory_space<vmem_shared>> -> memref<125x80xf32, #tpu.memory_space<vmem_shared>>
      %dma_wait3A_142 = arith.constant 0 : i32
      %dma_wait3A_143 = tpu.memref_slice %arg15[%add3A_55, %dma_wait3A_142] : memref<10000x80xf32, #tpu.memory_space<vmem_shared>> -> memref<125x80xf32, #tpu.memory_space<vmem_shared>>
      tpu.wait_dma2 semaphore(%run_scoped3A : memref<!tpu.dma_semaphore, #tpu.memory_space<semaphore_mem>>) src(%arg13 : memref<125x80xf32, #tpu.memory_space<vmem>>) dst(%dma_wait3A_143 : memref<125x80xf32, #tpu.memory_space<vmem_shared>>)
      tpu.yield
    }) : () -> ()
    %add3A_56 = arith.constant 250 : i32
    %add3A_57 = arith.addi %mul3A_51, %add3A_56 : i32
    "tpu.region"() ({
      %run_scoped3A = tpu.sem_alloc : memref<!tpu.dma_semaphore, #tpu.memory_space<semaphore_mem>>
      %dma_start3A_136 = arith.constant 0 : i32
      %dma_start3A_137 = tpu.memref_slice %arg15[%add3A_57, %dma_start3A_136] : memref<10000x80xf32, #tpu.memory_space<vmem_shared>> -> memref<125x80xf32, #tpu.memory_space<vmem_shared>>
      %dma_start3A_138 = arith.constant 0 : i32
      %dma_start3A_139 = tpu.memref_slice %arg15[%add3A_57, %dma_start3A_138] : memref<10000x80xf32, #tpu.memory_space<vmem_shared>> -> memref<125x80xf32, #tpu.memory_space<vmem_shared>>
      tpu.enqueue_dma source(%arg13 : memref<125x80xf32, #tpu.memory_space<vmem>>) target(%dma_start3A_139 : memref<125x80xf32, #tpu.memory_space<vmem_shared>>) target_semaphore(%run_scoped3A : memref<!tpu.dma_semaphore, #tpu.memory_space<semaphore_mem>>)
      %dma_wait3A_140 = arith.constant 0 : i32
      %dma_wait3A_141 = tpu.memref_slice %arg15[%add3A_57, %dma_wait3A_140] : memref<10000x80xf32, #tpu.memory_space<vmem_shared>> -> memref<125x80xf32, #tpu.memory_space<vmem_shared>>
      %dma_wait3A_142 = arith.constant 0 : i32
      %dma_wait3A_143 = tpu.memref_slice %arg15[%add3A_57, %dma_wait3A_142] : memref<10000x80xf32, #tpu.memory_space<vmem_shared>> -> memref<125x80xf32, #tpu.memory_space<vmem_shared>>
      tpu.wait_dma2 semaphore(%run_scoped3A : memref<!tpu.dma_semaphore, #tpu.memory_space<semaphore_mem>>) src(%arg13 : memref<125x80xf32, #tpu.memory_space<vmem>>) dst(%dma_wait3A_143 : memref<125x80xf32, #tpu.memory_space<vmem_shared>>)
      tpu.yield
    }) : () -> ()
    %add3A_58 = arith.constant 375 : i32
    %add3A_59 = arith.addi %mul3A_51, %add3A_58 : i32
    "tpu.region"() ({
      %run_scoped3A = tpu.sem_alloc : memref<!tpu.dma_semaphore, #tpu.memory_space<semaphore_mem>>
      %dma_start3A_136 = arith.constant 0 : i32
      %dma_start3A_137 = tpu.memref_slice %arg15[%add3A_59, %dma_start3A_136] : memref<10000x80xf32, #tpu.memory_space<vmem_shared>> -> memref<125x80xf32, #tpu.memory_space<vmem_shared>>
      %dma_start3A_138 = arith.constant 0 : i32
      %dma_start3A_139 = tpu.memref_slice %arg15[%add3A_59, %dma_start3A_138] : memref<10000x80xf32, #tpu.memory_space<vmem_shared>> -> memref<125x80xf32, #tpu.memory_space<vmem_shared>>
      tpu.enqueue_dma source(%arg13 : memref<125x80xf32, #tpu.memory_space<vmem>>) target(%dma_start3A_139 : memref<125x80xf32, #tpu.memory_space<vmem_shared>>) target_semaphore(%run_scoped3A : memref<!tpu.dma_semaphore, #tpu.memory_space<semaphore_mem>>)
      %dma_wait3A_140 = arith.constant 0 : i32
      %dma_wait3A_141 = tpu.memref_slice %arg15[%add3A_59, %dma_wait3A_140] : memref<10000x80xf32, #tpu.memory_space<vmem_shared>> -> memref<125x80xf32, #tpu.memory_space<vmem_shared>>
      %dma_wait3A_142 = arith.constant 0 : i32
      %dma_wait3A_143 = tpu.memref_slice %arg15[%add3A_59, %dma_wait3A_142] : memref<10000x80xf32, #tpu.memory_space<vmem_shared>> -> memref<125x80xf32, #tpu.memory_space<vmem_shared>>
      tpu.wait_dma2 semaphore(%run_scoped3A : memref<!tpu.dma_semaphore, #tpu.memory_space<semaphore_mem>>) src(%arg13 : memref<125x80xf32, #tpu.memory_space<vmem>>) dst(%dma_wait3A_143 : memref<125x80xf32, #tpu.memory_space<vmem_shared>>)
      tpu.yield
    }) : () -> ()
    %add3A_60 = arith.constant 500 : i32
    %add3A_61 = arith.addi %mul3A_51, %add3A_60 : i32
    "tpu.region"() ({
      %run_scoped3A = tpu.sem_alloc : memref<!tpu.dma_semaphore, #tpu.memory_space<semaphore_mem>>
      %dma_start3A_136 = arith.constant 0 : i32
      %dma_start3A_137 = tpu.memref_slice %arg15[%add3A_61, %dma_start3A_136] : memref<10000x80xf32, #tpu.memory_space<vmem_shared>> -> memref<125x80xf32, #tpu.memory_space<vmem_shared>>
      %dma_start3A_138 = arith.constant 0 : i32
      %dma_start3A_139 = tpu.memref_slice %arg15[%add3A_61, %dma_start3A_138] : memref<10000x80xf32, #tpu.memory_space<vmem_shared>> -> memref<125x80xf32, #tpu.memory_space<vmem_shared>>
      tpu.enqueue_dma source(%arg13 : memref<125x80xf32, #tpu.memory_space<vmem>>) target(%dma_start3A_139 : memref<125x80xf32, #tpu.memory_space<vmem_shared>>) target_semaphore(%run_scoped3A : memref<!tpu.dma_semaphore, #tpu.memory_space<semaphore_mem>>)
      %dma_wait3A_140 = arith.constant 0 : i32
      %dma_wait3A_141 = tpu.memref_slice %arg15[%add3A_61, %dma_wait3A_140] : memref<10000x80xf32, #tpu.memory_space<vmem_shared>> -> memref<125x80xf32, #tpu.memory_space<vmem_shared>>
      %dma_wait3A_142 = arith.constant 0 : i32
      %dma_wait3A_143 = tpu.memref_slice %arg15[%add3A_61, %dma_wait3A_142] : memref<10000x80xf32, #tpu.memory_space<vmem_shared>> -> memref<125x80xf32, #tpu.memory_space<vmem_shared>>
      tpu.wait_dma2 semaphore(%run_scoped3A : memref<!tpu.dma_semaphore, #tpu.memory_space<semaphore_mem>>) src(%arg13 : memref<125x80xf32, #tpu.memory_space<vmem>>) dst(%dma_wait3A_143 : memref<125x80xf32, #tpu.memory_space<vmem_shared>>)
      tpu.yield
    }) : () -> ()
    %barrier3A = arith.constant 0 : index
    tpu.barrier barrier_id(%barrier3A)
    %dma_start3A = arith.constant 0 : i32
    %dma_start3A_62 = arith.constant 0 : i32
    %dma_start3A_63 = arith.constant 0 : i32
    %dma_start3A_64 = arith.constant 0 : i32
    %dma_start3A_65 = tpu.memref_slice %arg10[%dma_start3A_62, %dma_start3A_63, %dma_start3A_64] : memref<2x80x48xf32, #tpu.memory_space<vmem>> -> memref<1x80x48xf32, #tpu.memory_space<vmem>>
    %dma_start3A_66 = tpu.memref_squeeze %dma_start3A_65 : memref<1x80x48xf32, #tpu.memory_space<vmem>> -> memref<80x48xf32, #tpu.memory_space<vmem>>
    %dma_start3A_67 = arith.constant 0 : i32
    %dma_start3A_68 = tpu.memref_slice %arg8[%dma_start3A, %dma_start3A_67] : memref<125x80xi32, #tpu.memory_space<vmem>> -> memref<1x80xi32, #tpu.memory_space<vmem>>
    %dma_start3A_69 = tpu.memref_squeeze %dma_start3A_68 : memref<1x80xi32, #tpu.memory_space<vmem>> -> memref<80xi32, #tpu.memory_space<vmem>>
    %dma_start3A_70 = arith.constant 0 : i32
    %dma_start3A_71 = arith.constant 0 : i32
    %dma_start3A_72 = tpu.memref_slice %arg2[%dma_start3A_70, %dma_start3A_71] : memref<10000x48xf32, #tpu.memory_space<hbm>> -> memref<10000x48xf32, #tpu.memory_space<hbm>>
    tpu.enqueue_indirect_dma source(%dma_start3A_72 : memref<10000x48xf32, #tpu.memory_space<hbm>>) target(%dma_start3A_66 : memref<80x48xf32, #tpu.memory_space<vmem>>) offsets(%dma_start3A_69 : memref<80xi32, #tpu.memory_space<vmem>>) semaphore(%arg16 : memref<!tpu.dma_semaphore, #tpu.memory_space<semaphore_mem>>)
    %dma_start3A_73 = arith.constant 0 : i32
    %dma_start3A_74 = arith.constant 0 : i32
    %dma_start3A_75 = arith.constant 0 : i32
    %dma_start3A_76 = arith.constant 0 : i32
    %dma_start3A_77 = tpu.memref_slice %arg11[%dma_start3A_74, %dma_start3A_75, %dma_start3A_76] : memref<2x80x80xf32, #tpu.memory_space<vmem>> -> memref<1x80x80xf32, #tpu.memory_space<vmem>>
    %dma_start3A_78 = tpu.memref_squeeze %dma_start3A_77 : memref<1x80x80xf32, #tpu.memory_space<vmem>> -> memref<80x80xf32, #tpu.memory_space<vmem>>
    %dma_start3A_79 = arith.constant 0 : i32
    %dma_start3A_80 = tpu.memref_slice %arg9[%dma_start3A_73, %dma_start3A_79] : memref<125x80xi32, #tpu.memory_space<vmem>> -> memref<1x80xi32, #tpu.memory_space<vmem>>
    %dma_start3A_81 = tpu.memref_squeeze %dma_start3A_80 : memref<1x80xi32, #tpu.memory_space<vmem>> -> memref<80xi32, #tpu.memory_space<vmem>>
    %dma_start3A_82 = arith.constant 0 : i32
    %dma_start3A_83 = arith.constant 0 : i32
    %dma_start3A_84 = tpu.memref_slice %arg3[%dma_start3A_82, %dma_start3A_83] : memref<10000x80xf32, #tpu.memory_space<hbm>> -> memref<10000x80xf32, #tpu.memory_space<hbm>>
    tpu.enqueue_indirect_dma source(%dma_start3A_84 : memref<10000x80xf32, #tpu.memory_space<hbm>>) target(%dma_start3A_78 : memref<80x80xf32, #tpu.memory_space<vmem>>) offsets(%dma_start3A_81 : memref<80xi32, #tpu.memory_space<vmem>>) semaphore(%arg16 : memref<!tpu.dma_semaphore, #tpu.memory_space<semaphore_mem>>)
    %scan3A_85 = arith.constant 0 : i32
    %scan3A_86 = arith.constant 0 : i32
    %scan3A_87 = arith.constant 63 : i32
    %scan3A_88 = arith.addi %scan3A_86, %scan3A_87 : i32
    %scan3A_89 = arith.constant 1 : i32
    %scan3A_90 = scf.for %scan3A_136 = %scan3A_86 to %scan3A_88 step %scan3A_89 iter_args(%scan3A_137 = %scan3A_85) -> (i32)  : i32 {
      %mul3A_138 = arith.constant 2 : i32
      %mul3A_139 = arith.muli %mul3A_138, %scan3A_136 : i32
      %add3A_140 = arith.constant 0 : i32
      %add3A_141 = arith.addi %mul3A_139, %add3A_140 : i32
      %lt3A = arith.constant 125 : i32
      %lt3A_142 = arith.cmpi slt, %add3A_141, %lt3A : i32
      %convert_element_type3A_143 = arith.extui %lt3A_142 : i1 to i32
      %cond3A = arith.constant 0 : i32
      %cond3A_144 = arith.cmpi ne, %convert_element_type3A_143, %cond3A : i32
      scf.if %cond3A_144 {
        %add3A_155 = arith.constant 1 : i32
        %add3A_156 = arith.addi %add3A_141, %add3A_155 : i32
        %lt3A_157 = arith.constant 125 : i32
        %lt3A_158 = arith.cmpi slt, %add3A_156, %lt3A_157 : i32
        %convert_element_type3A_159 = arith.extui %lt3A_158 : i1 to i32
        %cond3A_160 = arith.constant 0 : i32
        %cond3A_161 = arith.cmpi ne, %convert_element_type3A_159, %cond3A_160 : i32
        scf.if %cond3A_161 {
          %add3A_204 = arith.constant 1 : i32
          %add3A_205 = arith.addi %add3A_141, %add3A_204 : i32
          %dma_start3A_206 = arith.constant 1 : i32
          %dma_start3A_207 = arith.constant 0 : i32
          %dma_start3A_208 = arith.constant 0 : i32
          %dma_start3A_209 = tpu.memref_slice %arg10[%dma_start3A_206, %dma_start3A_207, %dma_start3A_208] : memref<2x80x48xf32, #tpu.memory_space<vmem>> -> memref<1x80x48xf32, #tpu.memory_space<vmem>>
          %dma_start3A_210 = tpu.memref_squeeze %dma_start3A_209 : memref<1x80x48xf32, #tpu.memory_space<vmem>> -> memref<80x48xf32, #tpu.memory_space<vmem>>
          %dma_start3A_211 = arith.constant 0 : i32
          %dma_start3A_212 = tpu.memref_slice %arg8[%add3A_205, %dma_start3A_211] : memref<125x80xi32, #tpu.memory_space<vmem>> -> memref<1x80xi32, #tpu.memory_space<vmem>>
          %dma_start3A_213 = tpu.memref_squeeze %dma_start3A_212 : memref<1x80xi32, #tpu.memory_space<vmem>> -> memref<80xi32, #tpu.memory_space<vmem>>
          %dma_start3A_214 = arith.constant 0 : i32
          %dma_start3A_215 = arith.constant 0 : i32
          %dma_start3A_216 = tpu.memref_slice %arg2[%dma_start3A_214, %dma_start3A_215] : memref<10000x48xf32, #tpu.memory_space<hbm>> -> memref<10000x48xf32, #tpu.memory_space<hbm>>
          tpu.enqueue_indirect_dma source(%dma_start3A_216 : memref<10000x48xf32, #tpu.memory_space<hbm>>) target(%dma_start3A_210 : memref<80x48xf32, #tpu.memory_space<vmem>>) offsets(%dma_start3A_213 : memref<80xi32, #tpu.memory_space<vmem>>) semaphore(%arg17 : memref<!tpu.dma_semaphore, #tpu.memory_space<semaphore_mem>>)
          %dma_start3A_217 = arith.constant 1 : i32
          %dma_start3A_218 = arith.constant 0 : i32
          %dma_start3A_219 = arith.constant 0 : i32
          %dma_start3A_220 = tpu.memref_slice %arg11[%dma_start3A_217, %dma_start3A_218, %dma_start3A_219] : memref<2x80x80xf32, #tpu.memory_space<vmem>> -> memref<1x80x80xf32, #tpu.memory_space<vmem>>
          %dma_start3A_221 = tpu.memref_squeeze %dma_start3A_220 : memref<1x80x80xf32, #tpu.memory_space<vmem>> -> memref<80x80xf32, #tpu.memory_space<vmem>>
          %dma_start3A_222 = arith.constant 0 : i32
          %dma_start3A_223 = tpu.memref_slice %arg9[%add3A_205, %dma_start3A_222] : memref<125x80xi32, #tpu.memory_space<vmem>> -> memref<1x80xi32, #tpu.memory_space<vmem>>
          %dma_start3A_224 = tpu.memref_squeeze %dma_start3A_223 : memref<1x80xi32, #tpu.memory_space<vmem>> -> memref<80xi32, #tpu.memory_space<vmem>>
          %dma_start3A_225 = arith.constant 0 : i32
          %dma_start3A_226 = arith.constant 0 : i32
          %dma_start3A_227 = tpu.memref_slice %arg3[%dma_start3A_225, %dma_start3A_226] : memref<10000x80xf32, #tpu.memory_space<hbm>> -> memref<10000x80xf32, #tpu.memory_space<hbm>>
          tpu.enqueue_indirect_dma source(%dma_start3A_227 : memref<10000x80xf32, #tpu.memory_space<hbm>>) target(%dma_start3A_221 : memref<80x80xf32, #tpu.memory_space<vmem>>) offsets(%dma_start3A_224 : memref<80xi32, #tpu.memory_space<vmem>>) semaphore(%arg17 : memref<!tpu.dma_semaphore, #tpu.memory_space<semaphore_mem>>)
        } else {
        }
        %dma_wait3A_162 = arith.constant 0 : i32
        %dma_wait3A_163 = arith.constant 0 : i32
        %dma_wait3A_164 = arith.constant 0 : i32
        %dma_wait3A_165 = tpu.memref_slice %arg10[%dma_wait3A_162, %dma_wait3A_163, %dma_wait3A_164] : memref<2x80x48xf32, #tpu.memory_space<vmem>> -> memref<1x80x48xf32, #tpu.memory_space<vmem>>
        %dma_wait3A_166 = tpu.memref_squeeze %dma_wait3A_165 : memref<1x80x48xf32, #tpu.memory_space<vmem>> -> memref<80x48xf32, #tpu.memory_space<vmem>>
        %dma_wait3A_167 = arith.constant 0 : i32
        %dma_wait3A_168 = tpu.memref_slice %arg8[%add3A_141, %dma_wait3A_167] : memref<125x80xi32, #tpu.memory_space<vmem>> -> memref<1x80xi32, #tpu.memory_space<vmem>>
        %dma_wait3A_169 = tpu.memref_squeeze %dma_wait3A_168 : memref<1x80xi32, #tpu.memory_space<vmem>> -> memref<80xi32, #tpu.memory_space<vmem>>
        %dma_wait3A_170 = arith.constant 0 : i32
        %dma_wait3A_171 = arith.constant 0 : i32
        %dma_wait3A_172 = tpu.memref_slice %arg2[%dma_wait3A_170, %dma_wait3A_171] : memref<10000x48xf32, #tpu.memory_space<hbm>> -> memref<10000x48xf32, #tpu.memory_space<hbm>>
        tpu.wait_indirect_dma semaphore(%arg16 : memref<!tpu.dma_semaphore, #tpu.memory_space<semaphore_mem>>) src(%dma_wait3A_172 : memref<10000x48xf32, #tpu.memory_space<hbm>>) dst(%dma_wait3A_166 : memref<80x48xf32, #tpu.memory_space<vmem>>)
        %dma_wait3A_173 = arith.constant 0 : i32
        %dma_wait3A_174 = arith.constant 0 : i32
        %dma_wait3A_175 = arith.constant 0 : i32
        %dma_wait3A_176 = tpu.memref_slice %arg11[%dma_wait3A_173, %dma_wait3A_174, %dma_wait3A_175] : memref<2x80x80xf32, #tpu.memory_space<vmem>> -> memref<1x80x80xf32, #tpu.memory_space<vmem>>
        %dma_wait3A_177 = tpu.memref_squeeze %dma_wait3A_176 : memref<1x80x80xf32, #tpu.memory_space<vmem>> -> memref<80x80xf32, #tpu.memory_space<vmem>>
        %dma_wait3A_178 = arith.constant 0 : i32
        %dma_wait3A_179 = tpu.memref_slice %arg9[%add3A_141, %dma_wait3A_178] : memref<125x80xi32, #tpu.memory_space<vmem>> -> memref<1x80xi32, #tpu.memory_space<vmem>>
        %dma_wait3A_180 = tpu.memref_squeeze %dma_wait3A_179 : memref<1x80xi32, #tpu.memory_space<vmem>> -> memref<80xi32, #tpu.memory_space<vmem>>
        %dma_wait3A_181 = arith.constant 0 : i32
        %dma_wait3A_182 = arith.constant 0 : i32
        %dma_wait3A_183 = tpu.memref_slice %arg3[%dma_wait3A_181, %dma_wait3A_182] : memref<10000x80xf32, #tpu.memory_space<hbm>> -> memref<10000x80xf32, #tpu.memory_space<hbm>>
        tpu.wait_indirect_dma semaphore(%arg16 : memref<!tpu.dma_semaphore, #tpu.memory_space<semaphore_mem>>) src(%dma_wait3A_183 : memref<10000x80xf32, #tpu.memory_space<hbm>>) dst(%dma_wait3A_177 : memref<80x80xf32, #tpu.memory_space<vmem>>)
        %ge3A = arith.constant 2 : i32
        %ge3A_184 = arith.cmpi sge, %add3A_141, %ge3A : i32
        %convert_element_type3A_185 = arith.extui %ge3A_184 : i1 to i32
        %cond3A_186 = arith.constant 0 : i32
        %cond3A_187 = arith.cmpi ne, %convert_element_type3A_185, %cond3A_186 : i32
        scf.if %cond3A_187 {
          %sub3A = arith.constant 2 : i32
          %sub3A_204 = arith.subi %add3A_141, %sub3A : i32
          %dma_wait3A_205 = arith.constant 0 : i32
          %dma_wait3A_206 = arith.constant 0 : i32
          %dma_wait3A_207 = arith.constant 0 : i32
          %dma_wait3A_208 = tpu.memref_slice %arg12[%dma_wait3A_205, %dma_wait3A_206, %dma_wait3A_207] : memref<2x80x80xf32, #tpu.memory_space<vmem>> -> memref<1x80x80xf32, #tpu.memory_space<vmem>>
          %dma_wait3A_209 = tpu.memref_squeeze %dma_wait3A_208 : memref<1x80x80xf32, #tpu.memory_space<vmem>> -> memref<80x80xf32, #tpu.memory_space<vmem>>
          %dma_wait3A_210 = arith.constant 0 : i32
          %dma_wait3A_211 = tpu.memref_slice %arg8[%sub3A_204, %dma_wait3A_210] : memref<125x80xi32, #tpu.memory_space<vmem>> -> memref<1x80xi32, #tpu.memory_space<vmem>>
          %dma_wait3A_212 = tpu.memref_squeeze %dma_wait3A_211 : memref<1x80xi32, #tpu.memory_space<vmem>> -> memref<80xi32, #tpu.memory_space<vmem>>
          %dma_wait3A_213 = arith.constant 0 : i32
          %dma_wait3A_214 = arith.constant 0 : i32
          %dma_wait3A_215 = tpu.memref_slice %arg15[%dma_wait3A_213, %dma_wait3A_214] : memref<10000x80xf32, #tpu.memory_space<vmem_shared>> -> memref<10000x80xf32, #tpu.memory_space<vmem_shared>>
          tpu.wait_indirect_dma semaphore(%arg18 : memref<!tpu.dma_semaphore, #tpu.memory_space<semaphore_mem>>) src(%dma_wait3A_209 : memref<80x80xf32, #tpu.memory_space<vmem>>) dst(%dma_wait3A_215 : memref<10000x80xf32, #tpu.memory_space<vmem_shared>>)
        } else {
        }
        %parallel_loop3A = arith.constant 0 : i32
        %parallel_loop3A_188 = arith.constant 80 : i32
        %parallel_loop3A_189 = arith.constant 1 : i32
        %parallel_loop3A_190 = arith.constant 0 : i32
        %parallel_loop3A_191 = arith.constant 0 : i32
        %parallel_loop3A_192 = arith.constant 0 : i32
        scf.for %parallel_loop3A_204 = %parallel_loop3A to %parallel_loop3A_188 step %parallel_loop3A_189  : i32 {
          %parallel_loop3A_205 = arith.constant 0 : i32
          %parallel_loop3A_206 = arith.constant 0 : i32
          %parallel_loop3A_207 = tpu.memref_slice %arg10[%parallel_loop3A_190, %parallel_loop3A_205, %parallel_loop3A_206] : memref<2x80x48xf32, #tpu.memory_space<vmem>> -> memref<1x80x48xf32, #tpu.memory_space<vmem>>
          %parallel_loop3A_208 = tpu.memref_squeeze %parallel_loop3A_207 : memref<1x80x48xf32, #tpu.memory_space<vmem>> -> memref<80x48xf32, #tpu.memory_space<vmem>>
          %parallel_loop3A_209 = arith.index_cast %parallel_loop3A_204 : i32 to index
          %parallel_loop3A_210 = arith.constant 32 : index
          %parallel_loop3A_211 = tpu.vector_load %parallel_loop3A_208[%parallel_loop3A_209, %parallel_loop3A_210] {strides = array<i32>} : memref<80x48xf32, #tpu.memory_space<vmem>>, vector<16xf32>,
          %parallel_loop3A_212 = arith.constant 0 : i32
          %parallel_loop3A_213 = arith.constant 0 : i32
          %parallel_loop3A_214 = tpu.memref_slice %arg11[%parallel_loop3A_191, %parallel_loop3A_212, %parallel_loop3A_213] : memref<2x80x80xf32, #tpu.memory_space<vmem>> -> memref<1x80x80xf32, #tpu.memory_space<vmem>>
          %parallel_loop3A_215 = tpu.memref_squeeze %parallel_loop3A_214 : memref<1x80x80xf32, #tpu.memory_space<vmem>> -> memref<80x80xf32, #tpu.memory_space<vmem>>
          %parallel_loop3A_216 = arith.index_cast %parallel_loop3A_204 : i32 to index
          %parallel_loop3A_217 = arith.constant 32 : index
          %parallel_loop3A_218 = tpu.vector_load %parallel_loop3A_215[%parallel_loop3A_216, %parallel_loop3A_217] {strides = array<i32>} : memref<80x80xf32, #tpu.memory_space<vmem>>, vector<16xf32>,
          %parallel_loop3A_219 = arith.mulf %parallel_loop3A_211, %parallel_loop3A_218 : vector<16xf32>
          %parallel_loop3A_220 = arith.constant true
          %parallel_loop3A_221 = vector.broadcast %parallel_loop3A_220 : i1 to vector<16xi1>
          %parallel_loop3A_222 = tpu.scan <sum>, %parallel_loop3A_219 masked %parallel_loop3A_221 : vector<16xf32>, vector<16xi1> -> vector<16xf32>
          %parallel_loop3A_223 = vector.extract %parallel_loop3A_222[15] : f32 from vector<16xf32>
          %parallel_loop3A_224 = vector.broadcast %parallel_loop3A_223 : f32 to vector<16xf32>
          %parallel_loop3A_225 = arith.subf %parallel_loop3A_224, %mul3A_37 : vector<16xf32>
          %parallel_loop3A_226 = arith.mulf %parallel_loop3A_225, %parallel_loop3A_225 : vector<16xf32>
          %parallel_loop3A_227 = arith.constant -0.533888876 : f32
          %parallel_loop3A_228 = vector.broadcast %parallel_loop3A_227 : f32 to vector<16xf32>
          %parallel_loop3A_229 = arith.mulf %parallel_loop3A_228, %parallel_loop3A_226 : vector<16xf32>
          %parallel_loop3A_230 = math.exp %parallel_loop3A_229 : vector<16xf32>
          %parallel_loop3A_231 = vector.broadcast %parallel_loop3A_223 : f32 to vector<16xf32>
          %parallel_loop3A_232 = arith.subf %parallel_loop3A_231, %mul3A_43 : vector<16xf32>
          %parallel_loop3A_233 = arith.mulf %parallel_loop3A_232, %parallel_loop3A_232 : vector<16xf32>
          %parallel_loop3A_234 = arith.constant -0.533888876 : f32
          %parallel_loop3A_235 = vector.broadcast %parallel_loop3A_234 : f32 to vector<16xf32>
          %parallel_loop3A_236 = arith.mulf %parallel_loop3A_235, %parallel_loop3A_233 : vector<16xf32>
          %parallel_loop3A_237 = math.exp %parallel_loop3A_236 : vector<16xf32>
          %parallel_loop3A_238 = arith.constant 0 : i32
          %parallel_loop3A_239 = arith.constant 0 : i32
          %parallel_loop3A_240 = tpu.memref_slice %arg10[%parallel_loop3A_190, %parallel_loop3A_238, %parallel_loop3A_239] : memref<2x80x48xf32, #tpu.memory_space<vmem>> -> memref<1x80x48xf32, #tpu.memory_space<vmem>>
          %parallel_loop3A_241 = tpu.memref_squeeze %parallel_loop3A_240 : memref<1x80x48xf32, #tpu.memory_space<vmem>> -> memref<80x48xf32, #tpu.memory_space<vmem>>
          %parallel_loop3A_242 = arith.index_cast %parallel_loop3A_204 : i32 to index
          %parallel_loop3A_243 = arith.constant 0 : index
          %parallel_loop3A_244 = tpu.vector_load %parallel_loop3A_241[%parallel_loop3A_242, %parallel_loop3A_243] {strides = array<i32>} : memref<80x48xf32, #tpu.memory_space<vmem>>, vector<16xf32>,
          %parallel_loop3A_245 = vector.bitcast %parallel_loop3A_244 : vector<16xf32> to vector<32xbf16>
          %parallel_loop3A_246 = tpu.unpack_subelements %parallel_loop3A_245, 0 {pack_format = #tpu.pack_format<interleaved>} : vector<32xbf16> -> vector<16xf32>
          %parallel_loop3A_247 = tpu.unpack_subelements %parallel_loop3A_245, 1 {pack_format = #tpu.pack_format<interleaved>} : vector<32xbf16> -> vector<16xf32>
          %parallel_loop3A_248 = arith.constant 0 : i32
          %parallel_loop3A_249 = arith.constant 0 : i32
          %parallel_loop3A_250 = tpu.memref_slice %arg11[%parallel_loop3A_191, %parallel_loop3A_248, %parallel_loop3A_249] : memref<2x80x80xf32, #tpu.memory_space<vmem>> -> memref<1x80x80xf32, #tpu.memory_space<vmem>>
          %parallel_loop3A_251 = tpu.memref_squeeze %parallel_loop3A_250 : memref<1x80x80xf32, #tpu.memory_space<vmem>> -> memref<80x80xf32, #tpu.memory_space<vmem>>
          %parallel_loop3A_252 = arith.index_cast %parallel_loop3A_204 : i32 to index
          %parallel_loop3A_253 = arith.constant 0 : index
          %parallel_loop3A_254 = tpu.vector_load %parallel_loop3A_251[%parallel_loop3A_252, %parallel_loop3A_253] {strides = array<i32>} : memref<80x80xf32, #tpu.memory_space<vmem>>, vector<16xf32>,
          %parallel_loop3A_255 = vector.bitcast %parallel_loop3A_254 : vector<16xf32> to vector<32xbf16>
          %parallel_loop3A_256 = tpu.unpack_subelements %parallel_loop3A_255, 0 {pack_format = #tpu.pack_format<interleaved>} : vector<32xbf16> -> vector<16xf32>
          %parallel_loop3A_257 = tpu.unpack_subelements %parallel_loop3A_255, 1 {pack_format = #tpu.pack_format<interleaved>} : vector<32xbf16> -> vector<16xf32>
          %parallel_loop3A_258 = arith.mulf %parallel_loop3A_246, %parallel_loop3A_256 : vector<16xf32>
          %parallel_loop3A_259 = arith.mulf %parallel_loop3A_247, %parallel_loop3A_257 : vector<16xf32>
          %parallel_loop3A_260 = arith.constant 0 : i32
          %parallel_loop3A_261 = arith.constant 0 : i32
          %parallel_loop3A_262 = tpu.memref_slice %arg10[%parallel_loop3A_190, %parallel_loop3A_260, %parallel_loop3A_261] : memref<2x80x48xf32, #tpu.memory_space<vmem>> -> memref<1x80x48xf32, #tpu.memory_space<vmem>>
          %parallel_loop3A_263 = tpu.memref_squeeze %parallel_loop3A_262 : memref<1x80x48xf32, #tpu.memory_space<vmem>> -> memref<80x48xf32, #tpu.memory_space<vmem>>
          %parallel_loop3A_264 = arith.index_cast %parallel_loop3A_204 : i32 to index
          %parallel_loop3A_265 = arith.constant 16 : index
          %parallel_loop3A_266 = tpu.vector_load %parallel_loop3A_263[%parallel_loop3A_264, %parallel_loop3A_265] {strides = array<i32>} : memref<80x48xf32, #tpu.memory_space<vmem>>, vector<16xf32>,
          %parallel_loop3A_267 = vector.bitcast %parallel_loop3A_266 : vector<16xf32> to vector<32xbf16>
          %parallel_loop3A_268 = tpu.unpack_subelements %parallel_loop3A_267, 0 {pack_format = #tpu.pack_format<interleaved>} : vector<32xbf16> -> vector<16xf32>
          %parallel_loop3A_269 = tpu.unpack_subelements %parallel_loop3A_267, 1 {pack_format = #tpu.pack_format<interleaved>} : vector<32xbf16> -> vector<16xf32>
          %parallel_loop3A_270 = arith.constant 0 : i32
          %parallel_loop3A_271 = arith.constant 0 : i32
          %parallel_loop3A_272 = tpu.memref_slice %arg11[%parallel_loop3A_191, %parallel_loop3A_270, %parallel_loop3A_271] : memref<2x80x80xf32, #tpu.memory_space<vmem>> -> memref<1x80x80xf32, #tpu.memory_space<vmem>>
          %parallel_loop3A_273 = tpu.memref_squeeze %parallel_loop3A_272 : memref<1x80x80xf32, #tpu.memory_space<vmem>> -> memref<80x80xf32, #tpu.memory_space<vmem>>
          %parallel_loop3A_274 = arith.index_cast %parallel_loop3A_204 : i32 to index
          %parallel_loop3A_275 = arith.constant 16 : index
          %parallel_loop3A_276 = tpu.vector_load %parallel_loop3A_273[%parallel_loop3A_274, %parallel_loop3A_275] {strides = array<i32>} : memref<80x80xf32, #tpu.memory_space<vmem>>, vector<16xf32>,
          %parallel_loop3A_277 = vector.bitcast %parallel_loop3A_276 : vector<16xf32> to vector<32xbf16>
          %parallel_loop3A_278 = tpu.unpack_subelements %parallel_loop3A_277, 0 {pack_format = #tpu.pack_format<interleaved>} : vector<32xbf16> -> vector<16xf32>
          %parallel_loop3A_279 = tpu.unpack_subelements %parallel_loop3A_277, 1 {pack_format = #tpu.pack_format<interleaved>} : vector<32xbf16> -> vector<16xf32>
          %parallel_loop3A_280 = arith.mulf %parallel_loop3A_268, %parallel_loop3A_278 : vector<16xf32>
          %parallel_loop3A_281 = arith.mulf %parallel_loop3A_269, %parallel_loop3A_279 : vector<16xf32>
          %parallel_loop3A_282 = arith.constant 0.000000e+00 : f32
          %parallel_loop3A_283 = vector.broadcast %parallel_loop3A_282 : f32 to vector<16xf32>
          %parallel_loop3A_284 = arith.mulf %parallel_loop3A_230, %get3A_3 : vector<16xf32>
          %parallel_loop3A_285 = arith.addf %parallel_loop3A_258, %parallel_loop3A_284 : vector<16xf32>
          %parallel_loop3A_286 = arith.mulf %parallel_loop3A_237, %get3A_7 : vector<16xf32>
          %parallel_loop3A_287 = arith.addf %parallel_loop3A_285, %parallel_loop3A_286 : vector<16xf32>
          %parallel_loop3A_288 = arith.constant true
          %parallel_loop3A_289 = vector.broadcast %parallel_loop3A_288 : i1 to vector<16xi1>
          %parallel_loop3A_290 = tpu.scan <sum>, %parallel_loop3A_287 masked %parallel_loop3A_289 : vector<16xf32>, vector<16xi1> -> vector<16xf32>
          %parallel_loop3A_291 = vector.extract %parallel_loop3A_290[15] : f32 from vector<16xf32>
          %parallel_loop3A_292 = vector.broadcast %parallel_loop3A_291 : f32 to vector<16xf32>
          %parallel_loop3A_293 = math.exp %parallel_loop3A_292 : vector<16xf32>
          %parallel_loop3A_294 = arith.constant 0 : i32
          %parallel_loop3A_295 = vector.broadcast %parallel_loop3A_294 : i32 to vector<16xi32>
          %parallel_loop3A_296 = arith.cmpi eq, %iota3A, %parallel_loop3A_295 : vector<16xi32>
          %parallel_loop3A_297 = arith.select %parallel_loop3A_296, %parallel_loop3A_293, %parallel_loop3A_283 : vector<16xi1>, vector<16xf32>
          %parallel_loop3A_298 = arith.mulf %parallel_loop3A_230, %get3A_11 : vector<16xf32>
          %parallel_loop3A_299 = arith.addf %parallel_loop3A_259, %parallel_loop3A_298 : vector<16xf32>
          %parallel_loop3A_300 = arith.mulf %parallel_loop3A_237, %get3A_15 : vector<16xf32>
          %parallel_loop3A_301 = arith.addf %parallel_loop3A_299, %parallel_loop3A_300 : vector<16xf32>
          %parallel_loop3A_302 = arith.constant true
          %parallel_loop3A_303 = vector.broadcast %parallel_loop3A_302 : i1 to vector<16xi1>
          %parallel_loop3A_304 = tpu.scan <sum>, %parallel_loop3A_301 masked %parallel_loop3A_303 : vector<16xf32>, vector<16xi1> -> vector<16xf32>
          %parallel_loop3A_305 = vector.extract %parallel_loop3A_304[15] : f32 from vector<16xf32>
          %parallel_loop3A_306 = vector.broadcast %parallel_loop3A_305 : f32 to vector<16xf32>
          %parallel_loop3A_307 = math.exp %parallel_loop3A_306 : vector<16xf32>
          %parallel_loop3A_308 = arith.constant 1 : i32
          %parallel_loop3A_309 = vector.broadcast %parallel_loop3A_308 : i32 to vector<16xi32>
          %parallel_loop3A_310 = arith.cmpi eq, %iota3A, %parallel_loop3A_309 : vector<16xi32>
          %parallel_loop3A_311 = arith.select %parallel_loop3A_310, %parallel_loop3A_307, %parallel_loop3A_297 : vector<16xi1>, vector<16xf32>
          %parallel_loop3A_312 = arith.mulf %parallel_loop3A_230, %get3A_19 : vector<16xf32>
          %parallel_loop3A_313 = arith.addf %parallel_loop3A_280, %parallel_loop3A_312 : vector<16xf32>
          %parallel_loop3A_314 = arith.mulf %parallel_loop3A_237, %get3A_23 : vector<16xf32>
          %parallel_loop3A_315 = arith.addf %parallel_loop3A_313, %parallel_loop3A_314 : vector<16xf32>
          %parallel_loop3A_316 = arith.constant true
          %parallel_loop3A_317 = vector.broadcast %parallel_loop3A_316 : i1 to vector<16xi1>
          %parallel_loop3A_318 = tpu.scan <sum>, %parallel_loop3A_315 masked %parallel_loop3A_317 : vector<16xf32>, vector<16xi1> -> vector<16xf32>
          %parallel_loop3A_319 = vector.extract %parallel_loop3A_318[15] : f32 from vector<16xf32>
          %parallel_loop3A_320 = vector.broadcast %parallel_loop3A_319 : f32 to vector<16xf32>
          %parallel_loop3A_321 = math.exp %parallel_loop3A_320 : vector<16xf32>
          %parallel_loop3A_322 = arith.constant 2 : i32
          %parallel_loop3A_323 = vector.broadcast %parallel_loop3A_322 : i32 to vector<16xi32>
          %parallel_loop3A_324 = arith.cmpi eq, %iota3A, %parallel_loop3A_323 : vector<16xi32>
          %parallel_loop3A_325 = arith.select %parallel_loop3A_324, %parallel_loop3A_321, %parallel_loop3A_311 : vector<16xi1>, vector<16xf32>
          %parallel_loop3A_326 = arith.mulf %parallel_loop3A_230, %get3A_27 : vector<16xf32>
          %parallel_loop3A_327 = arith.addf %parallel_loop3A_281, %parallel_loop3A_326 : vector<16xf32>
          %parallel_loop3A_328 = arith.mulf %parallel_loop3A_237, %get3A_31 : vector<16xf32>
          %parallel_loop3A_329 = arith.addf %parallel_loop3A_327, %parallel_loop3A_328 : vector<16xf32>
          %parallel_loop3A_330 = arith.constant true
          %parallel_loop3A_331 = vector.broadcast %parallel_loop3A_330 : i1 to vector<16xi1>
          %parallel_loop3A_332 = tpu.scan <sum>, %parallel_loop3A_329 masked %parallel_loop3A_331 : vector<16xf32>, vector<16xi1> -> vector<16xf32>
          %parallel_loop3A_333 = vector.extract %parallel_loop3A_332[15] : f32 from vector<16xf32>
          %parallel_loop3A_334 = vector.broadcast %parallel_loop3A_333 : f32 to vector<16xf32>
          %parallel_loop3A_335 = math.exp %parallel_loop3A_334 : vector<16xf32>
          %parallel_loop3A_336 = arith.constant 3 : i32
          %parallel_loop3A_337 = vector.broadcast %parallel_loop3A_336 : i32 to vector<16xi32>
          %parallel_loop3A_338 = arith.cmpi eq, %iota3A, %parallel_loop3A_337 : vector<16xi32>
          %parallel_loop3A_339 = arith.select %parallel_loop3A_338, %parallel_loop3A_335, %parallel_loop3A_325 : vector<16xi1>, vector<16xf32>
          %parallel_loop3A_340 = arith.constant 0 : i32
          %parallel_loop3A_341 = arith.constant 0 : i32
          %parallel_loop3A_342 = tpu.memref_slice %arg11[%parallel_loop3A_191, %parallel_loop3A_340, %parallel_loop3A_341] : memref<2x80x80xf32, #tpu.memory_space<vmem>> -> memref<1x80x80xf32, #tpu.memory_space<vmem>>
          %parallel_loop3A_343 = tpu.memref_squeeze %parallel_loop3A_342 : memref<1x80x80xf32, #tpu.memory_space<vmem>> -> memref<80x80xf32, #tpu.memory_space<vmem>>
          %parallel_loop3A_344 = arith.index_cast %parallel_loop3A_204 : i32 to index
          %parallel_loop3A_345 = arith.constant 48 : index
          %parallel_loop3A_346 = tpu.vector_load %parallel_loop3A_343[%parallel_loop3A_344, %parallel_loop3A_345] {strides = array<i32>} : memref<80x80xf32, #tpu.memory_space<vmem>>, vector<16xf32>,
          %parallel_loop3A_347 = vector.bitcast %parallel_loop3A_346 : vector<16xf32> to vector<32xbf16>
          %parallel_loop3A_348 = tpu.unpack_subelements %parallel_loop3A_347, 0 {pack_format = #tpu.pack_format<interleaved>} : vector<32xbf16> -> vector<16xf32>
          %parallel_loop3A_349 = tpu.unpack_subelements %parallel_loop3A_347, 1 {pack_format = #tpu.pack_format<interleaved>} : vector<32xbf16> -> vector<16xf32>
          %parallel_loop3A_350 = arith.mulf %parallel_loop3A_348, %parallel_loop3A_293 : vector<16xf32>
          %parallel_loop3A_351 = arith.constant 0 : i32
          %parallel_loop3A_352 = arith.constant 0 : i32
          %parallel_loop3A_353 = tpu.memref_slice %arg12[%parallel_loop3A_192, %parallel_loop3A_351, %parallel_loop3A_352] : memref<2x80x80xf32, #tpu.memory_space<vmem>> -> memref<1x80x80xf32, #tpu.memory_space<vmem>>
          %parallel_loop3A_354 = tpu.memref_squeeze %parallel_loop3A_353 : memref<1x80x80xf32, #tpu.memory_space<vmem>> -> memref<80x80xf32, #tpu.memory_space<vmem>>
          %parallel_loop3A_355 = arith.index_cast %parallel_loop3A_204 : i32 to index
          %parallel_loop3A_356 = arith.constant 0 : index
          %parallel_loop3A_357 = tpu.vector_load %parallel_loop3A_354[%parallel_loop3A_355, %parallel_loop3A_356] {strides = array<i32>} : memref<80x80xf32, #tpu.memory_space<vmem>>, vector<16xf32>,
          tpu.vector_store %parallel_loop3A_354[%parallel_loop3A_355, %parallel_loop3A_356], %parallel_loop3A_350 {strides = array<i32>} : memref<80x80xf32, #tpu.memory_space<vmem>>, vector<16xf32>,
          %parallel_loop3A_358 = arith.mulf %parallel_loop3A_349, %parallel_loop3A_307 : vector<16xf32>
          %parallel_loop3A_359 = arith.constant 0 : i32
          %parallel_loop3A_360 = arith.constant 0 : i32
          %parallel_loop3A_361 = tpu.memref_slice %arg12[%parallel_loop3A_192, %parallel_loop3A_359, %parallel_loop3A_360] : memref<2x80x80xf32, #tpu.memory_space<vmem>> -> memref<1x80x80xf32, #tpu.memory_space<vmem>>
          %parallel_loop3A_362 = tpu.memref_squeeze %parallel_loop3A_361 : memref<1x80x80xf32, #tpu.memory_space<vmem>> -> memref<80x80xf32, #tpu.memory_space<vmem>>
          %parallel_loop3A_363 = arith.index_cast %parallel_loop3A_204 : i32 to index
          %parallel_loop3A_364 = arith.constant 16 : index
          %parallel_loop3A_365 = tpu.vector_load %parallel_loop3A_362[%parallel_loop3A_363, %parallel_loop3A_364] {strides = array<i32>} : memref<80x80xf32, #tpu.memory_space<vmem>>, vector<16xf32>,
          tpu.vector_store %parallel_loop3A_362[%parallel_loop3A_363, %parallel_loop3A_364], %parallel_loop3A_358 {strides = array<i32>} : memref<80x80xf32, #tpu.memory_space<vmem>>, vector<16xf32>,
          %parallel_loop3A_366 = arith.constant 0 : i32
          %parallel_loop3A_367 = arith.constant 0 : i32
          %parallel_loop3A_368 = tpu.memref_slice %arg11[%parallel_loop3A_191, %parallel_loop3A_366, %parallel_loop3A_367] : memref<2x80x80xf32, #tpu.memory_space<vmem>> -> memref<1x80x80xf32, #tpu.memory_space<vmem>>
          %parallel_loop3A_369 = tpu.memref_squeeze %parallel_loop3A_368 : memref<1x80x80xf32, #tpu.memory_space<vmem>> -> memref<80x80xf32, #tpu.memory_space<vmem>>
          %parallel_loop3A_370 = arith.index_cast %parallel_loop3A_204 : i32 to index
          %parallel_loop3A_371 = arith.constant 64 : index
          %parallel_loop3A_372 = tpu.vector_load %parallel_loop3A_369[%parallel_loop3A_370, %parallel_loop3A_371] {strides = array<i32>} : memref<80x80xf32, #tpu.memory_space<vmem>>, vector<16xf32>,
          %parallel_loop3A_373 = vector.bitcast %parallel_loop3A_372 : vector<16xf32> to vector<32xbf16>
          %parallel_loop3A_374 = tpu.unpack_subelements %parallel_loop3A_373, 0 {pack_format = #tpu.pack_format<interleaved>} : vector<32xbf16> -> vector<16xf32>
          %parallel_loop3A_375 = tpu.unpack_subelements %parallel_loop3A_373, 1 {pack_format = #tpu.pack_format<interleaved>} : vector<32xbf16> -> vector<16xf32>
          %parallel_loop3A_376 = arith.mulf %parallel_loop3A_374, %parallel_loop3A_321 : vector<16xf32>
          %parallel_loop3A_377 = arith.constant 0 : i32
          %parallel_loop3A_378 = arith.constant 0 : i32
          %parallel_loop3A_379 = tpu.memref_slice %arg12[%parallel_loop3A_192, %parallel_loop3A_377, %parallel_loop3A_378] : memref<2x80x80xf32, #tpu.memory_space<vmem>> -> memref<1x80x80xf32, #tpu.memory_space<vmem>>
          %parallel_loop3A_380 = tpu.memref_squeeze %parallel_loop3A_379 : memref<1x80x80xf32, #tpu.memory_space<vmem>> -> memref<80x80xf32, #tpu.memory_space<vmem>>
          %parallel_loop3A_381 = arith.index_cast %parallel_loop3A_204 : i32 to index
          %parallel_loop3A_382 = arith.constant 32 : index
          %parallel_loop3A_383 = tpu.vector_load %parallel_loop3A_380[%parallel_loop3A_381, %parallel_loop3A_382] {strides = array<i32>} : memref<80x80xf32, #tpu.memory_space<vmem>>, vector<16xf32>,
          tpu.vector_store %parallel_loop3A_380[%parallel_loop3A_381, %parallel_loop3A_382], %parallel_loop3A_376 {strides = array<i32>} : memref<80x80xf32, #tpu.memory_space<vmem>>, vector<16xf32>,
          %parallel_loop3A_384 = arith.mulf %parallel_loop3A_375, %parallel_loop3A_335 : vector<16xf32>
          %parallel_loop3A_385 = arith.constant 0 : i32
          %parallel_loop3A_386 = arith.constant 0 : i32
          %parallel_loop3A_387 = tpu.memref_slice %arg12[%parallel_loop3A_192, %parallel_loop3A_385, %parallel_loop3A_386] : memref<2x80x80xf32, #tpu.memory_space<vmem>> -> memref<1x80x80xf32, #tpu.memory_space<vmem>>
          %parallel_loop3A_388 = tpu.memref_squeeze %parallel_loop3A_387 : memref<1x80x80xf32, #tpu.memory_space<vmem>> -> memref<80x80xf32, #tpu.memory_space<vmem>>
          %parallel_loop3A_389 = arith.index_cast %parallel_loop3A_204 : i32 to index
          %parallel_loop3A_390 = arith.constant 48 : index
          %parallel_loop3A_391 = tpu.vector_load %parallel_loop3A_388[%parallel_loop3A_389, %parallel_loop3A_390] {strides = array<i32>} : memref<80x80xf32, #tpu.memory_space<vmem>>, vector<16xf32>,
          tpu.vector_store %parallel_loop3A_388[%parallel_loop3A_389, %parallel_loop3A_390], %parallel_loop3A_384 {strides = array<i32>} : memref<80x80xf32, #tpu.memory_space<vmem>>, vector<16xf32>,
          %parallel_loop3A_392 = arith.constant 0 : i32
          %parallel_loop3A_393 = arith.constant 0 : i32
          %parallel_loop3A_394 = tpu.memref_slice %arg12[%parallel_loop3A_192, %parallel_loop3A_392, %parallel_loop3A_393] : memref<2x80x80xf32, #tpu.memory_space<vmem>> -> memref<1x80x80xf32, #tpu.memory_space<vmem>>
          %parallel_loop3A_395 = tpu.memref_squeeze %parallel_loop3A_394 : memref<1x80x80xf32, #tpu.memory_space<vmem>> -> memref<80x80xf32, #tpu.memory_space<vmem>>
          %parallel_loop3A_396 = arith.index_cast %parallel_loop3A_204 : i32 to index
          %parallel_loop3A_397 = arith.constant 64 : index
          %parallel_loop3A_398 = tpu.vector_load %parallel_loop3A_395[%parallel_loop3A_396, %parallel_loop3A_397] {strides = array<i32>} : memref<80x80xf32, #tpu.memory_space<vmem>>, vector<16xf32>,
          tpu.vector_store %parallel_loop3A_395[%parallel_loop3A_396, %parallel_loop3A_397], %parallel_loop3A_339 {strides = array<i32>} : memref<80x80xf32, #tpu.memory_space<vmem>>, vector<16xf32>,
        } {sc.loop_unroll_factor = 4 : i64, sc.parallel_access}
        %dma_start3A_193 = arith.constant 0 : i32
        %dma_start3A_194 = arith.constant 0 : i32
        %dma_start3A_195 = arith.constant 0 : i32
        %dma_start3A_196 = tpu.memref_slice %arg12[%dma_start3A_193, %dma_start3A_194, %dma_start3A_195] : memref<2x80x80xf32, #tpu.memory_space<vmem>> -> memref<1x80x80xf32, #tpu.memory_space<vmem>>
        %dma_start3A_197 = tpu.memref_squeeze %dma_start3A_196 : memref<1x80x80xf32, #tpu.memory_space<vmem>> -> memref<80x80xf32, #tpu.memory_space<vmem>>
        %dma_start3A_198 = arith.constant 0 : i32
        %dma_start3A_199 = tpu.memref_slice %arg8[%add3A_141, %dma_start3A_198] : memref<125x80xi32, #tpu.memory_space<vmem>> -> memref<1x80xi32, #tpu.memory_space<vmem>>
        %dma_start3A_200 = tpu.memref_squeeze %dma_start3A_199 : memref<1x80xi32, #tpu.memory_space<vmem>> -> memref<80xi32, #tpu.memory_space<vmem>>
        %dma_start3A_201 = arith.constant 0 : i32
        %dma_start3A_202 = arith.constant 0 : i32
        %dma_start3A_203 = tpu.memref_slice %arg15[%dma_start3A_201, %dma_start3A_202] : memref<10000x80xf32, #tpu.memory_space<vmem_shared>> -> memref<10000x80xf32, #tpu.memory_space<vmem_shared>>
        tpu.enqueue_indirect_dma source(%dma_start3A_197 : memref<80x80xf32, #tpu.memory_space<vmem>>) target(%dma_start3A_203 : memref<10000x80xf32, #tpu.memory_space<vmem_shared>>) offsets(%dma_start3A_200 : memref<80xi32, #tpu.memory_space<vmem>>) semaphore(%arg18 : memref<!tpu.dma_semaphore, #tpu.memory_space<semaphore_mem>>) {add = true}
      } else {
      }
      %mul3A_145 = arith.constant 2 : i32
      %mul3A_146 = arith.muli %mul3A_145, %scan3A_136 : i32
      %add3A_147 = arith.constant 1 : i32
      %add3A_148 = arith.addi %mul3A_146, %add3A_147 : i32
      %lt3A_149 = arith.constant 125 : i32
      %lt3A_150 = arith.cmpi slt, %add3A_148, %lt3A_149 : i32
      %convert_element_type3A_151 = arith.extui %lt3A_150 : i1 to i32
      %cond3A_152 = arith.constant 0 : i32
      %cond3A_153 = arith.cmpi ne, %convert_element_type3A_151, %cond3A_152 : i32
      scf.if %cond3A_153 {
        %add3A_155 = arith.constant 1 : i32
        %add3A_156 = arith.addi %add3A_148, %add3A_155 : i32
        %lt3A_157 = arith.constant 125 : i32
        %lt3A_158 = arith.cmpi slt, %add3A_156, %lt3A_157 : i32
        %convert_element_type3A_159 = arith.extui %lt3A_158 : i1 to i32
        %cond3A_160 = arith.constant 0 : i32
        %cond3A_161 = arith.cmpi ne, %convert_element_type3A_159, %cond3A_160 : i32
        scf.if %cond3A_161 {
          %add3A_204 = arith.constant 1 : i32
          %add3A_205 = arith.addi %add3A_148, %add3A_204 : i32
          %dma_start3A_206 = arith.constant 0 : i32
          %dma_start3A_207 = arith.constant 0 : i32
          %dma_start3A_208 = arith.constant 0 : i32
          %dma_start3A_209 = tpu.memref_slice %arg10[%dma_start3A_206, %dma_start3A_207, %dma_start3A_208] : memref<2x80x48xf32, #tpu.memory_space<vmem>> -> memref<1x80x48xf32, #tpu.memory_space<vmem>>
          %dma_start3A_210 = tpu.memref_squeeze %dma_start3A_209 : memref<1x80x48xf32, #tpu.memory_space<vmem>> -> memref<80x48xf32, #tpu.memory_space<vmem>>
          %dma_start3A_211 = arith.constant 0 : i32
          %dma_start3A_212 = tpu.memref_slice %arg8[%add3A_205, %dma_start3A_211] : memref<125x80xi32, #tpu.memory_space<vmem>> -> memref<1x80xi32, #tpu.memory_space<vmem>>
          %dma_start3A_213 = tpu.memref_squeeze %dma_start3A_212 : memref<1x80xi32, #tpu.memory_space<vmem>> -> memref<80xi32, #tpu.memory_space<vmem>>
          %dma_start3A_214 = arith.constant 0 : i32
          %dma_start3A_215 = arith.constant 0 : i32
          %dma_start3A_216 = tpu.memref_slice %arg2[%dma_start3A_214, %dma_start3A_215] : memref<10000x48xf32, #tpu.memory_space<hbm>> -> memref<10000x48xf32, #tpu.memory_space<hbm>>
          tpu.enqueue_indirect_dma source(%dma_start3A_216 : memref<10000x48xf32, #tpu.memory_space<hbm>>) target(%dma_start3A_210 : memref<80x48xf32, #tpu.memory_space<vmem>>) offsets(%dma_start3A_213 : memref<80xi32, #tpu.memory_space<vmem>>) semaphore(%arg16 : memref<!tpu.dma_semaphore, #tpu.memory_space<semaphore_mem>>)
          %dma_start3A_217 = arith.constant 0 : i32
          %dma_start3A_218 = arith.constant 0 : i32
          %dma_start3A_219 = arith.constant 0 : i32
          %dma_start3A_220 = tpu.memref_slice %arg11[%dma_start3A_217, %dma_start3A_218, %dma_start3A_219] : memref<2x80x80xf32, #tpu.memory_space<vmem>> -> memref<1x80x80xf32, #tpu.memory_space<vmem>>
          %dma_start3A_221 = tpu.memref_squeeze %dma_start3A_220 : memref<1x80x80xf32, #tpu.memory_space<vmem>> -> memref<80x80xf32, #tpu.memory_space<vmem>>
          %dma_start3A_222 = arith.constant 0 : i32
          %dma_start3A_223 = tpu.memref_slice %arg9[%add3A_205, %dma_start3A_222] : memref<125x80xi32, #tpu.memory_space<vmem>> -> memref<1x80xi32, #tpu.memory_space<vmem>>
          %dma_start3A_224 = tpu.memref_squeeze %dma_start3A_223 : memref<1x80xi32, #tpu.memory_space<vmem>> -> memref<80xi32, #tpu.memory_space<vmem>>
          %dma_start3A_225 = arith.constant 0 : i32
          %dma_start3A_226 = arith.constant 0 : i32
          %dma_start3A_227 = tpu.memref_slice %arg3[%dma_start3A_225, %dma_start3A_226] : memref<10000x80xf32, #tpu.memory_space<hbm>> -> memref<10000x80xf32, #tpu.memory_space<hbm>>
          tpu.enqueue_indirect_dma source(%dma_start3A_227 : memref<10000x80xf32, #tpu.memory_space<hbm>>) target(%dma_start3A_221 : memref<80x80xf32, #tpu.memory_space<vmem>>) offsets(%dma_start3A_224 : memref<80xi32, #tpu.memory_space<vmem>>) semaphore(%arg16 : memref<!tpu.dma_semaphore, #tpu.memory_space<semaphore_mem>>)
        } else {
        }
        %dma_wait3A_162 = arith.constant 1 : i32
        %dma_wait3A_163 = arith.constant 0 : i32
        %dma_wait3A_164 = arith.constant 0 : i32
        %dma_wait3A_165 = tpu.memref_slice %arg10[%dma_wait3A_162, %dma_wait3A_163, %dma_wait3A_164] : memref<2x80x48xf32, #tpu.memory_space<vmem>> -> memref<1x80x48xf32, #tpu.memory_space<vmem>>
        %dma_wait3A_166 = tpu.memref_squeeze %dma_wait3A_165 : memref<1x80x48xf32, #tpu.memory_space<vmem>> -> memref<80x48xf32, #tpu.memory_space<vmem>>
        %dma_wait3A_167 = arith.constant 0 : i32
        %dma_wait3A_168 = tpu.memref_slice %arg8[%add3A_148, %dma_wait3A_167] : memref<125x80xi32, #tpu.memory_space<vmem>> -> memref<1x80xi32, #tpu.memory_space<vmem>>
        %dma_wait3A_169 = tpu.memref_squeeze %dma_wait3A_168 : memref<1x80xi32, #tpu.memory_space<vmem>> -> memref<80xi32, #tpu.memory_space<vmem>>
        %dma_wait3A_170 = arith.constant 0 : i32
        %dma_wait3A_171 = arith.constant 0 : i32
        %dma_wait3A_172 = tpu.memref_slice %arg2[%dma_wait3A_170, %dma_wait3A_171] : memref<10000x48xf32, #tpu.memory_space<hbm>> -> memref<10000x48xf32, #tpu.memory_space<hbm>>
        tpu.wait_indirect_dma semaphore(%arg17 : memref<!tpu.dma_semaphore, #tpu.memory_space<semaphore_mem>>) src(%dma_wait3A_172 : memref<10000x48xf32, #tpu.memory_space<hbm>>) dst(%dma_wait3A_166 : memref<80x48xf32, #tpu.memory_space<vmem>>)
        %dma_wait3A_173 = arith.constant 1 : i32
        %dma_wait3A_174 = arith.constant 0 : i32
        %dma_wait3A_175 = arith.constant 0 : i32
        %dma_wait3A_176 = tpu.memref_slice %arg11[%dma_wait3A_173, %dma_wait3A_174, %dma_wait3A_175] : memref<2x80x80xf32, #tpu.memory_space<vmem>> -> memref<1x80x80xf32, #tpu.memory_space<vmem>>
        %dma_wait3A_177 = tpu.memref_squeeze %dma_wait3A_176 : memref<1x80x80xf32, #tpu.memory_space<vmem>> -> memref<80x80xf32, #tpu.memory_space<vmem>>
        %dma_wait3A_178 = arith.constant 0 : i32
        %dma_wait3A_179 = tpu.memref_slice %arg9[%add3A_148, %dma_wait3A_178] : memref<125x80xi32, #tpu.memory_space<vmem>> -> memref<1x80xi32, #tpu.memory_space<vmem>>
        %dma_wait3A_180 = tpu.memref_squeeze %dma_wait3A_179 : memref<1x80xi32, #tpu.memory_space<vmem>> -> memref<80xi32, #tpu.memory_space<vmem>>
        %dma_wait3A_181 = arith.constant 0 : i32
        %dma_wait3A_182 = arith.constant 0 : i32
        %dma_wait3A_183 = tpu.memref_slice %arg3[%dma_wait3A_181, %dma_wait3A_182] : memref<10000x80xf32, #tpu.memory_space<hbm>> -> memref<10000x80xf32, #tpu.memory_space<hbm>>
        tpu.wait_indirect_dma semaphore(%arg17 : memref<!tpu.dma_semaphore, #tpu.memory_space<semaphore_mem>>) src(%dma_wait3A_183 : memref<10000x80xf32, #tpu.memory_space<hbm>>) dst(%dma_wait3A_177 : memref<80x80xf32, #tpu.memory_space<vmem>>)
        %ge3A = arith.constant 2 : i32
        %ge3A_184 = arith.cmpi sge, %add3A_148, %ge3A : i32
        %convert_element_type3A_185 = arith.extui %ge3A_184 : i1 to i32
        %cond3A_186 = arith.constant 0 : i32
        %cond3A_187 = arith.cmpi ne, %convert_element_type3A_185, %cond3A_186 : i32
        scf.if %cond3A_187 {
          %sub3A = arith.constant 2 : i32
          %sub3A_204 = arith.subi %add3A_148, %sub3A : i32
          %dma_wait3A_205 = arith.constant 1 : i32
          %dma_wait3A_206 = arith.constant 0 : i32
          %dma_wait3A_207 = arith.constant 0 : i32
          %dma_wait3A_208 = tpu.memref_slice %arg12[%dma_wait3A_205, %dma_wait3A_206, %dma_wait3A_207] : memref<2x80x80xf32, #tpu.memory_space<vmem>> -> memref<1x80x80xf32, #tpu.memory_space<vmem>>
          %dma_wait3A_209 = tpu.memref_squeeze %dma_wait3A_208 : memref<1x80x80xf32, #tpu.memory_space<vmem>> -> memref<80x80xf32, #tpu.memory_space<vmem>>
          %dma_wait3A_210 = arith.constant 0 : i32
          %dma_wait3A_211 = tpu.memref_slice %arg8[%sub3A_204, %dma_wait3A_210] : memref<125x80xi32, #tpu.memory_space<vmem>> -> memref<1x80xi32, #tpu.memory_space<vmem>>
          %dma_wait3A_212 = tpu.memref_squeeze %dma_wait3A_211 : memref<1x80xi32, #tpu.memory_space<vmem>> -> memref<80xi32, #tpu.memory_space<vmem>>
          %dma_wait3A_213 = arith.constant 0 : i32
          %dma_wait3A_214 = arith.constant 0 : i32
          %dma_wait3A_215 = tpu.memref_slice %arg15[%dma_wait3A_213, %dma_wait3A_214] : memref<10000x80xf32, #tpu.memory_space<vmem_shared>> -> memref<10000x80xf32, #tpu.memory_space<vmem_shared>>
          tpu.wait_indirect_dma semaphore(%arg19 : memref<!tpu.dma_semaphore, #tpu.memory_space<semaphore_mem>>) src(%dma_wait3A_209 : memref<80x80xf32, #tpu.memory_space<vmem>>) dst(%dma_wait3A_215 : memref<10000x80xf32, #tpu.memory_space<vmem_shared>>)
        } else {
        }
        %parallel_loop3A = arith.constant 0 : i32
        %parallel_loop3A_188 = arith.constant 80 : i32
        %parallel_loop3A_189 = arith.constant 1 : i32
        %parallel_loop3A_190 = arith.constant 1 : i32
        %parallel_loop3A_191 = arith.constant 1 : i32
        %parallel_loop3A_192 = arith.constant 1 : i32
        scf.for %parallel_loop3A_204 = %parallel_loop3A to %parallel_loop3A_188 step %parallel_loop3A_189  : i32 {
          %parallel_loop3A_205 = arith.constant 0 : i32
          %parallel_loop3A_206 = arith.constant 0 : i32
          %parallel_loop3A_207 = tpu.memref_slice %arg10[%parallel_loop3A_190, %parallel_loop3A_205, %parallel_loop3A_206] : memref<2x80x48xf32, #tpu.memory_space<vmem>> -> memref<1x80x48xf32, #tpu.memory_space<vmem>>
          %parallel_loop3A_208 = tpu.memref_squeeze %parallel_loop3A_207 : memref<1x80x48xf32, #tpu.memory_space<vmem>> -> memref<80x48xf32, #tpu.memory_space<vmem>>
          %parallel_loop3A_209 = arith.index_cast %parallel_loop3A_204 : i32 to index
          %parallel_loop3A_210 = arith.constant 32 : index
          %parallel_loop3A_211 = tpu.vector_load %parallel_loop3A_208[%parallel_loop3A_209, %parallel_loop3A_210] {strides = array<i32>} : memref<80x48xf32, #tpu.memory_space<vmem>>, vector<16xf32>,
          %parallel_loop3A_212 = arith.constant 0 : i32
          %parallel_loop3A_213 = arith.constant 0 : i32
          %parallel_loop3A_214 = tpu.memref_slice %arg11[%parallel_loop3A_191, %parallel_loop3A_212, %parallel_loop3A_213] : memref<2x80x80xf32, #tpu.memory_space<vmem>> -> memref<1x80x80xf32, #tpu.memory_space<vmem>>
          %parallel_loop3A_215 = tpu.memref_squeeze %parallel_loop3A_214 : memref<1x80x80xf32, #tpu.memory_space<vmem>> -> memref<80x80xf32, #tpu.memory_space<vmem>>
          %parallel_loop3A_216 = arith.index_cast %parallel_loop3A_204 : i32 to index
          %parallel_loop3A_217 = arith.constant 32 : index
          %parallel_loop3A_218 = tpu.vector_load %parallel_loop3A_215[%parallel_loop3A_216, %parallel_loop3A_217] {strides = array<i32>} : memref<80x80xf32, #tpu.memory_space<vmem>>, vector<16xf32>,
          %parallel_loop3A_219 = arith.mulf %parallel_loop3A_211, %parallel_loop3A_218 : vector<16xf32>
          %parallel_loop3A_220 = arith.constant true
          %parallel_loop3A_221 = vector.broadcast %parallel_loop3A_220 : i1 to vector<16xi1>
          %parallel_loop3A_222 = tpu.scan <sum>, %parallel_loop3A_219 masked %parallel_loop3A_221 : vector<16xf32>, vector<16xi1> -> vector<16xf32>
          %parallel_loop3A_223 = vector.extract %parallel_loop3A_222[15] : f32 from vector<16xf32>
          %parallel_loop3A_224 = vector.broadcast %parallel_loop3A_223 : f32 to vector<16xf32>
          %parallel_loop3A_225 = arith.subf %parallel_loop3A_224, %mul3A_37 : vector<16xf32>
          %parallel_loop3A_226 = arith.mulf %parallel_loop3A_225, %parallel_loop3A_225 : vector<16xf32>
          %parallel_loop3A_227 = arith.constant -0.533888876 : f32
          %parallel_loop3A_228 = vector.broadcast %parallel_loop3A_227 : f32 to vector<16xf32>
          %parallel_loop3A_229 = arith.mulf %parallel_loop3A_228, %parallel_loop3A_226 : vector<16xf32>
          %parallel_loop3A_230 = math.exp %parallel_loop3A_229 : vector<16xf32>
          %parallel_loop3A_231 = vector.broadcast %parallel_loop3A_223 : f32 to vector<16xf32>
          %parallel_loop3A_232 = arith.subf %parallel_loop3A_231, %mul3A_43 : vector<16xf32>
          %parallel_loop3A_233 = arith.mulf %parallel_loop3A_232, %parallel_loop3A_232 : vector<16xf32>
          %parallel_loop3A_234 = arith.constant -0.533888876 : f32
          %parallel_loop3A_235 = vector.broadcast %parallel_loop3A_234 : f32 to vector<16xf32>
          %parallel_loop3A_236 = arith.mulf %parallel_loop3A_235, %parallel_loop3A_233 : vector<16xf32>
          %parallel_loop3A_237 = math.exp %parallel_loop3A_236 : vector<16xf32>
          %parallel_loop3A_238 = arith.constant 0 : i32
          %parallel_loop3A_239 = arith.constant 0 : i32
          %parallel_loop3A_240 = tpu.memref_slice %arg10[%parallel_loop3A_190, %parallel_loop3A_238, %parallel_loop3A_239] : memref<2x80x48xf32, #tpu.memory_space<vmem>> -> memref<1x80x48xf32, #tpu.memory_space<vmem>>
          %parallel_loop3A_241 = tpu.memref_squeeze %parallel_loop3A_240 : memref<1x80x48xf32, #tpu.memory_space<vmem>> -> memref<80x48xf32, #tpu.memory_space<vmem>>
          %parallel_loop3A_242 = arith.index_cast %parallel_loop3A_204 : i32 to index
          %parallel_loop3A_243 = arith.constant 0 : index
          %parallel_loop3A_244 = tpu.vector_load %parallel_loop3A_241[%parallel_loop3A_242, %parallel_loop3A_243] {strides = array<i32>} : memref<80x48xf32, #tpu.memory_space<vmem>>, vector<16xf32>,
          %parallel_loop3A_245 = vector.bitcast %parallel_loop3A_244 : vector<16xf32> to vector<32xbf16>
          %parallel_loop3A_246 = tpu.unpack_subelements %parallel_loop3A_245, 0 {pack_format = #tpu.pack_format<interleaved>} : vector<32xbf16> -> vector<16xf32>
          %parallel_loop3A_247 = tpu.unpack_subelements %parallel_loop3A_245, 1 {pack_format = #tpu.pack_format<interleaved>} : vector<32xbf16> -> vector<16xf32>
          %parallel_loop3A_248 = arith.constant 0 : i32
          %parallel_loop3A_249 = arith.constant 0 : i32
          %parallel_loop3A_250 = tpu.memref_slice %arg11[%parallel_loop3A_191, %parallel_loop3A_248, %parallel_loop3A_249] : memref<2x80x80xf32, #tpu.memory_space<vmem>> -> memref<1x80x80xf32, #tpu.memory_space<vmem>>
          %parallel_loop3A_251 = tpu.memref_squeeze %parallel_loop3A_250 : memref<1x80x80xf32, #tpu.memory_space<vmem>> -> memref<80x80xf32, #tpu.memory_space<vmem>>
          %parallel_loop3A_252 = arith.index_cast %parallel_loop3A_204 : i32 to index
          %parallel_loop3A_253 = arith.constant 0 : index
          %parallel_loop3A_254 = tpu.vector_load %parallel_loop3A_251[%parallel_loop3A_252, %parallel_loop3A_253] {strides = array<i32>} : memref<80x80xf32, #tpu.memory_space<vmem>>, vector<16xf32>,
          %parallel_loop3A_255 = vector.bitcast %parallel_loop3A_254 : vector<16xf32> to vector<32xbf16>
          %parallel_loop3A_256 = tpu.unpack_subelements %parallel_loop3A_255, 0 {pack_format = #tpu.pack_format<interleaved>} : vector<32xbf16> -> vector<16xf32>
          %parallel_loop3A_257 = tpu.unpack_subelements %parallel_loop3A_255, 1 {pack_format = #tpu.pack_format<interleaved>} : vector<32xbf16> -> vector<16xf32>
          %parallel_loop3A_258 = arith.mulf %parallel_loop3A_246, %parallel_loop3A_256 : vector<16xf32>
          %parallel_loop3A_259 = arith.mulf %parallel_loop3A_247, %parallel_loop3A_257 : vector<16xf32>
          %parallel_loop3A_260 = arith.constant 0 : i32
          %parallel_loop3A_261 = arith.constant 0 : i32
          %parallel_loop3A_262 = tpu.memref_slice %arg10[%parallel_loop3A_190, %parallel_loop3A_260, %parallel_loop3A_261] : memref<2x80x48xf32, #tpu.memory_space<vmem>> -> memref<1x80x48xf32, #tpu.memory_space<vmem>>
          %parallel_loop3A_263 = tpu.memref_squeeze %parallel_loop3A_262 : memref<1x80x48xf32, #tpu.memory_space<vmem>> -> memref<80x48xf32, #tpu.memory_space<vmem>>
          %parallel_loop3A_264 = arith.index_cast %parallel_loop3A_204 : i32 to index
          %parallel_loop3A_265 = arith.constant 16 : index
          %parallel_loop3A_266 = tpu.vector_load %parallel_loop3A_263[%parallel_loop3A_264, %parallel_loop3A_265] {strides = array<i32>} : memref<80x48xf32, #tpu.memory_space<vmem>>, vector<16xf32>,
          %parallel_loop3A_267 = vector.bitcast %parallel_loop3A_266 : vector<16xf32> to vector<32xbf16>
          %parallel_loop3A_268 = tpu.unpack_subelements %parallel_loop3A_267, 0 {pack_format = #tpu.pack_format<interleaved>} : vector<32xbf16> -> vector<16xf32>
          %parallel_loop3A_269 = tpu.unpack_subelements %parallel_loop3A_267, 1 {pack_format = #tpu.pack_format<interleaved>} : vector<32xbf16> -> vector<16xf32>
          %parallel_loop3A_270 = arith.constant 0 : i32
          %parallel_loop3A_271 = arith.constant 0 : i32
          %parallel_loop3A_272 = tpu.memref_slice %arg11[%parallel_loop3A_191, %parallel_loop3A_270, %parallel_loop3A_271] : memref<2x80x80xf32, #tpu.memory_space<vmem>> -> memref<1x80x80xf32, #tpu.memory_space<vmem>>
          %parallel_loop3A_273 = tpu.memref_squeeze %parallel_loop3A_272 : memref<1x80x80xf32, #tpu.memory_space<vmem>> -> memref<80x80xf32, #tpu.memory_space<vmem>>
          %parallel_loop3A_274 = arith.index_cast %parallel_loop3A_204 : i32 to index
          %parallel_loop3A_275 = arith.constant 16 : index
          %parallel_loop3A_276 = tpu.vector_load %parallel_loop3A_273[%parallel_loop3A_274, %parallel_loop3A_275] {strides = array<i32>} : memref<80x80xf32, #tpu.memory_space<vmem>>, vector<16xf32>,
          %parallel_loop3A_277 = vector.bitcast %parallel_loop3A_276 : vector<16xf32> to vector<32xbf16>
          %parallel_loop3A_278 = tpu.unpack_subelements %parallel_loop3A_277, 0 {pack_format = #tpu.pack_format<interleaved>} : vector<32xbf16> -> vector<16xf32>
          %parallel_loop3A_279 = tpu.unpack_subelements %parallel_loop3A_277, 1 {pack_format = #tpu.pack_format<interleaved>} : vector<32xbf16> -> vector<16xf32>
          %parallel_loop3A_280 = arith.mulf %parallel_loop3A_268, %parallel_loop3A_278 : vector<16xf32>
          %parallel_loop3A_281 = arith.mulf %parallel_loop3A_269, %parallel_loop3A_279 : vector<16xf32>
          %parallel_loop3A_282 = arith.constant 0.000000e+00 : f32
          %parallel_loop3A_283 = vector.broadcast %parallel_loop3A_282 : f32 to vector<16xf32>
          %parallel_loop3A_284 = arith.mulf %parallel_loop3A_230, %get3A_3 : vector<16xf32>
          %parallel_loop3A_285 = arith.addf %parallel_loop3A_258, %parallel_loop3A_284 : vector<16xf32>
          %parallel_loop3A_286 = arith.mulf %parallel_loop3A_237, %get3A_7 : vector<16xf32>
          %parallel_loop3A_287 = arith.addf %parallel_loop3A_285, %parallel_loop3A_286 : vector<16xf32>
          %parallel_loop3A_288 = arith.constant true
          %parallel_loop3A_289 = vector.broadcast %parallel_loop3A_288 : i1 to vector<16xi1>
          %parallel_loop3A_290 = tpu.scan <sum>, %parallel_loop3A_287 masked %parallel_loop3A_289 : vector<16xf32>, vector<16xi1> -> vector<16xf32>
          %parallel_loop3A_291 = vector.extract %parallel_loop3A_290[15] : f32 from vector<16xf32>
          %parallel_loop3A_292 = vector.broadcast %parallel_loop3A_291 : f32 to vector<16xf32>
          %parallel_loop3A_293 = math.exp %parallel_loop3A_292 : vector<16xf32>
          %parallel_loop3A_294 = arith.constant 0 : i32
          %parallel_loop3A_295 = vector.broadcast %parallel_loop3A_294 : i32 to vector<16xi32>
          %parallel_loop3A_296 = arith.cmpi eq, %iota3A, %parallel_loop3A_295 : vector<16xi32>
          %parallel_loop3A_297 = arith.select %parallel_loop3A_296, %parallel_loop3A_293, %parallel_loop3A_283 : vector<16xi1>, vector<16xf32>
          %parallel_loop3A_298 = arith.mulf %parallel_loop3A_230, %get3A_11 : vector<16xf32>
          %parallel_loop3A_299 = arith.addf %parallel_loop3A_259, %parallel_loop3A_298 : vector<16xf32>
          %parallel_loop3A_300 = arith.mulf %parallel_loop3A_237, %get3A_15 : vector<16xf32>
          %parallel_loop3A_301 = arith.addf %parallel_loop3A_299, %parallel_loop3A_300 : vector<16xf32>
          %parallel_loop3A_302 = arith.constant true
          %parallel_loop3A_303 = vector.broadcast %parallel_loop3A_302 : i1 to vector<16xi1>
          %parallel_loop3A_304 = tpu.scan <sum>, %parallel_loop3A_301 masked %parallel_loop3A_303 : vector<16xf32>, vector<16xi1> -> vector<16xf32>
          %parallel_loop3A_305 = vector.extract %parallel_loop3A_304[15] : f32 from vector<16xf32>
          %parallel_loop3A_306 = vector.broadcast %parallel_loop3A_305 : f32 to vector<16xf32>
          %parallel_loop3A_307 = math.exp %parallel_loop3A_306 : vector<16xf32>
          %parallel_loop3A_308 = arith.constant 1 : i32
          %parallel_loop3A_309 = vector.broadcast %parallel_loop3A_308 : i32 to vector<16xi32>
          %parallel_loop3A_310 = arith.cmpi eq, %iota3A, %parallel_loop3A_309 : vector<16xi32>
          %parallel_loop3A_311 = arith.select %parallel_loop3A_310, %parallel_loop3A_307, %parallel_loop3A_297 : vector<16xi1>, vector<16xf32>
          %parallel_loop3A_312 = arith.mulf %parallel_loop3A_230, %get3A_19 : vector<16xf32>
          %parallel_loop3A_313 = arith.addf %parallel_loop3A_280, %parallel_loop3A_312 : vector<16xf32>
          %parallel_loop3A_314 = arith.mulf %parallel_loop3A_237, %get3A_23 : vector<16xf32>
          %parallel_loop3A_315 = arith.addf %parallel_loop3A_313, %parallel_loop3A_314 : vector<16xf32>
          %parallel_loop3A_316 = arith.constant true
          %parallel_loop3A_317 = vector.broadcast %parallel_loop3A_316 : i1 to vector<16xi1>
          %parallel_loop3A_318 = tpu.scan <sum>, %parallel_loop3A_315 masked %parallel_loop3A_317 : vector<16xf32>, vector<16xi1> -> vector<16xf32>
          %parallel_loop3A_319 = vector.extract %parallel_loop3A_318[15] : f32 from vector<16xf32>
          %parallel_loop3A_320 = vector.broadcast %parallel_loop3A_319 : f32 to vector<16xf32>
          %parallel_loop3A_321 = math.exp %parallel_loop3A_320 : vector<16xf32>
          %parallel_loop3A_322 = arith.constant 2 : i32
          %parallel_loop3A_323 = vector.broadcast %parallel_loop3A_322 : i32 to vector<16xi32>
          %parallel_loop3A_324 = arith.cmpi eq, %iota3A, %parallel_loop3A_323 : vector<16xi32>
          %parallel_loop3A_325 = arith.select %parallel_loop3A_324, %parallel_loop3A_321, %parallel_loop3A_311 : vector<16xi1>, vector<16xf32>
          %parallel_loop3A_326 = arith.mulf %parallel_loop3A_230, %get3A_27 : vector<16xf32>
          %parallel_loop3A_327 = arith.addf %parallel_loop3A_281, %parallel_loop3A_326 : vector<16xf32>
          %parallel_loop3A_328 = arith.mulf %parallel_loop3A_237, %get3A_31 : vector<16xf32>
          %parallel_loop3A_329 = arith.addf %parallel_loop3A_327, %parallel_loop3A_328 : vector<16xf32>
          %parallel_loop3A_330 = arith.constant true
          %parallel_loop3A_331 = vector.broadcast %parallel_loop3A_330 : i1 to vector<16xi1>
          %parallel_loop3A_332 = tpu.scan <sum>, %parallel_loop3A_329 masked %parallel_loop3A_331 : vector<16xf32>, vector<16xi1> -> vector<16xf32>
          %parallel_loop3A_333 = vector.extract %parallel_loop3A_332[15] : f32 from vector<16xf32>
          %parallel_loop3A_334 = vector.broadcast %parallel_loop3A_333 : f32 to vector<16xf32>
          %parallel_loop3A_335 = math.exp %parallel_loop3A_334 : vector<16xf32>
          %parallel_loop3A_336 = arith.constant 3 : i32
          %parallel_loop3A_337 = vector.broadcast %parallel_loop3A_336 : i32 to vector<16xi32>
          %parallel_loop3A_338 = arith.cmpi eq, %iota3A, %parallel_loop3A_337 : vector<16xi32>
          %parallel_loop3A_339 = arith.select %parallel_loop3A_338, %parallel_loop3A_335, %parallel_loop3A_325 : vector<16xi1>, vector<16xf32>
          %parallel_loop3A_340 = arith.constant 0 : i32
          %parallel_loop3A_341 = arith.constant 0 : i32
          %parallel_loop3A_342 = tpu.memref_slice %arg11[%parallel_loop3A_191, %parallel_loop3A_340, %parallel_loop3A_341] : memref<2x80x80xf32, #tpu.memory_space<vmem>> -> memref<1x80x80xf32, #tpu.memory_space<vmem>>
          %parallel_loop3A_343 = tpu.memref_squeeze %parallel_loop3A_342 : memref<1x80x80xf32, #tpu.memory_space<vmem>> -> memref<80x80xf32, #tpu.memory_space<vmem>>
          %parallel_loop3A_344 = arith.index_cast %parallel_loop3A_204 : i32 to index
          %parallel_loop3A_345 = arith.constant 48 : index
          %parallel_loop3A_346 = tpu.vector_load %parallel_loop3A_343[%parallel_loop3A_344, %parallel_loop3A_345] {strides = array<i32>} : memref<80x80xf32, #tpu.memory_space<vmem>>, vector<16xf32>,
          %parallel_loop3A_347 = vector.bitcast %parallel_loop3A_346 : vector<16xf32> to vector<32xbf16>
          %parallel_loop3A_348 = tpu.unpack_subelements %parallel_loop3A_347, 0 {pack_format = #tpu.pack_format<interleaved>} : vector<32xbf16> -> vector<16xf32>
          %parallel_loop3A_349 = tpu.unpack_subelements %parallel_loop3A_347, 1 {pack_format = #tpu.pack_format<interleaved>} : vector<32xbf16> -> vector<16xf32>
          %parallel_loop3A_350 = arith.mulf %parallel_loop3A_348, %parallel_loop3A_293 : vector<16xf32>
          %parallel_loop3A_351 = arith.constant 0 : i32
          %parallel_loop3A_352 = arith.constant 0 : i32
          %parallel_loop3A_353 = tpu.memref_slice %arg12[%parallel_loop3A_192, %parallel_loop3A_351, %parallel_loop3A_352] : memref<2x80x80xf32, #tpu.memory_space<vmem>> -> memref<1x80x80xf32, #tpu.memory_space<vmem>>
          %parallel_loop3A_354 = tpu.memref_squeeze %parallel_loop3A_353 : memref<1x80x80xf32, #tpu.memory_space<vmem>> -> memref<80x80xf32, #tpu.memory_space<vmem>>
          %parallel_loop3A_355 = arith.index_cast %parallel_loop3A_204 : i32 to index
          %parallel_loop3A_356 = arith.constant 0 : index
          %parallel_loop3A_357 = tpu.vector_load %parallel_loop3A_354[%parallel_loop3A_355, %parallel_loop3A_356] {strides = array<i32>} : memref<80x80xf32, #tpu.memory_space<vmem>>, vector<16xf32>,
          tpu.vector_store %parallel_loop3A_354[%parallel_loop3A_355, %parallel_loop3A_356], %parallel_loop3A_350 {strides = array<i32>} : memref<80x80xf32, #tpu.memory_space<vmem>>, vector<16xf32>,
          %parallel_loop3A_358 = arith.mulf %parallel_loop3A_349, %parallel_loop3A_307 : vector<16xf32>
          %parallel_loop3A_359 = arith.constant 0 : i32
          %parallel_loop3A_360 = arith.constant 0 : i32
          %parallel_loop3A_361 = tpu.memref_slice %arg12[%parallel_loop3A_192, %parallel_loop3A_359, %parallel_loop3A_360] : memref<2x80x80xf32, #tpu.memory_space<vmem>> -> memref<1x80x80xf32, #tpu.memory_space<vmem>>
          %parallel_loop3A_362 = tpu.memref_squeeze %parallel_loop3A_361 : memref<1x80x80xf32, #tpu.memory_space<vmem>> -> memref<80x80xf32, #tpu.memory_space<vmem>>
          %parallel_loop3A_363 = arith.index_cast %parallel_loop3A_204 : i32 to index
          %parallel_loop3A_364 = arith.constant 16 : index
          %parallel_loop3A_365 = tpu.vector_load %parallel_loop3A_362[%parallel_loop3A_363, %parallel_loop3A_364] {strides = array<i32>} : memref<80x80xf32, #tpu.memory_space<vmem>>, vector<16xf32>,
          tpu.vector_store %parallel_loop3A_362[%parallel_loop3A_363, %parallel_loop3A_364], %parallel_loop3A_358 {strides = array<i32>} : memref<80x80xf32, #tpu.memory_space<vmem>>, vector<16xf32>,
          %parallel_loop3A_366 = arith.constant 0 : i32
          %parallel_loop3A_367 = arith.constant 0 : i32
          %parallel_loop3A_368 = tpu.memref_slice %arg11[%parallel_loop3A_191, %parallel_loop3A_366, %parallel_loop3A_367] : memref<2x80x80xf32, #tpu.memory_space<vmem>> -> memref<1x80x80xf32, #tpu.memory_space<vmem>>
          %parallel_loop3A_369 = tpu.memref_squeeze %parallel_loop3A_368 : memref<1x80x80xf32, #tpu.memory_space<vmem>> -> memref<80x80xf32, #tpu.memory_space<vmem>>
          %parallel_loop3A_370 = arith.index_cast %parallel_loop3A_204 : i32 to index
          %parallel_loop3A_371 = arith.constant 64 : index
          %parallel_loop3A_372 = tpu.vector_load %parallel_loop3A_369[%parallel_loop3A_370, %parallel_loop3A_371] {strides = array<i32>} : memref<80x80xf32, #tpu.memory_space<vmem>>, vector<16xf32>,
          %parallel_loop3A_373 = vector.bitcast %parallel_loop3A_372 : vector<16xf32> to vector<32xbf16>
          %parallel_loop3A_374 = tpu.unpack_subelements %parallel_loop3A_373, 0 {pack_format = #tpu.pack_format<interleaved>} : vector<32xbf16> -> vector<16xf32>
          %parallel_loop3A_375 = tpu.unpack_subelements %parallel_loop3A_373, 1 {pack_format = #tpu.pack_format<interleaved>} : vector<32xbf16> -> vector<16xf32>
          %parallel_loop3A_376 = arith.mulf %parallel_loop3A_374, %parallel_loop3A_321 : vector<16xf32>
          %parallel_loop3A_377 = arith.constant 0 : i32
          %parallel_loop3A_378 = arith.constant 0 : i32
          %parallel_loop3A_379 = tpu.memref_slice %arg12[%parallel_loop3A_192, %parallel_loop3A_377, %parallel_loop3A_378] : memref<2x80x80xf32, #tpu.memory_space<vmem>> -> memref<1x80x80xf32, #tpu.memory_space<vmem>>
          %parallel_loop3A_380 = tpu.memref_squeeze %parallel_loop3A_379 : memref<1x80x80xf32, #tpu.memory_space<vmem>> -> memref<80x80xf32, #tpu.memory_space<vmem>>
          %parallel_loop3A_381 = arith.index_cast %parallel_loop3A_204 : i32 to index
          %parallel_loop3A_382 = arith.constant 32 : index
          %parallel_loop3A_383 = tpu.vector_load %parallel_loop3A_380[%parallel_loop3A_381, %parallel_loop3A_382] {strides = array<i32>} : memref<80x80xf32, #tpu.memory_space<vmem>>, vector<16xf32>,
          tpu.vector_store %parallel_loop3A_380[%parallel_loop3A_381, %parallel_loop3A_382], %parallel_loop3A_376 {strides = array<i32>} : memref<80x80xf32, #tpu.memory_space<vmem>>, vector<16xf32>,
          %parallel_loop3A_384 = arith.mulf %parallel_loop3A_375, %parallel_loop3A_335 : vector<16xf32>
          %parallel_loop3A_385 = arith.constant 0 : i32
          %parallel_loop3A_386 = arith.constant 0 : i32
          %parallel_loop3A_387 = tpu.memref_slice %arg12[%parallel_loop3A_192, %parallel_loop3A_385, %parallel_loop3A_386] : memref<2x80x80xf32, #tpu.memory_space<vmem>> -> memref<1x80x80xf32, #tpu.memory_space<vmem>>
          %parallel_loop3A_388 = tpu.memref_squeeze %parallel_loop3A_387 : memref<1x80x80xf32, #tpu.memory_space<vmem>> -> memref<80x80xf32, #tpu.memory_space<vmem>>
          %parallel_loop3A_389 = arith.index_cast %parallel_loop3A_204 : i32 to index
          %parallel_loop3A_390 = arith.constant 48 : index
          %parallel_loop3A_391 = tpu.vector_load %parallel_loop3A_388[%parallel_loop3A_389, %parallel_loop3A_390] {strides = array<i32>} : memref<80x80xf32, #tpu.memory_space<vmem>>, vector<16xf32>,
          tpu.vector_store %parallel_loop3A_388[%parallel_loop3A_389, %parallel_loop3A_390], %parallel_loop3A_384 {strides = array<i32>} : memref<80x80xf32, #tpu.memory_space<vmem>>, vector<16xf32>,
          %parallel_loop3A_392 = arith.constant 0 : i32
          %parallel_loop3A_393 = arith.constant 0 : i32
          %parallel_loop3A_394 = tpu.memref_slice %arg12[%parallel_loop3A_192, %parallel_loop3A_392, %parallel_loop3A_393] : memref<2x80x80xf32, #tpu.memory_space<vmem>> -> memref<1x80x80xf32, #tpu.memory_space<vmem>>
          %parallel_loop3A_395 = tpu.memref_squeeze %parallel_loop3A_394 : memref<1x80x80xf32, #tpu.memory_space<vmem>> -> memref<80x80xf32, #tpu.memory_space<vmem>>
          %parallel_loop3A_396 = arith.index_cast %parallel_loop3A_204 : i32 to index
          %parallel_loop3A_397 = arith.constant 64 : index
          %parallel_loop3A_398 = tpu.vector_load %parallel_loop3A_395[%parallel_loop3A_396, %parallel_loop3A_397] {strides = array<i32>} : memref<80x80xf32, #tpu.memory_space<vmem>>, vector<16xf32>,
          tpu.vector_store %parallel_loop3A_395[%parallel_loop3A_396, %parallel_loop3A_397], %parallel_loop3A_339 {strides = array<i32>} : memref<80x80xf32, #tpu.memory_space<vmem>>, vector<16xf32>,
        } {sc.loop_unroll_factor = 4 : i64, sc.parallel_access}
        %dma_start3A_193 = arith.constant 1 : i32
        %dma_start3A_194 = arith.constant 0 : i32
        %dma_start3A_195 = arith.constant 0 : i32
        %dma_start3A_196 = tpu.memref_slice %arg12[%dma_start3A_193, %dma_start3A_194, %dma_start3A_195] : memref<2x80x80xf32, #tpu.memory_space<vmem>> -> memref<1x80x80xf32, #tpu.memory_space<vmem>>
        %dma_start3A_197 = tpu.memref_squeeze %dma_start3A_196 : memref<1x80x80xf32, #tpu.memory_space<vmem>> -> memref<80x80xf32, #tpu.memory_space<vmem>>
        %dma_start3A_198 = arith.constant 0 : i32
        %dma_start3A_199 = tpu.memref_slice %arg8[%add3A_148, %dma_start3A_198] : memref<125x80xi32, #tpu.memory_space<vmem>> -> memref<1x80xi32, #tpu.memory_space<vmem>>
        %dma_start3A_200 = tpu.memref_squeeze %dma_start3A_199 : memref<1x80xi32, #tpu.memory_space<vmem>> -> memref<80xi32, #tpu.memory_space<vmem>>
        %dma_start3A_201 = arith.constant 0 : i32
        %dma_start3A_202 = arith.constant 0 : i32
        %dma_start3A_203 = tpu.memref_slice %arg15[%dma_start3A_201, %dma_start3A_202] : memref<10000x80xf32, #tpu.memory_space<vmem_shared>> -> memref<10000x80xf32, #tpu.memory_space<vmem_shared>>
        tpu.enqueue_indirect_dma source(%dma_start3A_197 : memref<80x80xf32, #tpu.memory_space<vmem>>) target(%dma_start3A_203 : memref<10000x80xf32, #tpu.memory_space<vmem_shared>>) offsets(%dma_start3A_200 : memref<80xi32, #tpu.memory_space<vmem>>) semaphore(%arg19 : memref<!tpu.dma_semaphore, #tpu.memory_space<semaphore_mem>>) {add = true}
      } else {
      }
      %scan3A_154 = arith.constant 0 : i32
      scf.yield %scan3A_154 : i32
    }
    %scan3A_91 = arith.constant 63 : i32
    %dma_wait3A = arith.constant 1 : i32
    %dma_wait3A_92 = arith.constant 123 : i32
    %dma_wait3A_93 = arith.constant 0 : i32
    %dma_wait3A_94 = arith.constant 0 : i32
    %dma_wait3A_95 = tpu.memref_slice %arg12[%dma_wait3A, %dma_wait3A_93, %dma_wait3A_94] : memref<2x80x80xf32, #tpu.memory_space<vmem>> -> memref<1x80x80xf32, #tpu.memory_space<vmem>>
    %dma_wait3A_96 = tpu.memref_squeeze %dma_wait3A_95 : memref<1x80x80xf32, #tpu.memory_space<vmem>> -> memref<80x80xf32, #tpu.memory_space<vmem>>
    %dma_wait3A_97 = arith.constant 0 : i32
    %dma_wait3A_98 = tpu.memref_slice %arg8[%dma_wait3A_92, %dma_wait3A_97] : memref<125x80xi32, #tpu.memory_space<vmem>> -> memref<1x80xi32, #tpu.memory_space<vmem>>
    %dma_wait3A_99 = tpu.memref_squeeze %dma_wait3A_98 : memref<1x80xi32, #tpu.memory_space<vmem>> -> memref<80xi32, #tpu.memory_space<vmem>>
    %dma_wait3A_100 = arith.constant 0 : i32
    %dma_wait3A_101 = arith.constant 0 : i32
    %dma_wait3A_102 = tpu.memref_slice %arg15[%dma_wait3A_100, %dma_wait3A_101] : memref<10000x80xf32, #tpu.memory_space<vmem_shared>> -> memref<10000x80xf32, #tpu.memory_space<vmem_shared>>
    tpu.wait_indirect_dma semaphore(%arg19 : memref<!tpu.dma_semaphore, #tpu.memory_space<semaphore_mem>>) src(%dma_wait3A_96 : memref<80x80xf32, #tpu.memory_space<vmem>>) dst(%dma_wait3A_102 : memref<10000x80xf32, #tpu.memory_space<vmem_shared>>)
    %dma_wait3A_103 = arith.constant 0 : i32
    %dma_wait3A_104 = arith.constant 124 : i32
    %dma_wait3A_105 = arith.constant 0 : i32
    %dma_wait3A_106 = arith.constant 0 : i32
    %dma_wait3A_107 = tpu.memref_slice %arg12[%dma_wait3A_103, %dma_wait3A_105, %dma_wait3A_106] : memref<2x80x80xf32, #tpu.memory_space<vmem>> -> memref<1x80x80xf32, #tpu.memory_space<vmem>>
    %dma_wait3A_108 = tpu.memref_squeeze %dma_wait3A_107 : memref<1x80x80xf32, #tpu.memory_space<vmem>> -> memref<80x80xf32, #tpu.memory_space<vmem>>
    %dma_wait3A_109 = arith.constant 0 : i32
    %dma_wait3A_110 = tpu.memref_slice %arg8[%dma_wait3A_104, %dma_wait3A_109] : memref<125x80xi32, #tpu.memory_space<vmem>> -> memref<1x80xi32, #tpu.memory_space<vmem>>
    %dma_wait3A_111 = tpu.memref_squeeze %dma_wait3A_110 : memref<1x80xi32, #tpu.memory_space<vmem>> -> memref<80xi32, #tpu.memory_space<vmem>>
    %dma_wait3A_112 = arith.constant 0 : i32
    %dma_wait3A_113 = arith.constant 0 : i32
    %dma_wait3A_114 = tpu.memref_slice %arg15[%dma_wait3A_112, %dma_wait3A_113] : memref<10000x80xf32, #tpu.memory_space<vmem_shared>> -> memref<10000x80xf32, #tpu.memory_space<vmem_shared>>
    tpu.wait_indirect_dma semaphore(%arg18 : memref<!tpu.dma_semaphore, #tpu.memory_space<semaphore_mem>>) src(%dma_wait3A_108 : memref<80x80xf32, #tpu.memory_space<vmem>>) dst(%dma_wait3A_114 : memref<10000x80xf32, #tpu.memory_space<vmem_shared>>)
    %barrier3A_115 = arith.constant 0 : index
    tpu.barrier barrier_id(%barrier3A_115)
    %add3A_116 = arith.constant 0 : i32
    %add3A_117 = arith.addi %mul3A_51, %add3A_116 : i32
    "tpu.region"() ({
      %run_scoped3A = tpu.sem_alloc : memref<!tpu.dma_semaphore, #tpu.memory_space<semaphore_mem>>
      %dma_start3A_136 = arith.constant 0 : i32
      %dma_start3A_137 = tpu.memref_slice %arg15[%add3A_117, %dma_start3A_136] : memref<10000x80xf32, #tpu.memory_space<vmem_shared>> -> memref<125x80xf32, #tpu.memory_space<vmem_shared>>
      %dma_start3A_138 = arith.constant 0 : i32
      %dma_start3A_139 = tpu.memref_slice %arg15[%add3A_117, %dma_start3A_138] : memref<10000x80xf32, #tpu.memory_space<vmem_shared>> -> memref<125x80xf32, #tpu.memory_space<vmem_shared>>
      tpu.enqueue_dma source(%dma_start3A_139 : memref<125x80xf32, #tpu.memory_space<vmem_shared>>) target(%arg13 : memref<125x80xf32, #tpu.memory_space<vmem>>) target_semaphore(%run_scoped3A : memref<!tpu.dma_semaphore, #tpu.memory_space<semaphore_mem>>)
      %dma_wait3A_140 = arith.constant 0 : i32
      %dma_wait3A_141 = tpu.memref_slice %arg15[%add3A_117, %dma_wait3A_140] : memref<10000x80xf32, #tpu.memory_space<vmem_shared>> -> memref<125x80xf32, #tpu.memory_space<vmem_shared>>
      %dma_wait3A_142 = arith.constant 0 : i32
      %dma_wait3A_143 = tpu.memref_slice %arg15[%add3A_117, %dma_wait3A_142] : memref<10000x80xf32, #tpu.memory_space<vmem_shared>> -> memref<125x80xf32, #tpu.memory_space<vmem_shared>>
      tpu.wait_dma2 semaphore(%run_scoped3A : memref<!tpu.dma_semaphore, #tpu.memory_space<semaphore_mem>>) src(%dma_wait3A_143 : memref<125x80xf32, #tpu.memory_space<vmem_shared>>) dst(%arg13 : memref<125x80xf32, #tpu.memory_space<vmem>>)
      tpu.yield
    }) : () -> ()
    %add3A_118 = arith.constant 0 : i32
    %add3A_119 = arith.addi %mul3A_51, %add3A_118 : i32
    "tpu.region"() ({
      %run_scoped3A = tpu.sem_alloc : memref<!tpu.dma_semaphore, #tpu.memory_space<semaphore_mem>>
      %dma_start3A_136 = arith.constant 0 : i32
      %dma_start3A_137 = tpu.memref_slice %arg7[%arg0, %add3A_119, %dma_start3A_136] : memref<2x10000x80xf32, #tpu.memory_space<hbm>> -> memref<1x125x80xf32, #tpu.memory_space<hbm>>
      %dma_start3A_138 = tpu.memref_squeeze %dma_start3A_137 : memref<1x125x80xf32, #tpu.memory_space<hbm>> -> memref<125x80xf32, #tpu.memory_space<hbm>>
      %dma_start3A_139 = arith.constant 0 : i32
      %dma_start3A_140 = tpu.memref_slice %arg7[%arg0, %add3A_119, %dma_start3A_139] : memref<2x10000x80xf32, #tpu.memory_space<hbm>> -> memref<1x125x80xf32, #tpu.memory_space<hbm>>
      %dma_start3A_141 = tpu.memref_squeeze %dma_start3A_140 : memref<1x125x80xf32, #tpu.memory_space<hbm>> -> memref<125x80xf32, #tpu.memory_space<hbm>>
      tpu.enqueue_dma source(%arg13 : memref<125x80xf32, #tpu.memory_space<vmem>>) target(%dma_start3A_141 : memref<125x80xf32, #tpu.memory_space<hbm>>) target_semaphore(%run_scoped3A : memref<!tpu.dma_semaphore, #tpu.memory_space<semaphore_mem>>)
      %dma_wait3A_142 = arith.constant 0 : i32
      %dma_wait3A_143 = tpu.memref_slice %arg7[%arg0, %add3A_119, %dma_wait3A_142] : memref<2x10000x80xf32, #tpu.memory_space<hbm>> -> memref<1x125x80xf32, #tpu.memory_space<hbm>>
      %dma_wait3A_144 = tpu.memref_squeeze %dma_wait3A_143 : memref<1x125x80xf32, #tpu.memory_space<hbm>> -> memref<125x80xf32, #tpu.memory_space<hbm>>
      %dma_wait3A_145 = arith.constant 0 : i32
      %dma_wait3A_146 = tpu.memref_slice %arg7[%arg0, %add3A_119, %dma_wait3A_145] : memref<2x10000x80xf32, #tpu.memory_space<hbm>> -> memref<1x125x80xf32, #tpu.memory_space<hbm>>
      %dma_wait3A_147 = tpu.memref_squeeze %dma_wait3A_146 : memref<1x125x80xf32, #tpu.memory_space<hbm>> -> memref<125x80xf32, #tpu.memory_space<hbm>>
      tpu.wait_dma2 semaphore(%run_scoped3A : memref<!tpu.dma_semaphore, #tpu.memory_space<semaphore_mem>>) src(%arg13 : memref<125x80xf32, #tpu.memory_space<vmem>>) dst(%dma_wait3A_147 : memref<125x80xf32, #tpu.memory_space<hbm>>)
      tpu.yield
    }) : () -> ()
    %add3A_120 = arith.constant 125 : i32
    %add3A_121 = arith.addi %mul3A_51, %add3A_120 : i32
    "tpu.region"() ({
      %run_scoped3A = tpu.sem_alloc : memref<!tpu.dma_semaphore, #tpu.memory_space<semaphore_mem>>
      %dma_start3A_136 = arith.constant 0 : i32
      %dma_start3A_137 = tpu.memref_slice %arg15[%add3A_121, %dma_start3A_136] : memref<10000x80xf32, #tpu.memory_space<vmem_shared>> -> memref<125x80xf32, #tpu.memory_space<vmem_shared>>
      %dma_start3A_138 = arith.constant 0 : i32
      %dma_start3A_139 = tpu.memref_slice %arg15[%add3A_121, %dma_start3A_138] : memref<10000x80xf32, #tpu.memory_space<vmem_shared>> -> memref<125x80xf32, #tpu.memory_space<vmem_shared>>
      tpu.enqueue_dma source(%dma_start3A_139 : memref<125x80xf32, #tpu.memory_space<vmem_shared>>) target(%arg13 : memref<125x80xf32, #tpu.memory_space<vmem>>) target_semaphore(%run_scoped3A : memref<!tpu.dma_semaphore, #tpu.memory_space<semaphore_mem>>)
      %dma_wait3A_140 = arith.constant 0 : i32
      %dma_wait3A_141 = tpu.memref_slice %arg15[%add3A_121, %dma_wait3A_140] : memref<10000x80xf32, #tpu.memory_space<vmem_shared>> -> memref<125x80xf32, #tpu.memory_space<vmem_shared>>
      %dma_wait3A_142 = arith.constant 0 : i32
      %dma_wait3A_143 = tpu.memref_slice %arg15[%add3A_121, %dma_wait3A_142] : memref<10000x80xf32, #tpu.memory_space<vmem_shared>> -> memref<125x80xf32, #tpu.memory_space<vmem_shared>>
      tpu.wait_dma2 semaphore(%run_scoped3A : memref<!tpu.dma_semaphore, #tpu.memory_space<semaphore_mem>>) src(%dma_wait3A_143 : memref<125x80xf32, #tpu.memory_space<vmem_shared>>) dst(%arg13 : memref<125x80xf32, #tpu.memory_space<vmem>>)
      tpu.yield
    }) : () -> ()
    %add3A_122 = arith.constant 125 : i32
    %add3A_123 = arith.addi %mul3A_51, %add3A_122 : i32
    "tpu.region"() ({
      %run_scoped3A = tpu.sem_alloc : memref<!tpu.dma_semaphore, #tpu.memory_space<semaphore_mem>>
      %dma_start3A_136 = arith.constant 0 : i32
      %dma_start3A_137 = tpu.memref_slice %arg7[%arg0, %add3A_123, %dma_start3A_136] : memref<2x10000x80xf32, #tpu.memory_space<hbm>> -> memref<1x125x80xf32, #tpu.memory_space<hbm>>
      %dma_start3A_138 = tpu.memref_squeeze %dma_start3A_137 : memref<1x125x80xf32, #tpu.memory_space<hbm>> -> memref<125x80xf32, #tpu.memory_space<hbm>>
      %dma_start3A_139 = arith.constant 0 : i32
      %dma_start3A_140 = tpu.memref_slice %arg7[%arg0, %add3A_123, %dma_start3A_139] : memref<2x10000x80xf32, #tpu.memory_space<hbm>> -> memref<1x125x80xf32, #tpu.memory_space<hbm>>
      %dma_start3A_141 = tpu.memref_squeeze %dma_start3A_140 : memref<1x125x80xf32, #tpu.memory_space<hbm>> -> memref<125x80xf32, #tpu.memory_space<hbm>>
      tpu.enqueue_dma source(%arg13 : memref<125x80xf32, #tpu.memory_space<vmem>>) target(%dma_start3A_141 : memref<125x80xf32, #tpu.memory_space<hbm>>) target_semaphore(%run_scoped3A : memref<!tpu.dma_semaphore, #tpu.memory_space<semaphore_mem>>)
      %dma_wait3A_142 = arith.constant 0 : i32
      %dma_wait3A_143 = tpu.memref_slice %arg7[%arg0, %add3A_123, %dma_wait3A_142] : memref<2x10000x80xf32, #tpu.memory_space<hbm>> -> memref<1x125x80xf32, #tpu.memory_space<hbm>>
      %dma_wait3A_144 = tpu.memref_squeeze %dma_wait3A_143 : memref<1x125x80xf32, #tpu.memory_space<hbm>> -> memref<125x80xf32, #tpu.memory_space<hbm>>
      %dma_wait3A_145 = arith.constant 0 : i32
      %dma_wait3A_146 = tpu.memref_slice %arg7[%arg0, %add3A_123, %dma_wait3A_145] : memref<2x10000x80xf32, #tpu.memory_space<hbm>> -> memref<1x125x80xf32, #tpu.memory_space<hbm>>
      %dma_wait3A_147 = tpu.memref_squeeze %dma_wait3A_146 : memref<1x125x80xf32, #tpu.memory_space<hbm>> -> memref<125x80xf32, #tpu.memory_space<hbm>>
      tpu.wait_dma2 semaphore(%run_scoped3A : memref<!tpu.dma_semaphore, #tpu.memory_space<semaphore_mem>>) src(%arg13 : memref<125x80xf32, #tpu.memory_space<vmem>>) dst(%dma_wait3A_147 : memref<125x80xf32, #tpu.memory_space<hbm>>)
      tpu.yield
    }) : () -> ()
    %add3A_124 = arith.constant 250 : i32
    %add3A_125 = arith.addi %mul3A_51, %add3A_124 : i32
    "tpu.region"() ({
      %run_scoped3A = tpu.sem_alloc : memref<!tpu.dma_semaphore, #tpu.memory_space<semaphore_mem>>
      %dma_start3A_136 = arith.constant 0 : i32
      %dma_start3A_137 = tpu.memref_slice %arg15[%add3A_125, %dma_start3A_136] : memref<10000x80xf32, #tpu.memory_space<vmem_shared>> -> memref<125x80xf32, #tpu.memory_space<vmem_shared>>
      %dma_start3A_138 = arith.constant 0 : i32
      %dma_start3A_139 = tpu.memref_slice %arg15[%add3A_125, %dma_start3A_138] : memref<10000x80xf32, #tpu.memory_space<vmem_shared>> -> memref<125x80xf32, #tpu.memory_space<vmem_shared>>
      tpu.enqueue_dma source(%dma_start3A_139 : memref<125x80xf32, #tpu.memory_space<vmem_shared>>) target(%arg13 : memref<125x80xf32, #tpu.memory_space<vmem>>) target_semaphore(%run_scoped3A : memref<!tpu.dma_semaphore, #tpu.memory_space<semaphore_mem>>)
      %dma_wait3A_140 = arith.constant 0 : i32
      %dma_wait3A_141 = tpu.memref_slice %arg15[%add3A_125, %dma_wait3A_140] : memref<10000x80xf32, #tpu.memory_space<vmem_shared>> -> memref<125x80xf32, #tpu.memory_space<vmem_shared>>
      %dma_wait3A_142 = arith.constant 0 : i32
      %dma_wait3A_143 = tpu.memref_slice %arg15[%add3A_125, %dma_wait3A_142] : memref<10000x80xf32, #tpu.memory_space<vmem_shared>> -> memref<125x80xf32, #tpu.memory_space<vmem_shared>>
      tpu.wait_dma2 semaphore(%run_scoped3A : memref<!tpu.dma_semaphore, #tpu.memory_space<semaphore_mem>>) src(%dma_wait3A_143 : memref<125x80xf32, #tpu.memory_space<vmem_shared>>) dst(%arg13 : memref<125x80xf32, #tpu.memory_space<vmem>>)
      tpu.yield
    }) : () -> ()
    %add3A_126 = arith.constant 250 : i32
    %add3A_127 = arith.addi %mul3A_51, %add3A_126 : i32
    "tpu.region"() ({
      %run_scoped3A = tpu.sem_alloc : memref<!tpu.dma_semaphore, #tpu.memory_space<semaphore_mem>>
      %dma_start3A_136 = arith.constant 0 : i32
      %dma_start3A_137 = tpu.memref_slice %arg7[%arg0, %add3A_127, %dma_start3A_136] : memref<2x10000x80xf32, #tpu.memory_space<hbm>> -> memref<1x125x80xf32, #tpu.memory_space<hbm>>
      %dma_start3A_138 = tpu.memref_squeeze %dma_start3A_137 : memref<1x125x80xf32, #tpu.memory_space<hbm>> -> memref<125x80xf32, #tpu.memory_space<hbm>>
      %dma_start3A_139 = arith.constant 0 : i32
      %dma_start3A_140 = tpu.memref_slice %arg7[%arg0, %add3A_127, %dma_start3A_139] : memref<2x10000x80xf32, #tpu.memory_space<hbm>> -> memref<1x125x80xf32, #tpu.memory_space<hbm>>
      %dma_start3A_141 = tpu.memref_squeeze %dma_start3A_140 : memref<1x125x80xf32, #tpu.memory_space<hbm>> -> memref<125x80xf32, #tpu.memory_space<hbm>>
      tpu.enqueue_dma source(%arg13 : memref<125x80xf32, #tpu.memory_space<vmem>>) target(%dma_start3A_141 : memref<125x80xf32, #tpu.memory_space<hbm>>) target_semaphore(%run_scoped3A : memref<!tpu.dma_semaphore, #tpu.memory_space<semaphore_mem>>)
      %dma_wait3A_142 = arith.constant 0 : i32
      %dma_wait3A_143 = tpu.memref_slice %arg7[%arg0, %add3A_127, %dma_wait3A_142] : memref<2x10000x80xf32, #tpu.memory_space<hbm>> -> memref<1x125x80xf32, #tpu.memory_space<hbm>>
      %dma_wait3A_144 = tpu.memref_squeeze %dma_wait3A_143 : memref<1x125x80xf32, #tpu.memory_space<hbm>> -> memref<125x80xf32, #tpu.memory_space<hbm>>
      %dma_wait3A_145 = arith.constant 0 : i32
      %dma_wait3A_146 = tpu.memref_slice %arg7[%arg0, %add3A_127, %dma_wait3A_145] : memref<2x10000x80xf32, #tpu.memory_space<hbm>> -> memref<1x125x80xf32, #tpu.memory_space<hbm>>
      %dma_wait3A_147 = tpu.memref_squeeze %dma_wait3A_146 : memref<1x125x80xf32, #tpu.memory_space<hbm>> -> memref<125x80xf32, #tpu.memory_space<hbm>>
      tpu.wait_dma2 semaphore(%run_scoped3A : memref<!tpu.dma_semaphore, #tpu.memory_space<semaphore_mem>>) src(%arg13 : memref<125x80xf32, #tpu.memory_space<vmem>>) dst(%dma_wait3A_147 : memref<125x80xf32, #tpu.memory_space<hbm>>)
      tpu.yield
    }) : () -> ()
    %add3A_128 = arith.constant 375 : i32
    %add3A_129 = arith.addi %mul3A_51, %add3A_128 : i32
    "tpu.region"() ({
      %run_scoped3A = tpu.sem_alloc : memref<!tpu.dma_semaphore, #tpu.memory_space<semaphore_mem>>
      %dma_start3A_136 = arith.constant 0 : i32
      %dma_start3A_137 = tpu.memref_slice %arg15[%add3A_129, %dma_start3A_136] : memref<10000x80xf32, #tpu.memory_space<vmem_shared>> -> memref<125x80xf32, #tpu.memory_space<vmem_shared>>
      %dma_start3A_138 = arith.constant 0 : i32
      %dma_start3A_139 = tpu.memref_slice %arg15[%add3A_129, %dma_start3A_138] : memref<10000x80xf32, #tpu.memory_space<vmem_shared>> -> memref<125x80xf32, #tpu.memory_space<vmem_shared>>
      tpu.enqueue_dma source(%dma_start3A_139 : memref<125x80xf32, #tpu.memory_space<vmem_shared>>) target(%arg13 : memref<125x80xf32, #tpu.memory_space<vmem>>) target_semaphore(%run_scoped3A : memref<!tpu.dma_semaphore, #tpu.memory_space<semaphore_mem>>)
      %dma_wait3A_140 = arith.constant 0 : i32
      %dma_wait3A_141 = tpu.memref_slice %arg15[%add3A_129, %dma_wait3A_140] : memref<10000x80xf32, #tpu.memory_space<vmem_shared>> -> memref<125x80xf32, #tpu.memory_space<vmem_shared>>
      %dma_wait3A_142 = arith.constant 0 : i32
      %dma_wait3A_143 = tpu.memref_slice %arg15[%add3A_129, %dma_wait3A_142] : memref<10000x80xf32, #tpu.memory_space<vmem_shared>> -> memref<125x80xf32, #tpu.memory_space<vmem_shared>>
      tpu.wait_dma2 semaphore(%run_scoped3A : memref<!tpu.dma_semaphore, #tpu.memory_space<semaphore_mem>>) src(%dma_wait3A_143 : memref<125x80xf32, #tpu.memory_space<vmem_shared>>) dst(%arg13 : memref<125x80xf32, #tpu.memory_space<vmem>>)
      tpu.yield
    }) : () -> ()
    %add3A_130 = arith.constant 375 : i32
    %add3A_131 = arith.addi %mul3A_51, %add3A_130 : i32
    "tpu.region"() ({
      %run_scoped3A = tpu.sem_alloc : memref<!tpu.dma_semaphore, #tpu.memory_space<semaphore_mem>>
      %dma_start3A_136 = arith.constant 0 : i32
      %dma_start3A_137 = tpu.memref_slice %arg7[%arg0, %add3A_131, %dma_start3A_136] : memref<2x10000x80xf32, #tpu.memory_space<hbm>> -> memref<1x125x80xf32, #tpu.memory_space<hbm>>
      %dma_start3A_138 = tpu.memref_squeeze %dma_start3A_137 : memref<1x125x80xf32, #tpu.memory_space<hbm>> -> memref<125x80xf32, #tpu.memory_space<hbm>>
      %dma_start3A_139 = arith.constant 0 : i32
      %dma_start3A_140 = tpu.memref_slice %arg7[%arg0, %add3A_131, %dma_start3A_139] : memref<2x10000x80xf32, #tpu.memory_space<hbm>> -> memref<1x125x80xf32, #tpu.memory_space<hbm>>
      %dma_start3A_141 = tpu.memref_squeeze %dma_start3A_140 : memref<1x125x80xf32, #tpu.memory_space<hbm>> -> memref<125x80xf32, #tpu.memory_space<hbm>>
      tpu.enqueue_dma source(%arg13 : memref<125x80xf32, #tpu.memory_space<vmem>>) target(%dma_start3A_141 : memref<125x80xf32, #tpu.memory_space<hbm>>) target_semaphore(%run_scoped3A : memref<!tpu.dma_semaphore, #tpu.memory_space<semaphore_mem>>)
      %dma_wait3A_142 = arith.constant 0 : i32
      %dma_wait3A_143 = tpu.memref_slice %arg7[%arg0, %add3A_131, %dma_wait3A_142] : memref<2x10000x80xf32, #tpu.memory_space<hbm>> -> memref<1x125x80xf32, #tpu.memory_space<hbm>>
      %dma_wait3A_144 = tpu.memref_squeeze %dma_wait3A_143 : memref<1x125x80xf32, #tpu.memory_space<hbm>> -> memref<125x80xf32, #tpu.memory_space<hbm>>
      %dma_wait3A_145 = arith.constant 0 : i32
      %dma_wait3A_146 = tpu.memref_slice %arg7[%arg0, %add3A_131, %dma_wait3A_145] : memref<2x10000x80xf32, #tpu.memory_space<hbm>> -> memref<1x125x80xf32, #tpu.memory_space<hbm>>
      %dma_wait3A_147 = tpu.memref_squeeze %dma_wait3A_146 : memref<1x125x80xf32, #tpu.memory_space<hbm>> -> memref<125x80xf32, #tpu.memory_space<hbm>>
      tpu.wait_dma2 semaphore(%run_scoped3A : memref<!tpu.dma_semaphore, #tpu.memory_space<semaphore_mem>>) src(%arg13 : memref<125x80xf32, #tpu.memory_space<vmem>>) dst(%dma_wait3A_147 : memref<125x80xf32, #tpu.memory_space<hbm>>)
      tpu.yield
    }) : () -> ()
    %add3A_132 = arith.constant 500 : i32
    %add3A_133 = arith.addi %mul3A_51, %add3A_132 : i32
    "tpu.region"() ({
      %run_scoped3A = tpu.sem_alloc : memref<!tpu.dma_semaphore, #tpu.memory_space<semaphore_mem>>
      %dma_start3A_136 = arith.constant 0 : i32
      %dma_start3A_137 = tpu.memref_slice %arg15[%add3A_133, %dma_start3A_136] : memref<10000x80xf32, #tpu.memory_space<vmem_shared>> -> memref<125x80xf32, #tpu.memory_space<vmem_shared>>
      %dma_start3A_138 = arith.constant 0 : i32
      %dma_start3A_139 = tpu.memref_slice %arg15[%add3A_133, %dma_start3A_138] : memref<10000x80xf32, #tpu.memory_space<vmem_shared>> -> memref<125x80xf32, #tpu.memory_space<vmem_shared>>
      tpu.enqueue_dma source(%dma_start3A_139 : memref<125x80xf32, #tpu.memory_space<vmem_shared>>) target(%arg13 : memref<125x80xf32, #tpu.memory_space<vmem>>) target_semaphore(%run_scoped3A : memref<!tpu.dma_semaphore, #tpu.memory_space<semaphore_mem>>)
      %dma_wait3A_140 = arith.constant 0 : i32
      %dma_wait3A_141 = tpu.memref_slice %arg15[%add3A_133, %dma_wait3A_140] : memref<10000x80xf32, #tpu.memory_space<vmem_shared>> -> memref<125x80xf32, #tpu.memory_space<vmem_shared>>
      %dma_wait3A_142 = arith.constant 0 : i32
      %dma_wait3A_143 = tpu.memref_slice %arg15[%add3A_133, %dma_wait3A_142] : memref<10000x80xf32, #tpu.memory_space<vmem_shared>> -> memref<125x80xf32, #tpu.memory_space<vmem_shared>>
      tpu.wait_dma2 semaphore(%run_scoped3A : memref<!tpu.dma_semaphore, #tpu.memory_space<semaphore_mem>>) src(%dma_wait3A_143 : memref<125x80xf32, #tpu.memory_space<vmem_shared>>) dst(%arg13 : memref<125x80xf32, #tpu.memory_space<vmem>>)
      tpu.yield
    }) : () -> ()
    %add3A_134 = arith.constant 500 : i32
    %add3A_135 = arith.addi %mul3A_51, %add3A_134 : i32
    "tpu.region"() ({
      %run_scoped3A = tpu.sem_alloc : memref<!tpu.dma_semaphore, #tpu.memory_space<semaphore_mem>>
      %dma_start3A_136 = arith.constant 0 : i32
      %dma_start3A_137 = tpu.memref_slice %arg7[%arg0, %add3A_135, %dma_start3A_136] : memref<2x10000x80xf32, #tpu.memory_space<hbm>> -> memref<1x125x80xf32, #tpu.memory_space<hbm>>
      %dma_start3A_138 = tpu.memref_squeeze %dma_start3A_137 : memref<1x125x80xf32, #tpu.memory_space<hbm>> -> memref<125x80xf32, #tpu.memory_space<hbm>>
      %dma_start3A_139 = arith.constant 0 : i32
      %dma_start3A_140 = tpu.memref_slice %arg7[%arg0, %add3A_135, %dma_start3A_139] : memref<2x10000x80xf32, #tpu.memory_space<hbm>> -> memref<1x125x80xf32, #tpu.memory_space<hbm>>
      %dma_start3A_141 = tpu.memref_squeeze %dma_start3A_140 : memref<1x125x80xf32, #tpu.memory_space<hbm>> -> memref<125x80xf32, #tpu.memory_space<hbm>>
      tpu.enqueue_dma source(%arg13 : memref<125x80xf32, #tpu.memory_space<vmem>>) target(%dma_start3A_141 : memref<125x80xf32, #tpu.memory_space<hbm>>) target_semaphore(%run_scoped3A : memref<!tpu.dma_semaphore, #tpu.memory_space<semaphore_mem>>)
      %dma_wait3A_142 = arith.constant 0 : i32
      %dma_wait3A_143 = tpu.memref_slice %arg7[%arg0, %add3A_135, %dma_wait3A_142] : memref<2x10000x80xf32, #tpu.memory_space<hbm>> -> memref<1x125x80xf32, #tpu.memory_space<hbm>>
      %dma_wait3A_144 = tpu.memref_squeeze %dma_wait3A_143 : memref<1x125x80xf32, #tpu.memory_space<hbm>> -> memref<125x80xf32, #tpu.memory_space<hbm>>
      %dma_wait3A_145 = arith.constant 0 : i32
      %dma_wait3A_146 = tpu.memref_slice %arg7[%arg0, %add3A_135, %dma_wait3A_145] : memref<2x10000x80xf32, #tpu.memory_space<hbm>> -> memref<1x125x80xf32, #tpu.memory_space<hbm>>
      %dma_wait3A_147 = tpu.memref_squeeze %dma_wait3A_146 : memref<1x125x80xf32, #tpu.memory_space<hbm>> -> memref<125x80xf32, #tpu.memory_space<hbm>>
      tpu.wait_dma2 semaphore(%run_scoped3A : memref<!tpu.dma_semaphore, #tpu.memory_space<semaphore_mem>>) src(%arg13 : memref<125x80xf32, #tpu.memory_space<vmem>>) dst(%dma_wait3A_147 : memref<125x80xf32, #tpu.memory_space<hbm>>)
      tpu.yield
    }) : () -> ()
    return
  }
}

#map = affine_map<(d0, d1) -> (0, 0)>
#map1 = affine_map<(d0, d1) -> (0, 0, 0)>
module attributes {stable_mosaic.version = 14 : i64} {
  func.func @edge_kernel(%arg0: i32, %arg1: i32, %arg2: memref<10000x48xf32, #tpu.memory_space<hbm>>, %arg3: memref<10000x80xf32, #tpu.memory_space<hbm>>, %arg4: memref<32x125x80xi32, #tpu.memory_space<hbm>>, %arg5: memref<32x125x80xi32, #tpu.memory_space<hbm>>, %arg6: memref<4x32xf32, #tpu.memory_space<hbm>>, %arg7: memref<2x10000x80xf32, #tpu.memory_space<hbm>>, %arg8: memref<125x80xi32, #tpu.memory_space<vmem>>, %arg9: memref<125x80xi32, #tpu.memory_space<vmem>>, %arg10: memref<2x80x48xf32, #tpu.memory_space<vmem>>, %arg11: memref<2x80x80xf32, #tpu.memory_space<vmem>>, %arg12: memref<2x80x80xf32, #tpu.memory_space<vmem>>, %arg13: memref<125x80xf32, #tpu.memory_space<vmem>>, %arg14: memref<4x32xf32, #tpu.memory_space<vmem>>, %arg15: memref<10000x80xf32, #tpu.memory_space<vmem_shared>>, %arg16: memref<!tpu.dma_semaphore, #tpu.memory_space<semaphore_mem>>, %arg17: memref<!tpu.dma_semaphore, #tpu.memory_space<semaphore_mem>>, %arg18: memref<!tpu.dma_semaphore, #tpu.memory_space<semaphore_mem>>, %arg19: memref<!tpu.dma_semaphore, #tpu.memory_space<semaphore_mem>>) attributes {dimension_semantics = [#tpu.dimension_semantics<core_parallel>, #tpu.dimension_semantics<subcore_parallel>], iteration_bounds = array<i64: 2, 16>, scalar_prefetch = 0 : i64, scratch_operands = 12 : i64, tpu.core_type = #tpu.core_type<sc_vector_subcore>, window_params = [{transform_indices = #map}, {transform_indices = #map}, {transform_indices = #map1}, {transform_indices = #map1}, {transform_indices = #map}, {transform_indices = #map1}]} {
    %mul3A = arith.constant 2 : i32
    %mul3A_0 = arith.muli %arg1, %mul3A : i32
    %add3A = arith.addi %mul3A_0, %arg0 : i32
    %iota3A = tpu.iota {dimensions = array<i32: 0>} : vector<16xi32>
    %convert_element_type3A = arith.sitofp %iota3A : vector<16xi32> to vector<16xf32>
    "tpu.region"() ({
      %run_scoped3A = tpu.sem_alloc : memref<!tpu.dma_semaphore, #tpu.memory_space<semaphore_mem>>
      tpu.enqueue_dma source(%arg6 : memref<4x32xf32, #tpu.memory_space<hbm>>) target(%arg14 : memref<4x32xf32, #tpu.memory_space<vmem>>) target_semaphore(%run_scoped3A : memref<!tpu.dma_semaphore, #tpu.memory_space<semaphore_mem>>)
      tpu.wait_dma2 semaphore(%run_scoped3A : memref<!tpu.dma_semaphore, #tpu.memory_space<semaphore_mem>>) src(%arg6 : memref<4x32xf32, #tpu.memory_space<hbm>>) dst(%arg14 : memref<4x32xf32, #tpu.memory_space<vmem>>)
      tpu.yield
    }) : () -> ()
    %get3A = arith.constant 0 : i32
    %get3A_1 = arith.index_cast %get3A : i32 to index
    %get3A_2 = arith.constant 0 : index
    %get3A_3 = tpu.vector_load %arg14[%get3A_1, %get3A_2] {strides = array<i32>} : memref<4x32xf32, #tpu.memory_space<vmem>>, vector<16xf32>,
    %get3A_4 = arith.constant 0 : i32
    %get3A_5 = arith.index_cast %get3A_4 : i32 to index
    %get3A_6 = arith.constant 16 : index
    %get3A_7 = tpu.vector_load %arg14[%get3A_5, %get3A_6] {strides = array<i32>} : memref<4x32xf32, #tpu.memory_space<vmem>>, vector<16xf32>,
    %get3A_8 = arith.constant 1 : i32
    %get3A_9 = arith.index_cast %get3A_8 : i32 to index
    %get3A_10 = arith.constant 0 : index
    %get3A_11 = tpu.vector_load %arg14[%get3A_9, %get3A_10] {strides = array<i32>} : memref<4x32xf32, #tpu.memory_space<vmem>>, vector<16xf32>,
    %get3A_12 = arith.constant 1 : i32
    %get3A_13 = arith.index_cast %get3A_12 : i32 to index
    %get3A_14 = arith.constant 16 : index
    %get3A_15 = tpu.vector_load %arg14[%get3A_13, %get3A_14] {strides = array<i32>} : memref<4x32xf32, #tpu.memory_space<vmem>>, vector<16xf32>,
    %get3A_16 = arith.constant 2 : i32
    %get3A_17 = arith.index_cast %get3A_16 : i32 to index
    %get3A_18 = arith.constant 0 : index
    %get3A_19 = tpu.vector_load %arg14[%get3A_17, %get3A_18] {strides = array<i32>} : memref<4x32xf32, #tpu.memory_space<vmem>>, vector<16xf32>,
    %get3A_20 = arith.constant 2 : i32
    %get3A_21 = arith.index_cast %get3A_20 : i32 to index
    %get3A_22 = arith.constant 16 : index
    %get3A_23 = tpu.vector_load %arg14[%get3A_21, %get3A_22] {strides = array<i32>} : memref<4x32xf32, #tpu.memory_space<vmem>>, vector<16xf32>,
    %get3A_24 = arith.constant 3 : i32
    %get3A_25 = arith.index_cast %get3A_24 : i32 to index
    %get3A_26 = arith.constant 0 : index
    %get3A_27 = tpu.vector_load %arg14[%get3A_25, %get3A_26] {strides = array<i32>} : memref<4x32xf32, #tpu.memory_space<vmem>>, vector<16xf32>,
    %get3A_28 = arith.constant 3 : i32
    %get3A_29 = arith.index_cast %get3A_28 : i32 to index
    %get3A_30 = arith.constant 16 : index
    %get3A_31 = tpu.vector_load %arg14[%get3A_29, %get3A_30] {strides = array<i32>} : memref<4x32xf32, #tpu.memory_space<vmem>>, vector<16xf32>,
    %add3A_32 = arith.constant 0.000000e+00 : f32
    %add3A_33 = vector.broadcast %add3A_32 : f32 to vector<16xf32>
    %add3A_34 = arith.addf %convert_element_type3A, %add3A_33 : vector<16xf32>
    %mul3A_35 = arith.constant 0.967741906 : f32
    %mul3A_36 = vector.broadcast %mul3A_35 : f32 to vector<16xf32>
    %mul3A_37 = arith.mulf %add3A_34, %mul3A_36 : vector<16xf32>
    %add3A_38 = arith.constant 1.600000e+01 : f32
    %add3A_39 = vector.broadcast %add3A_38 : f32 to vector<16xf32>
    %add3A_40 = arith.addf %convert_element_type3A, %add3A_39 : vector<16xf32>
    %mul3A_41 = arith.constant 0.967741906 : f32
    %mul3A_42 = vector.broadcast %mul3A_41 : f32 to vector<16xf32>
    %mul3A_43 = arith.mulf %add3A_40, %mul3A_42 : vector<16xf32>
    "tpu.region"() ({
      %run_scoped3A = tpu.sem_alloc : memref<!tpu.dma_semaphore, #tpu.memory_space<semaphore_mem>>
      %dma_start3A_136 = arith.constant 0 : i32
      %dma_start3A_137 = arith.constant 0 : i32
      %dma_start3A_138 = tpu.memref_slice %arg4[%add3A, %dma_start3A_136, %dma_start3A_137] : memref<32x125x80xi32, #tpu.memory_space<hbm>> -> memref<1x125x80xi32, #tpu.memory_space<hbm>>
      %dma_start3A_139 = tpu.memref_squeeze %dma_start3A_138 : memref<1x125x80xi32, #tpu.memory_space<hbm>> -> memref<125x80xi32, #tpu.memory_space<hbm>>
      %dma_start3A_140 = arith.constant 0 : i32
      %dma_start3A_141 = arith.constant 0 : i32
      %dma_start3A_142 = tpu.memref_slice %arg4[%add3A, %dma_start3A_140, %dma_start3A_141] : memref<32x125x80xi32, #tpu.memory_space<hbm>> -> memref<1x125x80xi32, #tpu.memory_space<hbm>>
      %dma_start3A_143 = tpu.memref_squeeze %dma_start3A_142 : memref<1x125x80xi32, #tpu.memory_space<hbm>> -> memref<125x80xi32, #tpu.memory_space<hbm>>
      tpu.enqueue_dma source(%dma_start3A_143 : memref<125x80xi32, #tpu.memory_space<hbm>>) target(%arg8 : memref<125x80xi32, #tpu.memory_space<vmem>>) target_semaphore(%run_scoped3A : memref<!tpu.dma_semaphore, #tpu.memory_space<semaphore_mem>>)
      %dma_wait3A_144 = arith.constant 0 : i32
      %dma_wait3A_145 = arith.constant 0 : i32
      %dma_wait3A_146 = tpu.memref_slice %arg4[%add3A, %dma_wait3A_144, %dma_wait3A_145] : memref<32x125x80xi32, #tpu.memory_space<hbm>> -> memref<1x125x80xi32, #tpu.memory_space<hbm>>
      %dma_wait3A_147 = tpu.memref_squeeze %dma_wait3A_146 : memref<1x125x80xi32, #tpu.memory_space<hbm>> -> memref<125x80xi32, #tpu.memory_space<hbm>>
      %dma_wait3A_148 = arith.constant 0 : i32
      %dma_wait3A_149 = arith.constant 0 : i32
      %dma_wait3A_150 = tpu.memref_slice %arg4[%add3A, %dma_wait3A_148, %dma_wait3A_149] : memref<32x125x80xi32, #tpu.memory_space<hbm>> -> memref<1x125x80xi32, #tpu.memory_space<hbm>>
      %dma_wait3A_151 = tpu.memref_squeeze %dma_wait3A_150 : memref<1x125x80xi32, #tpu.memory_space<hbm>> -> memref<125x80xi32, #tpu.memory_space<hbm>>
      tpu.wait_dma2 semaphore(%run_scoped3A : memref<!tpu.dma_semaphore, #tpu.memory_space<semaphore_mem>>) src(%dma_wait3A_151 : memref<125x80xi32, #tpu.memory_space<hbm>>) dst(%arg8 : memref<125x80xi32, #tpu.memory_space<vmem>>)
      tpu.yield
    }) : () -> ()
    "tpu.region"() ({
      %run_scoped3A = tpu.sem_alloc : memref<!tpu.dma_semaphore, #tpu.memory_space<semaphore_mem>>
      %dma_start3A_136 = arith.constant 0 : i32
      %dma_start3A_137 = arith.constant 0 : i32
      %dma_start3A_138 = tpu.memref_slice %arg5[%add3A, %dma_start3A_136, %dma_start3A_137] : memref<32x125x80xi32, #tpu.memory_space<hbm>> -> memref<1x125x80xi32, #tpu.memory_space<hbm>>
      %dma_start3A_139 = tpu.memref_squeeze %dma_start3A_138 : memref<1x125x80xi32, #tpu.memory_space<hbm>> -> memref<125x80xi32, #tpu.memory_space<hbm>>
      %dma_start3A_140 = arith.constant 0 : i32
      %dma_start3A_141 = arith.constant 0 : i32
      %dma_start3A_142 = tpu.memref_slice %arg5[%add3A, %dma_start3A_140, %dma_start3A_141] : memref<32x125x80xi32, #tpu.memory_space<hbm>> -> memref<1x125x80xi32, #tpu.memory_space<hbm>>
      %dma_start3A_143 = tpu.memref_squeeze %dma_start3A_142 : memref<1x125x80xi32, #tpu.memory_space<hbm>> -> memref<125x80xi32, #tpu.memory_space<hbm>>
      tpu.enqueue_dma source(%dma_start3A_143 : memref<125x80xi32, #tpu.memory_space<hbm>>) target(%arg9 : memref<125x80xi32, #tpu.memory_space<vmem>>) target_semaphore(%run_scoped3A : memref<!tpu.dma_semaphore, #tpu.memory_space<semaphore_mem>>)
      %dma_wait3A_144 = arith.constant 0 : i32
      %dma_wait3A_145 = arith.constant 0 : i32
      %dma_wait3A_146 = tpu.memref_slice %arg5[%add3A, %dma_wait3A_144, %dma_wait3A_145] : memref<32x125x80xi32, #tpu.memory_space<hbm>> -> memref<1x125x80xi32, #tpu.memory_space<hbm>>
      %dma_wait3A_147 = tpu.memref_squeeze %dma_wait3A_146 : memref<1x125x80xi32, #tpu.memory_space<hbm>> -> memref<125x80xi32, #tpu.memory_space<hbm>>
      %dma_wait3A_148 = arith.constant 0 : i32
      %dma_wait3A_149 = arith.constant 0 : i32
      %dma_wait3A_150 = tpu.memref_slice %arg5[%add3A, %dma_wait3A_148, %dma_wait3A_149] : memref<32x125x80xi32, #tpu.memory_space<hbm>> -> memref<1x125x80xi32, #tpu.memory_space<hbm>>
      %dma_wait3A_151 = tpu.memref_squeeze %dma_wait3A_150 : memref<1x125x80xi32, #tpu.memory_space<hbm>> -> memref<125x80xi32, #tpu.memory_space<hbm>>
      tpu.wait_dma2 semaphore(%run_scoped3A : memref<!tpu.dma_semaphore, #tpu.memory_space<semaphore_mem>>) src(%dma_wait3A_151 : memref<125x80xi32, #tpu.memory_space<hbm>>) dst(%arg9 : memref<125x80xi32, #tpu.memory_space<vmem>>)
      tpu.yield
    }) : () -> ()
    %scan3A = arith.constant 0 : i32
    %scan3A_44 = arith.constant 0 : i32
    %scan3A_45 = arith.constant 625 : i32
    %scan3A_46 = arith.addi %scan3A_44, %scan3A_45 : i32
    %scan3A_47 = arith.constant 1 : i32
    %scan3A_48 = scf.for %scan3A_136 = %scan3A_44 to %scan3A_46 step %scan3A_47 iter_args(%scan3A_137 = %scan3A) -> (i32)  : i32 {
      %jit3A = arith.constant 5 : i32
      %div3A = arith.divsi %scan3A_136, %jit3A : i32
      %sign3A = arith.constant 0 : i32
      %sign3A_138 = arith.cmpi sgt, %scan3A_136, %sign3A : i32
      %sign3A_139 = arith.extui %sign3A_138 : i1 to i32
      %sign3A_140 = arith.constant 0 : i32
      %sign3A_141 = arith.cmpi slt, %scan3A_136, %sign3A_140 : i32
      %sign3A_142 = arith.extui %sign3A_141 : i1 to i32
      %sign3A_143 = arith.subi %sign3A_139, %sign3A_142 : i32
      %sign3A_144 = arith.constant 0 : i32
      %sign3A_145 = arith.cmpi sgt, %jit3A, %sign3A_144 : i32
      %sign3A_146 = arith.extui %sign3A_145 : i1 to i32
      %sign3A_147 = arith.constant 0 : i32
      %sign3A_148 = arith.cmpi slt, %jit3A, %sign3A_147 : i32
      %sign3A_149 = arith.extui %sign3A_148 : i1 to i32
      %sign3A_150 = arith.subi %sign3A_146, %sign3A_149 : i32
      %ne3A = arith.cmpi ne, %sign3A_143, %sign3A_150 : i32
      %rem3A = arith.remsi %scan3A_136, %jit3A : i32
      %ne3A_151 = arith.constant 0 : i32
      %ne3A_152 = arith.cmpi ne, %rem3A, %ne3A_151 : i32
      %and3A = arith.andi %ne3A, %ne3A_152 : i1
      %sub3A = arith.constant 1 : i32
      %sub3A_153 = arith.subi %div3A, %sub3A : i32
      %select_n3A = arith.select %and3A, %sub3A_153, %div3A : i32
      %jit3A_154 = arith.constant 5 : i32
      %eq3A = arith.constant 0 : i32
      %eq3A_155 = arith.cmpi eq, %jit3A_154, %eq3A : i32
      %jit3A_156 = arith.constant 1 : i32
      %select_n3A_157 = arith.select %eq3A_155, %jit3A_156, %jit3A_154 : i32
      %rem3A_158 = arith.remsi %scan3A_136, %select_n3A_157 : i32
      %ne3A_159 = arith.constant 0 : i32
      %ne3A_160 = arith.cmpi ne, %rem3A_158, %ne3A_159 : i32
      %lt3A = arith.constant 0 : i32
      %lt3A_161 = arith.cmpi slt, %rem3A_158, %lt3A : i32
      %lt3A_162 = arith.constant 0 : i32
      %lt3A_163 = arith.cmpi slt, %select_n3A_157, %lt3A_162 : i32
      %ne3A_164 = arith.xori %lt3A_161, %lt3A_163 : i1
      %and3A_165 = arith.andi %ne3A_164, %ne3A_160 : i1
      %add3A_166 = arith.addi %rem3A_158, %select_n3A_157 : i32
      %select_n3A_167 = arith.select %and3A_165, %add3A_166, %rem3A_158 : i32
      %broadcast_in_dim3A = arith.constant 0.000000e+00 : f32
      %broadcast_in_dim3A_168 = vector.broadcast %broadcast_in_dim3A : f32 to vector<16xf32>
      %mul3A_169 = arith.constant 16 : i32
      %mul3A_170 = arith.muli %select_n3A_167, %mul3A_169 : i32
      %swap3A = arith.index_cast %select_n3A : i32 to index
      %swap3A_171 = arith.index_cast %mul3A_170 : i32 to index
      %swap3A_172 = tpu.vector_load %arg13[%swap3A, %swap3A_171] {strides = array<i32>} : memref<125x80xf32, #tpu.memory_space<vmem>>, vector<16xf32>,
      tpu.vector_store %arg13[%swap3A, %swap3A_171], %broadcast_in_dim3A_168 {strides = array<i32>} : memref<125x80xf32, #tpu.memory_space<vmem>>, vector<16xf32>,
      %scan3A_173 = arith.constant 0 : i32
      scf.yield %scan3A_173 : i32
    }
    %scan3A_49 = arith.constant 625 : i32
    %mul3A_50 = arith.constant 625 : i32
    %mul3A_51 = arith.muli %arg1, %mul3A_50 : i32
    %add3A_52 = arith.constant 0 : i32
    %add3A_53 = arith.addi %mul3A_51, %add3A_52 : i32
    "tpu.region"() ({
      %run_scoped3A = tpu.sem_alloc : memref<!tpu.dma_semaphore, #tpu.memory_space<semaphore_mem>>
      %dma_start3A_136 = arith.constant 0 : i32
      %dma_start3A_137 = tpu.memref_slice %arg15[%add3A_53, %dma_start3A_136] : memref<10000x80xf32, #tpu.memory_space<vmem_shared>> -> memref<125x80xf32, #tpu.memory_space<vmem_shared>>
      %dma_start3A_138 = arith.constant 0 : i32
      %dma_start3A_139 = tpu.memref_slice %arg15[%add3A_53, %dma_start3A_138] : memref<10000x80xf32, #tpu.memory_space<vmem_shared>> -> memref<125x80xf32, #tpu.memory_space<vmem_shared>>
      tpu.enqueue_dma source(%arg13 : memref<125x80xf32, #tpu.memory_space<vmem>>) target(%dma_start3A_139 : memref<125x80xf32, #tpu.memory_space<vmem_shared>>) target_semaphore(%run_scoped3A : memref<!tpu.dma_semaphore, #tpu.memory_space<semaphore_mem>>)
      %dma_wait3A_140 = arith.constant 0 : i32
      %dma_wait3A_141 = tpu.memref_slice %arg15[%add3A_53, %dma_wait3A_140] : memref<10000x80xf32, #tpu.memory_space<vmem_shared>> -> memref<125x80xf32, #tpu.memory_space<vmem_shared>>
      %dma_wait3A_142 = arith.constant 0 : i32
      %dma_wait3A_143 = tpu.memref_slice %arg15[%add3A_53, %dma_wait3A_142] : memref<10000x80xf32, #tpu.memory_space<vmem_shared>> -> memref<125x80xf32, #tpu.memory_space<vmem_shared>>
      tpu.wait_dma2 semaphore(%run_scoped3A : memref<!tpu.dma_semaphore, #tpu.memory_space<semaphore_mem>>) src(%arg13 : memref<125x80xf32, #tpu.memory_space<vmem>>) dst(%dma_wait3A_143 : memref<125x80xf32, #tpu.memory_space<vmem_shared>>)
      tpu.yield
    }) : () -> ()
    %add3A_54 = arith.constant 125 : i32
    %add3A_55 = arith.addi %mul3A_51, %add3A_54 : i32
    "tpu.region"() ({
      %run_scoped3A = tpu.sem_alloc : memref<!tpu.dma_semaphore, #tpu.memory_space<semaphore_mem>>
      %dma_start3A_136 = arith.constant 0 : i32
      %dma_start3A_137 = tpu.memref_slice %arg15[%add3A_55, %dma_start3A_136] : memref<10000x80xf32, #tpu.memory_space<vmem_shared>> -> memref<125x80xf32, #tpu.memory_space<vmem_shared>>
      %dma_start3A_138 = arith.constant 0 : i32
      %dma_start3A_139 = tpu.memref_slice %arg15[%add3A_55, %dma_start3A_138] : memref<10000x80xf32, #tpu.memory_space<vmem_shared>> -> memref<125x80xf32, #tpu.memory_space<vmem_shared>>
      tpu.enqueue_dma source(%arg13 : memref<125x80xf32, #tpu.memory_space<vmem>>) target(%dma_start3A_139 : memref<125x80xf32, #tpu.memory_space<vmem_shared>>) target_semaphore(%run_scoped3A : memref<!tpu.dma_semaphore, #tpu.memory_space<semaphore_mem>>)
      %dma_wait3A_140 = arith.constant 0 : i32
      %dma_wait3A_141 = tpu.memref_slice %arg15[%add3A_55, %dma_wait3A_140] : memref<10000x80xf32, #tpu.memory_space<vmem_shared>> -> memref<125x80xf32, #tpu.memory_space<vmem_shared>>
      %dma_wait3A_142 = arith.constant 0 : i32
      %dma_wait3A_143 = tpu.memref_slice %arg15[%add3A_55, %dma_wait3A_142] : memref<10000x80xf32, #tpu.memory_space<vmem_shared>> -> memref<125x80xf32, #tpu.memory_space<vmem_shared>>
      tpu.wait_dma2 semaphore(%run_scoped3A : memref<!tpu.dma_semaphore, #tpu.memory_space<semaphore_mem>>) src(%arg13 : memref<125x80xf32, #tpu.memory_space<vmem>>) dst(%dma_wait3A_143 : memref<125x80xf32, #tpu.memory_space<vmem_shared>>)
      tpu.yield
    }) : () -> ()
    %add3A_56 = arith.constant 250 : i32
    %add3A_57 = arith.addi %mul3A_51, %add3A_56 : i32
    "tpu.region"() ({
      %run_scoped3A = tpu.sem_alloc : memref<!tpu.dma_semaphore, #tpu.memory_space<semaphore_mem>>
      %dma_start3A_136 = arith.constant 0 : i32
      %dma_start3A_137 = tpu.memref_slice %arg15[%add3A_57, %dma_start3A_136] : memref<10000x80xf32, #tpu.memory_space<vmem_shared>> -> memref<125x80xf32, #tpu.memory_space<vmem_shared>>
      %dma_start3A_138 = arith.constant 0 : i32
      %dma_start3A_139 = tpu.memref_slice %arg15[%add3A_57, %dma_start3A_138] : memref<10000x80xf32, #tpu.memory_space<vmem_shared>> -> memref<125x80xf32, #tpu.memory_space<vmem_shared>>
      tpu.enqueue_dma source(%arg13 : memref<125x80xf32, #tpu.memory_space<vmem>>) target(%dma_start3A_139 : memref<125x80xf32, #tpu.memory_space<vmem_shared>>) target_semaphore(%run_scoped3A : memref<!tpu.dma_semaphore, #tpu.memory_space<semaphore_mem>>)
      %dma_wait3A_140 = arith.constant 0 : i32
      %dma_wait3A_141 = tpu.memref_slice %arg15[%add3A_57, %dma_wait3A_140] : memref<10000x80xf32, #tpu.memory_space<vmem_shared>> -> memref<125x80xf32, #tpu.memory_space<vmem_shared>>
      %dma_wait3A_142 = arith.constant 0 : i32
      %dma_wait3A_143 = tpu.memref_slice %arg15[%add3A_57, %dma_wait3A_142] : memref<10000x80xf32, #tpu.memory_space<vmem_shared>> -> memref<125x80xf32, #tpu.memory_space<vmem_shared>>
      tpu.wait_dma2 semaphore(%run_scoped3A : memref<!tpu.dma_semaphore, #tpu.memory_space<semaphore_mem>>) src(%arg13 : memref<125x80xf32, #tpu.memory_space<vmem>>) dst(%dma_wait3A_143 : memref<125x80xf32, #tpu.memory_space<vmem_shared>>)
      tpu.yield
    }) : () -> ()
    %add3A_58 = arith.constant 375 : i32
    %add3A_59 = arith.addi %mul3A_51, %add3A_58 : i32
    "tpu.region"() ({
      %run_scoped3A = tpu.sem_alloc : memref<!tpu.dma_semaphore, #tpu.memory_space<semaphore_mem>>
      %dma_start3A_136 = arith.constant 0 : i32
      %dma_start3A_137 = tpu.memref_slice %arg15[%add3A_59, %dma_start3A_136] : memref<10000x80xf32, #tpu.memory_space<vmem_shared>> -> memref<125x80xf32, #tpu.memory_space<vmem_shared>>
      %dma_start3A_138 = arith.constant 0 : i32
      %dma_start3A_139 = tpu.memref_slice %arg15[%add3A_59, %dma_start3A_138] : memref<10000x80xf32, #tpu.memory_space<vmem_shared>> -> memref<125x80xf32, #tpu.memory_space<vmem_shared>>
      tpu.enqueue_dma source(%arg13 : memref<125x80xf32, #tpu.memory_space<vmem>>) target(%dma_start3A_139 : memref<125x80xf32, #tpu.memory_space<vmem_shared>>) target_semaphore(%run_scoped3A : memref<!tpu.dma_semaphore, #tpu.memory_space<semaphore_mem>>)
      %dma_wait3A_140 = arith.constant 0 : i32
      %dma_wait3A_141 = tpu.memref_slice %arg15[%add3A_59, %dma_wait3A_140] : memref<10000x80xf32, #tpu.memory_space<vmem_shared>> -> memref<125x80xf32, #tpu.memory_space<vmem_shared>>
      %dma_wait3A_142 = arith.constant 0 : i32
      %dma_wait3A_143 = tpu.memref_slice %arg15[%add3A_59, %dma_wait3A_142] : memref<10000x80xf32, #tpu.memory_space<vmem_shared>> -> memref<125x80xf32, #tpu.memory_space<vmem_shared>>
      tpu.wait_dma2 semaphore(%run_scoped3A : memref<!tpu.dma_semaphore, #tpu.memory_space<semaphore_mem>>) src(%arg13 : memref<125x80xf32, #tpu.memory_space<vmem>>) dst(%dma_wait3A_143 : memref<125x80xf32, #tpu.memory_space<vmem_shared>>)
      tpu.yield
    }) : () -> ()
    %add3A_60 = arith.constant 500 : i32
    %add3A_61 = arith.addi %mul3A_51, %add3A_60 : i32
    "tpu.region"() ({
      %run_scoped3A = tpu.sem_alloc : memref<!tpu.dma_semaphore, #tpu.memory_space<semaphore_mem>>
      %dma_start3A_136 = arith.constant 0 : i32
      %dma_start3A_137 = tpu.memref_slice %arg15[%add3A_61, %dma_start3A_136] : memref<10000x80xf32, #tpu.memory_space<vmem_shared>> -> memref<125x80xf32, #tpu.memory_space<vmem_shared>>
      %dma_start3A_138 = arith.constant 0 : i32
      %dma_start3A_139 = tpu.memref_slice %arg15[%add3A_61, %dma_start3A_138] : memref<10000x80xf32, #tpu.memory_space<vmem_shared>> -> memref<125x80xf32, #tpu.memory_space<vmem_shared>>
      tpu.enqueue_dma source(%arg13 : memref<125x80xf32, #tpu.memory_space<vmem>>) target(%dma_start3A_139 : memref<125x80xf32, #tpu.memory_space<vmem_shared>>) target_semaphore(%run_scoped3A : memref<!tpu.dma_semaphore, #tpu.memory_space<semaphore_mem>>)
      %dma_wait3A_140 = arith.constant 0 : i32
      %dma_wait3A_141 = tpu.memref_slice %arg15[%add3A_61, %dma_wait3A_140] : memref<10000x80xf32, #tpu.memory_space<vmem_shared>> -> memref<125x80xf32, #tpu.memory_space<vmem_shared>>
      %dma_wait3A_142 = arith.constant 0 : i32
      %dma_wait3A_143 = tpu.memref_slice %arg15[%add3A_61, %dma_wait3A_142] : memref<10000x80xf32, #tpu.memory_space<vmem_shared>> -> memref<125x80xf32, #tpu.memory_space<vmem_shared>>
      tpu.wait_dma2 semaphore(%run_scoped3A : memref<!tpu.dma_semaphore, #tpu.memory_space<semaphore_mem>>) src(%arg13 : memref<125x80xf32, #tpu.memory_space<vmem>>) dst(%dma_wait3A_143 : memref<125x80xf32, #tpu.memory_space<vmem_shared>>)
      tpu.yield
    }) : () -> ()
    %barrier3A = arith.constant 0 : index
    tpu.barrier barrier_id(%barrier3A)
    %dma_start3A = arith.constant 0 : i32
    %dma_start3A_62 = arith.constant 0 : i32
    %dma_start3A_63 = arith.constant 0 : i32
    %dma_start3A_64 = arith.constant 0 : i32
    %dma_start3A_65 = tpu.memref_slice %arg10[%dma_start3A_62, %dma_start3A_63, %dma_start3A_64] : memref<2x80x48xf32, #tpu.memory_space<vmem>> -> memref<1x80x48xf32, #tpu.memory_space<vmem>>
    %dma_start3A_66 = tpu.memref_squeeze %dma_start3A_65 : memref<1x80x48xf32, #tpu.memory_space<vmem>> -> memref<80x48xf32, #tpu.memory_space<vmem>>
    %dma_start3A_67 = arith.constant 0 : i32
    %dma_start3A_68 = tpu.memref_slice %arg8[%dma_start3A, %dma_start3A_67] : memref<125x80xi32, #tpu.memory_space<vmem>> -> memref<1x80xi32, #tpu.memory_space<vmem>>
    %dma_start3A_69 = tpu.memref_squeeze %dma_start3A_68 : memref<1x80xi32, #tpu.memory_space<vmem>> -> memref<80xi32, #tpu.memory_space<vmem>>
    %dma_start3A_70 = arith.constant 0 : i32
    %dma_start3A_71 = arith.constant 0 : i32
    %dma_start3A_72 = tpu.memref_slice %arg2[%dma_start3A_70, %dma_start3A_71] : memref<10000x48xf32, #tpu.memory_space<hbm>> -> memref<10000x48xf32, #tpu.memory_space<hbm>>
    tpu.enqueue_indirect_dma source(%dma_start3A_72 : memref<10000x48xf32, #tpu.memory_space<hbm>>) target(%dma_start3A_66 : memref<80x48xf32, #tpu.memory_space<vmem>>) offsets(%dma_start3A_69 : memref<80xi32, #tpu.memory_space<vmem>>) semaphore(%arg16 : memref<!tpu.dma_semaphore, #tpu.memory_space<semaphore_mem>>)
    %dma_start3A_73 = arith.constant 0 : i32
    %dma_start3A_74 = arith.constant 0 : i32
    %dma_start3A_75 = arith.constant 0 : i32
    %dma_start3A_76 = arith.constant 0 : i32
    %dma_start3A_77 = tpu.memref_slice %arg11[%dma_start3A_74, %dma_start3A_75, %dma_start3A_76] : memref<2x80x80xf32, #tpu.memory_space<vmem>> -> memref<1x80x80xf32, #tpu.memory_space<vmem>>
    %dma_start3A_78 = tpu.memref_squeeze %dma_start3A_77 : memref<1x80x80xf32, #tpu.memory_space<vmem>> -> memref<80x80xf32, #tpu.memory_space<vmem>>
    %dma_start3A_79 = arith.constant 0 : i32
    %dma_start3A_80 = tpu.memref_slice %arg9[%dma_start3A_73, %dma_start3A_79] : memref<125x80xi32, #tpu.memory_space<vmem>> -> memref<1x80xi32, #tpu.memory_space<vmem>>
    %dma_start3A_81 = tpu.memref_squeeze %dma_start3A_80 : memref<1x80xi32, #tpu.memory_space<vmem>> -> memref<80xi32, #tpu.memory_space<vmem>>
    %dma_start3A_82 = arith.constant 0 : i32
    %dma_start3A_83 = arith.constant 0 : i32
    %dma_start3A_84 = tpu.memref_slice %arg3[%dma_start3A_82, %dma_start3A_83] : memref<10000x80xf32, #tpu.memory_space<hbm>> -> memref<10000x80xf32, #tpu.memory_space<hbm>>
    tpu.enqueue_indirect_dma source(%dma_start3A_84 : memref<10000x80xf32, #tpu.memory_space<hbm>>) target(%dma_start3A_78 : memref<80x80xf32, #tpu.memory_space<vmem>>) offsets(%dma_start3A_81 : memref<80xi32, #tpu.memory_space<vmem>>) semaphore(%arg16 : memref<!tpu.dma_semaphore, #tpu.memory_space<semaphore_mem>>)
    %scan3A_85 = arith.constant 0 : i32
    %scan3A_86 = arith.constant 0 : i32
    %scan3A_87 = arith.constant 63 : i32
    %scan3A_88 = arith.addi %scan3A_86, %scan3A_87 : i32
    %scan3A_89 = arith.constant 1 : i32
    %scan3A_90 = scf.for %scan3A_136 = %scan3A_86 to %scan3A_88 step %scan3A_89 iter_args(%scan3A_137 = %scan3A_85) -> (i32)  : i32 {
      %mul3A_138 = arith.constant 2 : i32
      %mul3A_139 = arith.muli %mul3A_138, %scan3A_136 : i32
      %add3A_140 = arith.constant 0 : i32
      %add3A_141 = arith.addi %mul3A_139, %add3A_140 : i32
      %lt3A = arith.constant 125 : i32
      %lt3A_142 = arith.cmpi slt, %add3A_141, %lt3A : i32
      %convert_element_type3A_143 = arith.extui %lt3A_142 : i1 to i32
      %cond3A = arith.constant 0 : i32
      %cond3A_144 = arith.cmpi ne, %convert_element_type3A_143, %cond3A : i32
      scf.if %cond3A_144 {
        %add3A_155 = arith.constant 1 : i32
        %add3A_156 = arith.addi %add3A_141, %add3A_155 : i32
        %lt3A_157 = arith.constant 125 : i32
        %lt3A_158 = arith.cmpi slt, %add3A_156, %lt3A_157 : i32
        %convert_element_type3A_159 = arith.extui %lt3A_158 : i1 to i32
        %cond3A_160 = arith.constant 0 : i32
        %cond3A_161 = arith.cmpi ne, %convert_element_type3A_159, %cond3A_160 : i32
        scf.if %cond3A_161 {
          %add3A_204 = arith.constant 1 : i32
          %add3A_205 = arith.addi %add3A_141, %add3A_204 : i32
          %dma_start3A_206 = arith.constant 1 : i32
          %dma_start3A_207 = arith.constant 0 : i32
          %dma_start3A_208 = arith.constant 0 : i32
          %dma_start3A_209 = tpu.memref_slice %arg10[%dma_start3A_206, %dma_start3A_207, %dma_start3A_208] : memref<2x80x48xf32, #tpu.memory_space<vmem>> -> memref<1x80x48xf32, #tpu.memory_space<vmem>>
          %dma_start3A_210 = tpu.memref_squeeze %dma_start3A_209 : memref<1x80x48xf32, #tpu.memory_space<vmem>> -> memref<80x48xf32, #tpu.memory_space<vmem>>
          %dma_start3A_211 = arith.constant 0 : i32
          %dma_start3A_212 = tpu.memref_slice %arg8[%add3A_205, %dma_start3A_211] : memref<125x80xi32, #tpu.memory_space<vmem>> -> memref<1x80xi32, #tpu.memory_space<vmem>>
          %dma_start3A_213 = tpu.memref_squeeze %dma_start3A_212 : memref<1x80xi32, #tpu.memory_space<vmem>> -> memref<80xi32, #tpu.memory_space<vmem>>
          %dma_start3A_214 = arith.constant 0 : i32
          %dma_start3A_215 = arith.constant 0 : i32
          %dma_start3A_216 = tpu.memref_slice %arg2[%dma_start3A_214, %dma_start3A_215] : memref<10000x48xf32, #tpu.memory_space<hbm>> -> memref<10000x48xf32, #tpu.memory_space<hbm>>
          tpu.enqueue_indirect_dma source(%dma_start3A_216 : memref<10000x48xf32, #tpu.memory_space<hbm>>) target(%dma_start3A_210 : memref<80x48xf32, #tpu.memory_space<vmem>>) offsets(%dma_start3A_213 : memref<80xi32, #tpu.memory_space<vmem>>) semaphore(%arg17 : memref<!tpu.dma_semaphore, #tpu.memory_space<semaphore_mem>>)
          %dma_start3A_217 = arith.constant 1 : i32
          %dma_start3A_218 = arith.constant 0 : i32
          %dma_start3A_219 = arith.constant 0 : i32
          %dma_start3A_220 = tpu.memref_slice %arg11[%dma_start3A_217, %dma_start3A_218, %dma_start3A_219] : memref<2x80x80xf32, #tpu.memory_space<vmem>> -> memref<1x80x80xf32, #tpu.memory_space<vmem>>
          %dma_start3A_221 = tpu.memref_squeeze %dma_start3A_220 : memref<1x80x80xf32, #tpu.memory_space<vmem>> -> memref<80x80xf32, #tpu.memory_space<vmem>>
          %dma_start3A_222 = arith.constant 0 : i32
          %dma_start3A_223 = tpu.memref_slice %arg9[%add3A_205, %dma_start3A_222] : memref<125x80xi32, #tpu.memory_space<vmem>> -> memref<1x80xi32, #tpu.memory_space<vmem>>
          %dma_start3A_224 = tpu.memref_squeeze %dma_start3A_223 : memref<1x80xi32, #tpu.memory_space<vmem>> -> memref<80xi32, #tpu.memory_space<vmem>>
          %dma_start3A_225 = arith.constant 0 : i32
          %dma_start3A_226 = arith.constant 0 : i32
          %dma_start3A_227 = tpu.memref_slice %arg3[%dma_start3A_225, %dma_start3A_226] : memref<10000x80xf32, #tpu.memory_space<hbm>> -> memref<10000x80xf32, #tpu.memory_space<hbm>>
          tpu.enqueue_indirect_dma source(%dma_start3A_227 : memref<10000x80xf32, #tpu.memory_space<hbm>>) target(%dma_start3A_221 : memref<80x80xf32, #tpu.memory_space<vmem>>) offsets(%dma_start3A_224 : memref<80xi32, #tpu.memory_space<vmem>>) semaphore(%arg17 : memref<!tpu.dma_semaphore, #tpu.memory_space<semaphore_mem>>)
        } else {
        }
        %dma_wait3A_162 = arith.constant 0 : i32
        %dma_wait3A_163 = arith.constant 0 : i32
        %dma_wait3A_164 = arith.constant 0 : i32
        %dma_wait3A_165 = tpu.memref_slice %arg10[%dma_wait3A_162, %dma_wait3A_163, %dma_wait3A_164] : memref<2x80x48xf32, #tpu.memory_space<vmem>> -> memref<1x80x48xf32, #tpu.memory_space<vmem>>
        %dma_wait3A_166 = tpu.memref_squeeze %dma_wait3A_165 : memref<1x80x48xf32, #tpu.memory_space<vmem>> -> memref<80x48xf32, #tpu.memory_space<vmem>>
        %dma_wait3A_167 = arith.constant 0 : i32
        %dma_wait3A_168 = tpu.memref_slice %arg8[%add3A_141, %dma_wait3A_167] : memref<125x80xi32, #tpu.memory_space<vmem>> -> memref<1x80xi32, #tpu.memory_space<vmem>>
        %dma_wait3A_169 = tpu.memref_squeeze %dma_wait3A_168 : memref<1x80xi32, #tpu.memory_space<vmem>> -> memref<80xi32, #tpu.memory_space<vmem>>
        %dma_wait3A_170 = arith.constant 0 : i32
        %dma_wait3A_171 = arith.constant 0 : i32
        %dma_wait3A_172 = tpu.memref_slice %arg2[%dma_wait3A_170, %dma_wait3A_171] : memref<10000x48xf32, #tpu.memory_space<hbm>> -> memref<10000x48xf32, #tpu.memory_space<hbm>>
        tpu.wait_indirect_dma semaphore(%arg16 : memref<!tpu.dma_semaphore, #tpu.memory_space<semaphore_mem>>) src(%dma_wait3A_172 : memref<10000x48xf32, #tpu.memory_space<hbm>>) dst(%dma_wait3A_166 : memref<80x48xf32, #tpu.memory_space<vmem>>)
        %dma_wait3A_173 = arith.constant 0 : i32
        %dma_wait3A_174 = arith.constant 0 : i32
        %dma_wait3A_175 = arith.constant 0 : i32
        %dma_wait3A_176 = tpu.memref_slice %arg11[%dma_wait3A_173, %dma_wait3A_174, %dma_wait3A_175] : memref<2x80x80xf32, #tpu.memory_space<vmem>> -> memref<1x80x80xf32, #tpu.memory_space<vmem>>
        %dma_wait3A_177 = tpu.memref_squeeze %dma_wait3A_176 : memref<1x80x80xf32, #tpu.memory_space<vmem>> -> memref<80x80xf32, #tpu.memory_space<vmem>>
        %dma_wait3A_178 = arith.constant 0 : i32
        %dma_wait3A_179 = tpu.memref_slice %arg9[%add3A_141, %dma_wait3A_178] : memref<125x80xi32, #tpu.memory_space<vmem>> -> memref<1x80xi32, #tpu.memory_space<vmem>>
        %dma_wait3A_180 = tpu.memref_squeeze %dma_wait3A_179 : memref<1x80xi32, #tpu.memory_space<vmem>> -> memref<80xi32, #tpu.memory_space<vmem>>
        %dma_wait3A_181 = arith.constant 0 : i32
        %dma_wait3A_182 = arith.constant 0 : i32
        %dma_wait3A_183 = tpu.memref_slice %arg3[%dma_wait3A_181, %dma_wait3A_182] : memref<10000x80xf32, #tpu.memory_space<hbm>> -> memref<10000x80xf32, #tpu.memory_space<hbm>>
        tpu.wait_indirect_dma semaphore(%arg16 : memref<!tpu.dma_semaphore, #tpu.memory_space<semaphore_mem>>) src(%dma_wait3A_183 : memref<10000x80xf32, #tpu.memory_space<hbm>>) dst(%dma_wait3A_177 : memref<80x80xf32, #tpu.memory_space<vmem>>)
        %ge3A = arith.constant 2 : i32
        %ge3A_184 = arith.cmpi sge, %add3A_141, %ge3A : i32
        %convert_element_type3A_185 = arith.extui %ge3A_184 : i1 to i32
        %cond3A_186 = arith.constant 0 : i32
        %cond3A_187 = arith.cmpi ne, %convert_element_type3A_185, %cond3A_186 : i32
        scf.if %cond3A_187 {
          %sub3A = arith.constant 2 : i32
          %sub3A_204 = arith.subi %add3A_141, %sub3A : i32
          %dma_wait3A_205 = arith.constant 0 : i32
          %dma_wait3A_206 = arith.constant 0 : i32
          %dma_wait3A_207 = arith.constant 0 : i32
          %dma_wait3A_208 = tpu.memref_slice %arg12[%dma_wait3A_205, %dma_wait3A_206, %dma_wait3A_207] : memref<2x80x80xf32, #tpu.memory_space<vmem>> -> memref<1x80x80xf32, #tpu.memory_space<vmem>>
          %dma_wait3A_209 = tpu.memref_squeeze %dma_wait3A_208 : memref<1x80x80xf32, #tpu.memory_space<vmem>> -> memref<80x80xf32, #tpu.memory_space<vmem>>
          %dma_wait3A_210 = arith.constant 0 : i32
          %dma_wait3A_211 = tpu.memref_slice %arg8[%sub3A_204, %dma_wait3A_210] : memref<125x80xi32, #tpu.memory_space<vmem>> -> memref<1x80xi32, #tpu.memory_space<vmem>>
          %dma_wait3A_212 = tpu.memref_squeeze %dma_wait3A_211 : memref<1x80xi32, #tpu.memory_space<vmem>> -> memref<80xi32, #tpu.memory_space<vmem>>
          %dma_wait3A_213 = arith.constant 0 : i32
          %dma_wait3A_214 = arith.constant 0 : i32
          %dma_wait3A_215 = tpu.memref_slice %arg15[%dma_wait3A_213, %dma_wait3A_214] : memref<10000x80xf32, #tpu.memory_space<vmem_shared>> -> memref<10000x80xf32, #tpu.memory_space<vmem_shared>>
          tpu.wait_indirect_dma semaphore(%arg18 : memref<!tpu.dma_semaphore, #tpu.memory_space<semaphore_mem>>) src(%dma_wait3A_209 : memref<80x80xf32, #tpu.memory_space<vmem>>) dst(%dma_wait3A_215 : memref<10000x80xf32, #tpu.memory_space<vmem_shared>>)
        } else {
        }
        %parallel_loop3A = arith.constant 0 : i32
        %parallel_loop3A_188 = arith.constant 80 : i32
        %parallel_loop3A_189 = arith.constant 1 : i32
        %parallel_loop3A_190 = arith.constant 0 : i32
        %parallel_loop3A_191 = arith.constant 0 : i32
        %parallel_loop3A_192 = arith.constant 0 : i32
        scf.for %parallel_loop3A_204 = %parallel_loop3A to %parallel_loop3A_188 step %parallel_loop3A_189  : i32 {
          %parallel_loop3A_205 = arith.constant 0 : i32
          %parallel_loop3A_206 = arith.constant 0 : i32
          %parallel_loop3A_207 = tpu.memref_slice %arg10[%parallel_loop3A_190, %parallel_loop3A_205, %parallel_loop3A_206] : memref<2x80x48xf32, #tpu.memory_space<vmem>> -> memref<1x80x48xf32, #tpu.memory_space<vmem>>
          %parallel_loop3A_208 = tpu.memref_squeeze %parallel_loop3A_207 : memref<1x80x48xf32, #tpu.memory_space<vmem>> -> memref<80x48xf32, #tpu.memory_space<vmem>>
          %parallel_loop3A_209 = arith.index_cast %parallel_loop3A_204 : i32 to index
          %parallel_loop3A_210 = arith.constant 32 : index
          %parallel_loop3A_211 = tpu.vector_load %parallel_loop3A_208[%parallel_loop3A_209, %parallel_loop3A_210] {strides = array<i32>} : memref<80x48xf32, #tpu.memory_space<vmem>>, vector<16xf32>,
          %parallel_loop3A_212 = arith.constant 0 : i32
          %parallel_loop3A_213 = arith.constant 0 : i32
          %parallel_loop3A_214 = tpu.memref_slice %arg11[%parallel_loop3A_191, %parallel_loop3A_212, %parallel_loop3A_213] : memref<2x80x80xf32, #tpu.memory_space<vmem>> -> memref<1x80x80xf32, #tpu.memory_space<vmem>>
          %parallel_loop3A_215 = tpu.memref_squeeze %parallel_loop3A_214 : memref<1x80x80xf32, #tpu.memory_space<vmem>> -> memref<80x80xf32, #tpu.memory_space<vmem>>
          %parallel_loop3A_216 = arith.index_cast %parallel_loop3A_204 : i32 to index
          %parallel_loop3A_217 = arith.constant 32 : index
          %parallel_loop3A_218 = tpu.vector_load %parallel_loop3A_215[%parallel_loop3A_216, %parallel_loop3A_217] {strides = array<i32>} : memref<80x80xf32, #tpu.memory_space<vmem>>, vector<16xf32>,
          %parallel_loop3A_219 = arith.mulf %parallel_loop3A_211, %parallel_loop3A_218 : vector<16xf32>
          %parallel_loop3A_220 = arith.constant true
          %parallel_loop3A_221 = vector.broadcast %parallel_loop3A_220 : i1 to vector<16xi1>
          %parallel_loop3A_222 = tpu.scan <sum>, %parallel_loop3A_219 masked %parallel_loop3A_221 : vector<16xf32>, vector<16xi1> -> vector<16xf32>
          %parallel_loop3A_223 = vector.extract %parallel_loop3A_222[15] : f32 from vector<16xf32>
          %parallel_loop3A_224 = vector.broadcast %parallel_loop3A_223 : f32 to vector<16xf32>
          %parallel_loop3A_225 = arith.subf %parallel_loop3A_224, %mul3A_37 : vector<16xf32>
          %parallel_loop3A_226 = arith.mulf %parallel_loop3A_225, %parallel_loop3A_225 : vector<16xf32>
          %parallel_loop3A_227 = arith.constant -0.533888876 : f32
          %parallel_loop3A_228 = vector.broadcast %parallel_loop3A_227 : f32 to vector<16xf32>
          %parallel_loop3A_229 = arith.mulf %parallel_loop3A_228, %parallel_loop3A_226 : vector<16xf32>
          %parallel_loop3A_230 = math.exp %parallel_loop3A_229 : vector<16xf32>
          %parallel_loop3A_231 = vector.broadcast %parallel_loop3A_223 : f32 to vector<16xf32>
          %parallel_loop3A_232 = arith.subf %parallel_loop3A_231, %mul3A_43 : vector<16xf32>
          %parallel_loop3A_233 = arith.mulf %parallel_loop3A_232, %parallel_loop3A_232 : vector<16xf32>
          %parallel_loop3A_234 = arith.constant -0.533888876 : f32
          %parallel_loop3A_235 = vector.broadcast %parallel_loop3A_234 : f32 to vector<16xf32>
          %parallel_loop3A_236 = arith.mulf %parallel_loop3A_235, %parallel_loop3A_233 : vector<16xf32>
          %parallel_loop3A_237 = math.exp %parallel_loop3A_236 : vector<16xf32>
          %parallel_loop3A_238 = arith.constant 0 : i32
          %parallel_loop3A_239 = arith.constant 0 : i32
          %parallel_loop3A_240 = tpu.memref_slice %arg10[%parallel_loop3A_190, %parallel_loop3A_238, %parallel_loop3A_239] : memref<2x80x48xf32, #tpu.memory_space<vmem>> -> memref<1x80x48xf32, #tpu.memory_space<vmem>>
          %parallel_loop3A_241 = tpu.memref_squeeze %parallel_loop3A_240 : memref<1x80x48xf32, #tpu.memory_space<vmem>> -> memref<80x48xf32, #tpu.memory_space<vmem>>
          %parallel_loop3A_242 = arith.index_cast %parallel_loop3A_204 : i32 to index
          %parallel_loop3A_243 = arith.constant 0 : index
          %parallel_loop3A_244 = tpu.vector_load %parallel_loop3A_241[%parallel_loop3A_242, %parallel_loop3A_243] {strides = array<i32>} : memref<80x48xf32, #tpu.memory_space<vmem>>, vector<16xf32>,
          %parallel_loop3A_245 = vector.bitcast %parallel_loop3A_244 : vector<16xf32> to vector<32xbf16>
          %parallel_loop3A_246 = tpu.unpack_subelements %parallel_loop3A_245, 0 {pack_format = #tpu.pack_format<interleaved>} : vector<32xbf16> -> vector<16xf32>
          %parallel_loop3A_247 = tpu.unpack_subelements %parallel_loop3A_245, 1 {pack_format = #tpu.pack_format<interleaved>} : vector<32xbf16> -> vector<16xf32>
          %parallel_loop3A_248 = arith.constant 0 : i32
          %parallel_loop3A_249 = arith.constant 0 : i32
          %parallel_loop3A_250 = tpu.memref_slice %arg11[%parallel_loop3A_191, %parallel_loop3A_248, %parallel_loop3A_249] : memref<2x80x80xf32, #tpu.memory_space<vmem>> -> memref<1x80x80xf32, #tpu.memory_space<vmem>>
          %parallel_loop3A_251 = tpu.memref_squeeze %parallel_loop3A_250 : memref<1x80x80xf32, #tpu.memory_space<vmem>> -> memref<80x80xf32, #tpu.memory_space<vmem>>
          %parallel_loop3A_252 = arith.index_cast %parallel_loop3A_204 : i32 to index
          %parallel_loop3A_253 = arith.constant 0 : index
          %parallel_loop3A_254 = tpu.vector_load %parallel_loop3A_251[%parallel_loop3A_252, %parallel_loop3A_253] {strides = array<i32>} : memref<80x80xf32, #tpu.memory_space<vmem>>, vector<16xf32>,
          %parallel_loop3A_255 = vector.bitcast %parallel_loop3A_254 : vector<16xf32> to vector<32xbf16>
          %parallel_loop3A_256 = tpu.unpack_subelements %parallel_loop3A_255, 0 {pack_format = #tpu.pack_format<interleaved>} : vector<32xbf16> -> vector<16xf32>
          %parallel_loop3A_257 = tpu.unpack_subelements %parallel_loop3A_255, 1 {pack_format = #tpu.pack_format<interleaved>} : vector<32xbf16> -> vector<16xf32>
          %parallel_loop3A_258 = arith.mulf %parallel_loop3A_246, %parallel_loop3A_256 : vector<16xf32>
          %parallel_loop3A_259 = arith.mulf %parallel_loop3A_247, %parallel_loop3A_257 : vector<16xf32>
          %parallel_loop3A_260 = arith.constant 0 : i32
          %parallel_loop3A_261 = arith.constant 0 : i32
          %parallel_loop3A_262 = tpu.memref_slice %arg10[%parallel_loop3A_190, %parallel_loop3A_260, %parallel_loop3A_261] : memref<2x80x48xf32, #tpu.memory_space<vmem>> -> memref<1x80x48xf32, #tpu.memory_space<vmem>>
          %parallel_loop3A_263 = tpu.memref_squeeze %parallel_loop3A_262 : memref<1x80x48xf32, #tpu.memory_space<vmem>> -> memref<80x48xf32, #tpu.memory_space<vmem>>
          %parallel_loop3A_264 = arith.index_cast %parallel_loop3A_204 : i32 to index
          %parallel_loop3A_265 = arith.constant 16 : index
          %parallel_loop3A_266 = tpu.vector_load %parallel_loop3A_263[%parallel_loop3A_264, %parallel_loop3A_265] {strides = array<i32>} : memref<80x48xf32, #tpu.memory_space<vmem>>, vector<16xf32>,
          %parallel_loop3A_267 = vector.bitcast %parallel_loop3A_266 : vector<16xf32> to vector<32xbf16>
          %parallel_loop3A_268 = tpu.unpack_subelements %parallel_loop3A_267, 0 {pack_format = #tpu.pack_format<interleaved>} : vector<32xbf16> -> vector<16xf32>
          %parallel_loop3A_269 = tpu.unpack_subelements %parallel_loop3A_267, 1 {pack_format = #tpu.pack_format<interleaved>} : vector<32xbf16> -> vector<16xf32>
          %parallel_loop3A_270 = arith.constant 0 : i32
          %parallel_loop3A_271 = arith.constant 0 : i32
          %parallel_loop3A_272 = tpu.memref_slice %arg11[%parallel_loop3A_191, %parallel_loop3A_270, %parallel_loop3A_271] : memref<2x80x80xf32, #tpu.memory_space<vmem>> -> memref<1x80x80xf32, #tpu.memory_space<vmem>>
          %parallel_loop3A_273 = tpu.memref_squeeze %parallel_loop3A_272 : memref<1x80x80xf32, #tpu.memory_space<vmem>> -> memref<80x80xf32, #tpu.memory_space<vmem>>
          %parallel_loop3A_274 = arith.index_cast %parallel_loop3A_204 : i32 to index
          %parallel_loop3A_275 = arith.constant 16 : index
          %parallel_loop3A_276 = tpu.vector_load %parallel_loop3A_273[%parallel_loop3A_274, %parallel_loop3A_275] {strides = array<i32>} : memref<80x80xf32, #tpu.memory_space<vmem>>, vector<16xf32>,
          %parallel_loop3A_277 = vector.bitcast %parallel_loop3A_276 : vector<16xf32> to vector<32xbf16>
          %parallel_loop3A_278 = tpu.unpack_subelements %parallel_loop3A_277, 0 {pack_format = #tpu.pack_format<interleaved>} : vector<32xbf16> -> vector<16xf32>
          %parallel_loop3A_279 = tpu.unpack_subelements %parallel_loop3A_277, 1 {pack_format = #tpu.pack_format<interleaved>} : vector<32xbf16> -> vector<16xf32>
          %parallel_loop3A_280 = arith.mulf %parallel_loop3A_268, %parallel_loop3A_278 : vector<16xf32>
          %parallel_loop3A_281 = arith.mulf %parallel_loop3A_269, %parallel_loop3A_279 : vector<16xf32>
          %parallel_loop3A_282 = arith.constant 0.000000e+00 : f32
          %parallel_loop3A_283 = vector.broadcast %parallel_loop3A_282 : f32 to vector<16xf32>
          %parallel_loop3A_284 = arith.mulf %parallel_loop3A_230, %get3A_3 : vector<16xf32>
          %parallel_loop3A_285 = arith.addf %parallel_loop3A_258, %parallel_loop3A_284 : vector<16xf32>
          %parallel_loop3A_286 = arith.mulf %parallel_loop3A_237, %get3A_7 : vector<16xf32>
          %parallel_loop3A_287 = arith.addf %parallel_loop3A_285, %parallel_loop3A_286 : vector<16xf32>
          %parallel_loop3A_288 = arith.constant true
          %parallel_loop3A_289 = vector.broadcast %parallel_loop3A_288 : i1 to vector<16xi1>
          %parallel_loop3A_290 = tpu.scan <sum>, %parallel_loop3A_287 masked %parallel_loop3A_289 : vector<16xf32>, vector<16xi1> -> vector<16xf32>
          %parallel_loop3A_291 = vector.extract %parallel_loop3A_290[15] : f32 from vector<16xf32>
          %parallel_loop3A_292 = vector.broadcast %parallel_loop3A_291 : f32 to vector<16xf32>
          %parallel_loop3A_293 = math.exp %parallel_loop3A_292 : vector<16xf32>
          %parallel_loop3A_294 = arith.constant 0 : i32
          %parallel_loop3A_295 = vector.broadcast %parallel_loop3A_294 : i32 to vector<16xi32>
          %parallel_loop3A_296 = arith.cmpi eq, %iota3A, %parallel_loop3A_295 : vector<16xi32>
          %parallel_loop3A_297 = arith.select %parallel_loop3A_296, %parallel_loop3A_293, %parallel_loop3A_283 : vector<16xi1>, vector<16xf32>
          %parallel_loop3A_298 = arith.mulf %parallel_loop3A_230, %get3A_11 : vector<16xf32>
          %parallel_loop3A_299 = arith.addf %parallel_loop3A_259, %parallel_loop3A_298 : vector<16xf32>
          %parallel_loop3A_300 = arith.mulf %parallel_loop3A_237, %get3A_15 : vector<16xf32>
          %parallel_loop3A_301 = arith.addf %parallel_loop3A_299, %parallel_loop3A_300 : vector<16xf32>
          %parallel_loop3A_302 = arith.constant true
          %parallel_loop3A_303 = vector.broadcast %parallel_loop3A_302 : i1 to vector<16xi1>
          %parallel_loop3A_304 = tpu.scan <sum>, %parallel_loop3A_301 masked %parallel_loop3A_303 : vector<16xf32>, vector<16xi1> -> vector<16xf32>
          %parallel_loop3A_305 = vector.extract %parallel_loop3A_304[15] : f32 from vector<16xf32>
          %parallel_loop3A_306 = vector.broadcast %parallel_loop3A_305 : f32 to vector<16xf32>
          %parallel_loop3A_307 = math.exp %parallel_loop3A_306 : vector<16xf32>
          %parallel_loop3A_308 = arith.constant 1 : i32
          %parallel_loop3A_309 = vector.broadcast %parallel_loop3A_308 : i32 to vector<16xi32>
          %parallel_loop3A_310 = arith.cmpi eq, %iota3A, %parallel_loop3A_309 : vector<16xi32>
          %parallel_loop3A_311 = arith.select %parallel_loop3A_310, %parallel_loop3A_307, %parallel_loop3A_297 : vector<16xi1>, vector<16xf32>
          %parallel_loop3A_312 = arith.mulf %parallel_loop3A_230, %get3A_19 : vector<16xf32>
          %parallel_loop3A_313 = arith.addf %parallel_loop3A_280, %parallel_loop3A_312 : vector<16xf32>
          %parallel_loop3A_314 = arith.mulf %parallel_loop3A_237, %get3A_23 : vector<16xf32>
          %parallel_loop3A_315 = arith.addf %parallel_loop3A_313, %parallel_loop3A_314 : vector<16xf32>
          %parallel_loop3A_316 = arith.constant true
          %parallel_loop3A_317 = vector.broadcast %parallel_loop3A_316 : i1 to vector<16xi1>
          %parallel_loop3A_318 = tpu.scan <sum>, %parallel_loop3A_315 masked %parallel_loop3A_317 : vector<16xf32>, vector<16xi1> -> vector<16xf32>
          %parallel_loop3A_319 = vector.extract %parallel_loop3A_318[15] : f32 from vector<16xf32>
          %parallel_loop3A_320 = vector.broadcast %parallel_loop3A_319 : f32 to vector<16xf32>
          %parallel_loop3A_321 = math.exp %parallel_loop3A_320 : vector<16xf32>
          %parallel_loop3A_322 = arith.constant 2 : i32
          %parallel_loop3A_323 = vector.broadcast %parallel_loop3A_322 : i32 to vector<16xi32>
          %parallel_loop3A_324 = arith.cmpi eq, %iota3A, %parallel_loop3A_323 : vector<16xi32>
          %parallel_loop3A_325 = arith.select %parallel_loop3A_324, %parallel_loop3A_321, %parallel_loop3A_311 : vector<16xi1>, vector<16xf32>
          %parallel_loop3A_326 = arith.mulf %parallel_loop3A_230, %get3A_27 : vector<16xf32>
          %parallel_loop3A_327 = arith.addf %parallel_loop3A_281, %parallel_loop3A_326 : vector<16xf32>
          %parallel_loop3A_328 = arith.mulf %parallel_loop3A_237, %get3A_31 : vector<16xf32>
          %parallel_loop3A_329 = arith.addf %parallel_loop3A_327, %parallel_loop3A_328 : vector<16xf32>
          %parallel_loop3A_330 = arith.constant true
          %parallel_loop3A_331 = vector.broadcast %parallel_loop3A_330 : i1 to vector<16xi1>
          %parallel_loop3A_332 = tpu.scan <sum>, %parallel_loop3A_329 masked %parallel_loop3A_331 : vector<16xf32>, vector<16xi1> -> vector<16xf32>
          %parallel_loop3A_333 = vector.extract %parallel_loop3A_332[15] : f32 from vector<16xf32>
          %parallel_loop3A_334 = vector.broadcast %parallel_loop3A_333 : f32 to vector<16xf32>
          %parallel_loop3A_335 = math.exp %parallel_loop3A_334 : vector<16xf32>
          %parallel_loop3A_336 = arith.constant 3 : i32
          %parallel_loop3A_337 = vector.broadcast %parallel_loop3A_336 : i32 to vector<16xi32>
          %parallel_loop3A_338 = arith.cmpi eq, %iota3A, %parallel_loop3A_337 : vector<16xi32>
          %parallel_loop3A_339 = arith.select %parallel_loop3A_338, %parallel_loop3A_335, %parallel_loop3A_325 : vector<16xi1>, vector<16xf32>
          %parallel_loop3A_340 = arith.constant 0 : i32
          %parallel_loop3A_341 = arith.constant 0 : i32
          %parallel_loop3A_342 = tpu.memref_slice %arg11[%parallel_loop3A_191, %parallel_loop3A_340, %parallel_loop3A_341] : memref<2x80x80xf32, #tpu.memory_space<vmem>> -> memref<1x80x80xf32, #tpu.memory_space<vmem>>
          %parallel_loop3A_343 = tpu.memref_squeeze %parallel_loop3A_342 : memref<1x80x80xf32, #tpu.memory_space<vmem>> -> memref<80x80xf32, #tpu.memory_space<vmem>>
          %parallel_loop3A_344 = arith.index_cast %parallel_loop3A_204 : i32 to index
          %parallel_loop3A_345 = arith.constant 48 : index
          %parallel_loop3A_346 = tpu.vector_load %parallel_loop3A_343[%parallel_loop3A_344, %parallel_loop3A_345] {strides = array<i32>} : memref<80x80xf32, #tpu.memory_space<vmem>>, vector<16xf32>,
          %parallel_loop3A_347 = vector.bitcast %parallel_loop3A_346 : vector<16xf32> to vector<32xbf16>
          %parallel_loop3A_348 = tpu.unpack_subelements %parallel_loop3A_347, 0 {pack_format = #tpu.pack_format<interleaved>} : vector<32xbf16> -> vector<16xf32>
          %parallel_loop3A_349 = tpu.unpack_subelements %parallel_loop3A_347, 1 {pack_format = #tpu.pack_format<interleaved>} : vector<32xbf16> -> vector<16xf32>
          %parallel_loop3A_350 = arith.mulf %parallel_loop3A_348, %parallel_loop3A_293 : vector<16xf32>
          %parallel_loop3A_351 = arith.constant 0 : i32
          %parallel_loop3A_352 = arith.constant 0 : i32
          %parallel_loop3A_353 = tpu.memref_slice %arg12[%parallel_loop3A_192, %parallel_loop3A_351, %parallel_loop3A_352] : memref<2x80x80xf32, #tpu.memory_space<vmem>> -> memref<1x80x80xf32, #tpu.memory_space<vmem>>
          %parallel_loop3A_354 = tpu.memref_squeeze %parallel_loop3A_353 : memref<1x80x80xf32, #tpu.memory_space<vmem>> -> memref<80x80xf32, #tpu.memory_space<vmem>>
          %parallel_loop3A_355 = arith.index_cast %parallel_loop3A_204 : i32 to index
          %parallel_loop3A_356 = arith.constant 0 : index
          %parallel_loop3A_357 = tpu.vector_load %parallel_loop3A_354[%parallel_loop3A_355, %parallel_loop3A_356] {strides = array<i32>} : memref<80x80xf32, #tpu.memory_space<vmem>>, vector<16xf32>,
          tpu.vector_store %parallel_loop3A_354[%parallel_loop3A_355, %parallel_loop3A_356], %parallel_loop3A_350 {strides = array<i32>} : memref<80x80xf32, #tpu.memory_space<vmem>>, vector<16xf32>,
          %parallel_loop3A_358 = arith.mulf %parallel_loop3A_349, %parallel_loop3A_307 : vector<16xf32>
          %parallel_loop3A_359 = arith.constant 0 : i32
          %parallel_loop3A_360 = arith.constant 0 : i32
          %parallel_loop3A_361 = tpu.memref_slice %arg12[%parallel_loop3A_192, %parallel_loop3A_359, %parallel_loop3A_360] : memref<2x80x80xf32, #tpu.memory_space<vmem>> -> memref<1x80x80xf32, #tpu.memory_space<vmem>>
          %parallel_loop3A_362 = tpu.memref_squeeze %parallel_loop3A_361 : memref<1x80x80xf32, #tpu.memory_space<vmem>> -> memref<80x80xf32, #tpu.memory_space<vmem>>
          %parallel_loop3A_363 = arith.index_cast %parallel_loop3A_204 : i32 to index
          %parallel_loop3A_364 = arith.constant 16 : index
          %parallel_loop3A_365 = tpu.vector_load %parallel_loop3A_362[%parallel_loop3A_363, %parallel_loop3A_364] {strides = array<i32>} : memref<80x80xf32, #tpu.memory_space<vmem>>, vector<16xf32>,
          tpu.vector_store %parallel_loop3A_362[%parallel_loop3A_363, %parallel_loop3A_364], %parallel_loop3A_358 {strides = array<i32>} : memref<80x80xf32, #tpu.memory_space<vmem>>, vector<16xf32>,
          %parallel_loop3A_366 = arith.constant 0 : i32
          %parallel_loop3A_367 = arith.constant 0 : i32
          %parallel_loop3A_368 = tpu.memref_slice %arg11[%parallel_loop3A_191, %parallel_loop3A_366, %parallel_loop3A_367] : memref<2x80x80xf32, #tpu.memory_space<vmem>> -> memref<1x80x80xf32, #tpu.memory_space<vmem>>
          %parallel_loop3A_369 = tpu.memref_squeeze %parallel_loop3A_368 : memref<1x80x80xf32, #tpu.memory_space<vmem>> -> memref<80x80xf32, #tpu.memory_space<vmem>>
          %parallel_loop3A_370 = arith.index_cast %parallel_loop3A_204 : i32 to index
          %parallel_loop3A_371 = arith.constant 64 : index
          %parallel_loop3A_372 = tpu.vector_load %parallel_loop3A_369[%parallel_loop3A_370, %parallel_loop3A_371] {strides = array<i32>} : memref<80x80xf32, #tpu.memory_space<vmem>>, vector<16xf32>,
          %parallel_loop3A_373 = vector.bitcast %parallel_loop3A_372 : vector<16xf32> to vector<32xbf16>
          %parallel_loop3A_374 = tpu.unpack_subelements %parallel_loop3A_373, 0 {pack_format = #tpu.pack_format<interleaved>} : vector<32xbf16> -> vector<16xf32>
          %parallel_loop3A_375 = tpu.unpack_subelements %parallel_loop3A_373, 1 {pack_format = #tpu.pack_format<interleaved>} : vector<32xbf16> -> vector<16xf32>
          %parallel_loop3A_376 = arith.mulf %parallel_loop3A_374, %parallel_loop3A_321 : vector<16xf32>
          %parallel_loop3A_377 = arith.constant 0 : i32
          %parallel_loop3A_378 = arith.constant 0 : i32
          %parallel_loop3A_379 = tpu.memref_slice %arg12[%parallel_loop3A_192, %parallel_loop3A_377, %parallel_loop3A_378] : memref<2x80x80xf32, #tpu.memory_space<vmem>> -> memref<1x80x80xf32, #tpu.memory_space<vmem>>
          %parallel_loop3A_380 = tpu.memref_squeeze %parallel_loop3A_379 : memref<1x80x80xf32, #tpu.memory_space<vmem>> -> memref<80x80xf32, #tpu.memory_space<vmem>>
          %parallel_loop3A_381 = arith.index_cast %parallel_loop3A_204 : i32 to index
          %parallel_loop3A_382 = arith.constant 32 : index
          %parallel_loop3A_383 = tpu.vector_load %parallel_loop3A_380[%parallel_loop3A_381, %parallel_loop3A_382] {strides = array<i32>} : memref<80x80xf32, #tpu.memory_space<vmem>>, vector<16xf32>,
          tpu.vector_store %parallel_loop3A_380[%parallel_loop3A_381, %parallel_loop3A_382], %parallel_loop3A_376 {strides = array<i32>} : memref<80x80xf32, #tpu.memory_space<vmem>>, vector<16xf32>,
          %parallel_loop3A_384 = arith.mulf %parallel_loop3A_375, %parallel_loop3A_335 : vector<16xf32>
          %parallel_loop3A_385 = arith.constant 0 : i32
          %parallel_loop3A_386 = arith.constant 0 : i32
          %parallel_loop3A_387 = tpu.memref_slice %arg12[%parallel_loop3A_192, %parallel_loop3A_385, %parallel_loop3A_386] : memref<2x80x80xf32, #tpu.memory_space<vmem>> -> memref<1x80x80xf32, #tpu.memory_space<vmem>>
          %parallel_loop3A_388 = tpu.memref_squeeze %parallel_loop3A_387 : memref<1x80x80xf32, #tpu.memory_space<vmem>> -> memref<80x80xf32, #tpu.memory_space<vmem>>
          %parallel_loop3A_389 = arith.index_cast %parallel_loop3A_204 : i32 to index
          %parallel_loop3A_390 = arith.constant 48 : index
          %parallel_loop3A_391 = tpu.vector_load %parallel_loop3A_388[%parallel_loop3A_389, %parallel_loop3A_390] {strides = array<i32>} : memref<80x80xf32, #tpu.memory_space<vmem>>, vector<16xf32>,
          tpu.vector_store %parallel_loop3A_388[%parallel_loop3A_389, %parallel_loop3A_390], %parallel_loop3A_384 {strides = array<i32>} : memref<80x80xf32, #tpu.memory_space<vmem>>, vector<16xf32>,
          %parallel_loop3A_392 = arith.constant 0 : i32
          %parallel_loop3A_393 = arith.constant 0 : i32
          %parallel_loop3A_394 = tpu.memref_slice %arg12[%parallel_loop3A_192, %parallel_loop3A_392, %parallel_loop3A_393] : memref<2x80x80xf32, #tpu.memory_space<vmem>> -> memref<1x80x80xf32, #tpu.memory_space<vmem>>
          %parallel_loop3A_395 = tpu.memref_squeeze %parallel_loop3A_394 : memref<1x80x80xf32, #tpu.memory_space<vmem>> -> memref<80x80xf32, #tpu.memory_space<vmem>>
          %parallel_loop3A_396 = arith.index_cast %parallel_loop3A_204 : i32 to index
          %parallel_loop3A_397 = arith.constant 64 : index
          %parallel_loop3A_398 = tpu.vector_load %parallel_loop3A_395[%parallel_loop3A_396, %parallel_loop3A_397] {strides = array<i32>} : memref<80x80xf32, #tpu.memory_space<vmem>>, vector<16xf32>,
          tpu.vector_store %parallel_loop3A_395[%parallel_loop3A_396, %parallel_loop3A_397], %parallel_loop3A_339 {strides = array<i32>} : memref<80x80xf32, #tpu.memory_space<vmem>>, vector<16xf32>,
        } {sc.loop_unroll_factor = 4 : i64, sc.parallel_access}
        %dma_start3A_193 = arith.constant 0 : i32
        %dma_start3A_194 = arith.constant 0 : i32
        %dma_start3A_195 = arith.constant 0 : i32
        %dma_start3A_196 = tpu.memref_slice %arg12[%dma_start3A_193, %dma_start3A_194, %dma_start3A_195] : memref<2x80x80xf32, #tpu.memory_space<vmem>> -> memref<1x80x80xf32, #tpu.memory_space<vmem>>
        %dma_start3A_197 = tpu.memref_squeeze %dma_start3A_196 : memref<1x80x80xf32, #tpu.memory_space<vmem>> -> memref<80x80xf32, #tpu.memory_space<vmem>>
        %dma_start3A_198 = arith.constant 0 : i32
        %dma_start3A_199 = tpu.memref_slice %arg8[%add3A_141, %dma_start3A_198] : memref<125x80xi32, #tpu.memory_space<vmem>> -> memref<1x80xi32, #tpu.memory_space<vmem>>
        %dma_start3A_200 = tpu.memref_squeeze %dma_start3A_199 : memref<1x80xi32, #tpu.memory_space<vmem>> -> memref<80xi32, #tpu.memory_space<vmem>>
        %dma_start3A_201 = arith.constant 0 : i32
        %dma_start3A_202 = arith.constant 0 : i32
        %dma_start3A_203 = tpu.memref_slice %arg15[%dma_start3A_201, %dma_start3A_202] : memref<10000x80xf32, #tpu.memory_space<vmem_shared>> -> memref<10000x80xf32, #tpu.memory_space<vmem_shared>>
        tpu.enqueue_indirect_dma source(%dma_start3A_197 : memref<80x80xf32, #tpu.memory_space<vmem>>) target(%dma_start3A_203 : memref<10000x80xf32, #tpu.memory_space<vmem_shared>>) offsets(%dma_start3A_200 : memref<80xi32, #tpu.memory_space<vmem>>) semaphore(%arg18 : memref<!tpu.dma_semaphore, #tpu.memory_space<semaphore_mem>>) {add = true}
      } else {
      }
      %mul3A_145 = arith.constant 2 : i32
      %mul3A_146 = arith.muli %mul3A_145, %scan3A_136 : i32
      %add3A_147 = arith.constant 1 : i32
      %add3A_148 = arith.addi %mul3A_146, %add3A_147 : i32
      %lt3A_149 = arith.constant 125 : i32
      %lt3A_150 = arith.cmpi slt, %add3A_148, %lt3A_149 : i32
      %convert_element_type3A_151 = arith.extui %lt3A_150 : i1 to i32
      %cond3A_152 = arith.constant 0 : i32
      %cond3A_153 = arith.cmpi ne, %convert_element_type3A_151, %cond3A_152 : i32
      scf.if %cond3A_153 {
        %add3A_155 = arith.constant 1 : i32
        %add3A_156 = arith.addi %add3A_148, %add3A_155 : i32
        %lt3A_157 = arith.constant 125 : i32
        %lt3A_158 = arith.cmpi slt, %add3A_156, %lt3A_157 : i32
        %convert_element_type3A_159 = arith.extui %lt3A_158 : i1 to i32
        %cond3A_160 = arith.constant 0 : i32
        %cond3A_161 = arith.cmpi ne, %convert_element_type3A_159, %cond3A_160 : i32
        scf.if %cond3A_161 {
          %add3A_204 = arith.constant 1 : i32
          %add3A_205 = arith.addi %add3A_148, %add3A_204 : i32
          %dma_start3A_206 = arith.constant 0 : i32
          %dma_start3A_207 = arith.constant 0 : i32
          %dma_start3A_208 = arith.constant 0 : i32
          %dma_start3A_209 = tpu.memref_slice %arg10[%dma_start3A_206, %dma_start3A_207, %dma_start3A_208] : memref<2x80x48xf32, #tpu.memory_space<vmem>> -> memref<1x80x48xf32, #tpu.memory_space<vmem>>
          %dma_start3A_210 = tpu.memref_squeeze %dma_start3A_209 : memref<1x80x48xf32, #tpu.memory_space<vmem>> -> memref<80x48xf32, #tpu.memory_space<vmem>>
          %dma_start3A_211 = arith.constant 0 : i32
          %dma_start3A_212 = tpu.memref_slice %arg8[%add3A_205, %dma_start3A_211] : memref<125x80xi32, #tpu.memory_space<vmem>> -> memref<1x80xi32, #tpu.memory_space<vmem>>
          %dma_start3A_213 = tpu.memref_squeeze %dma_start3A_212 : memref<1x80xi32, #tpu.memory_space<vmem>> -> memref<80xi32, #tpu.memory_space<vmem>>
          %dma_start3A_214 = arith.constant 0 : i32
          %dma_start3A_215 = arith.constant 0 : i32
          %dma_start3A_216 = tpu.memref_slice %arg2[%dma_start3A_214, %dma_start3A_215] : memref<10000x48xf32, #tpu.memory_space<hbm>> -> memref<10000x48xf32, #tpu.memory_space<hbm>>
          tpu.enqueue_indirect_dma source(%dma_start3A_216 : memref<10000x48xf32, #tpu.memory_space<hbm>>) target(%dma_start3A_210 : memref<80x48xf32, #tpu.memory_space<vmem>>) offsets(%dma_start3A_213 : memref<80xi32, #tpu.memory_space<vmem>>) semaphore(%arg16 : memref<!tpu.dma_semaphore, #tpu.memory_space<semaphore_mem>>)
          %dma_start3A_217 = arith.constant 0 : i32
          %dma_start3A_218 = arith.constant 0 : i32
          %dma_start3A_219 = arith.constant 0 : i32
          %dma_start3A_220 = tpu.memref_slice %arg11[%dma_start3A_217, %dma_start3A_218, %dma_start3A_219] : memref<2x80x80xf32, #tpu.memory_space<vmem>> -> memref<1x80x80xf32, #tpu.memory_space<vmem>>
          %dma_start3A_221 = tpu.memref_squeeze %dma_start3A_220 : memref<1x80x80xf32, #tpu.memory_space<vmem>> -> memref<80x80xf32, #tpu.memory_space<vmem>>
          %dma_start3A_222 = arith.constant 0 : i32
          %dma_start3A_223 = tpu.memref_slice %arg9[%add3A_205, %dma_start3A_222] : memref<125x80xi32, #tpu.memory_space<vmem>> -> memref<1x80xi32, #tpu.memory_space<vmem>>
          %dma_start3A_224 = tpu.memref_squeeze %dma_start3A_223 : memref<1x80xi32, #tpu.memory_space<vmem>> -> memref<80xi32, #tpu.memory_space<vmem>>
          %dma_start3A_225 = arith.constant 0 : i32
          %dma_start3A_226 = arith.constant 0 : i32
          %dma_start3A_227 = tpu.memref_slice %arg3[%dma_start3A_225, %dma_start3A_226] : memref<10000x80xf32, #tpu.memory_space<hbm>> -> memref<10000x80xf32, #tpu.memory_space<hbm>>
          tpu.enqueue_indirect_dma source(%dma_start3A_227 : memref<10000x80xf32, #tpu.memory_space<hbm>>) target(%dma_start3A_221 : memref<80x80xf32, #tpu.memory_space<vmem>>) offsets(%dma_start3A_224 : memref<80xi32, #tpu.memory_space<vmem>>) semaphore(%arg16 : memref<!tpu.dma_semaphore, #tpu.memory_space<semaphore_mem>>)
        } else {
        }
        %dma_wait3A_162 = arith.constant 1 : i32
        %dma_wait3A_163 = arith.constant 0 : i32
        %dma_wait3A_164 = arith.constant 0 : i32
        %dma_wait3A_165 = tpu.memref_slice %arg10[%dma_wait3A_162, %dma_wait3A_163, %dma_wait3A_164] : memref<2x80x48xf32, #tpu.memory_space<vmem>> -> memref<1x80x48xf32, #tpu.memory_space<vmem>>
        %dma_wait3A_166 = tpu.memref_squeeze %dma_wait3A_165 : memref<1x80x48xf32, #tpu.memory_space<vmem>> -> memref<80x48xf32, #tpu.memory_space<vmem>>
        %dma_wait3A_167 = arith.constant 0 : i32
        %dma_wait3A_168 = tpu.memref_slice %arg8[%add3A_148, %dma_wait3A_167] : memref<125x80xi32, #tpu.memory_space<vmem>> -> memref<1x80xi32, #tpu.memory_space<vmem>>
        %dma_wait3A_169 = tpu.memref_squeeze %dma_wait3A_168 : memref<1x80xi32, #tpu.memory_space<vmem>> -> memref<80xi32, #tpu.memory_space<vmem>>
        %dma_wait3A_170 = arith.constant 0 : i32
        %dma_wait3A_171 = arith.constant 0 : i32
        %dma_wait3A_172 = tpu.memref_slice %arg2[%dma_wait3A_170, %dma_wait3A_171] : memref<10000x48xf32, #tpu.memory_space<hbm>> -> memref<10000x48xf32, #tpu.memory_space<hbm>>
        tpu.wait_indirect_dma semaphore(%arg17 : memref<!tpu.dma_semaphore, #tpu.memory_space<semaphore_mem>>) src(%dma_wait3A_172 : memref<10000x48xf32, #tpu.memory_space<hbm>>) dst(%dma_wait3A_166 : memref<80x48xf32, #tpu.memory_space<vmem>>)
        %dma_wait3A_173 = arith.constant 1 : i32
        %dma_wait3A_174 = arith.constant 0 : i32
        %dma_wait3A_175 = arith.constant 0 : i32
        %dma_wait3A_176 = tpu.memref_slice %arg11[%dma_wait3A_173, %dma_wait3A_174, %dma_wait3A_175] : memref<2x80x80xf32, #tpu.memory_space<vmem>> -> memref<1x80x80xf32, #tpu.memory_space<vmem>>
        %dma_wait3A_177 = tpu.memref_squeeze %dma_wait3A_176 : memref<1x80x80xf32, #tpu.memory_space<vmem>> -> memref<80x80xf32, #tpu.memory_space<vmem>>
        %dma_wait3A_178 = arith.constant 0 : i32
        %dma_wait3A_179 = tpu.memref_slice %arg9[%add3A_148, %dma_wait3A_178] : memref<125x80xi32, #tpu.memory_space<vmem>> -> memref<1x80xi32, #tpu.memory_space<vmem>>
        %dma_wait3A_180 = tpu.memref_squeeze %dma_wait3A_179 : memref<1x80xi32, #tpu.memory_space<vmem>> -> memref<80xi32, #tpu.memory_space<vmem>>
        %dma_wait3A_181 = arith.constant 0 : i32
        %dma_wait3A_182 = arith.constant 0 : i32
        %dma_wait3A_183 = tpu.memref_slice %arg3[%dma_wait3A_181, %dma_wait3A_182] : memref<10000x80xf32, #tpu.memory_space<hbm>> -> memref<10000x80xf32, #tpu.memory_space<hbm>>
        tpu.wait_indirect_dma semaphore(%arg17 : memref<!tpu.dma_semaphore, #tpu.memory_space<semaphore_mem>>) src(%dma_wait3A_183 : memref<10000x80xf32, #tpu.memory_space<hbm>>) dst(%dma_wait3A_177 : memref<80x80xf32, #tpu.memory_space<vmem>>)
        %ge3A = arith.constant 2 : i32
        %ge3A_184 = arith.cmpi sge, %add3A_148, %ge3A : i32
        %convert_element_type3A_185 = arith.extui %ge3A_184 : i1 to i32
        %cond3A_186 = arith.constant 0 : i32
        %cond3A_187 = arith.cmpi ne, %convert_element_type3A_185, %cond3A_186 : i32
        scf.if %cond3A_187 {
          %sub3A = arith.constant 2 : i32
          %sub3A_204 = arith.subi %add3A_148, %sub3A : i32
          %dma_wait3A_205 = arith.constant 1 : i32
          %dma_wait3A_206 = arith.constant 0 : i32
          %dma_wait3A_207 = arith.constant 0 : i32
          %dma_wait3A_208 = tpu.memref_slice %arg12[%dma_wait3A_205, %dma_wait3A_206, %dma_wait3A_207] : memref<2x80x80xf32, #tpu.memory_space<vmem>> -> memref<1x80x80xf32, #tpu.memory_space<vmem>>
          %dma_wait3A_209 = tpu.memref_squeeze %dma_wait3A_208 : memref<1x80x80xf32, #tpu.memory_space<vmem>> -> memref<80x80xf32, #tpu.memory_space<vmem>>
          %dma_wait3A_210 = arith.constant 0 : i32
          %dma_wait3A_211 = tpu.memref_slice %arg8[%sub3A_204, %dma_wait3A_210] : memref<125x80xi32, #tpu.memory_space<vmem>> -> memref<1x80xi32, #tpu.memory_space<vmem>>
          %dma_wait3A_212 = tpu.memref_squeeze %dma_wait3A_211 : memref<1x80xi32, #tpu.memory_space<vmem>> -> memref<80xi32, #tpu.memory_space<vmem>>
          %dma_wait3A_213 = arith.constant 0 : i32
          %dma_wait3A_214 = arith.constant 0 : i32
          %dma_wait3A_215 = tpu.memref_slice %arg15[%dma_wait3A_213, %dma_wait3A_214] : memref<10000x80xf32, #tpu.memory_space<vmem_shared>> -> memref<10000x80xf32, #tpu.memory_space<vmem_shared>>
          tpu.wait_indirect_dma semaphore(%arg19 : memref<!tpu.dma_semaphore, #tpu.memory_space<semaphore_mem>>) src(%dma_wait3A_209 : memref<80x80xf32, #tpu.memory_space<vmem>>) dst(%dma_wait3A_215 : memref<10000x80xf32, #tpu.memory_space<vmem_shared>>)
        } else {
        }
        %parallel_loop3A = arith.constant 0 : i32
        %parallel_loop3A_188 = arith.constant 80 : i32
        %parallel_loop3A_189 = arith.constant 1 : i32
        %parallel_loop3A_190 = arith.constant 1 : i32
        %parallel_loop3A_191 = arith.constant 1 : i32
        %parallel_loop3A_192 = arith.constant 1 : i32
        scf.for %parallel_loop3A_204 = %parallel_loop3A to %parallel_loop3A_188 step %parallel_loop3A_189  : i32 {
          %parallel_loop3A_205 = arith.constant 0 : i32
          %parallel_loop3A_206 = arith.constant 0 : i32
          %parallel_loop3A_207 = tpu.memref_slice %arg10[%parallel_loop3A_190, %parallel_loop3A_205, %parallel_loop3A_206] : memref<2x80x48xf32, #tpu.memory_space<vmem>> -> memref<1x80x48xf32, #tpu.memory_space<vmem>>
          %parallel_loop3A_208 = tpu.memref_squeeze %parallel_loop3A_207 : memref<1x80x48xf32, #tpu.memory_space<vmem>> -> memref<80x48xf32, #tpu.memory_space<vmem>>
          %parallel_loop3A_209 = arith.index_cast %parallel_loop3A_204 : i32 to index
          %parallel_loop3A_210 = arith.constant 32 : index
          %parallel_loop3A_211 = tpu.vector_load %parallel_loop3A_208[%parallel_loop3A_209, %parallel_loop3A_210] {strides = array<i32>} : memref<80x48xf32, #tpu.memory_space<vmem>>, vector<16xf32>,
          %parallel_loop3A_212 = arith.constant 0 : i32
          %parallel_loop3A_213 = arith.constant 0 : i32
          %parallel_loop3A_214 = tpu.memref_slice %arg11[%parallel_loop3A_191, %parallel_loop3A_212, %parallel_loop3A_213] : memref<2x80x80xf32, #tpu.memory_space<vmem>> -> memref<1x80x80xf32, #tpu.memory_space<vmem>>
          %parallel_loop3A_215 = tpu.memref_squeeze %parallel_loop3A_214 : memref<1x80x80xf32, #tpu.memory_space<vmem>> -> memref<80x80xf32, #tpu.memory_space<vmem>>
          %parallel_loop3A_216 = arith.index_cast %parallel_loop3A_204 : i32 to index
          %parallel_loop3A_217 = arith.constant 32 : index
          %parallel_loop3A_218 = tpu.vector_load %parallel_loop3A_215[%parallel_loop3A_216, %parallel_loop3A_217] {strides = array<i32>} : memref<80x80xf32, #tpu.memory_space<vmem>>, vector<16xf32>,
          %parallel_loop3A_219 = arith.mulf %parallel_loop3A_211, %parallel_loop3A_218 : vector<16xf32>
          %parallel_loop3A_220 = arith.constant true
          %parallel_loop3A_221 = vector.broadcast %parallel_loop3A_220 : i1 to vector<16xi1>
          %parallel_loop3A_222 = tpu.scan <sum>, %parallel_loop3A_219 masked %parallel_loop3A_221 : vector<16xf32>, vector<16xi1> -> vector<16xf32>
          %parallel_loop3A_223 = vector.extract %parallel_loop3A_222[15] : f32 from vector<16xf32>
          %parallel_loop3A_224 = vector.broadcast %parallel_loop3A_223 : f32 to vector<16xf32>
          %parallel_loop3A_225 = arith.subf %parallel_loop3A_224, %mul3A_37 : vector<16xf32>
          %parallel_loop3A_226 = arith.mulf %parallel_loop3A_225, %parallel_loop3A_225 : vector<16xf32>
          %parallel_loop3A_227 = arith.constant -0.533888876 : f32
          %parallel_loop3A_228 = vector.broadcast %parallel_loop3A_227 : f32 to vector<16xf32>
          %parallel_loop3A_229 = arith.mulf %parallel_loop3A_228, %parallel_loop3A_226 : vector<16xf32>
          %parallel_loop3A_230 = math.exp %parallel_loop3A_229 : vector<16xf32>
          %parallel_loop3A_231 = vector.broadcast %parallel_loop3A_223 : f32 to vector<16xf32>
          %parallel_loop3A_232 = arith.subf %parallel_loop3A_231, %mul3A_43 : vector<16xf32>
          %parallel_loop3A_233 = arith.mulf %parallel_loop3A_232, %parallel_loop3A_232 : vector<16xf32>
          %parallel_loop3A_234 = arith.constant -0.533888876 : f32
          %parallel_loop3A_235 = vector.broadcast %parallel_loop3A_234 : f32 to vector<16xf32>
          %parallel_loop3A_236 = arith.mulf %parallel_loop3A_235, %parallel_loop3A_233 : vector<16xf32>
          %parallel_loop3A_237 = math.exp %parallel_loop3A_236 : vector<16xf32>
          %parallel_loop3A_238 = arith.constant 0 : i32
          %parallel_loop3A_239 = arith.constant 0 : i32
          %parallel_loop3A_240 = tpu.memref_slice %arg10[%parallel_loop3A_190, %parallel_loop3A_238, %parallel_loop3A_239] : memref<2x80x48xf32, #tpu.memory_space<vmem>> -> memref<1x80x48xf32, #tpu.memory_space<vmem>>
          %parallel_loop3A_241 = tpu.memref_squeeze %parallel_loop3A_240 : memref<1x80x48xf32, #tpu.memory_space<vmem>> -> memref<80x48xf32, #tpu.memory_space<vmem>>
          %parallel_loop3A_242 = arith.index_cast %parallel_loop3A_204 : i32 to index
          %parallel_loop3A_243 = arith.constant 0 : index
          %parallel_loop3A_244 = tpu.vector_load %parallel_loop3A_241[%parallel_loop3A_242, %parallel_loop3A_243] {strides = array<i32>} : memref<80x48xf32, #tpu.memory_space<vmem>>, vector<16xf32>,
          %parallel_loop3A_245 = vector.bitcast %parallel_loop3A_244 : vector<16xf32> to vector<32xbf16>
          %parallel_loop3A_246 = tpu.unpack_subelements %parallel_loop3A_245, 0 {pack_format = #tpu.pack_format<interleaved>} : vector<32xbf16> -> vector<16xf32>
          %parallel_loop3A_247 = tpu.unpack_subelements %parallel_loop3A_245, 1 {pack_format = #tpu.pack_format<interleaved>} : vector<32xbf16> -> vector<16xf32>
          %parallel_loop3A_248 = arith.constant 0 : i32
          %parallel_loop3A_249 = arith.constant 0 : i32
          %parallel_loop3A_250 = tpu.memref_slice %arg11[%parallel_loop3A_191, %parallel_loop3A_248, %parallel_loop3A_249] : memref<2x80x80xf32, #tpu.memory_space<vmem>> -> memref<1x80x80xf32, #tpu.memory_space<vmem>>
          %parallel_loop3A_251 = tpu.memref_squeeze %parallel_loop3A_250 : memref<1x80x80xf32, #tpu.memory_space<vmem>> -> memref<80x80xf32, #tpu.memory_space<vmem>>
          %parallel_loop3A_252 = arith.index_cast %parallel_loop3A_204 : i32 to index
          %parallel_loop3A_253 = arith.constant 0 : index
          %parallel_loop3A_254 = tpu.vector_load %parallel_loop3A_251[%parallel_loop3A_252, %parallel_loop3A_253] {strides = array<i32>} : memref<80x80xf32, #tpu.memory_space<vmem>>, vector<16xf32>,
          %parallel_loop3A_255 = vector.bitcast %parallel_loop3A_254 : vector<16xf32> to vector<32xbf16>
          %parallel_loop3A_256 = tpu.unpack_subelements %parallel_loop3A_255, 0 {pack_format = #tpu.pack_format<interleaved>} : vector<32xbf16> -> vector<16xf32>
          %parallel_loop3A_257 = tpu.unpack_subelements %parallel_loop3A_255, 1 {pack_format = #tpu.pack_format<interleaved>} : vector<32xbf16> -> vector<16xf32>
          %parallel_loop3A_258 = arith.mulf %parallel_loop3A_246, %parallel_loop3A_256 : vector<16xf32>
          %parallel_loop3A_259 = arith.mulf %parallel_loop3A_247, %parallel_loop3A_257 : vector<16xf32>
          %parallel_loop3A_260 = arith.constant 0 : i32
          %parallel_loop3A_261 = arith.constant 0 : i32
          %parallel_loop3A_262 = tpu.memref_slice %arg10[%parallel_loop3A_190, %parallel_loop3A_260, %parallel_loop3A_261] : memref<2x80x48xf32, #tpu.memory_space<vmem>> -> memref<1x80x48xf32, #tpu.memory_space<vmem>>
          %parallel_loop3A_263 = tpu.memref_squeeze %parallel_loop3A_262 : memref<1x80x48xf32, #tpu.memory_space<vmem>> -> memref<80x48xf32, #tpu.memory_space<vmem>>
          %parallel_loop3A_264 = arith.index_cast %parallel_loop3A_204 : i32 to index
          %parallel_loop3A_265 = arith.constant 16 : index
          %parallel_loop3A_266 = tpu.vector_load %parallel_loop3A_263[%parallel_loop3A_264, %parallel_loop3A_265] {strides = array<i32>} : memref<80x48xf32, #tpu.memory_space<vmem>>, vector<16xf32>,
          %parallel_loop3A_267 = vector.bitcast %parallel_loop3A_266 : vector<16xf32> to vector<32xbf16>
          %parallel_loop3A_268 = tpu.unpack_subelements %parallel_loop3A_267, 0 {pack_format = #tpu.pack_format<interleaved>} : vector<32xbf16> -> vector<16xf32>
          %parallel_loop3A_269 = tpu.unpack_subelements %parallel_loop3A_267, 1 {pack_format = #tpu.pack_format<interleaved>} : vector<32xbf16> -> vector<16xf32>
          %parallel_loop3A_270 = arith.constant 0 : i32
          %parallel_loop3A_271 = arith.constant 0 : i32
          %parallel_loop3A_272 = tpu.memref_slice %arg11[%parallel_loop3A_191, %parallel_loop3A_270, %parallel_loop3A_271] : memref<2x80x80xf32, #tpu.memory_space<vmem>> -> memref<1x80x80xf32, #tpu.memory_space<vmem>>
          %parallel_loop3A_273 = tpu.memref_squeeze %parallel_loop3A_272 : memref<1x80x80xf32, #tpu.memory_space<vmem>> -> memref<80x80xf32, #tpu.memory_space<vmem>>
          %parallel_loop3A_274 = arith.index_cast %parallel_loop3A_204 : i32 to index
          %parallel_loop3A_275 = arith.constant 16 : index
          %parallel_loop3A_276 = tpu.vector_load %parallel_loop3A_273[%parallel_loop3A_274, %parallel_loop3A_275] {strides = array<i32>} : memref<80x80xf32, #tpu.memory_space<vmem>>, vector<16xf32>,
          %parallel_loop3A_277 = vector.bitcast %parallel_loop3A_276 : vector<16xf32> to vector<32xbf16>
          %parallel_loop3A_278 = tpu.unpack_subelements %parallel_loop3A_277, 0 {pack_format = #tpu.pack_format<interleaved>} : vector<32xbf16> -> vector<16xf32>
          %parallel_loop3A_279 = tpu.unpack_subelements %parallel_loop3A_277, 1 {pack_format = #tpu.pack_format<interleaved>} : vector<32xbf16> -> vector<16xf32>
          %parallel_loop3A_280 = arith.mulf %parallel_loop3A_268, %parallel_loop3A_278 : vector<16xf32>
          %parallel_loop3A_281 = arith.mulf %parallel_loop3A_269, %parallel_loop3A_279 : vector<16xf32>
          %parallel_loop3A_282 = arith.constant 0.000000e+00 : f32
          %parallel_loop3A_283 = vector.broadcast %parallel_loop3A_282 : f32 to vector<16xf32>
          %parallel_loop3A_284 = arith.mulf %parallel_loop3A_230, %get3A_3 : vector<16xf32>
          %parallel_loop3A_285 = arith.addf %parallel_loop3A_258, %parallel_loop3A_284 : vector<16xf32>
          %parallel_loop3A_286 = arith.mulf %parallel_loop3A_237, %get3A_7 : vector<16xf32>
          %parallel_loop3A_287 = arith.addf %parallel_loop3A_285, %parallel_loop3A_286 : vector<16xf32>
          %parallel_loop3A_288 = arith.constant true
          %parallel_loop3A_289 = vector.broadcast %parallel_loop3A_288 : i1 to vector<16xi1>
          %parallel_loop3A_290 = tpu.scan <sum>, %parallel_loop3A_287 masked %parallel_loop3A_289 : vector<16xf32>, vector<16xi1> -> vector<16xf32>
          %parallel_loop3A_291 = vector.extract %parallel_loop3A_290[15] : f32 from vector<16xf32>
          %parallel_loop3A_292 = vector.broadcast %parallel_loop3A_291 : f32 to vector<16xf32>
          %parallel_loop3A_293 = math.exp %parallel_loop3A_292 : vector<16xf32>
          %parallel_loop3A_294 = arith.constant 0 : i32
          %parallel_loop3A_295 = vector.broadcast %parallel_loop3A_294 : i32 to vector<16xi32>
          %parallel_loop3A_296 = arith.cmpi eq, %iota3A, %parallel_loop3A_295 : vector<16xi32>
          %parallel_loop3A_297 = arith.select %parallel_loop3A_296, %parallel_loop3A_293, %parallel_loop3A_283 : vector<16xi1>, vector<16xf32>
          %parallel_loop3A_298 = arith.mulf %parallel_loop3A_230, %get3A_11 : vector<16xf32>
          %parallel_loop3A_299 = arith.addf %parallel_loop3A_259, %parallel_loop3A_298 : vector<16xf32>
          %parallel_loop3A_300 = arith.mulf %parallel_loop3A_237, %get3A_15 : vector<16xf32>
          %parallel_loop3A_301 = arith.addf %parallel_loop3A_299, %parallel_loop3A_300 : vector<16xf32>
          %parallel_loop3A_302 = arith.constant true
          %parallel_loop3A_303 = vector.broadcast %parallel_loop3A_302 : i1 to vector<16xi1>
          %parallel_loop3A_304 = tpu.scan <sum>, %parallel_loop3A_301 masked %parallel_loop3A_303 : vector<16xf32>, vector<16xi1> -> vector<16xf32>
          %parallel_loop3A_305 = vector.extract %parallel_loop3A_304[15] : f32 from vector<16xf32>
          %parallel_loop3A_306 = vector.broadcast %parallel_loop3A_305 : f32 to vector<16xf32>
          %parallel_loop3A_307 = math.exp %parallel_loop3A_306 : vector<16xf32>
          %parallel_loop3A_308 = arith.constant 1 : i32
          %parallel_loop3A_309 = vector.broadcast %parallel_loop3A_308 : i32 to vector<16xi32>
          %parallel_loop3A_310 = arith.cmpi eq, %iota3A, %parallel_loop3A_309 : vector<16xi32>
          %parallel_loop3A_311 = arith.select %parallel_loop3A_310, %parallel_loop3A_307, %parallel_loop3A_297 : vector<16xi1>, vector<16xf32>
          %parallel_loop3A_312 = arith.mulf %parallel_loop3A_230, %get3A_19 : vector<16xf32>
          %parallel_loop3A_313 = arith.addf %parallel_loop3A_280, %parallel_loop3A_312 : vector<16xf32>
          %parallel_loop3A_314 = arith.mulf %parallel_loop3A_237, %get3A_23 : vector<16xf32>
          %parallel_loop3A_315 = arith.addf %parallel_loop3A_313, %parallel_loop3A_314 : vector<16xf32>
          %parallel_loop3A_316 = arith.constant true
          %parallel_loop3A_317 = vector.broadcast %parallel_loop3A_316 : i1 to vector<16xi1>
          %parallel_loop3A_318 = tpu.scan <sum>, %parallel_loop3A_315 masked %parallel_loop3A_317 : vector<16xf32>, vector<16xi1> -> vector<16xf32>
          %parallel_loop3A_319 = vector.extract %parallel_loop3A_318[15] : f32 from vector<16xf32>
          %parallel_loop3A_320 = vector.broadcast %parallel_loop3A_319 : f32 to vector<16xf32>
          %parallel_loop3A_321 = math.exp %parallel_loop3A_320 : vector<16xf32>
          %parallel_loop3A_322 = arith.constant 2 : i32
          %parallel_loop3A_323 = vector.broadcast %parallel_loop3A_322 : i32 to vector<16xi32>
          %parallel_loop3A_324 = arith.cmpi eq, %iota3A, %parallel_loop3A_323 : vector<16xi32>
          %parallel_loop3A_325 = arith.select %parallel_loop3A_324, %parallel_loop3A_321, %parallel_loop3A_311 : vector<16xi1>, vector<16xf32>
          %parallel_loop3A_326 = arith.mulf %parallel_loop3A_230, %get3A_27 : vector<16xf32>
          %parallel_loop3A_327 = arith.addf %parallel_loop3A_281, %parallel_loop3A_326 : vector<16xf32>
          %parallel_loop3A_328 = arith.mulf %parallel_loop3A_237, %get3A_31 : vector<16xf32>
          %parallel_loop3A_329 = arith.addf %parallel_loop3A_327, %parallel_loop3A_328 : vector<16xf32>
          %parallel_loop3A_330 = arith.constant true
          %parallel_loop3A_331 = vector.broadcast %parallel_loop3A_330 : i1 to vector<16xi1>
          %parallel_loop3A_332 = tpu.scan <sum>, %parallel_loop3A_329 masked %parallel_loop3A_331 : vector<16xf32>, vector<16xi1> -> vector<16xf32>
          %parallel_loop3A_333 = vector.extract %parallel_loop3A_332[15] : f32 from vector<16xf32>
          %parallel_loop3A_334 = vector.broadcast %parallel_loop3A_333 : f32 to vector<16xf32>
          %parallel_loop3A_335 = math.exp %parallel_loop3A_334 : vector<16xf32>
          %parallel_loop3A_336 = arith.constant 3 : i32
          %parallel_loop3A_337 = vector.broadcast %parallel_loop3A_336 : i32 to vector<16xi32>
          %parallel_loop3A_338 = arith.cmpi eq, %iota3A, %parallel_loop3A_337 : vector<16xi32>
          %parallel_loop3A_339 = arith.select %parallel_loop3A_338, %parallel_loop3A_335, %parallel_loop3A_325 : vector<16xi1>, vector<16xf32>
          %parallel_loop3A_340 = arith.constant 0 : i32
          %parallel_loop3A_341 = arith.constant 0 : i32
          %parallel_loop3A_342 = tpu.memref_slice %arg11[%parallel_loop3A_191, %parallel_loop3A_340, %parallel_loop3A_341] : memref<2x80x80xf32, #tpu.memory_space<vmem>> -> memref<1x80x80xf32, #tpu.memory_space<vmem>>
          %parallel_loop3A_343 = tpu.memref_squeeze %parallel_loop3A_342 : memref<1x80x80xf32, #tpu.memory_space<vmem>> -> memref<80x80xf32, #tpu.memory_space<vmem>>
          %parallel_loop3A_344 = arith.index_cast %parallel_loop3A_204 : i32 to index
          %parallel_loop3A_345 = arith.constant 48 : index
          %parallel_loop3A_346 = tpu.vector_load %parallel_loop3A_343[%parallel_loop3A_344, %parallel_loop3A_345] {strides = array<i32>} : memref<80x80xf32, #tpu.memory_space<vmem>>, vector<16xf32>,
          %parallel_loop3A_347 = vector.bitcast %parallel_loop3A_346 : vector<16xf32> to vector<32xbf16>
          %parallel_loop3A_348 = tpu.unpack_subelements %parallel_loop3A_347, 0 {pack_format = #tpu.pack_format<interleaved>} : vector<32xbf16> -> vector<16xf32>
          %parallel_loop3A_349 = tpu.unpack_subelements %parallel_loop3A_347, 1 {pack_format = #tpu.pack_format<interleaved>} : vector<32xbf16> -> vector<16xf32>
          %parallel_loop3A_350 = arith.mulf %parallel_loop3A_348, %parallel_loop3A_293 : vector<16xf32>
          %parallel_loop3A_351 = arith.constant 0 : i32
          %parallel_loop3A_352 = arith.constant 0 : i32
          %parallel_loop3A_353 = tpu.memref_slice %arg12[%parallel_loop3A_192, %parallel_loop3A_351, %parallel_loop3A_352] : memref<2x80x80xf32, #tpu.memory_space<vmem>> -> memref<1x80x80xf32, #tpu.memory_space<vmem>>
          %parallel_loop3A_354 = tpu.memref_squeeze %parallel_loop3A_353 : memref<1x80x80xf32, #tpu.memory_space<vmem>> -> memref<80x80xf32, #tpu.memory_space<vmem>>
          %parallel_loop3A_355 = arith.index_cast %parallel_loop3A_204 : i32 to index
          %parallel_loop3A_356 = arith.constant 0 : index
          %parallel_loop3A_357 = tpu.vector_load %parallel_loop3A_354[%parallel_loop3A_355, %parallel_loop3A_356] {strides = array<i32>} : memref<80x80xf32, #tpu.memory_space<vmem>>, vector<16xf32>,
          tpu.vector_store %parallel_loop3A_354[%parallel_loop3A_355, %parallel_loop3A_356], %parallel_loop3A_350 {strides = array<i32>} : memref<80x80xf32, #tpu.memory_space<vmem>>, vector<16xf32>,
          %parallel_loop3A_358 = arith.mulf %parallel_loop3A_349, %parallel_loop3A_307 : vector<16xf32>
          %parallel_loop3A_359 = arith.constant 0 : i32
          %parallel_loop3A_360 = arith.constant 0 : i32
          %parallel_loop3A_361 = tpu.memref_slice %arg12[%parallel_loop3A_192, %parallel_loop3A_359, %parallel_loop3A_360] : memref<2x80x80xf32, #tpu.memory_space<vmem>> -> memref<1x80x80xf32, #tpu.memory_space<vmem>>
          %parallel_loop3A_362 = tpu.memref_squeeze %parallel_loop3A_361 : memref<1x80x80xf32, #tpu.memory_space<vmem>> -> memref<80x80xf32, #tpu.memory_space<vmem>>
          %parallel_loop3A_363 = arith.index_cast %parallel_loop3A_204 : i32 to index
          %parallel_loop3A_364 = arith.constant 16 : index
          %parallel_loop3A_365 = tpu.vector_load %parallel_loop3A_362[%parallel_loop3A_363, %parallel_loop3A_364] {strides = array<i32>} : memref<80x80xf32, #tpu.memory_space<vmem>>, vector<16xf32>,
          tpu.vector_store %parallel_loop3A_362[%parallel_loop3A_363, %parallel_loop3A_364], %parallel_loop3A_358 {strides = array<i32>} : memref<80x80xf32, #tpu.memory_space<vmem>>, vector<16xf32>,
          %parallel_loop3A_366 = arith.constant 0 : i32
          %parallel_loop3A_367 = arith.constant 0 : i32
          %parallel_loop3A_368 = tpu.memref_slice %arg11[%parallel_loop3A_191, %parallel_loop3A_366, %parallel_loop3A_367] : memref<2x80x80xf32, #tpu.memory_space<vmem>> -> memref<1x80x80xf32, #tpu.memory_space<vmem>>
          %parallel_loop3A_369 = tpu.memref_squeeze %parallel_loop3A_368 : memref<1x80x80xf32, #tpu.memory_space<vmem>> -> memref<80x80xf32, #tpu.memory_space<vmem>>
          %parallel_loop3A_370 = arith.index_cast %parallel_loop3A_204 : i32 to index
          %parallel_loop3A_371 = arith.constant 64 : index
          %parallel_loop3A_372 = tpu.vector_load %parallel_loop3A_369[%parallel_loop3A_370, %parallel_loop3A_371] {strides = array<i32>} : memref<80x80xf32, #tpu.memory_space<vmem>>, vector<16xf32>,
          %parallel_loop3A_373 = vector.bitcast %parallel_loop3A_372 : vector<16xf32> to vector<32xbf16>
          %parallel_loop3A_374 = tpu.unpack_subelements %parallel_loop3A_373, 0 {pack_format = #tpu.pack_format<interleaved>} : vector<32xbf16> -> vector<16xf32>
          %parallel_loop3A_375 = tpu.unpack_subelements %parallel_loop3A_373, 1 {pack_format = #tpu.pack_format<interleaved>} : vector<32xbf16> -> vector<16xf32>
          %parallel_loop3A_376 = arith.mulf %parallel_loop3A_374, %parallel_loop3A_321 : vector<16xf32>
          %parallel_loop3A_377 = arith.constant 0 : i32
          %parallel_loop3A_378 = arith.constant 0 : i32
          %parallel_loop3A_379 = tpu.memref_slice %arg12[%parallel_loop3A_192, %parallel_loop3A_377, %parallel_loop3A_378] : memref<2x80x80xf32, #tpu.memory_space<vmem>> -> memref<1x80x80xf32, #tpu.memory_space<vmem>>
          %parallel_loop3A_380 = tpu.memref_squeeze %parallel_loop3A_379 : memref<1x80x80xf32, #tpu.memory_space<vmem>> -> memref<80x80xf32, #tpu.memory_space<vmem>>
          %parallel_loop3A_381 = arith.index_cast %parallel_loop3A_204 : i32 to index
          %parallel_loop3A_382 = arith.constant 32 : index
          %parallel_loop3A_383 = tpu.vector_load %parallel_loop3A_380[%parallel_loop3A_381, %parallel_loop3A_382] {strides = array<i32>} : memref<80x80xf32, #tpu.memory_space<vmem>>, vector<16xf32>,
          tpu.vector_store %parallel_loop3A_380[%parallel_loop3A_381, %parallel_loop3A_382], %parallel_loop3A_376 {strides = array<i32>} : memref<80x80xf32, #tpu.memory_space<vmem>>, vector<16xf32>,
          %parallel_loop3A_384 = arith.mulf %parallel_loop3A_375, %parallel_loop3A_335 : vector<16xf32>
          %parallel_loop3A_385 = arith.constant 0 : i32
          %parallel_loop3A_386 = arith.constant 0 : i32
          %parallel_loop3A_387 = tpu.memref_slice %arg12[%parallel_loop3A_192, %parallel_loop3A_385, %parallel_loop3A_386] : memref<2x80x80xf32, #tpu.memory_space<vmem>> -> memref<1x80x80xf32, #tpu.memory_space<vmem>>
          %parallel_loop3A_388 = tpu.memref_squeeze %parallel_loop3A_387 : memref<1x80x80xf32, #tpu.memory_space<vmem>> -> memref<80x80xf32, #tpu.memory_space<vmem>>
          %parallel_loop3A_389 = arith.index_cast %parallel_loop3A_204 : i32 to index
          %parallel_loop3A_390 = arith.constant 48 : index
          %parallel_loop3A_391 = tpu.vector_load %parallel_loop3A_388[%parallel_loop3A_389, %parallel_loop3A_390] {strides = array<i32>} : memref<80x80xf32, #tpu.memory_space<vmem>>, vector<16xf32>,
          tpu.vector_store %parallel_loop3A_388[%parallel_loop3A_389, %parallel_loop3A_390], %parallel_loop3A_384 {strides = array<i32>} : memref<80x80xf32, #tpu.memory_space<vmem>>, vector<16xf32>,
          %parallel_loop3A_392 = arith.constant 0 : i32
          %parallel_loop3A_393 = arith.constant 0 : i32
          %parallel_loop3A_394 = tpu.memref_slice %arg12[%parallel_loop3A_192, %parallel_loop3A_392, %parallel_loop3A_393] : memref<2x80x80xf32, #tpu.memory_space<vmem>> -> memref<1x80x80xf32, #tpu.memory_space<vmem>>
          %parallel_loop3A_395 = tpu.memref_squeeze %parallel_loop3A_394 : memref<1x80x80xf32, #tpu.memory_space<vmem>> -> memref<80x80xf32, #tpu.memory_space<vmem>>
          %parallel_loop3A_396 = arith.index_cast %parallel_loop3A_204 : i32 to index
          %parallel_loop3A_397 = arith.constant 64 : index
          %parallel_loop3A_398 = tpu.vector_load %parallel_loop3A_395[%parallel_loop3A_396, %parallel_loop3A_397] {strides = array<i32>} : memref<80x80xf32, #tpu.memory_space<vmem>>, vector<16xf32>,
          tpu.vector_store %parallel_loop3A_395[%parallel_loop3A_396, %parallel_loop3A_397], %parallel_loop3A_339 {strides = array<i32>} : memref<80x80xf32, #tpu.memory_space<vmem>>, vector<16xf32>,
        } {sc.loop_unroll_factor = 4 : i64, sc.parallel_access}
        %dma_start3A_193 = arith.constant 1 : i32
        %dma_start3A_194 = arith.constant 0 : i32
        %dma_start3A_195 = arith.constant 0 : i32
        %dma_start3A_196 = tpu.memref_slice %arg12[%dma_start3A_193, %dma_start3A_194, %dma_start3A_195] : memref<2x80x80xf32, #tpu.memory_space<vmem>> -> memref<1x80x80xf32, #tpu.memory_space<vmem>>
        %dma_start3A_197 = tpu.memref_squeeze %dma_start3A_196 : memref<1x80x80xf32, #tpu.memory_space<vmem>> -> memref<80x80xf32, #tpu.memory_space<vmem>>
        %dma_start3A_198 = arith.constant 0 : i32
        %dma_start3A_199 = tpu.memref_slice %arg8[%add3A_148, %dma_start3A_198] : memref<125x80xi32, #tpu.memory_space<vmem>> -> memref<1x80xi32, #tpu.memory_space<vmem>>
        %dma_start3A_200 = tpu.memref_squeeze %dma_start3A_199 : memref<1x80xi32, #tpu.memory_space<vmem>> -> memref<80xi32, #tpu.memory_space<vmem>>
        %dma_start3A_201 = arith.constant 0 : i32
        %dma_start3A_202 = arith.constant 0 : i32
        %dma_start3A_203 = tpu.memref_slice %arg15[%dma_start3A_201, %dma_start3A_202] : memref<10000x80xf32, #tpu.memory_space<vmem_shared>> -> memref<10000x80xf32, #tpu.memory_space<vmem_shared>>
        tpu.enqueue_indirect_dma source(%dma_start3A_197 : memref<80x80xf32, #tpu.memory_space<vmem>>) target(%dma_start3A_203 : memref<10000x80xf32, #tpu.memory_space<vmem_shared>>) offsets(%dma_start3A_200 : memref<80xi32, #tpu.memory_space<vmem>>) semaphore(%arg19 : memref<!tpu.dma_semaphore, #tpu.memory_space<semaphore_mem>>) {add = true}
      } else {
      }
      %scan3A_154 = arith.constant 0 : i32
      scf.yield %scan3A_154 : i32
    }
    %scan3A_91 = arith.constant 63 : i32
    %dma_wait3A = arith.constant 1 : i32
    %dma_wait3A_92 = arith.constant 123 : i32
    %dma_wait3A_93 = arith.constant 0 : i32
    %dma_wait3A_94 = arith.constant 0 : i32
    %dma_wait3A_95 = tpu.memref_slice %arg12[%dma_wait3A, %dma_wait3A_93, %dma_wait3A_94] : memref<2x80x80xf32, #tpu.memory_space<vmem>> -> memref<1x80x80xf32, #tpu.memory_space<vmem>>
    %dma_wait3A_96 = tpu.memref_squeeze %dma_wait3A_95 : memref<1x80x80xf32, #tpu.memory_space<vmem>> -> memref<80x80xf32, #tpu.memory_space<vmem>>
    %dma_wait3A_97 = arith.constant 0 : i32
    %dma_wait3A_98 = tpu.memref_slice %arg8[%dma_wait3A_92, %dma_wait3A_97] : memref<125x80xi32, #tpu.memory_space<vmem>> -> memref<1x80xi32, #tpu.memory_space<vmem>>
    %dma_wait3A_99 = tpu.memref_squeeze %dma_wait3A_98 : memref<1x80xi32, #tpu.memory_space<vmem>> -> memref<80xi32, #tpu.memory_space<vmem>>
    %dma_wait3A_100 = arith.constant 0 : i32
    %dma_wait3A_101 = arith.constant 0 : i32
    %dma_wait3A_102 = tpu.memref_slice %arg15[%dma_wait3A_100, %dma_wait3A_101] : memref<10000x80xf32, #tpu.memory_space<vmem_shared>> -> memref<10000x80xf32, #tpu.memory_space<vmem_shared>>
    tpu.wait_indirect_dma semaphore(%arg19 : memref<!tpu.dma_semaphore, #tpu.memory_space<semaphore_mem>>) src(%dma_wait3A_96 : memref<80x80xf32, #tpu.memory_space<vmem>>) dst(%dma_wait3A_102 : memref<10000x80xf32, #tpu.memory_space<vmem_shared>>)
    %dma_wait3A_103 = arith.constant 0 : i32
    %dma_wait3A_104 = arith.constant 124 : i32
    %dma_wait3A_105 = arith.constant 0 : i32
    %dma_wait3A_106 = arith.constant 0 : i32
    %dma_wait3A_107 = tpu.memref_slice %arg12[%dma_wait3A_103, %dma_wait3A_105, %dma_wait3A_106] : memref<2x80x80xf32, #tpu.memory_space<vmem>> -> memref<1x80x80xf32, #tpu.memory_space<vmem>>
    %dma_wait3A_108 = tpu.memref_squeeze %dma_wait3A_107 : memref<1x80x80xf32, #tpu.memory_space<vmem>> -> memref<80x80xf32, #tpu.memory_space<vmem>>
    %dma_wait3A_109 = arith.constant 0 : i32
    %dma_wait3A_110 = tpu.memref_slice %arg8[%dma_wait3A_104, %dma_wait3A_109] : memref<125x80xi32, #tpu.memory_space<vmem>> -> memref<1x80xi32, #tpu.memory_space<vmem>>
    %dma_wait3A_111 = tpu.memref_squeeze %dma_wait3A_110 : memref<1x80xi32, #tpu.memory_space<vmem>> -> memref<80xi32, #tpu.memory_space<vmem>>
    %dma_wait3A_112 = arith.constant 0 : i32
    %dma_wait3A_113 = arith.constant 0 : i32
    %dma_wait3A_114 = tpu.memref_slice %arg15[%dma_wait3A_112, %dma_wait3A_113] : memref<10000x80xf32, #tpu.memory_space<vmem_shared>> -> memref<10000x80xf32, #tpu.memory_space<vmem_shared>>
    tpu.wait_indirect_dma semaphore(%arg18 : memref<!tpu.dma_semaphore, #tpu.memory_space<semaphore_mem>>) src(%dma_wait3A_108 : memref<80x80xf32, #tpu.memory_space<vmem>>) dst(%dma_wait3A_114 : memref<10000x80xf32, #tpu.memory_space<vmem_shared>>)
    %barrier3A_115 = arith.constant 0 : index
    tpu.barrier barrier_id(%barrier3A_115)
    %add3A_116 = arith.constant 0 : i32
    %add3A_117 = arith.addi %mul3A_51, %add3A_116 : i32
    "tpu.region"() ({
      %run_scoped3A = tpu.sem_alloc : memref<!tpu.dma_semaphore, #tpu.memory_space<semaphore_mem>>
      %dma_start3A_136 = arith.constant 0 : i32
      %dma_start3A_137 = tpu.memref_slice %arg15[%add3A_117, %dma_start3A_136] : memref<10000x80xf32, #tpu.memory_space<vmem_shared>> -> memref<125x80xf32, #tpu.memory_space<vmem_shared>>
      %dma_start3A_138 = arith.constant 0 : i32
      %dma_start3A_139 = tpu.memref_slice %arg15[%add3A_117, %dma_start3A_138] : memref<10000x80xf32, #tpu.memory_space<vmem_shared>> -> memref<125x80xf32, #tpu.memory_space<vmem_shared>>
      tpu.enqueue_dma source(%dma_start3A_139 : memref<125x80xf32, #tpu.memory_space<vmem_shared>>) target(%arg13 : memref<125x80xf32, #tpu.memory_space<vmem>>) target_semaphore(%run_scoped3A : memref<!tpu.dma_semaphore, #tpu.memory_space<semaphore_mem>>)
      %dma_wait3A_140 = arith.constant 0 : i32
      %dma_wait3A_141 = tpu.memref_slice %arg15[%add3A_117, %dma_wait3A_140] : memref<10000x80xf32, #tpu.memory_space<vmem_shared>> -> memref<125x80xf32, #tpu.memory_space<vmem_shared>>
      %dma_wait3A_142 = arith.constant 0 : i32
      %dma_wait3A_143 = tpu.memref_slice %arg15[%add3A_117, %dma_wait3A_142] : memref<10000x80xf32, #tpu.memory_space<vmem_shared>> -> memref<125x80xf32, #tpu.memory_space<vmem_shared>>
      tpu.wait_dma2 semaphore(%run_scoped3A : memref<!tpu.dma_semaphore, #tpu.memory_space<semaphore_mem>>) src(%dma_wait3A_143 : memref<125x80xf32, #tpu.memory_space<vmem_shared>>) dst(%arg13 : memref<125x80xf32, #tpu.memory_space<vmem>>)
      tpu.yield
    }) : () -> ()
    %add3A_118 = arith.constant 0 : i32
    %add3A_119 = arith.addi %mul3A_51, %add3A_118 : i32
    "tpu.region"() ({
      %run_scoped3A = tpu.sem_alloc : memref<!tpu.dma_semaphore, #tpu.memory_space<semaphore_mem>>
      %dma_start3A_136 = arith.constant 0 : i32
      %dma_start3A_137 = tpu.memref_slice %arg7[%arg0, %add3A_119, %dma_start3A_136] : memref<2x10000x80xf32, #tpu.memory_space<hbm>> -> memref<1x125x80xf32, #tpu.memory_space<hbm>>
      %dma_start3A_138 = tpu.memref_squeeze %dma_start3A_137 : memref<1x125x80xf32, #tpu.memory_space<hbm>> -> memref<125x80xf32, #tpu.memory_space<hbm>>
      %dma_start3A_139 = arith.constant 0 : i32
      %dma_start3A_140 = tpu.memref_slice %arg7[%arg0, %add3A_119, %dma_start3A_139] : memref<2x10000x80xf32, #tpu.memory_space<hbm>> -> memref<1x125x80xf32, #tpu.memory_space<hbm>>
      %dma_start3A_141 = tpu.memref_squeeze %dma_start3A_140 : memref<1x125x80xf32, #tpu.memory_space<hbm>> -> memref<125x80xf32, #tpu.memory_space<hbm>>
      tpu.enqueue_dma source(%arg13 : memref<125x80xf32, #tpu.memory_space<vmem>>) target(%dma_start3A_141 : memref<125x80xf32, #tpu.memory_space<hbm>>) target_semaphore(%run_scoped3A : memref<!tpu.dma_semaphore, #tpu.memory_space<semaphore_mem>>)
      %dma_wait3A_142 = arith.constant 0 : i32
      %dma_wait3A_143 = tpu.memref_slice %arg7[%arg0, %add3A_119, %dma_wait3A_142] : memref<2x10000x80xf32, #tpu.memory_space<hbm>> -> memref<1x125x80xf32, #tpu.memory_space<hbm>>
      %dma_wait3A_144 = tpu.memref_squeeze %dma_wait3A_143 : memref<1x125x80xf32, #tpu.memory_space<hbm>> -> memref<125x80xf32, #tpu.memory_space<hbm>>
      %dma_wait3A_145 = arith.constant 0 : i32
      %dma_wait3A_146 = tpu.memref_slice %arg7[%arg0, %add3A_119, %dma_wait3A_145] : memref<2x10000x80xf32, #tpu.memory_space<hbm>> -> memref<1x125x80xf32, #tpu.memory_space<hbm>>
      %dma_wait3A_147 = tpu.memref_squeeze %dma_wait3A_146 : memref<1x125x80xf32, #tpu.memory_space<hbm>> -> memref<125x80xf32, #tpu.memory_space<hbm>>
      tpu.wait_dma2 semaphore(%run_scoped3A : memref<!tpu.dma_semaphore, #tpu.memory_space<semaphore_mem>>) src(%arg13 : memref<125x80xf32, #tpu.memory_space<vmem>>) dst(%dma_wait3A_147 : memref<125x80xf32, #tpu.memory_space<hbm>>)
      tpu.yield
    }) : () -> ()
    %add3A_120 = arith.constant 125 : i32
    %add3A_121 = arith.addi %mul3A_51, %add3A_120 : i32
    "tpu.region"() ({
      %run_scoped3A = tpu.sem_alloc : memref<!tpu.dma_semaphore, #tpu.memory_space<semaphore_mem>>
      %dma_start3A_136 = arith.constant 0 : i32
      %dma_start3A_137 = tpu.memref_slice %arg15[%add3A_121, %dma_start3A_136] : memref<10000x80xf32, #tpu.memory_space<vmem_shared>> -> memref<125x80xf32, #tpu.memory_space<vmem_shared>>
      %dma_start3A_138 = arith.constant 0 : i32
      %dma_start3A_139 = tpu.memref_slice %arg15[%add3A_121, %dma_start3A_138] : memref<10000x80xf32, #tpu.memory_space<vmem_shared>> -> memref<125x80xf32, #tpu.memory_space<vmem_shared>>
      tpu.enqueue_dma source(%dma_start3A_139 : memref<125x80xf32, #tpu.memory_space<vmem_shared>>) target(%arg13 : memref<125x80xf32, #tpu.memory_space<vmem>>) target_semaphore(%run_scoped3A : memref<!tpu.dma_semaphore, #tpu.memory_space<semaphore_mem>>)
      %dma_wait3A_140 = arith.constant 0 : i32
      %dma_wait3A_141 = tpu.memref_slice %arg15[%add3A_121, %dma_wait3A_140] : memref<10000x80xf32, #tpu.memory_space<vmem_shared>> -> memref<125x80xf32, #tpu.memory_space<vmem_shared>>
      %dma_wait3A_142 = arith.constant 0 : i32
      %dma_wait3A_143 = tpu.memref_slice %arg15[%add3A_121, %dma_wait3A_142] : memref<10000x80xf32, #tpu.memory_space<vmem_shared>> -> memref<125x80xf32, #tpu.memory_space<vmem_shared>>
      tpu.wait_dma2 semaphore(%run_scoped3A : memref<!tpu.dma_semaphore, #tpu.memory_space<semaphore_mem>>) src(%dma_wait3A_143 : memref<125x80xf32, #tpu.memory_space<vmem_shared>>) dst(%arg13 : memref<125x80xf32, #tpu.memory_space<vmem>>)
      tpu.yield
    }) : () -> ()
    %add3A_122 = arith.constant 125 : i32
    %add3A_123 = arith.addi %mul3A_51, %add3A_122 : i32
    "tpu.region"() ({
      %run_scoped3A = tpu.sem_alloc : memref<!tpu.dma_semaphore, #tpu.memory_space<semaphore_mem>>
      %dma_start3A_136 = arith.constant 0 : i32
      %dma_start3A_137 = tpu.memref_slice %arg7[%arg0, %add3A_123, %dma_start3A_136] : memref<2x10000x80xf32, #tpu.memory_space<hbm>> -> memref<1x125x80xf32, #tpu.memory_space<hbm>>
      %dma_start3A_138 = tpu.memref_squeeze %dma_start3A_137 : memref<1x125x80xf32, #tpu.memory_space<hbm>> -> memref<125x80xf32, #tpu.memory_space<hbm>>
      %dma_start3A_139 = arith.constant 0 : i32
      %dma_start3A_140 = tpu.memref_slice %arg7[%arg0, %add3A_123, %dma_start3A_139] : memref<2x10000x80xf32, #tpu.memory_space<hbm>> -> memref<1x125x80xf32, #tpu.memory_space<hbm>>
      %dma_start3A_141 = tpu.memref_squeeze %dma_start3A_140 : memref<1x125x80xf32, #tpu.memory_space<hbm>> -> memref<125x80xf32, #tpu.memory_space<hbm>>
      tpu.enqueue_dma source(%arg13 : memref<125x80xf32, #tpu.memory_space<vmem>>) target(%dma_start3A_141 : memref<125x80xf32, #tpu.memory_space<hbm>>) target_semaphore(%run_scoped3A : memref<!tpu.dma_semaphore, #tpu.memory_space<semaphore_mem>>)
      %dma_wait3A_142 = arith.constant 0 : i32
      %dma_wait3A_143 = tpu.memref_slice %arg7[%arg0, %add3A_123, %dma_wait3A_142] : memref<2x10000x80xf32, #tpu.memory_space<hbm>> -> memref<1x125x80xf32, #tpu.memory_space<hbm>>
      %dma_wait3A_144 = tpu.memref_squeeze %dma_wait3A_143 : memref<1x125x80xf32, #tpu.memory_space<hbm>> -> memref<125x80xf32, #tpu.memory_space<hbm>>
      %dma_wait3A_145 = arith.constant 0 : i32
      %dma_wait3A_146 = tpu.memref_slice %arg7[%arg0, %add3A_123, %dma_wait3A_145] : memref<2x10000x80xf32, #tpu.memory_space<hbm>> -> memref<1x125x80xf32, #tpu.memory_space<hbm>>
      %dma_wait3A_147 = tpu.memref_squeeze %dma_wait3A_146 : memref<1x125x80xf32, #tpu.memory_space<hbm>> -> memref<125x80xf32, #tpu.memory_space<hbm>>
      tpu.wait_dma2 semaphore(%run_scoped3A : memref<!tpu.dma_semaphore, #tpu.memory_space<semaphore_mem>>) src(%arg13 : memref<125x80xf32, #tpu.memory_space<vmem>>) dst(%dma_wait3A_147 : memref<125x80xf32, #tpu.memory_space<hbm>>)
      tpu.yield
    }) : () -> ()
    %add3A_124 = arith.constant 250 : i32
    %add3A_125 = arith.addi %mul3A_51, %add3A_124 : i32
    "tpu.region"() ({
      %run_scoped3A = tpu.sem_alloc : memref<!tpu.dma_semaphore, #tpu.memory_space<semaphore_mem>>
      %dma_start3A_136 = arith.constant 0 : i32
      %dma_start3A_137 = tpu.memref_slice %arg15[%add3A_125, %dma_start3A_136] : memref<10000x80xf32, #tpu.memory_space<vmem_shared>> -> memref<125x80xf32, #tpu.memory_space<vmem_shared>>
      %dma_start3A_138 = arith.constant 0 : i32
      %dma_start3A_139 = tpu.memref_slice %arg15[%add3A_125, %dma_start3A_138] : memref<10000x80xf32, #tpu.memory_space<vmem_shared>> -> memref<125x80xf32, #tpu.memory_space<vmem_shared>>
      tpu.enqueue_dma source(%dma_start3A_139 : memref<125x80xf32, #tpu.memory_space<vmem_shared>>) target(%arg13 : memref<125x80xf32, #tpu.memory_space<vmem>>) target_semaphore(%run_scoped3A : memref<!tpu.dma_semaphore, #tpu.memory_space<semaphore_mem>>)
      %dma_wait3A_140 = arith.constant 0 : i32
      %dma_wait3A_141 = tpu.memref_slice %arg15[%add3A_125, %dma_wait3A_140] : memref<10000x80xf32, #tpu.memory_space<vmem_shared>> -> memref<125x80xf32, #tpu.memory_space<vmem_shared>>
      %dma_wait3A_142 = arith.constant 0 : i32
      %dma_wait3A_143 = tpu.memref_slice %arg15[%add3A_125, %dma_wait3A_142] : memref<10000x80xf32, #tpu.memory_space<vmem_shared>> -> memref<125x80xf32, #tpu.memory_space<vmem_shared>>
      tpu.wait_dma2 semaphore(%run_scoped3A : memref<!tpu.dma_semaphore, #tpu.memory_space<semaphore_mem>>) src(%dma_wait3A_143 : memref<125x80xf32, #tpu.memory_space<vmem_shared>>) dst(%arg13 : memref<125x80xf32, #tpu.memory_space<vmem>>)
      tpu.yield
    }) : () -> ()
    %add3A_126 = arith.constant 250 : i32
    %add3A_127 = arith.addi %mul3A_51, %add3A_126 : i32
    "tpu.region"() ({
      %run_scoped3A = tpu.sem_alloc : memref<!tpu.dma_semaphore, #tpu.memory_space<semaphore_mem>>
      %dma_start3A_136 = arith.constant 0 : i32
      %dma_start3A_137 = tpu.memref_slice %arg7[%arg0, %add3A_127, %dma_start3A_136] : memref<2x10000x80xf32, #tpu.memory_space<hbm>> -> memref<1x125x80xf32, #tpu.memory_space<hbm>>
      %dma_start3A_138 = tpu.memref_squeeze %dma_start3A_137 : memref<1x125x80xf32, #tpu.memory_space<hbm>> -> memref<125x80xf32, #tpu.memory_space<hbm>>
      %dma_start3A_139 = arith.constant 0 : i32
      %dma_start3A_140 = tpu.memref_slice %arg7[%arg0, %add3A_127, %dma_start3A_139] : memref<2x10000x80xf32, #tpu.memory_space<hbm>> -> memref<1x125x80xf32, #tpu.memory_space<hbm>>
      %dma_start3A_141 = tpu.memref_squeeze %dma_start3A_140 : memref<1x125x80xf32, #tpu.memory_space<hbm>> -> memref<125x80xf32, #tpu.memory_space<hbm>>
      tpu.enqueue_dma source(%arg13 : memref<125x80xf32, #tpu.memory_space<vmem>>) target(%dma_start3A_141 : memref<125x80xf32, #tpu.memory_space<hbm>>) target_semaphore(%run_scoped3A : memref<!tpu.dma_semaphore, #tpu.memory_space<semaphore_mem>>)
      %dma_wait3A_142 = arith.constant 0 : i32
      %dma_wait3A_143 = tpu.memref_slice %arg7[%arg0, %add3A_127, %dma_wait3A_142] : memref<2x10000x80xf32, #tpu.memory_space<hbm>> -> memref<1x125x80xf32, #tpu.memory_space<hbm>>
      %dma_wait3A_144 = tpu.memref_squeeze %dma_wait3A_143 : memref<1x125x80xf32, #tpu.memory_space<hbm>> -> memref<125x80xf32, #tpu.memory_space<hbm>>
      %dma_wait3A_145 = arith.constant 0 : i32
      %dma_wait3A_146 = tpu.memref_slice %arg7[%arg0, %add3A_127, %dma_wait3A_145] : memref<2x10000x80xf32, #tpu.memory_space<hbm>> -> memref<1x125x80xf32, #tpu.memory_space<hbm>>
      %dma_wait3A_147 = tpu.memref_squeeze %dma_wait3A_146 : memref<1x125x80xf32, #tpu.memory_space<hbm>> -> memref<125x80xf32, #tpu.memory_space<hbm>>
      tpu.wait_dma2 semaphore(%run_scoped3A : memref<!tpu.dma_semaphore, #tpu.memory_space<semaphore_mem>>) src(%arg13 : memref<125x80xf32, #tpu.memory_space<vmem>>) dst(%dma_wait3A_147 : memref<125x80xf32, #tpu.memory_space<hbm>>)
      tpu.yield
    }) : () -> ()
    %add3A_128 = arith.constant 375 : i32
    %add3A_129 = arith.addi %mul3A_51, %add3A_128 : i32
    "tpu.region"() ({
      %run_scoped3A = tpu.sem_alloc : memref<!tpu.dma_semaphore, #tpu.memory_space<semaphore_mem>>
      %dma_start3A_136 = arith.constant 0 : i32
      %dma_start3A_137 = tpu.memref_slice %arg15[%add3A_129, %dma_start3A_136] : memref<10000x80xf32, #tpu.memory_space<vmem_shared>> -> memref<125x80xf32, #tpu.memory_space<vmem_shared>>
      %dma_start3A_138 = arith.constant 0 : i32
      %dma_start3A_139 = tpu.memref_slice %arg15[%add3A_129, %dma_start3A_138] : memref<10000x80xf32, #tpu.memory_space<vmem_shared>> -> memref<125x80xf32, #tpu.memory_space<vmem_shared>>
      tpu.enqueue_dma source(%dma_start3A_139 : memref<125x80xf32, #tpu.memory_space<vmem_shared>>) target(%arg13 : memref<125x80xf32, #tpu.memory_space<vmem>>) target_semaphore(%run_scoped3A : memref<!tpu.dma_semaphore, #tpu.memory_space<semaphore_mem>>)
      %dma_wait3A_140 = arith.constant 0 : i32
      %dma_wait3A_141 = tpu.memref_slice %arg15[%add3A_129, %dma_wait3A_140] : memref<10000x80xf32, #tpu.memory_space<vmem_shared>> -> memref<125x80xf32, #tpu.memory_space<vmem_shared>>
      %dma_wait3A_142 = arith.constant 0 : i32
      %dma_wait3A_143 = tpu.memref_slice %arg15[%add3A_129, %dma_wait3A_142] : memref<10000x80xf32, #tpu.memory_space<vmem_shared>> -> memref<125x80xf32, #tpu.memory_space<vmem_shared>>
      tpu.wait_dma2 semaphore(%run_scoped3A : memref<!tpu.dma_semaphore, #tpu.memory_space<semaphore_mem>>) src(%dma_wait3A_143 : memref<125x80xf32, #tpu.memory_space<vmem_shared>>) dst(%arg13 : memref<125x80xf32, #tpu.memory_space<vmem>>)
      tpu.yield
    }) : () -> ()
    %add3A_130 = arith.constant 375 : i32
    %add3A_131 = arith.addi %mul3A_51, %add3A_130 : i32
    "tpu.region"() ({
      %run_scoped3A = tpu.sem_alloc : memref<!tpu.dma_semaphore, #tpu.memory_space<semaphore_mem>>
      %dma_start3A_136 = arith.constant 0 : i32
      %dma_start3A_137 = tpu.memref_slice %arg7[%arg0, %add3A_131, %dma_start3A_136] : memref<2x10000x80xf32, #tpu.memory_space<hbm>> -> memref<1x125x80xf32, #tpu.memory_space<hbm>>
      %dma_start3A_138 = tpu.memref_squeeze %dma_start3A_137 : memref<1x125x80xf32, #tpu.memory_space<hbm>> -> memref<125x80xf32, #tpu.memory_space<hbm>>
      %dma_start3A_139 = arith.constant 0 : i32
      %dma_start3A_140 = tpu.memref_slice %arg7[%arg0, %add3A_131, %dma_start3A_139] : memref<2x10000x80xf32, #tpu.memory_space<hbm>> -> memref<1x125x80xf32, #tpu.memory_space<hbm>>
      %dma_start3A_141 = tpu.memref_squeeze %dma_start3A_140 : memref<1x125x80xf32, #tpu.memory_space<hbm>> -> memref<125x80xf32, #tpu.memory_space<hbm>>
      tpu.enqueue_dma source(%arg13 : memref<125x80xf32, #tpu.memory_space<vmem>>) target(%dma_start3A_141 : memref<125x80xf32, #tpu.memory_space<hbm>>) target_semaphore(%run_scoped3A : memref<!tpu.dma_semaphore, #tpu.memory_space<semaphore_mem>>)
      %dma_wait3A_142 = arith.constant 0 : i32
      %dma_wait3A_143 = tpu.memref_slice %arg7[%arg0, %add3A_131, %dma_wait3A_142] : memref<2x10000x80xf32, #tpu.memory_space<hbm>> -> memref<1x125x80xf32, #tpu.memory_space<hbm>>
      %dma_wait3A_144 = tpu.memref_squeeze %dma_wait3A_143 : memref<1x125x80xf32, #tpu.memory_space<hbm>> -> memref<125x80xf32, #tpu.memory_space<hbm>>
      %dma_wait3A_145 = arith.constant 0 : i32
      %dma_wait3A_146 = tpu.memref_slice %arg7[%arg0, %add3A_131, %dma_wait3A_145] : memref<2x10000x80xf32, #tpu.memory_space<hbm>> -> memref<1x125x80xf32, #tpu.memory_space<hbm>>
      %dma_wait3A_147 = tpu.memref_squeeze %dma_wait3A_146 : memref<1x125x80xf32, #tpu.memory_space<hbm>> -> memref<125x80xf32, #tpu.memory_space<hbm>>
      tpu.wait_dma2 semaphore(%run_scoped3A : memref<!tpu.dma_semaphore, #tpu.memory_space<semaphore_mem>>) src(%arg13 : memref<125x80xf32, #tpu.memory_space<vmem>>) dst(%dma_wait3A_147 : memref<125x80xf32, #tpu.memory_space<hbm>>)
      tpu.yield
    }) : () -> ()
    %add3A_132 = arith.constant 500 : i32
    %add3A_133 = arith.addi %mul3A_51, %add3A_132 : i32
    "tpu.region"() ({
      %run_scoped3A = tpu.sem_alloc : memref<!tpu.dma_semaphore, #tpu.memory_space<semaphore_mem>>
      %dma_start3A_136 = arith.constant 0 : i32
      %dma_start3A_137 = tpu.memref_slice %arg15[%add3A_133, %dma_start3A_136] : memref<10000x80xf32, #tpu.memory_space<vmem_shared>> -> memref<125x80xf32, #tpu.memory_space<vmem_shared>>
      %dma_start3A_138 = arith.constant 0 : i32
      %dma_start3A_139 = tpu.memref_slice %arg15[%add3A_133, %dma_start3A_138] : memref<10000x80xf32, #tpu.memory_space<vmem_shared>> -> memref<125x80xf32, #tpu.memory_space<vmem_shared>>
      tpu.enqueue_dma source(%dma_start3A_139 : memref<125x80xf32, #tpu.memory_space<vmem_shared>>) target(%arg13 : memref<125x80xf32, #tpu.memory_space<vmem>>) target_semaphore(%run_scoped3A : memref<!tpu.dma_semaphore, #tpu.memory_space<semaphore_mem>>)
      %dma_wait3A_140 = arith.constant 0 : i32
      %dma_wait3A_141 = tpu.memref_slice %arg15[%add3A_133, %dma_wait3A_140] : memref<10000x80xf32, #tpu.memory_space<vmem_shared>> -> memref<125x80xf32, #tpu.memory_space<vmem_shared>>
      %dma_wait3A_142 = arith.constant 0 : i32
      %dma_wait3A_143 = tpu.memref_slice %arg15[%add3A_133, %dma_wait3A_142] : memref<10000x80xf32, #tpu.memory_space<vmem_shared>> -> memref<125x80xf32, #tpu.memory_space<vmem_shared>>
      tpu.wait_dma2 semaphore(%run_scoped3A : memref<!tpu.dma_semaphore, #tpu.memory_space<semaphore_mem>>) src(%dma_wait3A_143 : memref<125x80xf32, #tpu.memory_space<vmem_shared>>) dst(%arg13 : memref<125x80xf32, #tpu.memory_space<vmem>>)
      tpu.yield
    }) : () -> ()
    %add3A_134 = arith.constant 500 : i32
    %add3A_135 = arith.addi %mul3A_51, %add3A_134 : i32
    "tpu.region"() ({
      %run_scoped3A = tpu.sem_alloc : memref<!tpu.dma_semaphore, #tpu.memory_space<semaphore_mem>>
      %dma_start3A_136 = arith.constant 0 : i32
      %dma_start3A_137 = tpu.memref_slice %arg7[%arg0, %add3A_135, %dma_start3A_136] : memref<2x10000x80xf32, #tpu.memory_space<hbm>> -> memref<1x125x80xf32, #tpu.memory_space<hbm>>
      %dma_start3A_138 = tpu.memref_squeeze %dma_start3A_137 : memref<1x125x80xf32, #tpu.memory_space<hbm>> -> memref<125x80xf32, #tpu.memory_space<hbm>>
      %dma_start3A_139 = arith.constant 0 : i32
      %dma_start3A_140 = tpu.memref_slice %arg7[%arg0, %add3A_135, %dma_start3A_139] : memref<2x10000x80xf32, #tpu.memory_space<hbm>> -> memref<1x125x80xf32, #tpu.memory_space<hbm>>
      %dma_start3A_141 = tpu.memref_squeeze %dma_start3A_140 : memref<1x125x80xf32, #tpu.memory_space<hbm>> -> memref<125x80xf32, #tpu.memory_space<hbm>>
      tpu.enqueue_dma source(%arg13 : memref<125x80xf32, #tpu.memory_space<vmem>>) target(%dma_start3A_141 : memref<125x80xf32, #tpu.memory_space<hbm>>) target_semaphore(%run_scoped3A : memref<!tpu.dma_semaphore, #tpu.memory_space<semaphore_mem>>)
      %dma_wait3A_142 = arith.constant 0 : i32
      %dma_wait3A_143 = tpu.memref_slice %arg7[%arg0, %add3A_135, %dma_wait3A_142] : memref<2x10000x80xf32, #tpu.memory_space<hbm>> -> memref<1x125x80xf32, #tpu.memory_space<hbm>>
      %dma_wait3A_144 = tpu.memref_squeeze %dma_wait3A_143 : memref<1x125x80xf32, #tpu.memory_space<hbm>> -> memref<125x80xf32, #tpu.memory_space<hbm>>
      %dma_wait3A_145 = arith.constant 0 : i32
      %dma_wait3A_146 = tpu.memref_slice %arg7[%arg0, %add3A_135, %dma_wait3A_145] : memref<2x10000x80xf32, #tpu.memory_space<hbm>> -> memref<1x125x80xf32, #tpu.memory_space<hbm>>
      %dma_wait3A_147 = tpu.memref_squeeze %dma_wait3A_146 : memref<1x125x80xf32, #tpu.memory_space<hbm>> -> memref<125x80xf32, #tpu.memory_space<hbm>>
      tpu.wait_dma2 semaphore(%run_scoped3A : memref<!tpu.dma_semaphore, #tpu.memory_space<semaphore_mem>>) src(%arg13 : memref<125x80xf32, #tpu.memory_space<vmem>>) dst(%dma_wait3A_147 : memref<125x80xf32, #tpu.memory_space<hbm>>)
      tpu.yield
    }) : () -> ()
    return
  }
}

module attributes {stable_mosaic.version = 14 : i64} {
  func.func @body(%arg0: i32, %arg1: memref<1000x128xf32, #tpu.memory_space<vmem>>, %arg2: memref<1000x3xf32, #tpu.memory_space<vmem>>, %arg3: memref<1000x128xf32, #tpu.memory_space<vmem>>, %arg4: memref<1000x3xf32, #tpu.memory_space<vmem>>, %arg5: memref<128x128xf32, #tpu.memory_space<vmem>>, %arg6: memref<1x128xf32, #tpu.memory_space<vmem>>, %arg7: memref<128x128xf32, #tpu.memory_space<vmem>>, %arg8: memref<1x128xf32, #tpu.memory_space<vmem>>, %arg9: memref<128x128xf32, #tpu.memory_space<vmem>>, %arg10: memref<1x128xf32, #tpu.memory_space<vmem>>, %arg11: memref<1000x48xf32, #tpu.memory_space<vmem>>, %arg12: memref<1000x48xf32, #tpu.memory_space<vmem>>, %arg13: memref<1000x80xf32, #tpu.memory_space<vmem>>, %arg14: memref<1000x80xf32, #tpu.memory_space<vmem>>) attributes {dimension_semantics = [#tpu.dimension_semantics<arbitrary>], iteration_bounds = array<i64: 10>, scalar_prefetch = 0 : i64, scratch_operands = 0 : i64, tpu.core_type = #tpu.core_type<tc>, window_params = [{transform_indices = @transform_0, window_bounds = array<i64: 1000, 128>}, {transform_indices = @transform_1, window_bounds = array<i64: 1000, 3>}, {transform_indices = @transform_2, window_bounds = array<i64: 1000, 128>}, {transform_indices = @transform_3, window_bounds = array<i64: 1000, 3>}, {pipeline_mode = #tpu.pipeline_mode<synchronous>, transform_indices = @transform_4, window_bounds = array<i64: 128, 128>}, {pipeline_mode = #tpu.pipeline_mode<synchronous>, transform_indices = @transform_5, window_bounds = array<i64: 1, 128>}, {pipeline_mode = #tpu.pipeline_mode<synchronous>, transform_indices = @transform_6, window_bounds = array<i64: 128, 128>}, {pipeline_mode = #tpu.pipeline_mode<synchronous>, transform_indices = @transform_7, window_bounds = array<i64: 1, 128>}, {pipeline_mode = #tpu.pipeline_mode<synchronous>, transform_indices = @transform_8, window_bounds = array<i64: 128, 128>}, {pipeline_mode = #tpu.pipeline_mode<synchronous>, transform_indices = @transform_9, window_bounds = array<i64: 1, 128>}, {transform_indices = @transform_10, window_bounds = array<i64: 1000, 48>}, {transform_indices = @transform_11, window_bounds = array<i64: 1000, 48>}, {transform_indices = @transform_12, window_bounds = array<i64: 1000, 80>}, {transform_indices = @transform_13, window_bounds = array<i64: 1000, 80>}]} {
    %get3A = arith.constant 0 : index
    %get3A_0 = arith.constant 0 : index
    %get3A_1 = vector.load %arg1[%get3A, %get3A_0] : memref<1000x128xf32, #tpu.memory_space<vmem>>, vector<1000x128xf32>
    %get3A_2 = arith.constant 0 : index
    %get3A_3 = arith.constant 0 : index
    %get3A_4 = vector.load %arg5[%get3A_2, %get3A_3] : memref<128x128xf32, #tpu.memory_space<vmem>>, vector<128x128xf32>
    %dot_general3A = arith.constant dense<0.000000e+00> : vector<1000x128xf32>
    %dot_general3A_5 = tpu.matmul %get3A_1, %get3A_4, %dot_general3A {dimension_numbers = #tpu.dot_dimension_numbers<[1], [0], [0], [1], [0, 0, 1, 1], [], []>, transpose_lhs_hint = false} : vector<1000x128xf32>, vector<128x128xf32>, vector<1000x128xf32> -> vector<1000x128xf32>
    %get3A_6 = arith.constant 0 : index
    %get3A_7 = arith.constant 0 : index
    %get3A_8 = vector.load %arg6[%get3A_6, %get3A_7] : memref<1x128xf32, #tpu.memory_space<vmem>>, vector<1x128xf32>
    %add3A = vector.broadcast %get3A_8 : vector<1x128xf32> to vector<1000x128xf32>
    %add3A_9 = arith.addf %dot_general3A_5, %add3A : vector<1000x128xf32>
    %get3A_10 = arith.constant 0 : index
    %get3A_11 = arith.constant 0 : index
    %get3A_12 = vector.load %arg2[%get3A_10, %get3A_11] : memref<1000x3xf32, #tpu.memory_space<vmem>>, vector<1000x3xf32>
    %mul3A = arith.mulf %get3A_12, %get3A_12 : vector<1000x3xf32>
    %reduce_sum3A = arith.constant dense<0.000000e+00> : vector<1000xf32>
    %reduce_sum3A_13 = vector.multi_reduction <add>, %mul3A, %reduce_sum3A [1] : vector<1000x3xf32> to vector<1000xf32>
    %broadcast_in_dim3A = vector.shape_cast %reduce_sum3A_13 : vector<1000xf32> to vector<1000x1xf32>
    %broadcast_in_dim3A_14 = arith.constant 1.000000e+00 : f32
    %broadcast_in_dim3A_15 = vector.broadcast %broadcast_in_dim3A_14 : f32 to vector<1000x1xf32>
    %broadcast_in_dim3A_16 = arith.constant 0.000000e+00 : f32
    %broadcast_in_dim3A_17 = vector.broadcast %broadcast_in_dim3A_16 : f32 to vector<1000x11xf32>
    %concatenate3A = tpu.concatenate %get3A_12, %broadcast_in_dim3A, %broadcast_in_dim3A_15, %broadcast_in_dim3A_17 in 1 : vector<1000x3xf32>, vector<1000x1xf32>, vector<1000x1xf32>, vector<1000x11xf32> -> vector<1000x16xf32>
    %slice3A = vector.extract_strided_slice %add3A_9 {offsets = [0, 0], sizes = [1000, 16], strides = [1, 1]} : vector<1000x128xf32> to vector<1000x16xf32>
    %convert_element_type3A = arith.truncf %slice3A : vector<1000x16xf32> to vector<1000x16xbf16>
    %bitcast_convert_type3A = tpu.bitcast %convert_element_type3A : vector<1000x16xbf16> -> vector<1000x16xi16>
    %convert_element_type3A_18 = arith.extui %bitcast_convert_type3A : vector<1000x16xi16> to vector<1000x16xi32>
    %slice3A_19 = vector.extract_strided_slice %add3A_9 {offsets = [0, 16], sizes = [1000, 16], strides = [1, 1]} : vector<1000x128xf32> to vector<1000x16xf32>
    %convert_element_type3A_20 = arith.truncf %slice3A_19 : vector<1000x16xf32> to vector<1000x16xbf16>
    %bitcast_convert_type3A_21 = tpu.bitcast %convert_element_type3A_20 : vector<1000x16xbf16> -> vector<1000x16xi16>
    %convert_element_type3A_22 = arith.extui %bitcast_convert_type3A_21 : vector<1000x16xi16> to vector<1000x16xi32>
    %shift_left3A = arith.constant 16 : i32
    %shift_left3A_23 = vector.broadcast %shift_left3A : i32 to vector<1000x16xi32>
    %shift_left3A_24 = arith.shli %convert_element_type3A_22, %shift_left3A_23 : vector<1000x16xi32>
    %or3A = arith.ori %convert_element_type3A_18, %shift_left3A_24 : vector<1000x16xi32>
    %bitcast_convert_type3A_25 = tpu.bitcast %or3A : vector<1000x16xi32> -> vector<1000x16xf32>
    %slice3A_26 = vector.extract_strided_slice %add3A_9 {offsets = [0, 32], sizes = [1000, 16], strides = [1, 1]} : vector<1000x128xf32> to vector<1000x16xf32>
    %convert_element_type3A_27 = arith.truncf %slice3A_26 : vector<1000x16xf32> to vector<1000x16xbf16>
    %bitcast_convert_type3A_28 = tpu.bitcast %convert_element_type3A_27 : vector<1000x16xbf16> -> vector<1000x16xi16>
    %convert_element_type3A_29 = arith.extui %bitcast_convert_type3A_28 : vector<1000x16xi16> to vector<1000x16xi32>
    %slice3A_30 = vector.extract_strided_slice %add3A_9 {offsets = [0, 48], sizes = [1000, 16], strides = [1, 1]} : vector<1000x128xf32> to vector<1000x16xf32>
    %convert_element_type3A_31 = arith.truncf %slice3A_30 : vector<1000x16xf32> to vector<1000x16xbf16>
    %bitcast_convert_type3A_32 = tpu.bitcast %convert_element_type3A_31 : vector<1000x16xbf16> -> vector<1000x16xi16>
    %convert_element_type3A_33 = arith.extui %bitcast_convert_type3A_32 : vector<1000x16xi16> to vector<1000x16xi32>
    %shift_left3A_34 = arith.constant 16 : i32
    %shift_left3A_35 = vector.broadcast %shift_left3A_34 : i32 to vector<1000x16xi32>
    %shift_left3A_36 = arith.shli %convert_element_type3A_33, %shift_left3A_35 : vector<1000x16xi32>
    %or3A_37 = arith.ori %convert_element_type3A_29, %shift_left3A_36 : vector<1000x16xi32>
    %bitcast_convert_type3A_38 = tpu.bitcast %or3A_37 : vector<1000x16xi32> -> vector<1000x16xf32>
    %concatenate3A_39 = tpu.concatenate %bitcast_convert_type3A_25, %bitcast_convert_type3A_38, %concatenate3A in 1 : vector<1000x16xf32>, vector<1000x16xf32>, vector<1000x16xf32> -> vector<1000x48xf32>
    %swap3A = arith.constant 0 : index
    %swap3A_40 = arith.constant 0 : index
    %swap3A_41 = vector.load %arg11[%swap3A, %swap3A_40] : memref<1000x48xf32, #tpu.memory_space<vmem>>, vector<1000x48xf32>
    tpu.vector_store %arg11[%swap3A, %swap3A_40], %concatenate3A_39 {strides = array<i32>} : memref<1000x48xf32, #tpu.memory_space<vmem>>, vector<1000x48xf32>,
    %slice3A_42 = vector.extract_strided_slice %add3A_9 {offsets = [0, 64], sizes = [1000, 16], strides = [1, 1]} : vector<1000x128xf32> to vector<1000x16xf32>
    %convert_element_type3A_43 = arith.truncf %slice3A_42 : vector<1000x16xf32> to vector<1000x16xbf16>
    %bitcast_convert_type3A_44 = tpu.bitcast %convert_element_type3A_43 : vector<1000x16xbf16> -> vector<1000x16xi16>
    %convert_element_type3A_45 = arith.extui %bitcast_convert_type3A_44 : vector<1000x16xi16> to vector<1000x16xi32>
    %slice3A_46 = vector.extract_strided_slice %add3A_9 {offsets = [0, 80], sizes = [1000, 16], strides = [1, 1]} : vector<1000x128xf32> to vector<1000x16xf32>
    %convert_element_type3A_47 = arith.truncf %slice3A_46 : vector<1000x16xf32> to vector<1000x16xbf16>
    %bitcast_convert_type3A_48 = tpu.bitcast %convert_element_type3A_47 : vector<1000x16xbf16> -> vector<1000x16xi16>
    %convert_element_type3A_49 = arith.extui %bitcast_convert_type3A_48 : vector<1000x16xi16> to vector<1000x16xi32>
    %shift_left3A_50 = arith.constant 16 : i32
    %shift_left3A_51 = vector.broadcast %shift_left3A_50 : i32 to vector<1000x16xi32>
    %shift_left3A_52 = arith.shli %convert_element_type3A_49, %shift_left3A_51 : vector<1000x16xi32>
    %or3A_53 = arith.ori %convert_element_type3A_45, %shift_left3A_52 : vector<1000x16xi32>
    %bitcast_convert_type3A_54 = tpu.bitcast %or3A_53 : vector<1000x16xi32> -> vector<1000x16xf32>
    %slice3A_55 = vector.extract_strided_slice %add3A_9 {offsets = [0, 96], sizes = [1000, 16], strides = [1, 1]} : vector<1000x128xf32> to vector<1000x16xf32>
    %convert_element_type3A_56 = arith.truncf %slice3A_55 : vector<1000x16xf32> to vector<1000x16xbf16>
    %bitcast_convert_type3A_57 = tpu.bitcast %convert_element_type3A_56 : vector<1000x16xbf16> -> vector<1000x16xi16>
    %convert_element_type3A_58 = arith.extui %bitcast_convert_type3A_57 : vector<1000x16xi16> to vector<1000x16xi32>
    %slice3A_59 = vector.extract_strided_slice %add3A_9 {offsets = [0, 112], sizes = [1000, 16], strides = [1, 1]} : vector<1000x128xf32> to vector<1000x16xf32>
    %convert_element_type3A_60 = arith.truncf %slice3A_59 : vector<1000x16xf32> to vector<1000x16xbf16>
    %bitcast_convert_type3A_61 = tpu.bitcast %convert_element_type3A_60 : vector<1000x16xbf16> -> vector<1000x16xi16>
    %convert_element_type3A_62 = arith.extui %bitcast_convert_type3A_61 : vector<1000x16xi16> to vector<1000x16xi32>
    %shift_left3A_63 = arith.constant 16 : i32
    %shift_left3A_64 = vector.broadcast %shift_left3A_63 : i32 to vector<1000x16xi32>
    %shift_left3A_65 = arith.shli %convert_element_type3A_62, %shift_left3A_64 : vector<1000x16xi32>
    %or3A_66 = arith.ori %convert_element_type3A_58, %shift_left3A_65 : vector<1000x16xi32>
    %bitcast_convert_type3A_67 = tpu.bitcast %or3A_66 : vector<1000x16xi32> -> vector<1000x16xf32>
    %concatenate3A_68 = tpu.concatenate %bitcast_convert_type3A_54, %bitcast_convert_type3A_67, %concatenate3A in 1 : vector<1000x16xf32>, vector<1000x16xf32>, vector<1000x16xf32> -> vector<1000x48xf32>
    %swap3A_69 = arith.constant 0 : index
    %swap3A_70 = arith.constant 0 : index
    %swap3A_71 = vector.load %arg12[%swap3A_69, %swap3A_70] : memref<1000x48xf32, #tpu.memory_space<vmem>>, vector<1000x48xf32>
    tpu.vector_store %arg12[%swap3A_69, %swap3A_70], %concatenate3A_68 {strides = array<i32>} : memref<1000x48xf32, #tpu.memory_space<vmem>>, vector<1000x48xf32>,
    %get3A_72 = arith.constant 0 : index
    %get3A_73 = arith.constant 0 : index
    %get3A_74 = vector.load %arg3[%get3A_72, %get3A_73] : memref<1000x128xf32, #tpu.memory_space<vmem>>, vector<1000x128xf32>
    %get3A_75 = arith.constant 0 : index
    %get3A_76 = arith.constant 0 : index
    %get3A_77 = vector.load %arg7[%get3A_75, %get3A_76] : memref<128x128xf32, #tpu.memory_space<vmem>>, vector<128x128xf32>
    %dot_general3A_78 = arith.constant dense<0.000000e+00> : vector<1000x128xf32>
    %dot_general3A_79 = tpu.matmul %get3A_74, %get3A_77, %dot_general3A_78 {dimension_numbers = #tpu.dot_dimension_numbers<[1], [0], [0], [1], [0, 0, 1, 1], [], []>, transpose_lhs_hint = false} : vector<1000x128xf32>, vector<128x128xf32>, vector<1000x128xf32> -> vector<1000x128xf32>
    %get3A_80 = arith.constant 0 : index
    %get3A_81 = arith.constant 0 : index
    %get3A_82 = vector.load %arg8[%get3A_80, %get3A_81] : memref<1x128xf32, #tpu.memory_space<vmem>>, vector<1x128xf32>
    %add3A_83 = vector.broadcast %get3A_82 : vector<1x128xf32> to vector<1000x128xf32>
    %add3A_84 = arith.addf %dot_general3A_79, %add3A_83 : vector<1000x128xf32>
    %get3A_85 = arith.constant 0 : index
    %get3A_86 = arith.constant 0 : index
    %get3A_87 = vector.load %arg9[%get3A_85, %get3A_86] : memref<128x128xf32, #tpu.memory_space<vmem>>, vector<128x128xf32>
    %dot_general3A_88 = arith.constant dense<0.000000e+00> : vector<1000x128xf32>
    %dot_general3A_89 = tpu.matmul %get3A_74, %get3A_87, %dot_general3A_88 {dimension_numbers = #tpu.dot_dimension_numbers<[1], [0], [0], [1], [0, 0, 1, 1], [], []>, transpose_lhs_hint = false} : vector<1000x128xf32>, vector<128x128xf32>, vector<1000x128xf32> -> vector<1000x128xf32>
    %get3A_90 = arith.constant 0 : index
    %get3A_91 = arith.constant 0 : index
    %get3A_92 = vector.load %arg10[%get3A_90, %get3A_91] : memref<1x128xf32, #tpu.memory_space<vmem>>, vector<1x128xf32>
    %add3A_93 = vector.broadcast %get3A_92 : vector<1x128xf32> to vector<1000x128xf32>
    %add3A_94 = arith.addf %dot_general3A_89, %add3A_93 : vector<1000x128xf32>
    %get3A_95 = arith.constant 0 : index
    %get3A_96 = arith.constant 0 : index
    %get3A_97 = vector.load %arg4[%get3A_95, %get3A_96] : memref<1000x3xf32, #tpu.memory_space<vmem>>, vector<1000x3xf32>
    %mul3A_98 = arith.mulf %get3A_97, %get3A_97 : vector<1000x3xf32>
    %reduce_sum3A_99 = arith.constant dense<0.000000e+00> : vector<1000xf32>
    %reduce_sum3A_100 = vector.multi_reduction <add>, %mul3A_98, %reduce_sum3A_99 [1] : vector<1000x3xf32> to vector<1000xf32>
    %broadcast_in_dim3A_101 = vector.shape_cast %reduce_sum3A_100 : vector<1000xf32> to vector<1000x1xf32>
    %broadcast_in_dim3A_102 = arith.constant 1.000000e+00 : f32
    %broadcast_in_dim3A_103 = vector.broadcast %broadcast_in_dim3A_102 : f32 to vector<1000x1xf32>
    %mul3A_104 = arith.constant -2.000000e+00 : f32
    %mul3A_105 = vector.broadcast %mul3A_104 : f32 to vector<1000x3xf32>
    %mul3A_106 = arith.mulf %mul3A_105, %get3A_97 : vector<1000x3xf32>
    %concatenate3A_107 = tpu.concatenate %mul3A_106, %broadcast_in_dim3A_103, %broadcast_in_dim3A_101, %broadcast_in_dim3A_17 in 1 : vector<1000x3xf32>, vector<1000x1xf32>, vector<1000x1xf32>, vector<1000x11xf32> -> vector<1000x16xf32>
    %slice3A_108 = vector.extract_strided_slice %add3A_84 {offsets = [0, 0], sizes = [1000, 16], strides = [1, 1]} : vector<1000x128xf32> to vector<1000x16xf32>
    %convert_element_type3A_109 = arith.truncf %slice3A_108 : vector<1000x16xf32> to vector<1000x16xbf16>
    %bitcast_convert_type3A_110 = tpu.bitcast %convert_element_type3A_109 : vector<1000x16xbf16> -> vector<1000x16xi16>
    %convert_element_type3A_111 = arith.extui %bitcast_convert_type3A_110 : vector<1000x16xi16> to vector<1000x16xi32>
    %slice3A_112 = vector.extract_strided_slice %add3A_84 {offsets = [0, 16], sizes = [1000, 16], strides = [1, 1]} : vector<1000x128xf32> to vector<1000x16xf32>
    %convert_element_type3A_113 = arith.truncf %slice3A_112 : vector<1000x16xf32> to vector<1000x16xbf16>
    %bitcast_convert_type3A_114 = tpu.bitcast %convert_element_type3A_113 : vector<1000x16xbf16> -> vector<1000x16xi16>
    %convert_element_type3A_115 = arith.extui %bitcast_convert_type3A_114 : vector<1000x16xi16> to vector<1000x16xi32>
    %shift_left3A_116 = arith.constant 16 : i32
    %shift_left3A_117 = vector.broadcast %shift_left3A_116 : i32 to vector<1000x16xi32>
    %shift_left3A_118 = arith.shli %convert_element_type3A_115, %shift_left3A_117 : vector<1000x16xi32>
    %or3A_119 = arith.ori %convert_element_type3A_111, %shift_left3A_118 : vector<1000x16xi32>
    %bitcast_convert_type3A_120 = tpu.bitcast %or3A_119 : vector<1000x16xi32> -> vector<1000x16xf32>
    %slice3A_121 = vector.extract_strided_slice %add3A_84 {offsets = [0, 32], sizes = [1000, 16], strides = [1, 1]} : vector<1000x128xf32> to vector<1000x16xf32>
    %convert_element_type3A_122 = arith.truncf %slice3A_121 : vector<1000x16xf32> to vector<1000x16xbf16>
    %bitcast_convert_type3A_123 = tpu.bitcast %convert_element_type3A_122 : vector<1000x16xbf16> -> vector<1000x16xi16>
    %convert_element_type3A_124 = arith.extui %bitcast_convert_type3A_123 : vector<1000x16xi16> to vector<1000x16xi32>
    %slice3A_125 = vector.extract_strided_slice %add3A_84 {offsets = [0, 48], sizes = [1000, 16], strides = [1, 1]} : vector<1000x128xf32> to vector<1000x16xf32>
    %convert_element_type3A_126 = arith.truncf %slice3A_125 : vector<1000x16xf32> to vector<1000x16xbf16>
    %bitcast_convert_type3A_127 = tpu.bitcast %convert_element_type3A_126 : vector<1000x16xbf16> -> vector<1000x16xi16>
    %convert_element_type3A_128 = arith.extui %bitcast_convert_type3A_127 : vector<1000x16xi16> to vector<1000x16xi32>
    %shift_left3A_129 = arith.constant 16 : i32
    %shift_left3A_130 = vector.broadcast %shift_left3A_129 : i32 to vector<1000x16xi32>
    %shift_left3A_131 = arith.shli %convert_element_type3A_128, %shift_left3A_130 : vector<1000x16xi32>
    %or3A_132 = arith.ori %convert_element_type3A_124, %shift_left3A_131 : vector<1000x16xi32>
    %bitcast_convert_type3A_133 = tpu.bitcast %or3A_132 : vector<1000x16xi32> -> vector<1000x16xf32>
    %slice3A_134 = vector.extract_strided_slice %add3A_94 {offsets = [0, 0], sizes = [1000, 16], strides = [1, 1]} : vector<1000x128xf32> to vector<1000x16xf32>
    %convert_element_type3A_135 = arith.truncf %slice3A_134 : vector<1000x16xf32> to vector<1000x16xbf16>
    %bitcast_convert_type3A_136 = tpu.bitcast %convert_element_type3A_135 : vector<1000x16xbf16> -> vector<1000x16xi16>
    %convert_element_type3A_137 = arith.extui %bitcast_convert_type3A_136 : vector<1000x16xi16> to vector<1000x16xi32>
    %slice3A_138 = vector.extract_strided_slice %add3A_94 {offsets = [0, 16], sizes = [1000, 16], strides = [1, 1]} : vector<1000x128xf32> to vector<1000x16xf32>
    %convert_element_type3A_139 = arith.truncf %slice3A_138 : vector<1000x16xf32> to vector<1000x16xbf16>
    %bitcast_convert_type3A_140 = tpu.bitcast %convert_element_type3A_139 : vector<1000x16xbf16> -> vector<1000x16xi16>
    %convert_element_type3A_141 = arith.extui %bitcast_convert_type3A_140 : vector<1000x16xi16> to vector<1000x16xi32>
    %shift_left3A_142 = arith.constant 16 : i32
    %shift_left3A_143 = vector.broadcast %shift_left3A_142 : i32 to vector<1000x16xi32>
    %shift_left3A_144 = arith.shli %convert_element_type3A_141, %shift_left3A_143 : vector<1000x16xi32>
    %or3A_145 = arith.ori %convert_element_type3A_137, %shift_left3A_144 : vector<1000x16xi32>
    %bitcast_convert_type3A_146 = tpu.bitcast %or3A_145 : vector<1000x16xi32> -> vector<1000x16xf32>
    %slice3A_147 = vector.extract_strided_slice %add3A_94 {offsets = [0, 32], sizes = [1000, 16], strides = [1, 1]} : vector<1000x128xf32> to vector<1000x16xf32>
    %convert_element_type3A_148 = arith.truncf %slice3A_147 : vector<1000x16xf32> to vector<1000x16xbf16>
    %bitcast_convert_type3A_149 = tpu.bitcast %convert_element_type3A_148 : vector<1000x16xbf16> -> vector<1000x16xi16>
    %convert_element_type3A_150 = arith.extui %bitcast_convert_type3A_149 : vector<1000x16xi16> to vector<1000x16xi32>
    %slice3A_151 = vector.extract_strided_slice %add3A_94 {offsets = [0, 48], sizes = [1000, 16], strides = [1, 1]} : vector<1000x128xf32> to vector<1000x16xf32>
    %convert_element_type3A_152 = arith.truncf %slice3A_151 : vector<1000x16xf32> to vector<1000x16xbf16>
    %bitcast_convert_type3A_153 = tpu.bitcast %convert_element_type3A_152 : vector<1000x16xbf16> -> vector<1000x16xi16>
    %convert_element_type3A_154 = arith.extui %bitcast_convert_type3A_153 : vector<1000x16xi16> to vector<1000x16xi32>
    %shift_left3A_155 = arith.constant 16 : i32
    %shift_left3A_156 = vector.broadcast %shift_left3A_155 : i32 to vector<1000x16xi32>
    %shift_left3A_157 = arith.shli %convert_element_type3A_154, %shift_left3A_156 : vector<1000x16xi32>
    %or3A_158 = arith.ori %convert_element_type3A_150, %shift_left3A_157 : vector<1000x16xi32>
    %bitcast_convert_type3A_159 = tpu.bitcast %or3A_158 : vector<1000x16xi32> -> vector<1000x16xf32>
    %concatenate3A_160 = tpu.concatenate %bitcast_convert_type3A_120, %bitcast_convert_type3A_133, %concatenate3A_107, %bitcast_convert_type3A_146, %bitcast_convert_type3A_159 in 1 : vector<1000x16xf32>, vector<1000x16xf32>, vector<1000x16xf32>, vector<1000x16xf32>, vector<1000x16xf32> -> vector<1000x80xf32>
    %swap3A_161 = arith.constant 0 : index
    %swap3A_162 = arith.constant 0 : index
    %swap3A_163 = vector.load %arg13[%swap3A_161, %swap3A_162] : memref<1000x80xf32, #tpu.memory_space<vmem>>, vector<1000x80xf32>
    tpu.vector_store %arg13[%swap3A_161, %swap3A_162], %concatenate3A_160 {strides = array<i32>} : memref<1000x80xf32, #tpu.memory_space<vmem>>, vector<1000x80xf32>,
    %slice3A_164 = vector.extract_strided_slice %add3A_84 {offsets = [0, 64], sizes = [1000, 16], strides = [1, 1]} : vector<1000x128xf32> to vector<1000x16xf32>
    %convert_element_type3A_165 = arith.truncf %slice3A_164 : vector<1000x16xf32> to vector<1000x16xbf16>
    %bitcast_convert_type3A_166 = tpu.bitcast %convert_element_type3A_165 : vector<1000x16xbf16> -> vector<1000x16xi16>
    %convert_element_type3A_167 = arith.extui %bitcast_convert_type3A_166 : vector<1000x16xi16> to vector<1000x16xi32>
    %slice3A_168 = vector.extract_strided_slice %add3A_84 {offsets = [0, 80], sizes = [1000, 16], strides = [1, 1]} : vector<1000x128xf32> to vector<1000x16xf32>
    %convert_element_type3A_169 = arith.truncf %slice3A_168 : vector<1000x16xf32> to vector<1000x16xbf16>
    %bitcast_convert_type3A_170 = tpu.bitcast %convert_element_type3A_169 : vector<1000x16xbf16> -> vector<1000x16xi16>
    %convert_element_type3A_171 = arith.extui %bitcast_convert_type3A_170 : vector<1000x16xi16> to vector<1000x16xi32>
    %shift_left3A_172 = arith.constant 16 : i32
    %shift_left3A_173 = vector.broadcast %shift_left3A_172 : i32 to vector<1000x16xi32>
    %shift_left3A_174 = arith.shli %convert_element_type3A_171, %shift_left3A_173 : vector<1000x16xi32>
    %or3A_175 = arith.ori %convert_element_type3A_167, %shift_left3A_174 : vector<1000x16xi32>
    %bitcast_convert_type3A_176 = tpu.bitcast %or3A_175 : vector<1000x16xi32> -> vector<1000x16xf32>
    %slice3A_177 = vector.extract_strided_slice %add3A_84 {offsets = [0, 96], sizes = [1000, 16], strides = [1, 1]} : vector<1000x128xf32> to vector<1000x16xf32>
    %convert_element_type3A_178 = arith.truncf %slice3A_177 : vector<1000x16xf32> to vector<1000x16xbf16>
    %bitcast_convert_type3A_179 = tpu.bitcast %convert_element_type3A_178 : vector<1000x16xbf16> -> vector<1000x16xi16>
    %convert_element_type3A_180 = arith.extui %bitcast_convert_type3A_179 : vector<1000x16xi16> to vector<1000x16xi32>
    %slice3A_181 = vector.extract_strided_slice %add3A_84 {offsets = [0, 112], sizes = [1000, 16], strides = [1, 1]} : vector<1000x128xf32> to vector<1000x16xf32>
    %convert_element_type3A_182 = arith.truncf %slice3A_181 : vector<1000x16xf32> to vector<1000x16xbf16>
    %bitcast_convert_type3A_183 = tpu.bitcast %convert_element_type3A_182 : vector<1000x16xbf16> -> vector<1000x16xi16>
    %convert_element_type3A_184 = arith.extui %bitcast_convert_type3A_183 : vector<1000x16xi16> to vector<1000x16xi32>
    %shift_left3A_185 = arith.constant 16 : i32
    %shift_left3A_186 = vector.broadcast %shift_left3A_185 : i32 to vector<1000x16xi32>
    %shift_left3A_187 = arith.shli %convert_element_type3A_184, %shift_left3A_186 : vector<1000x16xi32>
    %or3A_188 = arith.ori %convert_element_type3A_180, %shift_left3A_187 : vector<1000x16xi32>
    %bitcast_convert_type3A_189 = tpu.bitcast %or3A_188 : vector<1000x16xi32> -> vector<1000x16xf32>
    %slice3A_190 = vector.extract_strided_slice %add3A_94 {offsets = [0, 64], sizes = [1000, 16], strides = [1, 1]} : vector<1000x128xf32> to vector<1000x16xf32>
    %convert_element_type3A_191 = arith.truncf %slice3A_190 : vector<1000x16xf32> to vector<1000x16xbf16>
    %bitcast_convert_type3A_192 = tpu.bitcast %convert_element_type3A_191 : vector<1000x16xbf16> -> vector<1000x16xi16>
    %convert_element_type3A_193 = arith.extui %bitcast_convert_type3A_192 : vector<1000x16xi16> to vector<1000x16xi32>
    %slice3A_194 = vector.extract_strided_slice %add3A_94 {offsets = [0, 80], sizes = [1000, 16], strides = [1, 1]} : vector<1000x128xf32> to vector<1000x16xf32>
    %convert_element_type3A_195 = arith.truncf %slice3A_194 : vector<1000x16xf32> to vector<1000x16xbf16>
    %bitcast_convert_type3A_196 = tpu.bitcast %convert_element_type3A_195 : vector<1000x16xbf16> -> vector<1000x16xi16>
    %convert_element_type3A_197 = arith.extui %bitcast_convert_type3A_196 : vector<1000x16xi16> to vector<1000x16xi32>
    %shift_left3A_198 = arith.constant 16 : i32
    %shift_left3A_199 = vector.broadcast %shift_left3A_198 : i32 to vector<1000x16xi32>
    %shift_left3A_200 = arith.shli %convert_element_type3A_197, %shift_left3A_199 : vector<1000x16xi32>
    %or3A_201 = arith.ori %convert_element_type3A_193, %shift_left3A_200 : vector<1000x16xi32>
    %bitcast_convert_type3A_202 = tpu.bitcast %or3A_201 : vector<1000x16xi32> -> vector<1000x16xf32>
    %slice3A_203 = vector.extract_strided_slice %add3A_94 {offsets = [0, 96], sizes = [1000, 16], strides = [1, 1]} : vector<1000x128xf32> to vector<1000x16xf32>
    %convert_element_type3A_204 = arith.truncf %slice3A_203 : vector<1000x16xf32> to vector<1000x16xbf16>
    %bitcast_convert_type3A_205 = tpu.bitcast %convert_element_type3A_204 : vector<1000x16xbf16> -> vector<1000x16xi16>
    %convert_element_type3A_206 = arith.extui %bitcast_convert_type3A_205 : vector<1000x16xi16> to vector<1000x16xi32>
    %slice3A_207 = vector.extract_strided_slice %add3A_94 {offsets = [0, 112], sizes = [1000, 16], strides = [1, 1]} : vector<1000x128xf32> to vector<1000x16xf32>
    %convert_element_type3A_208 = arith.truncf %slice3A_207 : vector<1000x16xf32> to vector<1000x16xbf16>
    %bitcast_convert_type3A_209 = tpu.bitcast %convert_element_type3A_208 : vector<1000x16xbf16> -> vector<1000x16xi16>
    %convert_element_type3A_210 = arith.extui %bitcast_convert_type3A_209 : vector<1000x16xi16> to vector<1000x16xi32>
    %shift_left3A_211 = arith.constant 16 : i32
    %shift_left3A_212 = vector.broadcast %shift_left3A_211 : i32 to vector<1000x16xi32>
    %shift_left3A_213 = arith.shli %convert_element_type3A_210, %shift_left3A_212 : vector<1000x16xi32>
    %or3A_214 = arith.ori %convert_element_type3A_206, %shift_left3A_213 : vector<1000x16xi32>
    %bitcast_convert_type3A_215 = tpu.bitcast %or3A_214 : vector<1000x16xi32> -> vector<1000x16xf32>
    %concatenate3A_216 = tpu.concatenate %bitcast_convert_type3A_176, %bitcast_convert_type3A_189, %concatenate3A_107, %bitcast_convert_type3A_202, %bitcast_convert_type3A_215 in 1 : vector<1000x16xf32>, vector<1000x16xf32>, vector<1000x16xf32>, vector<1000x16xf32>, vector<1000x16xf32> -> vector<1000x80xf32>
    %swap3A_217 = arith.constant 0 : index
    %swap3A_218 = arith.constant 0 : index
    %swap3A_219 = vector.load %arg14[%swap3A_217, %swap3A_218] : memref<1000x80xf32, #tpu.memory_space<vmem>>, vector<1000x80xf32>
    tpu.vector_store %arg14[%swap3A_217, %swap3A_218], %concatenate3A_216 {strides = array<i32>} : memref<1000x80xf32, #tpu.memory_space<vmem>>, vector<1000x80xf32>,
    return
  }
  func.func @transform_0(%arg0: i32) -> (i32, i32) {
    %c0_i32 = arith.constant 0 : i32
    %c0_i32_0 = arith.constant 0 : i32
    return %arg0, %c0_i32 : i32, i32
  }
  func.func @transform_1(%arg0: i32) -> (i32, i32) {
    %c0_i32 = arith.constant 0 : i32
    %c0_i32_0 = arith.constant 0 : i32
    return %arg0, %c0_i32 : i32, i32
  }
  func.func @transform_2(%arg0: i32) -> (i32, i32) {
    %c0_i32 = arith.constant 0 : i32
    %c0_i32_0 = arith.constant 0 : i32
    return %arg0, %c0_i32 : i32, i32
  }
  func.func @transform_3(%arg0: i32) -> (i32, i32) {
    %c0_i32 = arith.constant 0 : i32
    %c0_i32_0 = arith.constant 0 : i32
    return %arg0, %c0_i32 : i32, i32
  }
  func.func @transform_4(%arg0: i32) -> (i32, i32) {
    %c0_i32 = arith.constant 0 : i32
    %c0_i32_0 = arith.constant 0 : i32
    %c0_i32_1 = arith.constant 0 : i32
    return %c0_i32, %c0_i32_0 : i32, i32
  }
  func.func @transform_5(%arg0: i32) -> (i32, i32) {
    %c0_i32 = arith.constant 0 : i32
    %c0_i32_0 = arith.constant 0 : i32
    %c0_i32_1 = arith.constant 0 : i32
    return %c0_i32, %c0_i32_0 : i32, i32
  }
  func.func @transform_6(%arg0: i32) -> (i32, i32) {
    %c0_i32 = arith.constant 0 : i32
    %c0_i32_0 = arith.constant 0 : i32
    %c0_i32_1 = arith.constant 0 : i32
    return %c0_i32, %c0_i32_0 : i32, i32
  }
  func.func @transform_7(%arg0: i32) -> (i32, i32) {
    %c0_i32 = arith.constant 0 : i32
    %c0_i32_0 = arith.constant 0 : i32
    %c0_i32_1 = arith.constant 0 : i32
    return %c0_i32, %c0_i32_0 : i32, i32
  }
  func.func @transform_8(%arg0: i32) -> (i32, i32) {
    %c0_i32 = arith.constant 0 : i32
    %c0_i32_0 = arith.constant 0 : i32
    %c0_i32_1 = arith.constant 0 : i32
    return %c0_i32, %c0_i32_0 : i32, i32
  }
  func.func @transform_9(%arg0: i32) -> (i32, i32) {
    %c0_i32 = arith.constant 0 : i32
    %c0_i32_0 = arith.constant 0 : i32
    %c0_i32_1 = arith.constant 0 : i32
    return %c0_i32, %c0_i32_0 : i32, i32
  }
  func.func @transform_10(%arg0: i32) -> (i32, i32) {
    %c0_i32 = arith.constant 0 : i32
    %c0_i32_0 = arith.constant 0 : i32
    return %arg0, %c0_i32 : i32, i32
  }
  func.func @transform_11(%arg0: i32) -> (i32, i32) {
    %c0_i32 = arith.constant 0 : i32
    %c0_i32_0 = arith.constant 0 : i32
    return %arg0, %c0_i32 : i32, i32
  }
  func.func @transform_12(%arg0: i32) -> (i32, i32) {
    %c0_i32 = arith.constant 0 : i32
    %c0_i32_0 = arith.constant 0 : i32
    return %arg0, %c0_i32 : i32, i32
  }
  func.func @transform_13(%arg0: i32) -> (i32, i32) {
    %c0_i32 = arith.constant 0 : i32
    %c0_i32_0 = arith.constant 0 : i32
    return %arg0, %c0_i32 : i32, i32
  }
}

module attributes {stable_mosaic.version = 14 : i64} {
  func.func @body(%arg0: i32, %arg1: memref<2x1000x80xf32, #tpu.memory_space<vmem>>, %arg2: memref<2x1000x80xf32, #tpu.memory_space<vmem>>, %arg3: memref<128x128xf32, #tpu.memory_space<vmem>>, %arg4: memref<1x128xf32, #tpu.memory_space<vmem>>, %arg5: memref<128x256xf32, #tpu.memory_space<vmem>>, %arg6: memref<1x256xf32, #tpu.memory_space<vmem>>, %arg7: memref<256x128xf32, #tpu.memory_space<vmem>>, %arg8: memref<1x128xf32, #tpu.memory_space<vmem>>, %arg9: memref<8x128xf32, #tpu.memory_space<vmem>>, %arg10: memref<1000x128xf32, #tpu.memory_space<vmem>>) attributes {dimension_semantics = [#tpu.dimension_semantics<arbitrary>], iteration_bounds = array<i64: 10>, scalar_prefetch = 0 : i64, scratch_operands = 0 : i64, tpu.core_type = #tpu.core_type<tc>, window_params = [{transform_indices = @transform_0, window_bounds = array<i64: 2, 1000, 80>}, {transform_indices = @transform_1, window_bounds = array<i64: 2, 1000, 80>}, {pipeline_mode = #tpu.pipeline_mode<synchronous>, transform_indices = @transform_2, window_bounds = array<i64: 128, 128>}, {pipeline_mode = #tpu.pipeline_mode<synchronous>, transform_indices = @transform_3, window_bounds = array<i64: 1, 128>}, {pipeline_mode = #tpu.pipeline_mode<synchronous>, transform_indices = @transform_4, window_bounds = array<i64: 128, 256>}, {pipeline_mode = #tpu.pipeline_mode<synchronous>, transform_indices = @transform_5, window_bounds = array<i64: 1, 256>}, {pipeline_mode = #tpu.pipeline_mode<synchronous>, transform_indices = @transform_6, window_bounds = array<i64: 256, 128>}, {pipeline_mode = #tpu.pipeline_mode<synchronous>, transform_indices = @transform_7, window_bounds = array<i64: 1, 128>}, {pipeline_mode = #tpu.pipeline_mode<synchronous>, transform_indices = @transform_8, window_bounds = array<i64: 8, 128>}, {transform_indices = @transform_9, window_bounds = array<i64: 1000, 128>}]} {
    %get3A = arith.constant 0 : index
    %get3A_0 = arith.constant 0 : index
    %get3A_1 = arith.constant 0 : index
    %get3A_2 = vector.load %arg1[%get3A, %get3A_0, %get3A_1] : memref<2x1000x80xf32, #tpu.memory_space<vmem>>, vector<2x1000x80xf32>
    %reduce_sum3A = arith.constant dense<0.000000e+00> : vector<1000x80xf32>
    %reduce_sum3A_3 = vector.multi_reduction <add>, %get3A_2, %reduce_sum3A [0] : vector<2x1000x80xf32> to vector<1000x80xf32>
    %get3A_4 = arith.constant 0 : index
    %get3A_5 = arith.constant 0 : index
    %get3A_6 = arith.constant 0 : index
    %get3A_7 = vector.load %arg2[%get3A_4, %get3A_5, %get3A_6] : memref<2x1000x80xf32, #tpu.memory_space<vmem>>, vector<2x1000x80xf32>
    %reduce_sum3A_8 = arith.constant dense<0.000000e+00> : vector<1000x80xf32>
    %reduce_sum3A_9 = vector.multi_reduction <add>, %get3A_7, %reduce_sum3A_8 [0] : vector<2x1000x80xf32> to vector<1000x80xf32>
    %slice3A = vector.extract_strided_slice %reduce_sum3A_3 {offsets = [0, 0], sizes = [1000, 64], strides = [1, 1]} : vector<1000x80xf32> to vector<1000x64xf32>
    %slice3A_10 = vector.extract_strided_slice %reduce_sum3A_9 {offsets = [0, 0], sizes = [1000, 64], strides = [1, 1]} : vector<1000x80xf32> to vector<1000x64xf32>
    %concatenate3A = tpu.concatenate %slice3A, %slice3A_10 in 1 : vector<1000x64xf32>, vector<1000x64xf32> -> vector<1000x128xf32>
    %slice3A_11 = vector.extract_strided_slice %reduce_sum3A_3 {offsets = [0, 64], sizes = [1000, 4], strides = [1, 1]} : vector<1000x80xf32> to vector<1000x4xf32>
    %slice3A_12 = vector.extract_strided_slice %reduce_sum3A_9 {offsets = [0, 64], sizes = [1000, 4], strides = [1, 1]} : vector<1000x80xf32> to vector<1000x4xf32>
    %concatenate3A_13 = tpu.concatenate %slice3A_11, %slice3A_12 in 1 : vector<1000x4xf32>, vector<1000x4xf32> -> vector<1000x8xf32>
    %add3A = arith.constant 1.000000e-16 : f32
    %add3A_14 = vector.broadcast %add3A : f32 to vector<1000x8xf32>
    %add3A_15 = arith.addf %concatenate3A_13, %add3A_14 : vector<1000x8xf32>
    %get3A_16 = arith.constant 0 : index
    %get3A_17 = arith.constant 0 : index
    %get3A_18 = vector.load %arg9[%get3A_16, %get3A_17] : memref<8x128xf32, #tpu.memory_space<vmem>>, vector<8x128xf32>
    %dot_general3A = arith.constant dense<0.000000e+00> : vector<1000x128xf32>
    %dot_general3A_19 = tpu.matmul %add3A_15, %get3A_18, %dot_general3A {dimension_numbers = #tpu.dot_dimension_numbers<[1], [0], [0], [1], [0, 0, 1, 1], [], []>, transpose_lhs_hint = false} : vector<1000x8xf32>, vector<8x128xf32>, vector<1000x128xf32> -> vector<1000x128xf32>
    %div3A = arith.divf %concatenate3A, %dot_general3A_19 : vector<1000x128xf32>
    %get3A_20 = arith.constant 0 : index
    %get3A_21 = arith.constant 0 : index
    %get3A_22 = vector.load %arg3[%get3A_20, %get3A_21] : memref<128x128xf32, #tpu.memory_space<vmem>>, vector<128x128xf32>
    %dot_general3A_23 = arith.constant dense<0.000000e+00> : vector<1000x128xf32>
    %dot_general3A_24 = tpu.matmul %div3A, %get3A_22, %dot_general3A_23 {dimension_numbers = #tpu.dot_dimension_numbers<[1], [0], [0], [1], [0, 0, 1, 1], [], []>, transpose_lhs_hint = false} : vector<1000x128xf32>, vector<128x128xf32>, vector<1000x128xf32> -> vector<1000x128xf32>
    %get3A_25 = arith.constant 0 : index
    %get3A_26 = arith.constant 0 : index
    %get3A_27 = vector.load %arg4[%get3A_25, %get3A_26] : memref<1x128xf32, #tpu.memory_space<vmem>>, vector<1x128xf32>
    %add3A_28 = vector.broadcast %get3A_27 : vector<1x128xf32> to vector<1000x128xf32>
    %add3A_29 = arith.addf %dot_general3A_24, %add3A_28 : vector<1000x128xf32>
    %get3A_30 = arith.constant 0 : index
    %get3A_31 = arith.constant 0 : index
    %get3A_32 = vector.load %arg5[%get3A_30, %get3A_31] : memref<128x256xf32, #tpu.memory_space<vmem>>, vector<128x256xf32>
    %dot_general3A_33 = arith.constant dense<0.000000e+00> : vector<1000x256xf32>
    %dot_general3A_34 = tpu.matmul %add3A_29, %get3A_32, %dot_general3A_33 {dimension_numbers = #tpu.dot_dimension_numbers<[1], [0], [0], [1], [0, 0, 1, 1], [], []>, transpose_lhs_hint = false} : vector<1000x128xf32>, vector<128x256xf32>, vector<1000x256xf32> -> vector<1000x256xf32>
    %get3A_35 = arith.constant 0 : index
    %get3A_36 = arith.constant 0 : index
    %get3A_37 = vector.load %arg6[%get3A_35, %get3A_36] : memref<1x256xf32, #tpu.memory_space<vmem>>, vector<1x256xf32>
    %add3A_38 = vector.broadcast %get3A_37 : vector<1x256xf32> to vector<1000x256xf32>
    %add3A_39 = arith.addf %dot_general3A_34, %add3A_38 : vector<1000x256xf32>
    %neg3A = arith.constant 0.000000e+00 : f32
    %neg3A_40 = vector.broadcast %neg3A : f32 to vector<1000x256xf32>
    %neg3A_41 = arith.subf %neg3A_40, %add3A_39 : vector<1000x256xf32>
    %exp3A = math.exp %neg3A_41 : vector<1000x256xf32>
    %add3A_42 = arith.constant 1.000000e+00 : f32
    %add3A_43 = vector.broadcast %add3A_42 : f32 to vector<1000x256xf32>
    %add3A_44 = arith.addf %add3A_43, %exp3A : vector<1000x256xf32>
    %div3A_45 = arith.constant 1.000000e+00 : f32
    %div3A_46 = vector.broadcast %div3A_45 : f32 to vector<1000x256xf32>
    %div3A_47 = arith.divf %div3A_46, %add3A_44 : vector<1000x256xf32>
    %mul3A = arith.mulf %add3A_39, %div3A_47 : vector<1000x256xf32>
    %get3A_48 = arith.constant 0 : index
    %get3A_49 = arith.constant 0 : index
    %get3A_50 = vector.load %arg7[%get3A_48, %get3A_49] : memref<256x128xf32, #tpu.memory_space<vmem>>, vector<256x128xf32>
    %dot_general3A_51 = arith.constant dense<0.000000e+00> : vector<1000x128xf32>
    %dot_general3A_52 = tpu.matmul %mul3A, %get3A_50, %dot_general3A_51 {dimension_numbers = #tpu.dot_dimension_numbers<[1], [0], [0], [1], [0, 0, 1, 1], [], []>, transpose_lhs_hint = false} : vector<1000x256xf32>, vector<256x128xf32>, vector<1000x128xf32> -> vector<1000x128xf32>
    %get3A_53 = arith.constant 0 : index
    %get3A_54 = arith.constant 0 : index
    %get3A_55 = vector.load %arg8[%get3A_53, %get3A_54] : memref<1x128xf32, #tpu.memory_space<vmem>>, vector<1x128xf32>
    %add3A_56 = vector.broadcast %get3A_55 : vector<1x128xf32> to vector<1000x128xf32>
    %add3A_57 = arith.addf %dot_general3A_52, %add3A_56 : vector<1000x128xf32>
    %swap3A = arith.constant 0 : index
    %swap3A_58 = arith.constant 0 : index
    %swap3A_59 = vector.load %arg10[%swap3A, %swap3A_58] : memref<1000x128xf32, #tpu.memory_space<vmem>>, vector<1000x128xf32>
    tpu.vector_store %arg10[%swap3A, %swap3A_58], %add3A_57 {strides = array<i32>} : memref<1000x128xf32, #tpu.memory_space<vmem>>, vector<1000x128xf32>,
    return
  }
  func.func @transform_0(%arg0: i32) -> (i32, i32, i32) {
    %c0_i32 = arith.constant 0 : i32
    %c0_i32_0 = arith.constant 0 : i32
    %c0_i32_1 = arith.constant 0 : i32
    return %c0_i32, %arg0, %c0_i32_0 : i32, i32, i32
  }
  func.func @transform_1(%arg0: i32) -> (i32, i32, i32) {
    %c0_i32 = arith.constant 0 : i32
    %c0_i32_0 = arith.constant 0 : i32
    %c0_i32_1 = arith.constant 0 : i32
    return %c0_i32, %arg0, %c0_i32_0 : i32, i32, i32
  }
  func.func @transform_2(%arg0: i32) -> (i32, i32) {
    %c0_i32 = arith.constant 0 : i32
    %c0_i32_0 = arith.constant 0 : i32
    %c0_i32_1 = arith.constant 0 : i32
    return %c0_i32, %c0_i32_0 : i32, i32
  }
  func.func @transform_3(%arg0: i32) -> (i32, i32) {
    %c0_i32 = arith.constant 0 : i32
    %c0_i32_0 = arith.constant 0 : i32
    %c0_i32_1 = arith.constant 0 : i32
    return %c0_i32, %c0_i32_0 : i32, i32
  }
  func.func @transform_4(%arg0: i32) -> (i32, i32) {
    %c0_i32 = arith.constant 0 : i32
    %c0_i32_0 = arith.constant 0 : i32
    %c0_i32_1 = arith.constant 0 : i32
    return %c0_i32, %c0_i32_0 : i32, i32
  }
  func.func @transform_5(%arg0: i32) -> (i32, i32) {
    %c0_i32 = arith.constant 0 : i32
    %c0_i32_0 = arith.constant 0 : i32
    %c0_i32_1 = arith.constant 0 : i32
    return %c0_i32, %c0_i32_0 : i32, i32
  }
  func.func @transform_6(%arg0: i32) -> (i32, i32) {
    %c0_i32 = arith.constant 0 : i32
    %c0_i32_0 = arith.constant 0 : i32
    %c0_i32_1 = arith.constant 0 : i32
    return %c0_i32, %c0_i32_0 : i32, i32
  }
  func.func @transform_7(%arg0: i32) -> (i32, i32) {
    %c0_i32 = arith.constant 0 : i32
    %c0_i32_0 = arith.constant 0 : i32
    %c0_i32_1 = arith.constant 0 : i32
    return %c0_i32, %c0_i32_0 : i32, i32
  }
  func.func @transform_8(%arg0: i32) -> (i32, i32) {
    %c0_i32 = arith.constant 0 : i32
    %c0_i32_0 = arith.constant 0 : i32
    %c0_i32_1 = arith.constant 0 : i32
    return %c0_i32, %c0_i32_0 : i32, i32
  }
  func.func @transform_9(%arg0: i32) -> (i32, i32) {
    %c0_i32 = arith.constant 0 : i32
    %c0_i32_0 = arith.constant 0 : i32
    return %arg0, %c0_i32 : i32, i32
  }
}

</mosaic_0001>

<sc_bundles>
// kernel: kernel.6.cloned.1.call-start
scs
__scs_entry_jumppad:
0x0: {  	(pc) =	sbr.rel $0x88, $3  }
0x1: {  	(tag) =	ssettag $0x0;
	lr =	simm.s32 $0x1  }
0x2: {  	[smem:$0x3F8E] =	sst lr;
	_ =	strace $0xD0000000  }
0x3: {  	_ = 	snop  }
0x4: {  	_ = 	snop  }
0x5: {  	_ = 	snop  }
0x6: {  	_ = 	snop  }
0x7: {  	_ = 	snop  }
__scs_overlays_trampoline_lowered:
0x8: {  	[smem:$0x3F9D] =	sst s0  }
0x9: {  	[smem:$0x3F9E] =	sst s1  }
0xa: {  	[smem:$0x3F9F] =	sst s2  }
0xb: {  	[smem:$0x3FA0] =	sst s3  }
0xc: {  	[smem:$0x3FA1] =	sst s4  }
0xd: {  	[smem:$0x3FA2] =	sst s5  }
0xe: {  	[smem:$0x3FA3] =	sst s6  }
0xf: {  	[smem:$0x3FA4] =	sst s7  }
0x10: {  	[smem:$0x3FA5] =	sst s8  }
0x11: {  	[smem:$0x3FA6] =	sst s9;
	s0 =	simm.s32 @!p0 $0x0  }
0x12: {  	s1 =	sld [smem:$0x3F8C];
	s0 =	simm.s32 @p0 $0x1  }
0x13: {  	[smem:$0x3FA7] =	sst s0;
	s0 =	simm.s32 @!p1 $0x0  }
0x14: {  	s2 =	sld [smem:$0x3F8B];
	s0 =	simm.s32 @p1 $0x1  }
0x15: {  	[smem:$0x3FA8] =	sst s0;
	s0 =	simm.s32 @!p2 $0x0  }
0x16: {  	s3 =	sld [smem:$0x3FDB];
	s0 =	simm.s32 @p2 $0x1  }
0x17: {  	s4 =	simm.s32 $0x1BF5;
	[smem:$0x3FAA] =	sst s0  }
0x18: {  	s0 =	sld [smem:$0x3F8D];
	_ =	swait.ge [sflag:s4], $0x0  }
0x19: {  	s7 =	sld [smem:$0x3F8E]  }
0x1a: {  	s8 =	sadd.s32 $0xFFFFE003, lr  }
0x1b: {  	s9 =	sadd.s32 $0xFFFFFEF7, lr;
	s5 =	simm.s32 $0xFFFFFFFF;
	p2 =	slt.u32 s8, $0xFFFFF086  }
0x1c: {  	p1 =	slt.u32 s9, $0xF7A;
	s5 =	simm.s32 @!p2 $0x0  }
0x1d: {  	s5 =	simm.s32 @p1 $0x1;
	p0 =	seq.s32 s7, s2  }
0x1e: {  	s7 =	smul.u32 @!p0 $0xF7A, s2;
	p2 =	seq.s32 @!p0 s5, $0x0  }
0x1f: {  	s9 =	smul.u32 $0xF7A, s1;
	s8 =	simm.s32 @!p0 $0x1BF5;
	p2 =	por !p2, p0  }
0x20: {  	[sflag:s8] =	ssyncset.s32 @!p0 $0xFFFFF086;
	s6 =	sadd.s32 @!p0 s3, s7;
	s7 =	simm.s32 @!p0 $0x108  }
0x21: {  	s3 =	sadd.s32 s3, s9;
	s6 =	sadd.s32 @!p0 $0x88, s6;
	s7 =	simm.s32 @p2 $0x1082  }
0x22: {  	[simem:s7], [sflag:s8] =	dma.local @!p0 [hbm:s6], $0xF7A  }
0x23: {  	s9 =	sor.u32 $0xD0000000, s2;
	s6 =	simm.s32 $0x108;
	_ =	swait.ge @!p0 [sflag:s8], $0x0  }
0x24: {  	s3 =	sadd.s32 $0x88, s3;
	s6 =	simm.s32 @!p1 $0x1082;
	[sflag:s4] =	ssyncset.s32 $0xFFFFF086  }
0x25: {  	[simem:s6], [sflag:s4] =	dma.local [hbm:s3], $0xF7A  }
0x26: {  	[smem:$0x3F8E] =	sst s1;
	(tag) =	ssettag s2;
	_ =	strace s9  }
0x27: {  	s1 =	sld [smem:$0x3F9E]  }
0x28: {  	s2 =	sld [smem:$0x3F9F]  }
0x29: {  	s4 =	sld [smem:$0x3FA1]  }
0x2a: {  	p0 =	seq.s32 s5, $0x0;
	s5 =	sld [smem:$0x3FA2]  }
0x2b: {  	s6 =	sld [smem:$0x3FA3]  }
0x2c: {  	s7 =	sld [smem:$0x3FA4]  }
0x2d: {  	s3 =	simm.s32 $0x108;
	s8 =	sld [smem:$0x3FA5]  }
0x2e: {  	s3 =	simm.s32 @!p0 $0x1082;
	s9 =	sld [smem:$0x3FA6]  }
0x2f: {  	lr =	sadd.s32 s0, s3;
	s0 =	sld [smem:$0x3F9D]  }
0x30: {  	s3 =	sld [smem:$0x3FA0]  }
0x31: {  	[smem:$0x3FA9] =	sst s10  }
0x32: {  	s10 =	sld [smem:$0x3FA7];
	_ =	sdelay $0x3  }
0x33: {  	p0 =	seq.s32 s10, $0x1;
	s10 =	sld [smem:$0x3FA9];
	_ =	sdelay $0x3  }
0x34: {  	[smem:$0x3FA9] =	sst s10  }
0x35: {  	s10 =	sld [smem:$0x3FA8];
	_ =	sdelay $0x3  }
0x36: {  	p1 =	seq.s32 s10, $0x1;
	s10 =	sld [smem:$0x3FA9];
	_ =	sdelay $0x3  }
0x37: {  	[smem:$0x3FA9] =	sst s10  }
0x38: {  	s10 =	sld [smem:$0x3FAA]  }
0x39: {  	_ = 	snop;
	(pc) =	sbr.ind lr, $3  }
0x3a: {  	_ = 	snop  }
0x3b: {  	_ = 	snop  }
0x3c: {  	p2 =	seq.s32 s10, $0x1;
	s10 =	sld [smem:$0x3FA9]  }
0x3d: {  	_ =	shalt  }
0x3e: {  	_ =	shalt  }
0x3f: {  	_ =	shalt  }
0x40: {  	_ =	shalt  }
0x41: {  	_ =	shalt  }
0x42: {  	_ =	shalt  }
0x43: {  	_ =	shalt  }
0x44: {  	_ =	shalt  }
0x45: {  	_ =	shalt  }
0x46: {  	_ =	shalt  }
0x47: {  	_ =	shalt  }
0x48: {  	_ =	shalt  }
0x49: {  	_ =	shalt  }
0x4a: {  	_ =	shalt  }
0x4b: {  	_ =	shalt  }
0x4c: {  	_ =	shalt  }
0x4d: {  	_ =	shalt  }
0x4e: {  	_ =	shalt  }
0x4f: {  	_ =	shalt  }
0x50: {  	_ =	shalt  }
0x51: {  	_ =	shalt  }
0x52: {  	_ =	shalt  }
0x53: {  	_ =	shalt  }
0x54: {  	_ =	shalt  }
0x55: {  	_ =	shalt  }
0x56: {  	_ =	shalt  }
0x57: {  	_ =	shalt  }
0x58: {  	_ =	shalt  }
0x59: {  	_ =	shalt  }
0x5a: {  	_ =	shalt  }
0x5b: {  	_ =	shalt  }
0x5c: {  	_ =	shalt  }
0x5d: {  	_ =	shalt  }
0x5e: {  	_ =	shalt  }
0x5f: {  	_ =	shalt  }
0x60: {  	_ =	shalt  }
0x61: {  	_ =	shalt  }
0x62: {  	_ =	shalt  }
0x63: {  	_ =	shalt  }
0x64: {  	_ =	shalt  }
0x65: {  	_ =	shalt  }
0x66: {  	_ =	shalt  }
0x67: {  	_ =	shalt  }
0x68: {  	_ =	shalt  }
0x69: {  	_ =	shalt  }
0x6a: {  	_ =	shalt  }
0x6b: {  	_ =	shalt  }
0x6c: {  	_ =	shalt  }
0x6d: {  	_ =	shalt  }
0x6e: {  	_ =	shalt  }
0x6f: {  	_ =	shalt  }
0x70: {  	_ =	shalt  }
0x71: {  	_ =	shalt  }
0x72: {  	_ =	shalt  }
0x73: {  	_ =	shalt  }
0x74: {  	_ =	shalt  }
0x75: {  	_ =	shalt  }
0x76: {  	_ =	shalt  }
0x77: {  	_ =	shalt  }
0x78: {  	_ =	shalt  }
0x79: {  	_ =	shalt  }
0x7a: {  	_ =	shalt  }
0x7b: {  	_ =	shalt  }
0x7c: {  	_ =	shalt  }
0x7d: {  	_ =	shalt  }
0x7e: {  	_ =	shalt  }
0x7f: {  	_ =	shalt  }
0x80: {  	_ =	shalt  }
0x81: {  	_ =	shalt  }
0x82: {  	_ =	shalt  }
0x83: {  	_ =	shalt  }
0x84: {  	_ =	shalt  }
0x85: {  	_ =	shalt  }
0x86: {  	_ =	shalt  }
0x87: {  	_ =	shalt  }
.Lfunc_end0:
.L_simem_size_0:
called_computation_lowered:
.L_overlay_start_0:
0x88: {  	s2 =	sld [smem:$0x3FD9]  }
0x89: {  	s3 =	sld [smem:$0x3FFE];
	_ =	sdelay $0x1  }
0x8a: {  	s1 =	srdreg.scid  }
0x8b: {  	s0 =	sand.u32 $0x1, s1  }
0x8c: {  	s17 =	sshll.u32 s0, $0xA;
	s2 =	sadd.s32 s3, s2  }
0x8d: {  	s2 =	sadd.s32 s2, s17  }
0x8e: {  	[smem:$0x3FB5] =	sst s2  }
0x8f: {  	_ = 	snop  }
0x90: {  	s18 =	sld [smem:$0x3FD0];
	(tm) =	ssettm $0x1  }
0x91: {  	s19 =	sld [smem:$0x3FFB];
	_ =	sdelay $0x3  }
0x92: {  	_ =	strace s19  }
0x93: {  	s2 =	sld [smem:$0x3FFC];
	_ =	sdelay $0x3  }
0x94: {  	_ =	strace s2  }
0x95: {  	s2 =	sld [smem:$0x3FFD];
	_ =	sdelay $0x3  }
0x96: {  	_ =	strace s2  }
0x97: {  	_ =	strace $0x8FFFFFFF  }
0x98: {  	s20 =	sld [smem:$0x3FDB];
	_ =	sdelay $0x1  }
0x99: {  	s4 =	simm.s32 $_scs_section_size  }
0x9a: {  	s5 =	simm.s32 $_size__tile_overlayer_lowered;
	s6 =	simm.s32 $_tile_overlayer_lowered  }
0x9b: {  	s7 =	simm.s32 $0x1BFF;
	s21 =	sshll.u32 s6, $0x1;
	s4 =	sadd.s32 s4, s20  }
0x9c: {  	s22 =	simm.s32 $0x0;
	s5 =	sshll.u32 s5, $0x1;
	s6 =	sadd.s32 s21, s4  }
0x9d: {  	[timem:s22], [sflag:s7] =	dma.local [hbm:s6], s5  }
0x9e: {  	_ =	swait.ge [sflag:s7], s5  }
0x9f: {  	s5 =	ssub.s32 $0x0, s5;
	[sflag:s7] =	ssyncset.done $0x0  }
0xa0: {  	[sflag:s7] =	ssyncadd.s32 s5;
	_ =	sdelay $0x1  }
0xa1: {  	s23 =	simm.s32 $0x1B8B  }
0xa2: {  	_ =	swait.ge [sflag:s23], $0x1  }
0xa3: {  	[sflag:s23] =	ssyncset.done $0x0  }
0xa4: {  	[sflag:s23] =	ssyncadd.s32 $0xFFFFFFFF  }
0xa5: {  	s5 =	sld [smem:$0x0]  }
0xa6: {  	s6 =	sand.u32 $0xFFFFFFFE, s1  }
0xa7: {  	p0 =	sne.s32 s1, s6  }
0xa8: {  	s6 =	sshll.u32 @p0 s6, $0xE  }
0xa9: {  	s6 =	sadd.s32 @p0 $0x11B8D, s6;
	s7 =	sshll.u32 @p0 s5, $0x11  }
0xaa: {  	s6 =	sor.u32 @p0 s7, s6  }
0xab: {  	[sflag:s6] =	ssyncadd.remote.s32 @p0 $0x1;
	_ =	sdelay $0x1  }
0xac: {  	s6 =	simm.s32 @p0 $0x1B8D  }
0xad: {  	_ =	swait.eq @p0 [sflag:s6], $0x1  }
0xae: {  	[sflag:s6] =	ssyncadd.s32 @p0 $0xFFFFFFFF  }
0xaf: {  	s7 =	sshll.u32 @!p0 s1, $0xE  }
0xb0: {  	s7 =	sor.u32 @!p0 $0x4000, s7;
	s6 =	simm.s32 @!p0 $0x1B8D  }
0xb1: {  	s5 =	sshll.u32 @!p0 s5, $0x11;
	s7 =	sadd.s32 @!p0 $0x11B8D, s7;
	_ =	swait.eq @!p0 [sflag:s6], $0x1  }
0xb2: {  	s5 =	sor.u32 @!p0 s5, s7;
	[sflag:s6] =	ssyncadd.s32 @!p0 $0xFFFFFFFF  }
0xb3: {  	s25 =	simm.s32 $0x1B8E;
	s24 =	sld [smem:$0x3FFE];
	[sflag:s5] =	ssyncadd.remote.s32 @!p0 $0x1  }
0xb4: {  	s26 =	simm.s32 $execute0_lowered;
	[smem:$0x3FD2] =	sst s25  }
0xb5: {  	s6 =	sshll.u32 s26, $0x1;
	_ =	strace $0x80000049;
	[dreg:$0x1] =	wrdreg $0xFFFFFFFF  }
0xb6: {  	s28 =	simm.s32 $_size_execute0_lowered;
	s4 =	sadd.s32 s4, s6;
	[dreg:$0x0] =	wrdreg $0x0  }
0xb7: {  	s6 =	sshll.u32 s28, $0x1;
	[dreg:$0x2] =	wrdreg s4  }
0xb8: {  	[dreg:$0x3] =	wrdreg s6  }
0xb9: {  	[dreg:$0x4] =	wrdreg $0xC0  }
0xba: {  	_ =	task [dreg:s22], $0x5FFFF  }
0xbb: {  	[dreg:$0x1] =	wrdreg $0xFFFFFFFF  }
0xbc: {  	[dreg:$0x0] =	wrdreg $0x60  }
0xbd: {  	[dreg:$0x2] =	wrdreg s24  }
0xbe: {  	[dreg:$0x3] =	wrdreg s18  }
0xbf: {  	[dreg:$0x4] =	wrdreg $0xF7B00  }
0xc0: {  	[dreg:$0x5] =	wrdreg $0x9  }
0xc1: {  	_ =	task.clear_ibuf [dreg:s22], $0x6FFFF;
	_ =	strace $0x90000049  }
0xc2: {  	s29 =	simm.s32 $0x9;
	_ =	strace $0x8000004B  }
0xc3: {  	_ =	swait.ge [sflag:s29], $0x1  }
0xc4: {  	[sflag:s29] =	ssyncadd.s32 $0xFFFFFFFF  }
0xc5: {  	_ =	strace $0x9000004B  }
0xc6: {  	_ =	sfence  }
0xc7: {  	s30 =	sld [smem:$0x0];
	_ =	sdelay $0x2  }
0xc8: {  	s31 =	sshll.u32 s1, $0xD;
	s1 =	sshrl.u32 s1, $0x2  }
0xc9: {  	s4 =	sand.u32 $0x4000, s31;
	s1 =	sadd.s32 s1, s30  }
0xca: {  	s0 =	sor.u32 s4, s0;
	s1 =	sshll.u32 s1, $0x11  }
0xcb: {  	s0 =	sor.u32 s1, s0  }
0xcc: {  	s0 =	sadd.s32 $0x8F2B, s0  }
0xcd: {  	[sflag:s0] =	ssyncadd.remote.s32 $0x1  }
0xce: {  	_ =	sfence.sel $0xFFFF  }
0xcf: {  	[dreg:$0x0] =	wrdreg $0xFFFFFFFF;
	(pc) =	sbr.abs _section_cstart, $3  }
0xd0: {  	[dreg:$0x1] =	wrdreg $0xFFFFFFFF  }
0xd1: {  	_ =	task.clear_ibuf [dreg:s22], $0x2FFFF;
	_ =	strace $0x9FFFFFFF  }
0xd2: {  	(tm) =	ssettm $0x7FFFFFFF  }
0xd3: {  	_ =	shalt  }
tec
execute0_lowered:
.L_overlay_start_1:
0x0: {  	(tag) =	ssettag $0x1  }
0x1: {  	s0 =	rddreg [dreg:$0x0]  }
0x2: {  	s2 =	rddreg [dreg:$0x1];
	s1 =	srdreg.scid  }
0x3: {  	s7 =	stileid.u32;
	s3 =	rddreg [dreg:$0x2];
	s4 =	simm.s32 $0x0  }
0x4: {  	s19 =	simm.s32 $0xD020;
	s28 =	simm.s32 $0x1;
	s29 =	simm.s32 $0x9E20  }
0x5: {  	s30 =	simm.s32 $0x2;
	s31 =	simm.s32 $0xB720;
	s1 =	sand.u32 $0x1, s1  }
0x6: {  	v1 =	vimm.f32 $-1.451612850e+01;
	vm0 =	vcmask $0x300;
	s5 =	sshll.u32 s7, $0x1;
	[smem:$0x7FF] =	sst s4;
	s8 =	sadd.s32 $0x7D200, s0  }
0x7: {  	v2 =	vimm.f32 $-3.000000000e+01;
	vm1 =	vcmask $0x704;
	s7 =	smul.u32 $0xC350, s7;
	v1 =	vsel vm0, $0x80000000, v1;
	s5 =	sor.u32 s1, s5;
	_ =	strace $0x8000004A  }
0x8: {  	v2 =	vsel vm0, $0xC177BDEF, v2;
	[dreg:$0x4] =	wrdreg s8;
	s21 =	ssub.s32 $0x2, s1;
	v1 =	vsel vm1, $0xBF77BDEF, v1;
	s1 =	smul.u32 $0xC3500, s1  }
0x9: {  	vm0 =	vcmask $0xB08;
	v2 =	vsel vm1, $0xC1839CE7, v2;
	s6 =	smul.u32 $0x4E2, s5;
	s5 =	sadd.s32 $0x6E600, s0;
	s22 =	sadd.s32 $0x2710, s7  }
0xa: {  	vm1 =	vcmask $0xF0C;
	s9 =	sshrl.u32 s21, $0x1;
	s14 =	sadd.s32 $0x4E20, s7;
	v1 =	vsel vm0, $0xBFF7BDEF, v1;
	s15 =	sadd.s32 $0x7530, s7  }
0xb: {  	v2 =	vsel vm0, $0xC18B5AD6, v2;
	vm0 =	vcmask $0x1310;
	s16 =	sadd.s32 $0x9C40, s7;
	v1 =	vsel vm1, $0xC039CE73, v1;
	s10 =	sadd.s32 s22, s3;
	s11 =	sadd.s32 s14, s3  }
0xc: {  	v2 =	vsel vm1, $0xC19318C6, v2;
	vm1 =	vcmask $0x1714;
	s12 =	sadd.s32 s15, s3;
	s13 =	sadd.s32 s16, s3;
	s8 =	sadd.s32 s1, s22;
	v1 =	vsel vm0, $0xC077BDEF, v1  }
0xd: {  	s24 =	sadd.s32 s1, s14;
	s6 =	sadd.s32 s6, s0;
	s0 =	sadd.s32 $0x7D400, s0;
	v2 =	vsel vm0, $0xC19AD6B5, v2;
	vm0 =	vcmask $0x1B18;
	v1 =	vsel vm1, $0xC09AD6B5, v1  }
0xe: {  	s26 =	sadd.s32 s1, s15;
	s23 =	sshrl.u32 s8, $0x3;
	s20 =	sadd.s32 $0x33800, s6;
	v2 =	vsel vm1, $0xC1A294A5, v2;
	vm1 =	vcmask $0x1F1C;
	v1 =	vsel vm0, $0xC0B9CE73, v1  }
0xf: {  	s25 =	sshrl.u32 s24, $0x3;
	s6 =	sadd.s32 $0x29A00, s6;
	[dreg:$0x5] =	wrdreg s20;
	v2 =	vsel vm0, $0xC1AA5294, v2;
	vm0 =	vcmask $0x2320;
	v1 =	vsel vm1, $0xC0D8C631, v1  }
0x10: {  	s24 =	simm.s32 $0x4E20;
	[dreg:$0x6] =	wrdreg s6;
	s6 =	ssub.s32 s21, s9;
	v2 =	vsel vm1, $0xC1B21084, v2;
	vm1 =	vcmask $0x2724;
	v1 =	vsel vm0, $0xC0F7BDEF, v1  }
0x11: {  	s9 =	sadd.s32 s7, s3;
	s7 =	sadd.s32 s7, s1;
	s20 =	simm.s32 $0x2710;
	v2 =	vsel vm0, $0xC1B9CE73, v2;
	vm0 =	vcmask $0x2B28;
	v1 =	vsel vm1, $0xC10B5AD6, v1  }
0x12: {  	s1 =	sadd.s32 s1, s16;
	s21 =	simm.s32 $0x50;
	s7 =	sshrl.u32 s7, $0x3;
	v2 =	vsel vm1, $0xC1C18C63, v2;
	vm1 =	vcmask $0x2F2C;
	v1 =	vsel vm0, $0xC11AD6B5, v1  }
0x13: {  	s16 =	simm.s32 $0x0;
	s1 =	sshrl.u32 s1, $0x3;
	s7 =	sadd.s32 s0, s7;
	v2 =	vsel vm0, $0xC1C94A52, v2;
	vm0 =	vcmask $0x3330;
	v1 =	vsel vm1, $0xC12A5294, v1  }
.Ltmp0:
0x14: {  	[dreg:$0x7] =	wrdreg s7;
	s7 =	sadd.s32 s0, s23;
	v2 =	vsel vm1, $0xC1D10842, v2;
	vm1 =	vcmask $0x3734;
	v1 =	vsel vm0, $0xC139CE73, v1;
	(pc) =	sbr.rel .LBB2_1-.Ltmp0, $4  }
0x15: {  	s22 =	sadd.s32 s0, s1;
	[dreg:$0x8] =	wrdreg s7;
	s7 =	sadd.s32 s0, s25;
	v2 =	vsel vm0, $0xC1D8C631, v2;
	vm0 =	vcmask $0x3B38;
	v1 =	vsel vm1, $0xC1494A52, v1  }
0x16: {  	s1 =	simm.s32 $0x4;
	[dreg:$0x9] =	wrdreg s7;
	s7 =	sshrl.u32 s26, $0x3;
	v2 =	vsel vm1, $0xC1E08421, v2;
	v1 =	vsel vm0, $0xC158C631, v1  }
0x17: {  	v0 =	vimm.f32 $0.0e+00;
	vm2 =	vcmask $0x710;
	s23 =	smax.u32 s6, $0x1;
	s25 =	simm.s32 $0x5;
	s7 =	sadd.s32 s0, s7;
	v2 =	vsel vm0, $0xC1E84210, v2;
	[tilespmem:$0x1FFE0] =	vst v1  }
0x18: {  	vm3 =	vcmask $0xB10;
	s26 =	simm.s32 $0x6C20;
	s0 =	simm.s32 $0x3;
	[dreg:$0xa] =	wrdreg s7;
	vm1 =	vcmask $0x310;
	vm0 =	vmmov $0x1;
	[tilespmem:$0x1FFF0] =	vst v2  }
.LBB2_11:
0x19: {  	_ =	swait.ge [sflag:s1], $0x1900  }
0x1a: {  	[sflag:s1] =	ssyncset.done $0x0  }
0x1b: {  	[sflag:s1] =	ssyncadd.s32 $0xFFFFE700  }
0x1c: {  	_ =	swait.ge [sflag:s0], $0x1900  }
0x1d: {  	[sflag:s0] =	ssyncset.done $0x0  }
0x1e: {  	[sflag:s0] =	ssyncadd.s32 $0xFFFFE700  }
0x1f: {  	[bflag:$0x0] =	sbarrier.arrive $0xFFFF  }
0x20: {  	[tilespmem:s19], [sflag:$0x5] =	stream.linear.gather [spmem:s9], $0x2710, $0x38;
	[tilespmem:$0x1BB00] =	vst v63  }
0x21: {  	_ =	swait.ge [sflag:s25], $0x2710  }
0x22: {  	[sflag:s25] =	ssyncset.done $0x0  }
0x23: {  	s6 =	rddreg [dreg:$0x7];
	[sflag:s25] =	ssyncadd.s32 $0xFFFFD8F0  }
0x24: {  	[hbm4b:s6+s4] =	stream.linear.scatter [tilespmem:s19], [sflag:$0x5], $0x2710, $0x38;
	[tilespmem:$0x1BB00] =	vst v63  }
0x25: {  	_ =	swait.ge [sflag:s25], $0x2710  }
0x26: {  	[sflag:s25] =	ssyncset.done $0x0  }
0x27: {  	[sflag:s25] =	ssyncadd.s32 $0xFFFFD8F0  }
0x28: {  	[tilespmem:s19], [sflag:$0x5] =	stream.linear.gather [spmem:s10], $0x2710, $0x38;
	[tilespmem:$0x1BB00] =	vst v63  }
0x29: {  	_ =	swait.ge [sflag:s25], $0x2710  }
0x2a: {  	[sflag:s25] =	ssyncset.done $0x0  }
0x2b: {  	s17 =	rddreg [dreg:$0x8];
	[sflag:s25] =	ssyncadd.s32 $0xFFFFD8F0  }
0x2c: {  	[hbm4b:s17+s4] =	stream.linear.scatter [tilespmem:s19], [sflag:$0x5], $0x2710, $0x38;
	[tilespmem:$0x1BB00] =	vst v63  }
0x2d: {  	_ =	swait.ge [sflag:s25], $0x2710  }
0x2e: {  	[sflag:s25] =	ssyncset.done $0x0  }
0x2f: {  	[sflag:s25] =	ssyncadd.s32 $0xFFFFD8F0  }
0x30: {  	[tilespmem:s19], [sflag:$0x5] =	stream.linear.gather [spmem:s11], $0x2710, $0x38;
	[tilespmem:$0x1BB00] =	vst v63  }
0x31: {  	_ =	swait.ge [sflag:s25], $0x2710  }
0x32: {  	[sflag:s25] =	ssyncset.done $0x0  }
0x33: {  	s18 =	rddreg [dreg:$0x9];
	[sflag:s25] =	ssyncadd.s32 $0xFFFFD8F0  }
0x34: {  	[hbm4b:s18+s4] =	stream.linear.scatter [tilespmem:s19], [sflag:$0x5], $0x2710, $0x38;
	[tilespmem:$0x1BB00] =	vst v63  }
0x35: {  	_ =	swait.ge [sflag:s25], $0x2710  }
0x36: {  	[sflag:s25] =	ssyncset.done $0x0  }
0x37: {  	[sflag:s25] =	ssyncadd.s32 $0xFFFFD8F0  }
0x38: {  	[tilespmem:s19], [sflag:$0x5] =	stream.linear.gather [spmem:s12], $0x2710, $0x38;
	[tilespmem:$0x1BB00] =	vst v63  }
0x39: {  	_ =	swait.ge [sflag:s25], $0x2710  }
0x3a: {  	[sflag:s25] =	ssyncset.done $0x0  }
0x3b: {  	s20 =	rddreg [dreg:$0xa];
	[sflag:s25] =	ssyncadd.s32 $0xFFFFD8F0  }
0x3c: {  	[hbm4b:s20+s4] =	stream.linear.scatter [tilespmem:s19], [sflag:$0x5], $0x2710, $0x38;
	[tilespmem:$0x1BB00] =	vst v63  }
0x3d: {  	_ =	swait.ge [sflag:s25], $0x2710  }
0x3e: {  	[sflag:s25] =	ssyncset.done $0x0  }
0x3f: {  	[sflag:s25] =	ssyncadd.s32 $0xFFFFD8F0  }
0x40: {  	[tilespmem:s19], [sflag:$0x5] =	stream.linear.gather [spmem:s13], $0x2710, $0x38;
	[tilespmem:$0x1BB00] =	vst v63  }
0x41: {  	s16 =	sadd.s32 $0x1, s16;
	_ =	swait.ge [sflag:s25], $0x2710  }
0x42: {  	p0 =	sne.s32 s16, s23;
	[sflag:s25] =	ssyncset.done $0x0  }
.Ltmp1:
0x43: {  	[sflag:s25] =	ssyncadd.s32 $0xFFFFD8F0;
	(pc) =	sbr.rel @!p0 .LBB2_12-.Ltmp1, $4  }
0x44: {  	[hbm4b:s22+s4] =	stream.linear.scatter [tilespmem:s19], [sflag:$0x5], $0x2710, $0x38;
	[tilespmem:$0x1BB00] =	vst v63  }
0x45: {  	_ =	swait.ge [sflag:s25], $0x2710  }
0x46: {  	[sflag:s25] =	ssyncset.done $0x0  }
0x47: {  	v0 =	vimm.f32 $0.0e+00;
	s20 =	simm.s32 $0x2710;
	[sflag:s25] =	ssyncadd.s32 $0xFFFFD8F0  }
.LBB2_1:
0x48: {  	s6 =	rddreg [dreg:$0x4];
	s7 =	simm.s32 $0xF730  }
0x49: {  	[tilespmem:s7], [sflag:$0x5] =	stream.linear.gather [hbm4b:s6+s4], $0x80, $0x38;
	[tilespmem:$0x1BB00] =	vst v63  }
0x4a: {  	_ =	swait.ge [sflag:s25], $0x80  }
0x4b: {  	[sflag:s25] =	ssyncset.done $0x0  }
0x4c: {  	[sflag:s25] =	ssyncadd.s32 $0xFFFFFF80  }
0x4d: {  	v3 =	vld [tilespmem:$0xF730]  }
0x4e: {  	v4 =	vld [tilespmem:$0xF740]  }
0x4f: {  	v5 =	vld [tilespmem:$0xF750]  }
0x50: {  	v6 =	vld [tilespmem:$0xF760]  }
0x51: {  	v7 =	vld [tilespmem:$0xF770]  }
0x52: {  	v8 =	vld [tilespmem:$0xF780]  }
0x53: {  	s15 =	rddreg [dreg:$0x5];
	v60 =	vld [tilespmem:$0xF790]  }
0x54: {  	v62 =	vld [tilespmem:$0xF7A0];
	[tilespmem:s4], [sflag:$0x5] =	stream.linear.gather [hbm4b:s15+s4], $0x2710, $0x38  }
0x55: {  	_ =	swait.ge [sflag:s25], $0x2710  }
0x56: {  	[sflag:s25] =	ssyncset.done $0x0  }
0x57: {  	s18 =	smul.u32 $0xCCCD, s4;
	s17 =	rddreg [dreg:$0x6];
	[sflag:s25] =	ssyncadd.s32 $0xFFFFD8F0  }
0x58: {  	[tilespmem:s20], [sflag:$0x5] =	stream.linear.gather [hbm4b:s17+s4], $0x2710, $0x38;
	[tilespmem:$0x1BB00] =	vst v63  }
0x59: {  	_ =	swait.ge [sflag:s25], $0x2710  }
0x5a: {  	s8 =	simm.s32 $0x0;
	s7 =	sshrl.u32 s18, $0x12;
	[sflag:s25] =	ssyncset.done $0x0  }
0x5b: {  	s6 =	simm.s32 $0x1;
	s14 =	smul.u32 $0x5, s7;
	[sflag:s25] =	ssyncadd.s32 $0xFFFFD8F0  }
.LBB2_2:
0x5c: {  	s15 =	smul.u32 $0xCCCD, s6  }
0x5d: {  	s17 =	smov.u32 s6;
	s7 =	smul.u32 $0x140, s7;
	p0 =	sne.s32 s6, $0x270  }
.Ltmp2:
0x5e: {  	s8 =	ssub.s32 s8, s14;
	(pc) =	sbr.rel @p0 .LBB2_2-.Ltmp2, $4  }
0x5f: {  	s6 =	sadd.s32 $0x1, s6;
	s8 =	sand.u32 $0xFFFF, s8  }
0x60: {  	s14 =	sshrl.u32 s7, $0x2;
	s18 =	sshll.u32 s8, $0x4;
	s8 =	smov.u32 s17  }
0x61: {  	s7 =	sshrl.u32 s15, $0x12;
	s15 =	sadd.s32 s18, s14  }
0x62: {  	s14 =	smul.u32 $0x5, s7;
	[tilespmem:s15+$0xD020] =	vst v0  }
0x63: {  	_ = 	snop  }
0x64: {  	s7 =	smul.u32 $0x140, s7;
	s6 =	ssub.s32 s8, s14  }
0x65: {  	s6 =	sand.u32 $0xFFFF, s6  }
0x66: {  	s7 =	sshrl.u32 s7, $0x2;
	s6 =	sshll.u32 s6, $0x4  }
0x67: {  	s6 =	sadd.s32 s6, s7  }
0x68: {  	[tilespmem:s6+$0xD020] =	vst v0  }
0x69: {  	[spmem:s9] =	stream.linear.scatter [tilespmem:s19], [sflag:$0x5], $0x2710, $0x38;
	[tilespmem:$0x1BB00] =	vst v63  }
0x6a: {  	_ =	swait.ge [sflag:s25], $0x2710  }
0x6b: {  	[sflag:s25] =	ssyncset.done $0x0  }
0x6c: {  	[sflag:s25] =	ssyncadd.s32 $0xFFFFD8F0  }
0x6d: {  	[spmem:s10] =	stream.linear.scatter [tilespmem:s19], [sflag:$0x5], $0x2710, $0x38;
	[tilespmem:$0x1BB00] =	vst v63  }
0x6e: {  	_ =	swait.ge [sflag:s25], $0x2710  }
0x6f: {  	[sflag:s25] =	ssyncset.done $0x0  }
0x70: {  	[sflag:s25] =	ssyncadd.s32 $0xFFFFD8F0  }
0x71: {  	[spmem:s11] =	stream.linear.scatter [tilespmem:s19], [sflag:$0x5], $0x2710, $0x38;
	[tilespmem:$0x1BB00] =	vst v63  }
0x72: {  	_ =	swait.ge [sflag:s25], $0x2710  }
0x73: {  	[sflag:s25] =	ssyncset.done $0x0  }
0x74: {  	[sflag:s25] =	ssyncadd.s32 $0xFFFFD8F0  }
0x75: {  	[spmem:s12] =	stream.linear.scatter [tilespmem:s19], [sflag:$0x5], $0x2710, $0x38;
	[tilespmem:$0x1BB00] =	vst v63  }
0x76: {  	_ =	swait.ge [sflag:s25], $0x2710  }
0x77: {  	[sflag:s25] =	ssyncset.done $0x0  }
0x78: {  	[sflag:s25] =	ssyncadd.s32 $0xFFFFD8F0  }
0x79: {  	[spmem:s13] =	stream.linear.scatter [tilespmem:s19], [sflag:$0x5], $0x2710, $0x38;
	[tilespmem:$0x1BB00] =	vst v63  }
0x7a: {  	_ =	swait.ge [sflag:s25], $0x2710  }
0x7b: {  	[sflag:s25] =	ssyncset.done $0x0  }
0x7c: {  	[sflag:s25] =	ssyncadd.s32 $0xFFFFD8F0  }
0x7d: {  	s6 =	simm.s32 $0x0;
	[bflag:$0x0] =	sbarrier.arrive $0xFFFF  }
0x7e: {  	[tilespmem:s24], [sflag:$0x1] =	stream.indirect.gather [hbm4b:s5+s21], $0x30, s6, s21, $0xb8;
	[tilespmem:$0x1BB00] =	vst v63  }
0x7f: {  	[tilespmem:$0x1FF60] =	vst v3  }
0x80: {  	[tilespmem:$0x1FF70] =	vst v4  }
0x81: {  	[tilespmem:$0x1FF80] =	vst v5  }
0x82: {  	[tilespmem:$0x1FF90] =	vst v6  }
.Ltmp3:
0x83: {  	[tilespmem:$0x1FFA0] =	vst v7;
	(pc) =	sbr.rel .LBB2_4-.Ltmp3, $4  }
0x84: {  	[tilespmem:$0x1FFB0] =	vst v8  }
0x85: {  	[tilespmem:$0x1FFC0] =	vst v60  }
0x86: {  	[tilespmem:$0x1FFD0] =	vst v62  }
0x87: {  	[tilespmem:s26], [sflag:$0x1] =	stream.indirect.gather [hbm4b:s2+s21], $0x50, s20, s21, $0xb8;
	[tilespmem:$0x1BB00] =	vst v63  }
.LBB2_10:
0x88: {  	v1 =	vld [tilespmem:$0x1FFE0]  }
0x89: {  	s6 =	sadd.s32 $0x1, s6;
	v2 =	vld [tilespmem:$0x1FFF0]  }
0x8a: {  	v3 =	vld [tilespmem:$0x1FF60];
	p0 =	sne.s32 s6, $0x3F  }
.Ltmp4:
0x8b: {  	v4 =	vld [tilespmem:$0x1FF70];
	(pc) =	sbr.rel @!p0 .LBB2_11-.Ltmp4, $4  }
0x8c: {  	v5 =	vld [tilespmem:$0x1FF80]  }
0x8d: {  	v6 =	vld [tilespmem:$0x1FF90]  }
0x8e: {  	v7 =	vld [tilespmem:$0x1FFA0]  }
0x8f: {  	v8 =	vld [tilespmem:$0x1FFB0]  }
.LBB2_4:
0x90: {  	s7 =	sshllo.u32 s6, $0x1  }
0x91: {  	p1 =	sgt.u32 s7, $0x7C  }
0x92: {  	s8 =	smul.u32 @!p1 $0x50, s7  }
0x93: {  	s14 =	simm.s32 @!p1 $0x50;
	s15 =	simm.s32 @!p1 $0x5D20  }
0x94: {  	[tilespmem:s15], [sflag:$0x2] =	stream.indirect.gather @!p1 [hbm4b:s5+s14], $0x30, s8, s14, $0xb8;
	[tilespmem:$0x1BB00] =	vst v63  }
0x95: {  	s8 =	sadd.s32 @!p1 $0x2710, s8;
	s15 =	simm.s32 @!p1 $0x8520  }
0x96: {  	[tilespmem:s15], [sflag:$0x2] =	stream.indirect.gather @!p1 [hbm4b:s2+s14], $0x50, s8, s14, $0xb8;
	[tilespmem:$0x1BB00] =	vst v63  }
0x97: {  	_ =	swait.ge [sflag:s28], $0xF00  }
0x98: {  	[sflag:s28] =	ssyncset.done $0x0  }
0x99: {  	[sflag:s28] =	ssyncadd.s32 $0xFFFFF100  }
0x9a: {  	_ =	swait.ge [sflag:s28], $0x1900  }
0x9b: {  	p0 =	seq.s32 s6, $0x0;
	[sflag:s28] =	ssyncset.done $0x0  }
0x9c: {  	s8 =	simm.s32 @!p0 $0x3;
	[sflag:s28] =	ssyncadd.s32 $0xFFFFE700  }
0x9d: {  	_ =	swait.ge @!p0 [sflag:s8], $0x1900  }
0x9e: {  	[sflag:s8] =	ssyncset.done @!p0 $0x0  }
0x9f: {  	s18 =	simm.s32 $0x4E80;
	[sflag:s8] =	ssyncadd.s32 @!p0 $0xFFFFE700  }
0xa0: {  	s8 =	simm.s32 $0x0;
	v11 =	vld [tilespmem:s18+$0x50]  }
0xa1: {  	v12 =	vld [tilespmem:s8+$0x6D30];
	_ =	sdelay $0x3  }
0xa2: {  	v13 =	vld [tilespmem:s8+$0x6C90]  }
0xa3: {  	v15 =	vld [tilespmem:s8+$0x6CE0];
	v11 =	vmul.f32 v12, v11  }
0xa4: {  	v16 =	vld [tilespmem:s18+$0x20]  }
0xa5: {  	v12 =	vld [tilespmem:s8+$0x6C40];
	(xrf2) =	vadd.scan.msk.f32 $0xffff, v11  }
0xa6: {  	v11 =	vld [tilespmem:s18+$0xFFFFFFC0]  }
0xa7: {  	v14 =	vld [tilespmem:s18+$0xFFFFFFF0];
	_ =	sdelay $0x1  }
0xa8: {  	v17 =	vld [tilespmem:s18+$0xFFFFFFA0]  }
0xa9: {  	v20 =	vld [tilespmem:s18+$0x0]  }
0xaa: {  	v15 =	vmul.f32 v15, v16;
	v16 =	vld [tilespmem:s18+$0xFFFFFFD0];
	v11 =	vmul.f32 v12, v11  }
0xab: {  	v12 =	vmul.f32 v13, v14;
	v13 =	vld [tilespmem:s8+$0x6C20]  }
0xac: {  	(xrf2) =	vadd.scan.msk.f32 $0xffff, v11  }
0xad: {  	v11 =	vld [tilespmem:s8+$0x6C70];
	(xrf2) =	vadd.scan.msk.f32 $0xffff, v12  }
0xae: {  	v12 =	vld [tilespmem:s8+$0x6CC0];
	(xrf2) =	vadd.scan.msk.f32 $0xffff, v15;
	v14, _, _ =	vpop (xrf2)  }
0xaf: {  	v22 =	vunpack.i.l.bf16.f32 v17;
	v24 =	vunpack.i.l.bf16.f32 v20;
	v14 =	vbroadcast v14, $0xF  }
0xb0: {  	v23 =	vunpack.i.l.bf16.f32 v16;
	v18 =	vunpack.i.u.bf16.f32 v13;
	v13 =	vunpack.i.l.bf16.f32 v13  }
0xb1: {  	v16 =	vunpack.i.u.bf16.f32 v16;
	v13 =	vmul.f32 v13, v22;
	v15 =	vadd.f32 v1, v14  }
0xb2: {  	v19 =	vunpack.i.u.bf16.f32 v11;
	v11 =	vunpack.i.l.bf16.f32 v11;
	v14 =	vadd.f32 v2, v14  }
0xb3: {  	v21 =	vunpack.i.u.bf16.f32 v12;
	v11 =	vmul.f32 v11, v23;
	v15 =	vmul.f32 v15, v15  }
0xb4: {  	v12 =	vunpack.i.l.bf16.f32 v12;
	v16 =	vmul.f32 v19, v16;
	v14 =	vmul.f32 v14, v14  }
0xb5: {  	v20 =	vunpack.i.u.bf16.f32 v20;
	v12 =	vmul.f32 v12, v24;
	v15 =	vmul.f32 $-5.338888760e-01, v15  }
0xb6: {  	v20 =	vmul.f32 v21, v20;
	v22, _, _ =	vpop (xrf2);
	v14 =	vmul.f32 $-5.338888760e-01, v14  }
0xb7: {  	v23, _, _ =	vpop (xrf2);
	v22 =	vbroadcast v22, $0xF;
	v15 =	vmul.f32 $1.442695020e+00, v15  }
0xb8: {  	v17 =	vunpack.i.u.bf16.f32 v17;
	v23 =	vbroadcast v23, $0xF;
	v14 =	vmul.f32 $1.442695020e+00, v14;
	v19, _, _ =	vpop (xrf2)  }
0xb9: {  	v26 =	vld [tilespmem:s8+$0x6D10];
	v19 =	vbroadcast v19, $0xF;
	v21 =	vadd.f32 v2, v22;
	(erf) = vpow2.f32 v15  }
0xba: {  	v15 =	vmul.f32 v18, v17;
	v17 =	vadd.f32 v1, v22;
	v18 =	vadd.f32 v1, v23  }
0xbb: {  	v24 =	vld [tilespmem:s8+$0x6D20];
	v23 =	vadd.f32 v2, v23;
	(erf) = vpow2.f32 v14;
	v25 =	vadd.f32 v1, v19  }
0xbc: {  	v22 =	vld [tilespmem:s18+$0x30];
	v21 =	vmul.f32 v21, v21;
	v19 =	vadd.f32 v2, v19;
	v17 =	vmul.f32 v17, v17  }
0xbd: {  	v18 =	vmul.f32 v18, v18;
	v23 =	vmul.f32 v23, v23  }
0xbe: {  	v31 =	vunpack.i.u.bf16.f32 v26;
	v14 =	vld [tilespmem:s18+$0x40];
	v25 =	vmul.f32 v25, v25;
	v19 =	vmul.f32 v19, v19  }
0xbf: {  	v26 =	vunpack.i.l.bf16.f32 v26;
	v21 =	vmul.f32 $-5.338888760e-01, v21;
	v17 =	vmul.f32 $-5.338888760e-01, v17  }
0xc0: {  	v28 =	vunpack.i.l.bf16.f32 v24;
	v18 =	vmul.f32 $-5.338888760e-01, v18;
	v23 =	vmul.f32 $-5.338888760e-01, v23  }
0xc1: {  	v30 =	vunpack.i.u.bf16.f32 v22;
	v25 =	vmul.f32 $-5.338888760e-01, v25;
	v19 =	vmul.f32 $-5.338888760e-01, v19  }
0xc2: {  	v22 =	vunpack.i.l.bf16.f32 v22;
	v21 =	vmul.f32 $1.442695020e+00, v21;
	v17 =	vmul.f32 $1.442695020e+00, v17  }
0xc3: {  	v27 =	vunpack.i.l.bf16.f32 v14;
	v30 =	vmul.f32 v31, v30;
	v22 =	vmul.f32 v26, v22;
	v29 =	vpop (erf)  }
0xc4: {  	v27 =	vmul.f32 v28, v27;
	v28 =	vmul.f32 v29, v7  }
0xc5: {  	v18 =	vmul.f32 $1.442695020e+00, v18;
	v25 =	vmul.f32 $1.442695020e+00, v25;
	v32 =	vpop (erf)  }
0xc6: {  	v31 =	vmul.f32 v29, v5;
	v27 =	vadd.f32 v27, v28;
	v28 =	vmul.f32 v32, v8  }
0xc7: {  	s20 =	simm.s32 $0x4F40;
	v14 =	vunpack.i.u.bf16.f32 v14;
	v26 =	vmul.f32 v29, v3;
	(erf) = vpow2.f32 v17  }
0xc8: {  	v51 =	vld [tilespmem:s20+$0x0];
	v30 =	vadd.f32 v31, v30;
	v31 =	vmul.f32 v32, v6;
	v27 =	vadd.f32 v27, v28  }
0xc9: {  	(erf) = vpow2.f32 v18;
	v17 =	vadd.f32 v26, v22;
	v22 =	vmul.f32 v32, v4;
	v26 =	vld [tilespmem:s8+$0x6C80]  }
0xca: {  	v18 =	vunpack.i.u.bf16.f32 v24;
	(erf) = vpow2.f32 v25;
	v28 =	vadd.f32 v30, v31;
	v30 =	vld [tilespmem:s8+$0x6C30];
	(xrf2) =	vadd.scan.msk.f32 $0xffff, v27  }
0xcb: {  	v14 =	vmul.f32 v18, v14;
	v18 =	vmul.f32 $1.442695020e+00, v23;
	v17 =	vadd.f32 v17, v22;
	v22 =	vld [tilespmem:s18+$0xFFFFFFB0]  }
0xcc: {  	v49 =	vld [tilespmem:s20+$0xFFFFFFD0];
	v19 =	vmul.f32 $1.442695020e+00, v19;
	(erf) = vpow2.f32 v21;
	(xrf2) =	vadd.scan.msk.f32 $0xffff, v28  }
0xcd: {  	(erf) = vpow2.f32 v18;
	v27 =	vmul.f32 v29, v60;
	(xrf2) =	vadd.scan.msk.f32 $0xffff, v17;
	v17 =	vld [tilespmem:s18+$0xFFFFFFE0]  }
0xce: {  	v41 =	vunpack.i.u.bf16.f32 v51;
	v21 =	vld [tilespmem:s8+$0x6CD0];
	(erf) = vpow2.f32 v19;
	v25 =	vunpack.i.u.bf16.f32 v26  }
0xcf: {  	v19 =	vld [tilespmem:s18+$0x10];
	v18 =	vunpack.i.l.bf16.f32 v26;
	v14 =	vadd.f32 v14, v27;
	v27 =	vmul.f32 v32, v62  }
0xd0: {  	v23 =	vunpack.i.l.bf16.f32 v30;
	v26 =	vunpack.i.u.bf16.f32 v22;
	v22 =	vunpack.i.l.bf16.f32 v22  }
0xd1: {  	v32 =	vunpack.i.u.bf16.f32 v49;
	v24 =	vunpack.i.u.bf16.f32 v30;
	v22 =	vmul.f32 v23, v22  }
0xd2: {  	v28 =	vpop (erf);
	v24 =	vmul.f32 v24, v26;
	v14 =	vadd.f32 v14, v27;
	v29 =	vunpack.i.u.bf16.f32 v17  }
0xd3: {  	s18 =	simm.s32 $0x140;
	v26 =	vunpack.i.u.bf16.f32 v21;
	v27 =	vmul.f32 v28, v3;
	v21 =	vunpack.i.l.bf16.f32 v21  }
0xd4: {  	v48 =	vld [tilespmem:s18+$0x6C20];
	v30 =	vmul.f32 v28, v5;
	v61 =	vunpack.i.u.bf16.f32 v19;
	(xrf2) =	vadd.scan.msk.f32 $0xffff, v14;
	v14 =	vmul.f32 v28, v7;
	v23, _, _ =	vpop (xrf2)  }
0xd5: {  	v28 =	vmul.f32 v28, v60;
	v17 =	vunpack.i.l.bf16.f32 v17;
	v25 =	vmul.f32 v25, v29;
	v29 =	vpop (erf)  }
0xd6: {  	v19 =	vunpack.i.l.bf16.f32 v19;
	v17 =	vmul.f32 v18, v17;
	v18, _, _ =	vpop (xrf2);
	v33 =	vmul.f32 v29, v3  }
0xd7: {  	v13 =	vadd.f32 v27, v13;
	v31 =	vpop (erf);
	v27 =	vmul.f32 v29, v5;
	v23 =	vmul.f32 $1.442695020e+00, v23  }
0xd8: {  	v15 =	vadd.f32 v30, v15;
	v35 =	vmul.f32 v31, v3;
	v36 =	vpop (erf);
	v30 =	vmul.f32 v31, v5  }
0xd9: {  	v50 =	vunpack.i.l.bf16.f32 v48;
	v18 =	vmul.f32 $1.442695020e+00, v18;
	v37 =	vmul.f32 v36, v4;
	v38 =	vpop (erf)  }
0xda: {  	v11 =	vadd.f32 v33, v11;
	v16 =	vadd.f32 v27, v16;
	v0 =	vpop (erf);
	v39 =	vmul.f32 v38, v4  }
0xdb: {  	v34, _, _ =	vpop (xrf2);
	v12 =	vadd.f32 v35, v12;
	v13 =	vadd.f32 v13, v37;
	v42 =	vmul.f32 v0, v4  }
0xdc: {  	v63 =	vmul.f32 $1.442695020e+00, v34;
	v43 =	vmul.f32 v36, v6;
	v11 =	vadd.f32 v11, v39  }
0xdd: {  	v20 =	vadd.f32 v30, v20;
	(xrf2) =	vadd.scan.msk.f32 $0xffff, v13;
	v13 =	vmul.f32 v38, v6;
	v12 =	vadd.f32 v12, v42  }
0xde: {  	v18 =	vbroadcast v18, $0xF;
	v27 =	vmul.f32 v0, v6;
	(xrf2) =	vadd.scan.msk.f32 $0xffff, v11;
	v11 =	vadd.f32 v15, v43  }
0xdf: {  	v15 =	vmul.f32 v29, v7;
	v13 =	vadd.f32 v16, v13;
	(xrf2) =	vadd.scan.msk.f32 $0xffff, v12;
	v12 =	vbroadcast v63, $0xF;
	v16, _, _ =	vpop (xrf2)  }
0xe0: {  	(xrf2) =	vadd.scan.msk.f32 $0xffff, v11;
	v11 =	vadd.f32 v22, v14;
	v14 =	vmul.f32 $1.442695020e+00, v16;
	v16 =	vbroadcast v23, $0xF  }
0xe1: {  	v15 =	vadd.f32 v17, v15;
	v17 =	vmul.f32 v29, v60;
	v22 =	vmul.f32 v36, v62  }
0xe2: {  	v20 =	vadd.f32 v20, v27;
	(erf) = vpow2.f32 v12;
	v12 =	vmul.f32 v36, v8  }
0xe3: {  	v23 =	vld [tilespmem:s18+$0x6D30];
	(xrf2) =	vadd.scan.msk.f32 $0xffff, v13;
	v13 =	vadd.f32 v24, v28;
	v24 =	vmul.f32 v0, v8;
	(erf) = vpow2.f32 v18  }
0xe4: {  	(xrf2) =	vadd.scan.msk.f32 $0xffff, v20;
	v20 =	vld [tilespmem:s20+$0x50];
	v18 =	vmul.f32 v38, v8;
	v14 =	vbroadcast v14, $0xF;
	v11 =	vadd.f32 v11, v12  }
0xe5: {  	v12 =	vadd.f32 v25, v17;
	v17 =	vmul.f32 v38, v62;
	v13 =	vadd.f32 v13, v22;
	v22 =	vld [tilespmem:s8+$0x6C50]  }
0xe6: {  	v34 =	vunpack.i.l.bf16.f32 v51;
	(erf) = vpow2.f32 v16;
	(xrf2) =	vadd.scan.msk.f32 $0xffff, v11;
	v11 =	vmul.f32 v21, v19  }
0xe7: {  	v15 =	vadd.f32 v15, v18;
	v19 =	vmul.f32 v26, v61;
	v21 =	vmul.f32 v31, v60;
	v16, _, _ =	vpop (xrf2);
	(xrf2) =	vadd.scan.msk.f32 $0xffff, v13;
	v13 =	vld [tilespmem:s8+$0x6D40]  }
0xe8: {  	v28 =	vmul.f32 v0, v62;
	(erf) = vpow2.f32 v14;
	v12 =	vadd.f32 v12, v17  }
0xe9: {  	v21 =	vadd.f32 v19, v21;
	v17, _, _ =	vpop (xrf2);
	(xrf2) =	vadd.scan.msk.f32 $0xffff, v15;
	v15 =	vmul.f32 v23, v20;
	v16 =	vmul.f32 $1.442695020e+00, v16  }
0xea: {  	v20 =	vmul.f32 v31, v7;
	v14 =	vunpack.i.u.bf16.f32 v22;
	v18, _, _ =	vpop (xrf2);
	(xrf2) =	vadd.scan.msk.f32 $0xffff, v12;
	v12 =	vld [tilespmem:s8+$0x6D50];
	v25 =	vmul.f32 $1.442695020e+00, v17  }
0xeb: {  	v17 =	vunpack.i.l.bf16.f32 v22;
	v23, _, _ =	vpop (xrf2);
	v16 =	vbroadcast v16, $0xF;
	v18 =	vmul.f32 $1.442695020e+00, v18  }
0xec: {  	(xrf2) =	vadd.scan.msk.f32 $0xffff, v15;
	v27 =	vpop (erf);
	v25 =	vbroadcast v25, $0xF;
	v23 =	vmul.f32 $1.442695020e+00, v23;
	v22 =	vunpack.i.u.bf16.f32 v13  }
0xed: {  	v44 =	vld [tilespmem:s20+$0xFFFFFFC0];
	v29 =	vpop (erf);
	v13 =	vunpack.i.l.bf16.f32 v13;
	(erf) = vpow2.f32 v16;
	v16 =	vbroadcast v18, $0xF  }
0xee: {  	v53 =	vld [tilespmem:s18+$0x6C30];
	v11 =	vadd.f32 v11, v20;
	v15, _, _ =	vpop (xrf2);
	(erf) = vpow2.f32 v25;
	v18 =	vmul.f32 v27, v13  }
0xef: {  	v25 =	vld [tilespmem:s18+$0x6C40];
	v20 =	vmul.f32 $1.442695020e+00, v15;
	v15 =	vmul.f32 v29, v22;
	v30 =	vunpack.i.u.bf16.f32 v12  }
0xf0: {  	v46 =	vld [tilespmem:s20+$0xFFFFFFF0];
	v26, _, _ =	vpop (xrf2);
	v12 =	vunpack.i.l.bf16.f32 v12;
	(erf) = vpow2.f32 v16;
	v16 =	vbroadcast v23, $0xF  }
0xf1: {  	v31 =	vpop (erf);
	v22 =	vld [tilespmem:s18+$0x6C90];
	v19 =	vmul.f32 $1.442695020e+00, v26;
	v23 =	vnsel vm0, $0x0, v27;
	v27 =	vbroadcast v20, $0xF  }
0xf2: {  	v11 =	vadd.f32 v11, v24;
	v24 =	vld [tilespmem:s18+$0x6CE0];
	v13, _, _ =	vpop (xrf2);
	(erf) = vpow2.f32 v16;
	v16 =	vmul.f32 v31, v12  }
0xf3: {  	v23 =	vsel vm1, v23, v29;
	v29 =	vld [tilespmem:s20+$0x20];
	v12 =	vbroadcast v19, $0xF;
	v13 =	vmul.f32 $1.442695020e+00, v13;
	v45, _, _ =	vpop (xrf2)  }
0xf4: {  	v37 =	vunpack.i.l.bf16.f32 v53;
	(erf) = vpow2.f32 v27;
	v26, _, _ =	vpop (xrf2);
	v25 =	vmul.f32 v25, v44  }
0xf5: {  	v42 =	vunpack.i.u.bf16.f32 v53;
	(erf) = vpow2.f32 v12;
	v13 =	vbroadcast v13, $0xF;
	v20, _, _ =	vpop (xrf2)  }
0xf6: {  	v40 =	vld [tilespmem:s18+$0x6C80];
	v36 =	vadd.f32 v21, v28;
	(xrf2) =	vadd.scan.msk.f32 $0xffff, v11;
	v21 =	vmul.f32 v22, v46;
	v26 =	vmul.f32 $1.442695020e+00, v26;
	v19, _, _ =	vpop (xrf2)  }
0xf7: {  	v23 =	vsel vm2, v23, v31;
	v31 =	vpop (erf);
	v22 =	vld [tilespmem:s18+$0x6CC0];
	(xrf2) =	vadd.scan.msk.f32 $0xffff, v25;
	v25 =	vmul.f32 $1.442695020e+00, v45;
	v47 =	vbroadcast v19, $0xF  }
0xf8: {  	v23 =	vsel vm3, v23, v31;
	v12 =	vld [tilespmem:s18+$0x6C70];
	v24 =	vmul.f32 v24, v29;
	(erf) = vpow2.f32 v13  }
0xf9: {  	v20 =	vmul.f32 $1.442695020e+00, v20;
	v19 =	vmul.f32 v31, v30;
	v27 =	vpop (erf);
	v11 =	vadd.f32 v1, v47  }
0xfa: {  	v45 =	vld [tilespmem:s20+$0x30];
	(xrf2) =	vadd.scan.msk.f32 $0xffff, v21;
	v21 =	vbroadcast v25, $0xF;
	v17 =	vmul.f32 v27, v17;
	v13 =	vadd.f32 v2, v47  }
0xfb: {  	v46 =	vunpack.i.u.bf16.f32 v40;
	v31 =	vld [tilespmem:s20+$0xFFFFFFA0];
	v29 =	vpop (erf);
	v20 =	vbroadcast v20, $0xF;
	v11 =	vmul.f32 v11, v11  }
0xfc: {  	v28 =	vpop (erf);
	v55 =	vunpack.i.l.bf16.f32 v22;
	(erf) = vpow2.f32 v21;
	v13 =	vmul.f32 v13, v13  }
0xfd: {  	v52 =	vunpack.i.u.bf16.f32 v12;
	v34 =	vmul.f32 v55, v34;
	v11 =	vmul.f32 $-5.338888760e-01, v11  }
0xfe: {  	v54 =	vunpack.i.u.bf16.f32 v22;
	v47 =	vld [tilespmem:s18+$0x6D10];
	v32 =	vmul.f32 v52, v32;
	v13 =	vmul.f32 $-5.338888760e-01, v13  }
0xff: {  	(xrf2) =	vadd.scan.msk.f32 $0xffff, v24;
	v12 =	vunpack.i.l.bf16.f32 v12;
	v38 =	vmul.f32 v54, v41;
	v24 =	vmul.f32 $1.442695020e+00, v11  }
0x100: {  	v43 =	vld [tilespmem:s18+$0x6D20];
	v52 =	vunpack.i.u.bf16.f32 v45;
	v21 =	vpop (erf);
	v22 =	vunpack.i.l.bf16.f32 v31;
	v13 =	vmul.f32 $1.442695020e+00, v13  }
0x101: {  	[tilespmem:s8+$0x9F30] =	vst v16;
	v16 =	vmul.f32 v21, v14;
	(erf) = vpow2.f32 v24;
	v24 =	vunpack.i.l.bf16.f32 v49  }
0x102: {  	v30, _, _ =	vpop (xrf2);
	v11 =	vbroadcast v26, $0xF;
	v26 =	vunpack.i.u.bf16.f32 v31;
	(erf) = vpow2.f32 v13;
	v13 =	vld [tilespmem:s20+$0x40]  }
0x103: {  	[tilespmem:s8+$0x9F10] =	vst v18;
	v54 =	vunpack.i.u.bf16.f32 v47;
	v18 =	vmul.f32 $1.442695020e+00, v30;
	v31 =	vmul.f32 v50, v22  }
0x104: {  	v25 =	vunpack.i.u.bf16.f32 v48;
	v52 =	vmul.f32 v54, v52;
	v12 =	vmul.f32 v12, v24;
	v24, _, _ =	vpop (xrf2)  }
0x105: {  	v50 =	vunpack.i.l.bf16.f32 v43;
	v39 =	vmul.f32 v25, v26;
	v56 =	vbroadcast v24, $0xF;
	v26, _, _ =	vpop (xrf2)  }
0x106: {  	v22 =	vpop (erf);
	v43 =	vunpack.i.u.bf16.f32 v43;
	v18 =	vbroadcast v18, $0xF;
	v57 =	vbroadcast v26, $0xF  }
0x107: {  	v24 =	vpop (erf);
	v44 =	vadd.f32 v1, v56;
	v33 =	vadd.f32 v2, v56;
	v49 =	vunpack.i.l.bf16.f32 v13  }
0x108: {  	v25 =	vpop (erf);
	v13 =	vunpack.i.u.bf16.f32 v13;
	v48 =	vadd.f32 v1, v57;
	v49 =	vmul.f32 v50, v49  }
0x109: {  	v59, _, _ =	vpop (xrf2);
	v35 =	vadd.f32 v2, v57;
	v13 =	vmul.f32 v43, v13;
	v58 =	vmul.f32 v44, v44  }
0x10a: {  	v40 =	vunpack.i.l.bf16.f32 v40;
	v26 =	vpop (erf);
	v44 =	vbroadcast v59, $0xF;
	v33 =	vmul.f32 v33, v33  }
0x10b: {  	v27 =	vnsel vm0, $0x0, v27;
	v51 =	vpop (erf);
	v48 =	vmul.f32 v48, v48;
	v35 =	vmul.f32 v35, v35  }
0x10c: {  	v45 =	vunpack.i.l.bf16.f32 v45;
	v41 =	vmul.f32 $-5.338888760e-01, v58;
	v61 =	vmul.f32 v51, v7  }
0x10d: {  	v27 =	vsel vm1, v27, v21;
	v0 =	vmul.f32 v51, v5;
	v57 =	vmul.f32 v51, v3  }
0x10e: {  	[tilespmem:s8+$0x9F20] =	vst v15;
	v15 =	vsel vm2, v27, v25;
	v53 =	vpop (erf);
	v33 =	vmul.f32 $-5.338888760e-01, v33;
	v51 =	vmul.f32 v51, v60  }
0x10f: {  	v55 =	vadd.f32 v1, v44;
	v63 =	vmul.f32 v53, v8;
	v48 =	vmul.f32 $-5.338888760e-01, v48  }
0x110: {  	v44 =	vadd.f32 v2, v44;
	v2 =	vmul.f32 v53, v6;
	v59 =	vmul.f32 v53, v4  }
0x111: {  	v50 =	vld [tilespmem:s18+$0x6CD0];
	v1 =	vunpack.i.l.bf16.f32 v47;
	v35 =	vmul.f32 $-5.338888760e-01, v35;
	v41 =	vmul.f32 $1.442695020e+00, v41  }
0x112: {  	v47 =	vld [tilespmem:s20+$0xFFFFFFB0];
	v49 =	vadd.f32 v49, v61;
	v55 =	vmul.f32 v55, v55;
	v44 =	vmul.f32 v44, v44  }
0x113: {  	v52 =	vadd.f32 v0, v52;
	v0 =	vmul.f32 v53, v62;
	v33 =	vmul.f32 $1.442695020e+00, v33  }
0x114: {  	v61 =	vld [tilespmem:s20+$0xFFFFFFE0];
	v13 =	vadd.f32 v13, v51;
	v48 =	vmul.f32 $1.442695020e+00, v48;
	v35 =	vmul.f32 $1.442695020e+00, v35  }
0x115: {  	v49 =	vadd.f32 v49, v63;
	(erf) = vpow2.f32 v41;
	v41 =	vmul.f32 v1, v45  }
0x116: {  	v45 =	vunpack.i.u.bf16.f32 v50;
	v52 =	vadd.f32 v52, v2;
	v58 =	vmul.f32 $-5.338888760e-01, v55  }
0x117: {  	(xrf2) =	vadd.scan.msk.f32 $0xffff, v36;
	v1 =	vld [tilespmem:s20+$0x10];
	v63 =	vunpack.i.u.bf16.f32 v47;
	(erf) = vpow2.f32 v48;
	v47 =	vunpack.i.l.bf16.f32 v47  }
0x118: {  	v41 =	vadd.f32 v57, v41;
	v36 =	vmul.f32 $1.442695020e+00, v58;
	v2 =	vmul.f32 v37, v47  }
0x119: {  	(xrf2) =	vadd.scan.msk.f32 $0xffff, v49;
	v47 =	vmul.f32 $-5.338888760e-01, v44;
	v49 =	vunpack.i.u.bf16.f32 v61;
	v51 =	vunpack.i.l.bf16.f32 v61;
	v61 =	vld [tilespmem:s8+$0x6C60]  }
0x11a: {  	v42 =	vmul.f32 v42, v63;
	(xrf2) =	vadd.scan.msk.f32 $0xffff, v52;
	v41 =	vadd.f32 v41, v59;
	(erf) = vpow2.f32 v36  }
0x11b: {  	v13 =	vadd.f32 v13, v0;
	v37 =	vmul.f32 $1.442695020e+00, v47;
	(erf) = vpow2.f32 v33  }
0x11c: {  	v33 =	vmul.f32 v40, v51;
	v40 =	vmul.f32 v46, v49;
	v54 =	vunpack.i.u.bf16.f32 v1;
	(xrf2) =	vadd.scan.msk.f32 $0xffff, v41  }
0x11d: {  	v27 =	vld [tilespmem:s18+$0x6CA0];
	v48 =	vunpack.i.l.bf16.f32 v1;
	(erf) = vpow2.f32 v35;
	(xrf2) =	vadd.scan.msk.f32 $0xffff, v13;
	v13 =	vunpack.i.l.bf16.f32 v50  }
0x11e: {  	v13 =	vmul.f32 v13, v48;
	v49 =	vunpack.i.u.bf16.f32 v61;
	v53 =	vpop (erf);
	(erf) = vpow2.f32 v37  }
0x11f: {  	v15 =	vsel vm3, v15, v26;
	v37 =	vmul.f32 v45, v54;
	v26 =	vmul.f32 v26, v49  }
0x120: {  	[tilespmem:s8+$0x9E20] =	vst v17;
	v17 =	vnsel vm0, $0x0, v28;
	v55 =	vmul.f32 v53, v3;
	v56 =	vmul.f32 v53, v5  }
0x121: {  	v44, _, _ =	vpop (xrf2);
	v45 =	vunpack.i.l.bf16.f32 v61;
	v57 =	vmul.f32 v53, v7;
	v41 =	vmul.f32 v53, v60  }
0x122: {  	[tilespmem:s8+$0x9E30] =	vst v16;
	v16 =	vunpack.i.u.bf16.f32 v27;
	v43 =	vpop (erf);
	(erf) = vpow2.f32 v11;
	v25 =	vmul.f32 v25, v45  }
0x123: {  	v11 =	vmul.f32 v43, v3;
	v63 =	vmul.f32 v43, v5;
	v58, _, _ =	vpop (xrf2);
	v31 =	vadd.f32 v55, v31  }
0x124: {  	v61 =	vmul.f32 v43, v60;
	v39 =	vadd.f32 v56, v39;
	v35 =	vadd.f32 v2, v57;
	v59, _, _ =	vpop (xrf2)  }
0x125: {  	v41 =	vadd.f32 v42, v41;
	v36 =	vpop (erf);
	v11 =	vadd.f32 v11, v12;
	v12 =	vmul.f32 v43, v7  }
0x126: {  	v32 =	vadd.f32 v63, v32;
	v55 =	vmul.f32 $1.442695020e+00, v58;
	v0 =	vmul.f32 v36, v3;
	v51 =	vpop (erf)  }
0x127: {  	v40 =	vadd.f32 v40, v61;
	v2 =	vmul.f32 v36, v5;
	v3 =	vld [tilespmem:s8+$0x6CA0];
	v46 =	vmul.f32 $1.442695020e+00, v59;
	v57 =	vpop (erf)  }
0x128: {  	v63 =	vld [tilespmem:s8+$0x6CB0];
	v5 =	vmul.f32 v51, v4;
	v42 =	vbroadcast v55, $0xF;
	v33 =	vadd.f32 v33, v12;
	v1, _, _ =	vpop (xrf2)  }
0x129: {  	v34 =	vadd.f32 v0, v34;
	v46 =	vbroadcast v46, $0xF;
	v48 =	vmul.f32 $1.442695020e+00, v1;
	v56, _, _ =	vpop (xrf2)  }
0x12a: {  	v58 =	vmul.f32 v57, v4;
	v31 =	vadd.f32 v31, v5;
	v47 =	vmul.f32 $1.442695020e+00, v56  }
0x12b: {  	v38 =	vadd.f32 v2, v38;
	v59 =	vpop (erf);
	v56 =	vmul.f32 $1.442695020e+00, v44;
	v48 =	vbroadcast v48, $0xF  }
0x12c: {  	v0 =	vld [tilespmem:s8+$0x6CF0];
	v12 =	vmul.f32 v59, v4;
	(xrf2) =	vadd.scan.msk.f32 $0xffff, v31;
	v31 =	vunpack.i.l.bf16.f32 v3;
	v30 =	vmul.f32 v59, v62  }
0x12d: {  	v4 =	vunpack.i.l.bf16.f32 v63;
	v47 =	vbroadcast v47, $0xF;
	v31 =	vmul.f32 v29, v31  }
0x12e: {  	[tilespmem:s8+$0x9E60] =	vst v15;
	v1 =	vld [tilespmem:s8+$0x6D00];
	v29 =	vnsel vm0, $0x0, v29;
	v15 =	vbroadcast v56, $0xF;
	(erf) = vpow2.f32 v48  }
0x12f: {  	v48 =	vunpack.i.u.bf16.f32 v3;
	(erf) = vpow2.f32 v46;
	v46 =	vadd.f32 v11, v58  }
0x130: {  	v34 =	vadd.f32 v34, v12;
	v12 =	vmul.f32 v51, v6;
	v3 =	vmul.f32 v59, v6  }
0x131: {  	v5 =	vunpack.i.u.bf16.f32 v0;
	v11 =	vmul.f32 v36, v7;
	v36 =	vmul.f32 v36, v60;
	(xrf2) =	vadd.scan.msk.f32 $0xffff, v46  }
0x132: {  	v29 =	vsel vm1, v29, v22;
	[tilespmem:s8+$0x9E70] =	vst v31;
	v31 =	vmul.f32 v59, v8;
	(erf) = vpow2.f32 v42  }
0x133: {  	[tilespmem:s8+$0x9E50] =	vst v26;
	v10 =	vunpack.i.u.bf16.f32 v1;
	v26 =	vmul.f32 v24, v5;
	(erf) = vpow2.f32 v47  }
0x134: {  	v2 =	vadd.f32 v13, v11;
	v11 =	vmul.f32 v57, v6;
	v6 =	vunpack.i.l.bf16.f32 v0  }
0x135: {  	[tilespmem:s8+$0x9F50] =	vst v23;
	v9 =	vunpack.i.l.bf16.f32 v1;
	v58 =	vld [tilespmem:s18+$0x6C60];
	v23 =	vmul.f32 v28, v6;
	v28 =	vmul.f32 v57, v62  }
0x136: {  	v59 =	vld [tilespmem:s18+$0x6D50];
	v39 =	vadd.f32 v39, v12;
	v32 =	vadd.f32 v32, v11;
	v11 =	vmul.f32 v51, v8  }
0x137: {  	v12 =	vunpack.i.u.bf16.f32 v63;
	v36 =	vadd.f32 v37, v36;
	v37 =	vadd.f32 v38, v3;
	(xrf2) =	vadd.scan.msk.f32 $0xffff, v34  }
0x138: {  	v47 =	vmul.f32 v51, v62;
	v7 =	vadd.f32 v35, v11;
	v35 =	vadd.f32 v2, v31;
	v31 =	vpop (erf)  }
0x139: {  	(erf) = vpow2.f32 v20;
	v51 =	vmul.f32 v57, v8;
	v43 =	vadd.f32 v40, v28;
	[tilespmem:s8+$0x9EC0] =	vst v23;
	v23 =	vld [tilespmem:s18+$0x6C50];
	v28, _, _ =	vpop (xrf2)  }
0x13a: {  	[tilespmem:s8+$0x9F40] =	vst v19;
	v41 =	vadd.f32 v41, v47;
	v30 =	vadd.f32 v36, v30;
	v21 =	vunpack.i.l.bf16.f32 v58;
	v57 =	vpop (erf)  }
0x13b: {  	v61 =	vld [tilespmem:s18+$0x6D00];
	v40 =	vunpack.i.l.bf16.f32 v59;
	v46 =	vadd.f32 v33, v51;
	v28 =	vmul.f32 $1.442695020e+00, v28;
	v19, _, _ =	vpop (xrf2);
	(xrf2) =	vadd.scan.msk.f32 $0xffff, v39  }
0x13c: {  	v60 =	vld [tilespmem:s18+$0x6CF0];
	(erf) = vpow2.f32 v18;
	v11 =	vsel vm1, v17, v24;
	v47 =	vpop (erf);
	v14 =	vnsel vm0, $0x0, v57  }
0x13d: {  	v18 =	vld [tilespmem:s18+$0x6CB0];
	v33 =	vunpack.i.u.bf16.f32 v59;
	v20 =	vbroadcast v28, $0xF;
	v42 =	vpop (erf);
	v14 =	vsel vm1, v14, v47  }
0x13e: {  	v62 =	vmul.f32 v31, v4;
	v28 =	vld [tilespmem:s18+$0x6D40];
	v13 =	vunpack.i.u.bf16.f32 v23;
	v14 =	vsel vm2, v14, v42;
	v34 =	vpop (erf);
	(xrf2) =	vadd.scan.msk.f32 $0xffff, v32  }
0x13f: {  	(erf) = vpow2.f32 v20;
	v14 =	vsel vm3, v14, v34;
	v20 =	vunpack.i.u.bf16.f32 v58;
	(xrf2) =	vadd.scan.msk.f32 $0xffff, v37  }
0x140: {  	v19 =	vmul.f32 $1.442695020e+00, v19;
	[tilespmem:s18+$0x9F50] =	vst v14;
	(erf) = vpow2.f32 v15;
	v14 =	vunpack.i.l.bf16.f32 v27  }
0x141: {  	v27 =	vmul.f32 v22, v48;
	v0, _, _ =	vpop (xrf2);
	v48 =	vsel vm2, v29, v31;
	v29 =	vunpack.i.l.bf16.f32 v61  }
0x142: {  	[tilespmem:s8+$0x9E40] =	vst v25;
	v25 =	vmul.f32 $1.442695020e+00, v0;
	v17 =	vbroadcast v19, $0xF;
	v19 =	vunpack.i.l.bf16.f32 v23  }
0x143: {  	v23 =	vunpack.i.u.bf16.f32 v18;
	v24 =	vunpack.i.l.bf16.f32 v28;
	[tilespmem:s8+$0x9E80] =	vst v27;
	v27 =	vunpack.i.l.bf16.f32 v60  }
0x144: {  	[tilespmem:s8+$0x9E90] =	vst v62;
	v45 =	vunpack.i.u.bf16.f32 v28;
	v31 =	vbroadcast v25, $0xF;
	v25 =	vmul.f32 v57, v24  }
0x145: {  	(xrf2) =	vadd.scan.msk.f32 $0xffff, v7;
	v24 =	vunpack.i.u.bf16.f32 v61;
	(erf) = vpow2.f32 v17;
	v17 =	vunpack.i.l.bf16.f32 v18;
	v63, _, _ =	vpop (xrf2)  }
0x146: {  	s17 =	simm.s32 $0xA00;
	s14 =	simm.s32 $0x4;
	s15 =	simm.s32 $0x5000;
	v28 =	vpop (erf);
	(xrf2) =	vadd.scan.msk.f32 $0xffff, v41;
	v18 =	vunpack.i.u.bf16.f32 v60;
	(erf) = vpow2.f32 v31;
	v31 =	vmul.f32 $1.442695020e+00, v63  }
.LBB2_5:
0x147: {  	[tilespmem:$0x1FF30] =	vst v21;
	v32 =	vld [tilespmem:s15+$0x50]  }
0x148: {  	[tilespmem:$0x1FF40] =	vst v20;
	s20 =	sshra.s32 s17, $0x2;
	v36, _, _ =	vpop (xrf2);
	v0 =	vsel vm3, v48, v28;
	v38 =	vmul.f32 v47, v45;
	v60 =	vld [tilespmem:s15+$0xFFFFFFC0]  }
0x149: {  	v52 =	vmov v23;
	v40 =	vmul.f32 v42, v40;
	v31 =	vbroadcast v31, $0xF;
	[tilespmem:s8+$0x9ED0] =	vst v26;
	v26 =	vld [tilespmem:s20+$0x6D30];
	v54, _, _ =	vpop (xrf2)  }
0x14a: {  	(xrf2) =	vadd.scan.msk.f32 $0xffff, v46;
	v36 =	vmul.f32 $1.442695020e+00, v36;
	[tilespmem:s8+$0x9EB0] =	vst v0;
	v22 =	vld [tilespmem:s20+$0x6C40];
	v28 =	vmul.f32 v28, v12;
	v37 =	vpop (erf)  }
0x14b: {  	[tilespmem:$0x1FEE0] =	vst v52;
	(xrf2) =	vadd.scan.msk.f32 $0xffff, v43;
	v39 =	vpop (erf);
	(erf) = vpow2.f32 v31;
	v12 =	vmul.f32 v37, v9;
	v31 =	vld [tilespmem:s20+$0x6C90]  }
0x14c: {  	v55 =	vmovc v29;
	v62 =	vmov v24;
	v24 =	vmul.f32 v34, v33;
	v23 =	vmul.f32 v39, v19;
	[tilespmem:s8+$0x9EA0] =	vst v28;
	v28 =	vld [tilespmem:s20+$0x6CE0]  }
0x14d: {  	v36 =	vbroadcast v36, $0xF;
	v21 =	vsel vm2, v11, v37;
	v53 =	vnsel vm0, $0x0, v39;
	v41 =	vpop (erf);
	[tilespmem:s8+$0x9EE0] =	vst v12;
	v29 =	vld [tilespmem:s15+$0xFFFFFFF0]  }
0x14e: {  	v39 =	vmul.f32 $1.442695020e+00, v54;
	v56 =	vpop (erf);
	v57 =	vsel vm3, v21, v41;
	v41 =	vmul.f32 v41, v10;
	v58 =	vld [tilespmem:s15+$0x20];
	[tilespmem:s18+$0x9E20] =	vst v23  }
0x14f: {  	v1 =	vmul.f32 v26, v32;
	[tilespmem:s8+$0x9F00] =	vst v57;
	v20 =	vmul.f32 v56, v14;
	v23 =	vld [tilespmem:s20+$0x6C20]  }
0x150: {  	v22 =	vmul.f32 v22, v60;
	(erf) = vpow2.f32 v36;
	v11, _, _ =	vpop (xrf2);
	[tilespmem:s8+$0x9EF0] =	vst v41;
	s8 =	smov.u32 s18;
	s18 =	smov.u32 s20;
	v6 =	vld [tilespmem:s15+$0xFFFFFFA0]  }
0x151: {  	v59 =	vbroadcast v39, $0xF;
	v61 =	vmul.f32 $1.442695020e+00, v11;
	v26 =	vpop (erf);
	v63 =	vld [tilespmem:s18+$0x6C70];
	[tilespmem:s8+$0x9E70] =	vst v20  }
0x152: {  	(xrf2) =	vadd.scan.msk.f32 $0xffff, v1;
	v20 =	vnsel vm0, $0x0, v26;
	v26 =	vmul.f32 v26, v27;
	[tilespmem:s8+$0x9F10] =	vst v25;
	v60 =	vld [tilespmem:s18+$0x6C30]  }
0x153: {  	(erf) = vpow2.f32 v59;
	v27, _, _ =	vpop (xrf2);
	[tilespmem:s8+$0x9F20] =	vst v38;
	v29 =	vmul.f32 v31, v29;
	v31 =	vld [tilespmem:s18+$0x6CC0]  }
0x154: {  	v5 =	vmul.f32 $1.442695020e+00, v27;
	v27, _, _ =	vpop (xrf2);
	[tilespmem:s8+$0x9EC0] =	vst v26;
	v7 =	vmul.f32 v28, v58;
	v28 =	vld [tilespmem:s15+$0xFFFFFFD0]  }
0x155: {  	v21 =	vnsel vm0, $0x0, v56;
	v4 =	vbroadcast v61, $0xF;
	[tilespmem:s8+$0x9F40] =	vst v24;
	v27 =	vmul.f32 $1.442695020e+00, v27;
	v24, _, _ =	vpop (xrf2);
	v59 =	vld [tilespmem:s15+$0x0]  }
0x156: {  	(xrf2) =	vadd.scan.msk.f32 $0xffff, v35;
	[tilespmem:s8+$0x9F30] =	vst v40;
	v38 =	vld [tilespmem:s18+$0x6C50];
	v25 =	vbroadcast v5, $0xF;
	v40 =	vmul.f32 $1.442695020e+00, v24  }
0x157: {  	(xrf2) =	vadd.scan.msk.f32 $0xffff, v22;
	v22 =	vld [tilespmem:s18+$0x6C80];
	v57 =	vpop (erf);
	(erf) = vpow2.f32 v4;
	v58 =	vunpack.i.u.bf16.f32 v23;
	v23 =	vunpack.i.l.bf16.f32 v23  }
0x158: {  	[tilespmem:$0x1FEF0] =	vst v62;
	v52 =	vld [tilespmem:s15+$0xFFFFFFE0];
	v35 =	vbroadcast v27, $0xF;
	v27 =	vunpack.i.u.bf16.f32 v6;
	v62 =	vunpack.i.l.bf16.f32 v6  }
0x159: {  	(xrf2) =	vadd.scan.msk.f32 $0xffff, v29;
	v44 =	vunpack.i.u.bf16.f32 v63;
	v32 =	vunpack.i.l.bf16.f32 v63;
	v63 =	vld [tilespmem:s18+$0x6CD0];
	v2 =	vunpack.i.u.bf16.f32 v28  }
0x15a: {  	v61 =	vunpack.i.u.bf16.f32 v31;
	v3 =	vunpack.i.u.bf16.f32 v59;
	v46 =	vmul.f32 v44, v2;
	v2 =	vld [tilespmem:$0x1FFE0]  }
0x15b: {  	v34 =	vsel vm1, v53, v57;
	(erf) = vpow2.f32 v25;
	v47 =	vmul.f32 v61, v3;
	v3 =	vld [tilespmem:$0x1FFF0]  }
0x15c: {  	v33 =	vmul.f32 v23, v62;
	v23 =	vld [tilespmem:s15+$0xFFFFFFB0];
	v48 =	vmul.f32 v58, v27;
	v27 =	vunpack.i.l.bf16.f32 v60;
	v4, _, _ =	vpop (xrf2);
	(xrf2) =	vadd.scan.msk.f32 $0xffff, v7  }
0x15d: {  	v25 =	vunpack.i.l.bf16.f32 v38;
	v45 =	vunpack.i.l.bf16.f32 v22;
	v37 =	vbroadcast v4, $0xF  }
0x15e: {  	v58 =	vunpack.i.u.bf16.f32 v52;
	v31 =	vunpack.i.l.bf16.f32 v31;
	v24 =	vunpack.i.l.bf16.f32 v28  }
0x15f: {  	v0 =	vpop (erf);
	v29 =	vunpack.i.l.bf16.f32 v59;
	v42 =	vmul.f32 v32, v24;
	v5 =	vadd.f32 v2, v37  }
0x160: {  	[tilespmem:$0x1FF10] =	vst v57;
	v43 =	vmul.f32 v31, v29;
	v49, _, _ =	vpop (xrf2);
	v50 =	vunpack.i.u.bf16.f32 v63;
	v37 =	vadd.f32 v3, v37  }
0x161: {  	v51 =	vunpack.i.l.bf16.f32 v63;
	v57 =	vunpack.i.u.bf16.f32 v23;
	(xrf2) =	vadd.scan.msk.f32 $0xffff, v30;
	v30, _, _ =	vpop (xrf2);
	v6 =	vmul.f32 v5, v5  }
0x162: {  	v28 =	vpop (erf);
	v23 =	vunpack.i.l.bf16.f32 v23;
	v7 =	vbroadcast v30, $0xF;
	v37 =	vmul.f32 v37, v37  }
0x163: {  	[tilespmem:$0x1FED0] =	vst v55;
	v4 =	vsel vm1, v20, v28;
	v55 =	vmul.f32 v27, v23;
	v62, _, _ =	vpop (xrf2);
	v1 =	vmul.f32 $-5.338888760e-01, v6  }
0x164: {  	v26 =	vmovc v18;
	[tilespmem:$0x1FF00] =	vst v4;
	v4 =	vld [tilespmem:s15+$0x30];
	v63 =	vadd.f32 v2, v7;
	v36 =	vbroadcast v62, $0xF;
	v27 =	vmul.f32 $-5.338888760e-01, v37  }
0x165: {  	v41 =	vld [tilespmem:s18+$0x6C60];
	v24 =	vunpack.i.u.bf16.f32 v60;
	v26 =	vmul.f32 v28, v26;
	v31 =	vpop (erf);
	v1 =	vmul.f32 $1.442695020e+00, v1  }
0x166: {  	v20 =	vmul.f32 v63, v63;
	v5 =	vadd.f32 v2, v36;
	v23, _, _ =	vpop (xrf2);
	v27 =	vmul.f32 $1.442695020e+00, v27  }
0x167: {  	v29 =	vunpack.i.u.bf16.f32 v22;
	v22 =	vld [tilespmem:s18+$0x6CA0];
	v32 =	vpop (erf);
	v63 =	vbroadcast v23, $0xF;
	(erf) = vpow2.f32 v1  }
0x168: {  	v14 =	vld [tilespmem:$0x1FF60];
	v30 =	vsel vm1, v21, v0;
	(erf) = vpow2.f32 v27;
	v27 =	vmul.f32 v5, v5  }
0x169: {  	[tilespmem:$0x1FF50] =	vst v0;
	v0 =	vld [tilespmem:s15+$0x40];
	v39 =	vadd.f32 v3, v7;
	v11 =	vunpack.i.u.bf16.f32 v4;
	v62 =	vadd.f32 v3, v36  }
0x16a: {  	v36 =	vunpack.i.l.bf16.f32 v41;
	v7 =	vadd.f32 v2, v63;
	v2 =	vld [tilespmem:s18+$0x6D20];
	v27 =	vmul.f32 $-5.338888760e-01, v27  }
0x16b: {  	v21 =	vld [tilespmem:$0x1FFA0];
	v6 =	vunpack.i.u.bf16.f32 v38;
	v20 =	vmul.f32 $-5.338888760e-01, v20;
	v37 =	vunpack.i.u.bf16.f32 v41  }
0x16c: {  	v38 =	vunpack.i.u.bf16.f32 v22;
	[tilespmem:$0x1FF20] =	vst v6;
	v62 =	vmul.f32 v62, v62;
	v6 =	vmul.f32 $1.442695020e+00, v27;
	v27 =	vld [tilespmem:s18+$0x6D10]  }
0x16d: {  	v1 =	vmul.f32 v39, v39;
	v39 =	vunpack.i.l.bf16.f32 v22;
	v22 =	vld [tilespmem:$0x1FFB0];
	v41 =	vmul.f32 v7, v7  }
0x16e: {  	v18 =	vmovc v17;
	v63 =	vadd.f32 v3, v63;
	v62 =	vmul.f32 $-5.338888760e-01, v62;
	v5 =	vmul.f32 $1.442695020e+00, v20;
	v20 =	vld [tilespmem:$0x1FF80]  }
0x16f: {  	v44 =	vld [tilespmem:s18+$0x6CB0];
	v3, _, _ =	vpop (xrf2);
	v7 =	vunpack.i.l.bf16.f32 v0;
	v41 =	vmul.f32 $-5.338888760e-01, v41;
	v8 =	vunpack.i.l.bf16.f32 v2  }
0x170: {  	v19 =	vld [tilespmem:$0x1FF90];
	v4 =	vunpack.i.l.bf16.f32 v4;
	v3 =	vmul.f32 $1.442695020e+00, v3;
	v7 =	vmul.f32 v8, v7;
	v9 =	vpop (erf)  }
0x171: {  	v17 =	vmovc v16;
	v16 =	vmovc v13;
	v60 =	vld [tilespmem:s18+$0x6CF0];
	v10 =	vmul.f32 $1.442695020e+00, v41;
	v8 =	vmul.f32 v9, v21;
	v13 =	vunpack.i.u.bf16.f32 v27  }
0x172: {  	v15 =	vld [tilespmem:$0x1FF70];
	v12 =	vpop (erf);
	(erf) = vpow2.f32 v5;
	v5 =	vunpack.i.l.bf16.f32 v27;
	v11 =	vmul.f32 v13, v11  }
0x173: {  	v13 =	vmul.f32 v9, v20;
	v7 =	vadd.f32 v7, v8;
	v8 =	vmul.f32 v12, v22  }
0x174: {  	v23 =	vunpack.i.u.bf16.f32 v44;
	v4 =	vmul.f32 v5, v4;
	v5 =	vmul.f32 v9, v14  }
0x175: {  	v7 =	vadd.f32 v7, v8;
	v8 =	vadd.f32 v13, v11;
	v11 =	vmul.f32 v12, v19  }
0x176: {  	v54 =	vld [tilespmem:s15+$0x10];
	v41 =	vunpack.i.l.bf16.f32 v44;
	v44 =	vunpack.i.u.bf16.f32 v60;
	v27 =	vunpack.i.l.bf16.f32 v60  }
0x177: {  	v60 =	vld [tilespmem:$0x1FFC0];
	v4 =	vadd.f32 v5, v4;
	v5 =	vmul.f32 v12, v15;
	(xrf2) =	vadd.scan.msk.f32 $0xffff, v7;
	v7 =	vadd.f32 v8, v11  }
0x178: {  	v59 =	vunpack.i.l.bf16.f32 v52;
	v63 =	vmul.f32 v63, v63;
	(erf) = vpow2.f32 v6  }
0x179: {  	(erf) = vpow2.f32 v10;
	v4 =	vadd.f32 v4, v5;
	(xrf2) =	vadd.scan.msk.f32 $0xffff, v7;
	v7 =	vmul.f32 $1.442695020e+00, v62;
	v62 =	vld [tilespmem:$0x1FFD0]  }
0x17a: {  	v61 =	vld [tilespmem:s18+$0x6D00];
	v57 =	vmul.f32 v24, v57;
	v0 =	vunpack.i.u.bf16.f32 v0;
	v1 =	vmul.f32 $-5.338888760e-01, v1  }
0x17b: {  	v3 =	vbroadcast v3, $0xF;
	v63 =	vmul.f32 $-5.338888760e-01, v63;
	v2 =	vunpack.i.u.bf16.f32 v2;
	(xrf2) =	vadd.scan.msk.f32 $0xffff, v4  }
0x17c: {  	v53 =	vunpack.i.u.bf16.f32 v54;
	v0 =	vmul.f32 v2, v0;
	v2 =	vmul.f32 v9, v60  }
0x17d: {  	v56 =	vunpack.i.l.bf16.f32 v54;
	v1 =	vmul.f32 $1.442695020e+00, v1;
	v6 =	vmul.f32 v29, v58  }
0x17e: {  	v52 =	vld [tilespmem:s18+$0x6D50];
	v13 =	vbroadcast v40, $0xF;
	v0 =	vadd.f32 v0, v2;
	v9 =	vmul.f32 v12, v62  }
0x17f: {  	v54 =	vld [tilespmem:s18+$0x6D40];
	v24 =	vunpack.i.u.bf16.f32 v61;
	v8 =	vmul.f32 $1.442695020e+00, v63;
	v58 =	vpop (erf);
	(erf) = vpow2.f32 v1  }
0x180: {  	v4 =	vmul.f32 v45, v59;
	(erf) = vpow2.f32 v7;
	v0 =	vadd.f32 v0, v9  }
0x181: {  	v34 =	vsel vm2, v34, v31;
	v59 =	vmul.f32 v58, v20;
	(erf) = vpow2.f32 v8;
	v12 =	vpop (erf)  }
0x182: {  	v29 =	vunpack.i.l.bf16.f32 v61;
	v5 =	vmul.f32 v50, v53;
	v11 =	vmul.f32 $1.442695020e+00, v49;
	v49 =	vpop (erf);
	(xrf2) =	vadd.scan.msk.f32 $0xffff, v0  }
0x183: {  	v40 =	vunpack.i.l.bf16.f32 v52;
	v10 =	vmul.f32 v58, v14;
	v61 =	vmul.f32 v58, v21;
	v9, _, _ =	vpop (xrf2)  }
0x184: {  	v50 =	vunpack.i.l.bf16.f32 v54;
	v2 =	vmul.f32 v58, v60;
	(erf) = vpow2.f32 v35;
	v8, _, _ =	vpop (xrf2)  }
0x185: {  	v1 =	vadd.f32 v59, v48;
	v63 =	vmul.f32 v12, v14;
	v48 =	vmul.f32 v12, v20;
	v59, _, _ =	vpop (xrf2)  }
0x186: {  	v45 =	vunpack.i.u.bf16.f32 v54;
	v58 =	vmul.f32 v49, v20;
	v20 =	vmul.f32 $1.442695020e+00, v59  }
0x187: {  	v0 =	vadd.f32 v10, v33;
	v10 =	vmul.f32 v51, v56;
	v8 =	vmul.f32 $1.442695020e+00, v8  }
0x188: {  	v56 =	vmul.f32 v49, v14;
	v14 =	vmov v39;
	v54 =	vpop (erf);
	v39 =	vbroadcast v20, $0xF  }
0x189: {  	v35 =	vadd.f32 v63, v42;
	v63 =	vmul.f32 v54, v15;
	v51 =	vpop (erf);
	v8 =	vbroadcast v8, $0xF  }
0x18a: {  	v7 =	vadd.f32 v55, v61;
	v9 =	vmul.f32 $1.442695020e+00, v9;
	v53 =	vpop (erf);
	(erf) = vpow2.f32 v39  }
0x18b: {  	v0 =	vadd.f32 v0, v63;
	(erf) = vpow2.f32 v8;
	v8 =	vmul.f32 v51, v15  }
0x18c: {  	v61 =	vmul.f32 v12, v21;
	v43 =	vadd.f32 v56, v43;
	v9 =	vbroadcast v9, $0xF;
	v56, _, _ =	vpop (xrf2)  }
0x18d: {  	v47 =	vadd.f32 v58, v47;
	(xrf2) =	vadd.scan.msk.f32 $0xffff, v0;
	v58 =	vadd.f32 v35, v8;
	v20 =	vmul.f32 $1.442695020e+00, v56  }
0x18e: {  	v2 =	vadd.f32 v57, v2;
	v12 =	vmul.f32 v12, v60;
	(erf) = vpow2.f32 v9  }
0x18f: {  	v46 =	vadd.f32 v48, v46;
	v8 =	vmul.f32 v53, v15;
	(xrf2) =	vadd.scan.msk.f32 $0xffff, v58;
	v57 =	vbroadcast v20, $0xF  }
0x190: {  	v6 =	vadd.f32 v6, v12;
	v12 =	vmul.f32 v49, v60;
	v33 =	vunpack.i.u.bf16.f32 v52  }
0x191: {  	v52 =	vpop (erf);
	v9 =	vsel vm3, v34, v32;
	v15 =	vadd.f32 v43, v8;
	(erf) = vpow2.f32 v57  }
0x192: {  	v4 =	vadd.f32 v4, v61;
	v59 =	vmul.f32 v51, v19;
	[tilespmem:s8+$0x9E60] =	vst v9;
	v9 =	vmul.f32 v54, v19  }
0x193: {  	v5 =	vadd.f32 v5, v12;
	v12 =	vmul.f32 v51, v22;
	v61 =	vmul.f32 v53, v19;
	(xrf2) =	vadd.scan.msk.f32 $0xffff, v15  }
0x194: {  	v48 =	vsel vm2, v30, v52;
	v30 =	vmul.f32 v49, v21;
	v1 =	vadd.f32 v1, v9  }
0x195: {  	v63 =	vmul.f32 v54, v22;
	v49 =	vadd.f32 v46, v59;
	v39 =	vmul.f32 v53, v22;
	v8 =	vpop (erf)  }
0x196: {  	v10 =	vadd.f32 v10, v30;
	v9 =	vmul.f32 v54, v62;
	v54 =	vadd.f32 v47, v61;
	(xrf2) =	vadd.scan.msk.f32 $0xffff, v1;
	v47 =	vpop (erf)  }
0x197: {  	v46 =	vadd.f32 v4, v12;
	v30 =	vmul.f32 v51, v62;
	v53 =	vmul.f32 v53, v62;
	v61, _, _ =	vpop (xrf2);
	(xrf2) =	vadd.scan.msk.f32 $0xffff, v49;
	v49 =	vld [tilespmem:$0x1FF10]  }
0x198: {  	v0 =	vadd.f32 v7, v63;
	v35 =	vadd.f32 v10, v39;
	v63 =	vbroadcast v11, $0xF;
	v42 =	vpop (erf)  }
0x199: {  	v51 =	vld [tilespmem:$0x1FF20];
	v43 =	vadd.f32 v6, v30;
	v30 =	vadd.f32 v5, v53;
	v15 =	vnsel vm0, $0x0, v8;
	v39, _, _ =	vpop (xrf2)  }
0x19a: {  	v57 =	vsel vm1, v15, v47;
	v4 =	vmul.f32 $1.442695020e+00, v61;
	(xrf2) =	vadd.scan.msk.f32 $0xffff, v54;
	v54 =	vld [tilespmem:$0x1FF30];
	v34 =	vpop (erf);
	(erf) = vpow2.f32 v13  }
0x19b: {  	v19 =	vmovc v25;
	v25 =	vmul.f32 v8, v50;
	v58 =	vsel vm2, v57, v42;
	v57 =	vld [tilespmem:$0x1FF40];
	v53 =	vmul.f32 $1.442695020e+00, v39  }
0x19c: {  	v4 =	vbroadcast v4, $0xF;
	v59 =	vsel vm3, v58, v34;
	v6 =	vmul.f32 v49, v16;
	v58 =	vld [tilespmem:$0x1FF50]  }
0x19d: {  	s14 =	sadd.s32 $0x4, s14;
	v56, _, _ =	vpop (xrf2);
	(erf) = vpow2.f32 v63;
	v55 =	vbroadcast v53, $0xF  }
0x19e: {  	p2 =	slt.u32 s14, $0x4C;
	v5 =	vmul.f32 $1.442695020e+00, v56;
	v63 =	vmul.f32 v52, v18;
	[tilespmem:s18+$0x9F50] =	vst v59  }
.Ltmp5:
0x19f: {  	v2 =	vadd.f32 v2, v9;
	(erf) = vpow2.f32 v4;
	[tilespmem:s8+$0x9E30] =	vst v6;
	v1 =	vmul.f32 v31, v54;
	(pc) =	sbr.rel @p2 .LBB2_5-.Ltmp5, $4  }
0x1a0: {  	v12 =	vld [tilespmem:$0x1FEE0];
	v21 =	vmovc v36;
	v20 =	vmovc v37;
	v13 =	vmov v51;
	v6 =	vmul.f32 v32, v57;
	(erf) = vpow2.f32 v3;
	[tilespmem:s8+$0x9E90] =	vst v63  }
0x1a1: {  	v10 =	vld [tilespmem:$0x1FEF0];
	(xrf2) =	vadd.scan.msk.f32 $0xffff, v0;
	v16 =	vmovc v38;
	v59 =	vbroadcast v5, $0xF;
	[tilespmem:s8+$0x9E40] =	vst v1;
	v0 =	vmul.f32 v58, v17  }
0x1a2: {  	v11 =	vld [tilespmem:$0x1FF00];
	v61, _, _ =	vpop (xrf2);
	v18 =	vmov v44;
	(xrf2) =	vadd.scan.msk.f32 $0xffff, v2;
	(erf) = vpow2.f32 v55;
	[tilespmem:s8+$0x9E50] =	vst v6  }
0x1a3: {  	s17 =	sadd.s32 $0x500, s17;
	s15 =	sadd.s32 $0xC0, s15;
	v9 =	vld [tilespmem:$0x1FED0];
	v31 =	vmul.f32 $1.442695020e+00, v61;
	(erf) = vpow2.f32 v59;
	v17 =	vmov v41;
	[tilespmem:s8+$0x9E80] =	vst v0;
	v28 =	vpop (erf)  }
0x1a4: {  	_ =	sdelay $0x1  }
0x1a5: {  	(xrf2) =	vadd.scan.msk.f32 $0xffff, v46;
	_ =	sdelay $0x1  }
0x1a6: {  	v1, _, _ =	vpop (xrf2);
	v3 =	vmul.f32 v47, v45;
	v37 =	vmul.f32 v42, v40;
	(xrf2) =	vadd.scan.msk.f32 $0xffff, v43  }
0x1a7: {  	v47 =	vmul.f32 v34, v33;
	v0 =	vbroadcast v31, $0xF;
	v4, _, _ =	vpop (xrf2);
	(xrf2) =	vadd.scan.msk.f32 $0xffff, v35  }
0x1a8: {  	v2 =	vmul.f32 v28, v12;
	v1 =	vmul.f32 $1.442695020e+00, v1  }
0x1a9: {  	v61 =	vmul.f32 $1.442695020e+00, v4;
	(erf) = vpow2.f32 v0;
	v5, _, _ =	vpop (xrf2);
	(xrf2) =	vadd.scan.msk.f32 $0xffff, v30  }
0x1aa: {  	v1 =	vbroadcast v1, $0xF;
	v63 =	vmul.f32 $1.442695020e+00, v5;
	v12, _, _ =	vpop (xrf2)  }
0x1ab: {  	v6 =	vpop (erf);
	v0 =	vbroadcast v61, $0xF;
	v5 =	vmul.f32 $1.442695020e+00, v12  }
0x1ac: {  	[tilespmem:s8+$0x9ED0] =	vst v26;
	v7 =	vpop (erf);
	(erf) = vpow2.f32 v1;
	v15 =	vbroadcast v63, $0xF  }
0x1ad: {  	v22 =	vsel vm3, v48, v28;
	[tilespmem:s18+$0x9F10] =	vst v25;
	v8 =	vpop (erf);
	(erf) = vpow2.f32 v0;
	v26 =	vbroadcast v5, $0xF  }
0x1ae: {  	[tilespmem:s8+$0x9EB0] =	vst v22;
	v28 =	vmul.f32 v6, v9;
	v30, _, _ =	vpop (xrf2);
	(erf) = vpow2.f32 v15  }
0x1af: {  	[tilespmem:s18+$0x9F20] =	vst v3;
	v32 =	vpop (erf);
	v1 =	vmul.f32 $1.442695020e+00, v30;
	(erf) = vpow2.f32 v26  }
0x1b0: {  	[tilespmem:s18+$0x9F30] =	vst v37;
	v36 =	vmul.f32 v7, v19;
	v39 =	vmul.f32 v8, v10;
	v40, _, _ =	vpop (xrf2)  }
0x1b1: {  	[tilespmem:s18+$0x9F40] =	vst v47;
	v31 =	vsel vm2, v11, v6;
	v4 =	vmul.f32 $1.442695020e+00, v40;
	v42, _, _ =	vpop (xrf2);
	v1 =	vbroadcast v1, $0xF  }
0x1b2: {  	[tilespmem:s8+$0x9EA0] =	vst v2;
	v38 =	vsel vm3, v31, v8;
	v35 =	vpop (erf);
	v41 =	vmul.f32 v32, v14;
	v8 =	vmul.f32 $1.442695020e+00, v42  }
0x1b3: {  	[tilespmem:s8+$0x9EE0] =	vst v28;
	v4 =	vbroadcast v4, $0xF;
	(erf) = vpow2.f32 v1;
	v45, _, _ =	vpop (xrf2)  }
0x1b4: {  	[tilespmem:s8+$0x9F00] =	vst v38;
	v43 =	vpop (erf);
	v8 =	vbroadcast v8, $0xF;
	v6 =	vmul.f32 $1.442695020e+00, v45  }
0x1b5: {  	[tilespmem:s18+$0x9E20] =	vst v36;
	v44 =	vmul.f32 v35, v27;
	v46 =	vpop (erf);
	(erf) = vpow2.f32 v4  }
0x1b6: {  	[tilespmem:s8+$0x9EF0] =	vst v39;
	v48 =	vpop (erf);
	(erf) = vpow2.f32 v8;
	v6 =	vbroadcast v6, $0xF  }
0x1b7: {  	[tilespmem:s18+$0x9E70] =	vst v41;
	v5 =	vmul.f32 v43, v13;
	v50 =	vpop (erf)  }
0x1b8: {  	v7 =	vnsel vm0, $0x0, v7;
	[tilespmem:s18+$0x9EC0] =	vst v44;
	v54 =	vmul.f32 v46, v16;
	v51 =	vpop (erf);
	(erf) = vpow2.f32 v6  }
0x1b9: {  	v49 =	vsel vm1, v7, v43;
	[tilespmem:s18+$0x9E30] =	vst v5;
	v56 =	vmul.f32 v48, v18  }
0x1ba: {  	[tilespmem:s18+$0x9E80] =	vst v54;
	v4 =	vsel vm2, v49, v50  }
0x1bb: {  	[tilespmem:s18+$0x9ED0] =	vst v56;
	v3 =	vmul.f32 v50, v21;
	v4 =	vsel vm3, v4, v51  }
0x1bc: {  	v2 =	vnsel vm0, $0x0, v32;
	v52 =	vmul.f32 v51, v20;
	[tilespmem:s18+$0x9E60] =	vst v4;
	v53 =	vpop (erf)  }
0x1bd: {  	v2 =	vsel vm1, v2, v46;
	[tilespmem:s18+$0x9E40] =	vst v3;
	v55 =	vmul.f32 v53, v17  }
0x1be: {  	[tilespmem:s18+$0x9E50] =	vst v52;
	v2 =	vsel vm2, v2, v53;
	v57 =	vpop (erf)  }
0x1bf: {  	v0 =	vnsel vm0, $0x0, v35;
	v2 =	vsel vm3, v2, v57;
	v4 =	vmul.f32 v57, v23;
	v58 =	vpop (erf);
	[tilespmem:s18+$0x9E90] =	vst v55  }
0x1c0: {  	v0 =	vsel vm1, v0, v48;
	[tilespmem:s18+$0x9EB0] =	vst v2;
	v59 =	vmul.f32 v58, v29  }
.Ltmp6:
0x1c1: {  	v0 =	vsel vm2, v0, v58;
	[tilespmem:s18+$0x9EA0] =	vst v4;
	v61 =	vpop (erf);
	(pc) =	sbr.rel @p1 .LBB2_10-.Ltmp6, $4  }
0x1c2: {  	s20 =	smul.u32 $0x280, s6;
	[tilespmem:s18+$0x9EE0] =	vst v59;
	v0 =	vsel vm3, v0, v61;
	v63 =	vmul.f32 v61, v24  }
0x1c3: {  	[tilespmem:s18+$0x9F00] =	vst v0  }
0x1c4: {  	s8 =	sshra.s32 s20, $0x2;
	[tilespmem:s18+$0x9EF0] =	vst v63  }
0x1c5: {  	[spmem:s3] =	stream.indirect.scatter.add.f32 [tilespmem:s29], [sflag:$0x3], $0x50, s8, s21, $0xb8;
	[tilespmem:$0x1BB00] =	vst v63  }
0x1c6: {  	s8 =	smul.u32 $0xA0, s6;
	_ =	sdelay $0x1  }
0x1c7: {  	s14 =	sadd.s32 $0xA0, s8  }
0x1c8: {  	[tilespmem:s24], [sflag:$0x1] =	stream.indirect.gather [hbm4b:s5+s21], $0x30, s14, s21, $0xb8;
	[tilespmem:$0x1BB00] =	vst v63  }
0x1c9: {  	s8 =	sadd.s32 $0x27B0, s8  }
0x1ca: {  	[tilespmem:s26], [sflag:$0x1] =	stream.indirect.gather [hbm4b:s2+s21], $0x50, s8, s21, $0xb8;
	[tilespmem:$0x1BB00] =	vst v63  }
0x1cb: {  	_ =	swait.ge [sflag:s30], $0xF00  }
0x1cc: {  	[sflag:s30] =	ssyncset.done $0x0  }
0x1cd: {  	[sflag:s30] =	ssyncadd.s32 $0xFFFFF100  }
0x1ce: {  	_ =	swait.ge [sflag:s30], $0x1900  }
0x1cf: {  	[sflag:s30] =	ssyncset.done $0x0  }
0x1d0: {  	s8 =	simm.s32 @!p0 $0x4;
	[sflag:s30] =	ssyncadd.s32 $0xFFFFE700  }
0x1d1: {  	_ =	swait.ge @!p0 [sflag:s8], $0x1900  }
0x1d2: {  	[sflag:s8] =	ssyncset.done @!p0 $0x0  }
0x1d3: {  	s18 =	simm.s32 $0x5DD0;
	[sflag:s8] =	ssyncadd.s32 @!p0 $0xFFFFE700  }
0x1d4: {  	s8 =	simm.s32 $0x0;
	v0 =	vld [tilespmem:s18+$0x0]  }
0x1d5: {  	v1 =	vld [tilespmem:s8+$0x8630]  }
0x1d6: {  	v61 =	vld [tilespmem:s8+$0x8540]  }
0x1d7: {  	v2 =	vld [tilespmem:s8+$0x8590]  }
0x1d8: {  	v63 =	vld [tilespmem:s18+$0xFFFFFF70]  }
0x1d9: {  	v3 =	vld [tilespmem:s18+$0xFFFFFFA0]  }
0x1da: {  	v4 =	vld [tilespmem:s8+$0x85E0]  }
0x1db: {  	v5 =	vld [tilespmem:s18+$0xFFFFFFD0];
	v0 =	vmul.f32 v1, v0  }
0x1dc: {  	v33 =	vld [tilespmem:s8+$0x8520]  }
0x1dd: {  	v34 =	vld [tilespmem:s8+$0x8570];
	(xrf2) =	vadd.scan.msk.f32 $0xffff, v0  }
0x1de: {  	v35 =	vld [tilespmem:s8+$0x85C0]  }
0x1df: {  	v9 =	vld [tilespmem:s18+$0xFFFFFFB0];
	v0 =	vmul.f32 v61, v63  }
0x1e0: {  	v6 =	vld [tilespmem:s18+$0xFFFFFF50];
	v32 =	vmul.f32 v2, v3  }
0x1e1: {  	v37 =	vld [tilespmem:s18+$0xFFFFFF80];
	v4 =	vmul.f32 v4, v5;
	(xrf2) =	vadd.scan.msk.f32 $0xffff, v0  }
0x1e2: {  	(xrf2) =	vadd.scan.msk.f32 $0xffff, v32  }
0x1e3: {  	v44 =	vld [tilespmem:$0x1FFE0];
	(xrf2) =	vadd.scan.msk.f32 $0xffff, v4  }
0x1e4: {  	v42 =	vld [tilespmem:s18+$0xFFFFFFF0];
	v7 =	vunpack.i.u.bf16.f32 v33;
	v1 =	vunpack.i.l.bf16.f32 v35;
	v13 =	vunpack.i.l.bf16.f32 v9  }
0x1e5: {  	v2 =	vunpack.i.l.bf16.f32 v33;
	v8 =	vunpack.i.u.bf16.f32 v34;
	v1 =	vmul.f32 v1, v13;
	v13 =	vld [tilespmem:s8+$0x8620]  }
0x1e6: {  	v45 =	vld [tilespmem:$0x1FFF0];
	v10 =	vunpack.i.u.bf16.f32 v35;
	v11 =	vunpack.i.l.bf16.f32 v6;
	v12 =	vunpack.i.l.bf16.f32 v37  }
0x1e7: {  	v6 =	vunpack.i.u.bf16.f32 v6;
	v5 =	vunpack.i.u.bf16.f32 v37;
	v2 =	vmul.f32 v2, v11;
	v36, _, _ =	vpop (xrf2)  }
0x1e8: {  	v9 =	vunpack.i.u.bf16.f32 v9;
	v39 =	vmul.f32 v7, v6;
	v3 =	vbroadcast v36, $0xF  }
0x1e9: {  	v16 =	vunpack.i.l.bf16.f32 v42;
	v5 =	vmul.f32 v8, v5;
	v9 =	vmul.f32 v10, v9  }
0x1ea: {  	v0 =	vunpack.i.l.bf16.f32 v34;
	v17 =	vunpack.i.l.bf16.f32 v13;
	v38 =	vadd.f32 v44, v3  }
0x1eb: {  	v0 =	vmul.f32 v0, v12;
	v16 =	vmul.f32 v17, v16;
	v11, _, _ =	vpop (xrf2);
	v3 =	vadd.f32 v45, v3  }
0x1ec: {  	v12, _, _ =	vpop (xrf2);
	v11 =	vbroadcast v11, $0xF;
	v4 =	vmul.f32 v38, v38  }
0x1ed: {  	v12 =	vbroadcast v12, $0xF;
	v8, _, _ =	vpop (xrf2);
	v3 =	vmul.f32 v3, v3  }
0x1ee: {  	v40 =	vadd.f32 v44, v11;
	v8 =	vbroadcast v8, $0xF;
	v4 =	vmul.f32 $-5.338888760e-01, v4  }
0x1ef: {  	v15 =	vld [tilespmem:s8+$0x8610];
	v10 =	vadd.f32 v45, v11;
	v41 =	vadd.f32 v44, v12;
	v3 =	vmul.f32 $-5.338888760e-01, v3  }
0x1f0: {  	v6 =	vmul.f32 v40, v40;
	v4 =	vmul.f32 $1.442695020e+00, v4  }
0x1f1: {  	v11 =	vld [tilespmem:s18+$0xFFFFFFE0];
	v12 =	vadd.f32 v45, v12;
	v10 =	vmul.f32 v10, v10;
	v7 =	vmul.f32 v41, v41  }
0x1f2: {  	v14 =	vadd.f32 v44, v8;
	v3 =	vmul.f32 $1.442695020e+00, v3;
	(erf) = vpow2.f32 v4  }
0x1f3: {  	v8 =	vadd.f32 v45, v8;
	v12 =	vmul.f32 v12, v12;
	v6 =	vmul.f32 $-5.338888760e-01, v6  }
0x1f4: {  	v20 =	vunpack.i.u.bf16.f32 v15;
	v14 =	vmul.f32 v14, v14;
	(erf) = vpow2.f32 v3  }
0x1f5: {  	v15 =	vunpack.i.l.bf16.f32 v15;
	v8 =	vmul.f32 v8, v8;
	v10 =	vmul.f32 $-5.338888760e-01, v10  }
0x1f6: {  	v46 =	vld [tilespmem:$0x1FFA0];
	v7 =	vmul.f32 $-5.338888760e-01, v7;
	v19 =	vunpack.i.u.bf16.f32 v11;
	v12 =	vmul.f32 $-5.338888760e-01, v12  }
0x1f7: {  	v47 =	vld [tilespmem:$0x1FF80];
	v11 =	vunpack.i.l.bf16.f32 v11;
	v6 =	vmul.f32 $1.442695020e+00, v6;
	v19 =	vmul.f32 v20, v19  }
0x1f8: {  	v50 =	vld [tilespmem:$0x1FF60];
	v11 =	vmul.f32 v15, v11;
	v14 =	vmul.f32 $-5.338888760e-01, v14  }
0x1f9: {  	v48 =	vld [tilespmem:$0x1FFB0];
	v8 =	vmul.f32 $-5.338888760e-01, v8;
	v10 =	vmul.f32 $1.442695020e+00, v10  }
0x1fa: {  	v49 =	vld [tilespmem:$0x1FF90];
	v7 =	vmul.f32 $1.442695020e+00, v7;
	v55 =	vmul.f32 $1.442695020e+00, v12  }
0x1fb: {  	v51 =	vld [tilespmem:$0x1FF70];
	v14 =	vmul.f32 $1.442695020e+00, v14;
	v8 =	vmul.f32 $1.442695020e+00, v8;
	v18 =	vpop (erf)  }
0x1fc: {  	v17 =	vmul.f32 v18, v46;
	v20 =	vmul.f32 v18, v47  }
0x1fd: {  	v53 =	vunpack.i.u.bf16.f32 v13;
	v21 =	vpop (erf);
	v15 =	vmul.f32 v18, v50;
	(erf) = vpow2.f32 v6  }
0x1fe: {  	v54 =	vld [tilespmem:s18+$0xFFFFFF90];
	(erf) = vpow2.f32 v7;
	v16 =	vadd.f32 v16, v17;
	v17 =	vmul.f32 v21, v48  }
0x1ff: {  	v19 =	vadd.f32 v20, v19;
	v20 =	vmul.f32 v21, v49;
	v43 =	vadd.f32 v15, v11;
	v15 =	vld [tilespmem:s8+$0x8580]  }
0x200: {  	v3 =	vunpack.i.u.bf16.f32 v42;
	v11 =	vmul.f32 v21, v51;
	(erf) = vpow2.f32 v14  }
0x201: {  	(erf) = vpow2.f32 v10;
	v16 =	vadd.f32 v16, v17;
	v17 =	vadd.f32 v19, v20;
	v19 =	vld [tilespmem:s8+$0x8530]  }
0x202: {  	v3 =	vmul.f32 v53, v3;
	v6 =	vadd.f32 v43, v11;
	v11 =	vld [tilespmem:s18+$0xFFFFFF60];
	(erf) = vpow2.f32 v55  }
0x203: {  	(erf) = vpow2.f32 v8;
	(xrf2) =	vadd.scan.msk.f32 $0xffff, v16;
	v16 =	vmul.f32 v18, v60  }
0x204: {  	v10 =	vld [tilespmem:s8+$0x85D0];
	v18 =	vunpack.i.u.bf16.f32 v54;
	(xrf2) =	vadd.scan.msk.f32 $0xffff, v17;
	v14 =	vunpack.i.u.bf16.f32 v15;
	v56 =	vunpack.i.l.bf16.f32 v15  }
0x205: {  	v8 =	vld [tilespmem:s18+$0xFFFFFFC0];
	(xrf2) =	vadd.scan.msk.f32 $0xffff, v6;
	v3 =	vadd.f32 v3, v16;
	v16 =	vmul.f32 v21, v62;
	v6 =	vunpack.i.l.bf16.f32 v54  }
0x206: {  	v14 =	vmul.f32 v14, v18;
	v13 =	vunpack.i.u.bf16.f32 v19;
	v12 =	vunpack.i.l.bf16.f32 v19  }
0x207: {  	v15 =	vunpack.i.u.bf16.f32 v11;
	v11 =	vunpack.i.l.bf16.f32 v11;
	v6 =	vmul.f32 v56, v6  }
0x208: {  	v17 =	vpop (erf);
	v11 =	vmul.f32 v12, v11;
	v13 =	vmul.f32 v13, v15;
	v3 =	vadd.f32 v3, v16  }
0x209: {  	v15 =	vunpack.i.u.bf16.f32 v10;
	v16 =	vmul.f32 v17, v50;
	v10 =	vunpack.i.l.bf16.f32 v10  }
0x20a: {  	v18 =	vpop (erf);
	v19 =	vmul.f32 v17, v47;
	v58 =	vmul.f32 v17, v46;
	v21 =	vunpack.i.u.bf16.f32 v8  }
0x20b: {  	v17 =	vmul.f32 v17, v60;
	v8 =	vunpack.i.l.bf16.f32 v8;
	v20 =	vpop (erf);
	v22 =	vmul.f32 v18, v50  }
0x20c: {  	v63 =	vmul.f32 v18, v46;
	v43 =	vmul.f32 v10, v8;
	v25 =	vpop (erf)  }
0x20d: {  	v54 =	vmul.f32 v15, v21;
	v2 =	vadd.f32 v16, v2;
	v26 =	vmul.f32 v25, v51;
	v27 =	vpop (erf)  }
0x20e: {  	(xrf2) =	vadd.scan.msk.f32 $0xffff, v3;
	v16 =	vmul.f32 v18, v47;
	v0 =	vadd.f32 v22, v0;
	v28 =	vmul.f32 v27, v51  }
0x20f: {  	v24 =	vmul.f32 v20, v50;
	v4 =	vadd.f32 v19, v39;
	v2 =	vadd.f32 v2, v26;
	v12, _, _ =	vpop (xrf2)  }
0x210: {  	v19 =	vmul.f32 v20, v47;
	v34 =	vadd.f32 v11, v58;
	v0 =	vadd.f32 v0, v28;
	v57, _, _ =	vpop (xrf2)  }
0x211: {  	v37 =	vadd.f32 v13, v17;
	v39 =	vmul.f32 v18, v60;
	v11 =	vmul.f32 v25, v62;
	(xrf2) =	vadd.scan.msk.f32 $0xffff, v2;
	v23, _, _ =	vpop (xrf2)  }
0x212: {  	v1 =	vadd.f32 v24, v1;
	v59 =	vmul.f32 v27, v49;
	(xrf2) =	vadd.scan.msk.f32 $0xffff, v0;
	v22 =	vmul.f32 $1.442695020e+00, v23;
	v23 =	vpop (erf)  }
0x213: {  	v5 =	vadd.f32 v16, v5;
	v7 =	vmul.f32 $1.442695020e+00, v57;
	v24 =	vmul.f32 v23, v51  }
0x214: {  	v9 =	vadd.f32 v19, v9;
	v26 =	vmul.f32 v25, v49;
	v32 =	vbroadcast v22, $0xF  }
0x215: {  	v12 =	vmul.f32 $1.442695020e+00, v12;
	v7 =	vbroadcast v7, $0xF;
	v1 =	vadd.f32 v1, v24  }
0x216: {  	v61 =	vadd.f32 v4, v26;
	v16 =	vmul.f32 v23, v49;
	(erf) = vpow2.f32 v32  }
0x217: {  	v53 =	vld [tilespmem:s8+$0x8640];
	s18 =	simm.s32 $0x140;
	v2 =	vadd.f32 v5, v59;
	v36 =	vbroadcast v12, $0xF;
	(xrf2) =	vadd.scan.msk.f32 $0xffff, v1;
	(erf) = vpow2.f32 v7  }
0x218: {  	v38 =	vmul.f32 v25, v48;
	v40 =	vmul.f32 v27, v48;
	v12 =	vld [tilespmem:s18+$0x8630];
	v33, _, _ =	vpop (xrf2);
	v9 =	vadd.f32 v9, v16;
	(xrf2) =	vadd.scan.msk.f32 $0xffff, v61  }
0x219: {  	s20 =	simm.s32 $0x5E90;
	v35 =	vmul.f32 $1.442695020e+00, v33;
	(erf) = vpow2.f32 v36;
	(xrf2) =	vadd.scan.msk.f32 $0xffff, v2;
	v2 =	vadd.f32 v37, v11;
	v11 =	vld [tilespmem:s8+$0x8550]  }
0x21a: {  	v41 =	vadd.f32 v14, v39;
	v42 =	vmul.f32 v27, v62;
	v4 =	vadd.f32 v6, v63;
	(xrf2) =	vadd.scan.msk.f32 $0xffff, v9;
	v9 =	vld [tilespmem:s20+$0x0]  }
0x21b: {  	v0 =	vadd.f32 v34, v38;
	v57 =	vmul.f32 v20, v46;
	v3 =	vbroadcast v35, $0xF;
	v52, _, _ =	vpop (xrf2)  }
0x21c: {  	v4 =	vadd.f32 v4, v40;
	v21 =	vmul.f32 v23, v62;
	v55, _, _ =	vpop (xrf2);
	v5 =	vmul.f32 $1.442695020e+00, v52  }
0x21d: {  	v58 =	vld [tilespmem:s8+$0x8650];
	v1 =	vadd.f32 v41, v42;
	(erf) = vpow2.f32 v3;
	(xrf2) =	vadd.scan.msk.f32 $0xffff, v0;
	v7 =	vmul.f32 $1.442695020e+00, v55  }
0x21e: {  	v0 =	vadd.f32 v43, v57;
	(xrf2) =	vadd.scan.msk.f32 $0xffff, v2;
	v2 =	vunpack.i.l.bf16.f32 v53;
	v5 =	vbroadcast v5, $0xF  }
0x21f: {  	v39 =	vld [tilespmem:s18+$0x8520];
	v14 =	vunpack.i.u.bf16.f32 v11;
	v7 =	vbroadcast v7, $0xF;
	v56 =	vmul.f32 v12, v9;
	v16 =	vpop (erf)  }
0x220: {  	v24 =	vld [tilespmem:s20+$0xFFFFFFD0];
	v17 =	vunpack.i.l.bf16.f32 v11;
	v9 =	vmul.f32 v20, v60;
	(erf) = vpow2.f32 v5;
	v19 =	vpop (erf)  }
0x221: {  	v33 =	vld [tilespmem:s20+$0xFFFFFF70];
	(xrf2) =	vadd.scan.msk.f32 $0xffff, v4;
	v11 =	vunpack.i.u.bf16.f32 v53;
	v12 =	vmul.f32 v23, v48;
	(erf) = vpow2.f32 v7;
	v8, _, _ =	vpop (xrf2)  }
0x222: {  	v37 =	vld [tilespmem:s20+$0xFFFFFFA0];
	v18 =	vmul.f32 v16, v2;
	v23 =	vnsel vm0, $0x0, v16;
	(xrf2) =	vadd.scan.msk.f32 $0xffff, v1;
	v22 =	vpop (erf);
	v1 =	vunpack.i.l.bf16.f32 v58  }
0x223: {  	v6 =	vadd.f32 v54, v9;
	v15 =	vmul.f32 v19, v11;
	v9 =	vld [tilespmem:s18+$0x8590];
	v10, _, _ =	vpop (xrf2);
	(xrf2) =	vadd.scan.msk.f32 $0xffff, v56;
	v8 =	vmul.f32 $1.442695020e+00, v8  }
0x224: {  	v0 =	vadd.f32 v0, v12;
	v12 =	vld [tilespmem:s18+$0x85E0];
	v16 =	vmul.f32 v22, v1;
	v59, _, _ =	vpop (xrf2);
	v63 =	vmul.f32 $1.442695020e+00, v10  }
0x225: {  	v41 =	vld [tilespmem:s18+$0x8570];
	v13, _, _ =	vpop (xrf2);
	v61 =	vbroadcast v8, $0xF;
	v4 =	vmul.f32 $1.442695020e+00, v59  }
0x226: {  	v10 =	vld [tilespmem:s18+$0x8540];
	v34 =	vbroadcast v63, $0xF;
	v11 =	vmul.f32 $1.442695020e+00, v13  }
0x227: {  	v52 =	vld [tilespmem:s20+$0xFFFFFF80];
	v32, _, _ =	vpop (xrf2);
	(erf) = vpow2.f32 v61;
	v36 =	vbroadcast v4, $0xF  }
0x228: {  	v3 =	vunpack.i.l.bf16.f32 v39;
	v56 =	vld [tilespmem:s20+$0xFFFFFFF0];
	v2 =	vmul.f32 $1.442695020e+00, v32;
	v4 =	vmul.f32 v9, v37  }
0x229: {  	v19 =	vsel vm1, v23, v19;
	v35, _, _ =	vpop (xrf2);
	v9 =	vmul.f32 v12, v24;
	(erf) = vpow2.f32 v34  }
0x22a: {  	v1 =	vadd.f32 v6, v21;
	v38 =	vbroadcast v11, $0xF;
	v7 =	vmul.f32 $1.442695020e+00, v35  }
0x22b: {  	v8 =	vunpack.i.u.bf16.f32 v58;
	v13, _, _ =	vpop (xrf2);
	v5 =	vmul.f32 v10, v33;
	(erf) = vpow2.f32 v36  }
0x22c: {  	(xrf2) =	vadd.scan.msk.f32 $0xffff, v0;
	v12 =	vunpack.i.l.bf16.f32 v52;
	v2 =	vbroadcast v2, $0xF;
	(erf) = vpow2.f32 v38;
	v20, _, _ =	vpop (xrf2)  }
0x22d: {  	v33 =	vld [tilespmem:s18+$0x8620];
	v7 =	vbroadcast v7, $0xF;
	v38 =	vunpack.i.l.bf16.f32 v56;
	(xrf2) =	vadd.scan.msk.f32 $0xffff, v5;
	v5 =	vunpack.i.l.bf16.f32 v41;
	v11, _, _ =	vpop (xrf2)  }
0x22e: {  	v42 =	vld [tilespmem:s18+$0x85C0];
	(xrf2) =	vadd.scan.msk.f32 $0xffff, v4;
	v12 =	vmul.f32 v5, v12;
	v10 =	vbroadcast v11, $0xF;
	v11 =	vsel vm2, v19, v22;
	v22 =	vpop (erf)  }
0x22f: {  	v4 =	vunpack.i.u.bf16.f32 v52;
	(xrf2) =	vadd.scan.msk.f32 $0xffff, v9;
	v9 =	vld [tilespmem:s20+$0xFFFFFFB0];
	(erf) = vpow2.f32 v2;
	v19 =	vmul.f32 v22, v8  }
0x230: {  	v23 =	vsel vm3, v11, v22;
	v27 =	vpop (erf);
	v11 =	vmul.f32 $1.442695020e+00, v13;
	v13 =	vunpack.i.u.bf16.f32 v41  }
0x231: {  	v40 =	vadd.f32 v44, v10;
	v43 =	vadd.f32 v45, v10;
	v10 =	vunpack.i.u.bf16.f32 v39;
	v29 =	vpop (erf)  }
0x232: {  	v4 =	vmul.f32 v13, v4;
	v39 =	vunpack.i.l.bf16.f32 v33;
	v28 =	vpop (erf);
	(erf) = vpow2.f32 v7  }
0x233: {  	v6 =	vunpack.i.l.bf16.f32 v42;
	v8 =	vld [tilespmem:s20+$0xFFFFFF50];
	v11 =	vbroadcast v11, $0xF;
	v38 =	vmul.f32 v39, v38  }
0x234: {  	v0 =	vmul.f32 v40, v40;
	v57 =	vunpack.i.u.bf16.f32 v9;
	v9 =	vunpack.i.l.bf16.f32 v9  }
0x235: {  	v53 =	vunpack.i.u.bf16.f32 v42;
	v36 =	vld [tilespmem:s18+$0x8610];
	v2 =	vmul.f32 v43, v43;
	v6 =	vmul.f32 v6, v9  }
0x236: {  	v13 =	vld [tilespmem:s20+$0xFFFFFFE0];
	v21 =	vpop (erf);
	v5 =	vmul.f32 v53, v57;
	v0 =	vmul.f32 $-5.338888760e-01, v0  }
0x237: {  	[tilespmem:s8+$0xB830] =	vst v16;
	v30, _, _ =	vpop (xrf2);
	v16 =	vmul.f32 v21, v14;
	v2 =	vmul.f32 $-5.338888760e-01, v2  }
0x238: {  	v54 =	vunpack.i.l.bf16.f32 v8;
	v8 =	vunpack.i.u.bf16.f32 v8;
	v55, _, _ =	vpop (xrf2);
	v0 =	vmul.f32 $1.442695020e+00, v0  }
0x239: {  	v33 =	vunpack.i.u.bf16.f32 v33;
	v8 =	vmul.f32 v10, v8;
	v2 =	vmul.f32 $1.442695020e+00, v2;
	v9, _, _ =	vpop (xrf2)  }
0x23a: {  	v43 =	vunpack.i.u.bf16.f32 v36;
	v9 =	vbroadcast v9, $0xF;
	(erf) = vpow2.f32 v0  }
0x23b: {  	v41 =	vunpack.i.u.bf16.f32 v13;
	v0 =	vmul.f32 v3, v54;
	v3 =	vbroadcast v55, $0xF  }
0x23c: {  	v25 =	vld [tilespmem:s18+$0x8530];
	v41 =	vmul.f32 v43, v41;
	(erf) = vpow2.f32 v2;
	v37 =	vadd.f32 v44, v9  }
0x23d: {  	v9 =	vadd.f32 v45, v9;
	v2 =	vunpack.i.u.bf16.f32 v56;
	v10 =	vadd.f32 v44, v3  }
0x23e: {  	v52 =	vld [tilespmem:s20+$0xFFFFFF60];
	v3 =	vadd.f32 v45, v3;
	v2 =	vmul.f32 v33, v2;
	v37 =	vmul.f32 v37, v37  }
0x23f: {  	v9 =	vmul.f32 v9, v9;
	v58 =	vmul.f32 v10, v10  }
0x240: {  	v22 =	vpop (erf);
	v3 =	vmul.f32 v3, v3;
	v37 =	vmul.f32 $-5.338888760e-01, v37  }
0x241: {  	v32 =	vunpack.i.u.bf16.f32 v25;
	v9 =	vmul.f32 $-5.338888760e-01, v9;
	v10, _, _ =	vpop (xrf2);
	v7 =	vmul.f32 $-5.338888760e-01, v58  }
0x242: {  	v34 =	vunpack.i.l.bf16.f32 v25;
	v24 =	vpop (erf);
	v3 =	vmul.f32 $-5.338888760e-01, v3;
	v10 =	vbroadcast v10, $0xF  }
0x243: {  	v31 =	vld [tilespmem:s18+$0x8580];
	v25 =	vpop (erf);
	v58 =	vunpack.i.u.bf16.f32 v52;
	v37 =	vmul.f32 $1.442695020e+00, v37;
	v9 =	vmul.f32 $1.442695020e+00, v9  }
0x244: {  	v13 =	vunpack.i.l.bf16.f32 v13;
	v26 =	vpop (erf);
	v32 =	vmul.f32 v32, v58;
	v7 =	vmul.f32 $1.442695020e+00, v7  }
0x245: {  	v3 =	vmul.f32 $1.442695020e+00, v3;
	v40 =	vpop (erf);
	v44 =	vadd.f32 v44, v10;
	v10 =	vadd.f32 v45, v10  }
0x246: {  	v45 =	vunpack.i.l.bf16.f32 v36;
	v59 =	vmul.f32 v40, v46;
	v63 =	vmul.f32 v40, v47  }
0x247: {  	(erf) = vpow2.f32 v7;
	v7 =	vmul.f32 v45, v13  }
0x248: {  	v35 =	vunpack.i.u.bf16.f32 v31;
	v42 =	vpop (erf);
	v54 =	vmul.f32 v40, v50;
	v40 =	vmul.f32 v40, v60  }
0x249: {  	v31 =	vunpack.i.l.bf16.f32 v31;
	v61 =	vmul.f32 v42, v48;
	v53 =	vmul.f32 v42, v49  }
0x24a: {  	v57 =	vld [tilespmem:s20+$0xFFFFFF90];
	v36 =	vunpack.i.l.bf16.f32 v52;
	v44 =	vmul.f32 v44, v44;
	v10 =	vmul.f32 v10, v10  }
0x24b: {  	v39 =	vld [tilespmem:s18+$0x85D0];
	v56 =	vmul.f32 v42, v51;
	(erf) = vpow2.f32 v37;
	v38 =	vadd.f32 v38, v59  }
0x24c: {  	v41 =	vadd.f32 v63, v41;
	v7 =	vadd.f32 v54, v7;
	v55 =	vmul.f32 $-5.338888760e-01, v44  }
0x24d: {  	v2 =	vadd.f32 v2, v40;
	v59 =	vmul.f32 v42, v62;
	v38 =	vadd.f32 v38, v61  }
0x24e: {  	(xrf2) =	vadd.scan.msk.f32 $0xffff, v1;
	v63 =	vmul.f32 v34, v36;
	v41 =	vadd.f32 v41, v53;
	v1 =	vmul.f32 $1.442695020e+00, v55  }
0x24f: {  	v40 =	vmul.f32 $-5.338888760e-01, v10;
	v10 =	vunpack.i.u.bf16.f32 v57;
	v7 =	vadd.f32 v7, v56;
	v61 =	vld [tilespmem:s20+$0xFFFFFFC0];
	(xrf2) =	vadd.scan.msk.f32 $0xffff, v38  }
0x250: {  	v43 =	vunpack.i.l.bf16.f32 v39;
	v10 =	vmul.f32 v35, v10;
	(xrf2) =	vadd.scan.msk.f32 $0xffff, v41;
	(erf) = vpow2.f32 v1  }
0x251: {  	v42 =	vunpack.i.l.bf16.f32 v57;
	v55 =	vld [tilespmem:s8+$0x8560];
	(xrf2) =	vadd.scan.msk.f32 $0xffff, v7;
	(erf) = vpow2.f32 v3;
	v7 =	vmul.f32 $1.442695020e+00, v40  }
0x252: {  	v13 =	vunpack.i.u.bf16.f32 v39;
	v3 =	vmul.f32 v31, v42;
	v31 =	vpop (erf);
	(erf) = vpow2.f32 v9  }
0x253: {  	v2 =	vadd.f32 v2, v59;
	v45 =	vmul.f32 v31, v50;
	v52 =	vmul.f32 v31, v47  }
0x254: {  	v37 =	vunpack.i.l.bf16.f32 v61;
	v9 =	vmul.f32 v31, v46;
	v31 =	vmul.f32 v31, v60  }
0x255: {  	(xrf2) =	vadd.scan.msk.f32 $0xffff, v2;
	v44 =	vunpack.i.u.bf16.f32 v61;
	v2 =	vmul.f32 v43, v37;
	(erf) = vpow2.f32 v7  }
0x256: {  	v7 =	vmul.f32 v13, v44;
	v13 =	vpop (erf);
	v38 =	vunpack.i.u.bf16.f32 v55;
	v33 =	vunpack.i.l.bf16.f32 v55  }
0x257: {  	(erf) = vpow2.f32 v11;
	v1 =	vadd.f32 v63, v9;
	v9 =	vmul.f32 v13, v50  }
0x258: {  	v34, _, _ =	vpop (xrf2);
	v56 =	vmul.f32 v13, v47;
	v0 =	vadd.f32 v45, v0;
	v8 =	vadd.f32 v52, v8  }
0x259: {  	v9 =	vadd.f32 v9, v12;
	v12 =	vmul.f32 v13, v46;
	v13 =	vmul.f32 v13, v60;
	v11 =	vpop (erf)  }
0x25a: {  	v61 =	vld [tilespmem:s8+$0x85A0];
	v31 =	vadd.f32 v32, v31;
	v53, _, _ =	vpop (xrf2);
	v57 =	vmul.f32 v11, v50;
	v59 =	vmul.f32 v11, v47  }
0x25b: {  	v4 =	vadd.f32 v56, v4;
	v54, _, _ =	vpop (xrf2);
	v44 =	vmul.f32 $1.442695020e+00, v53;
	v55 =	vmul.f32 v11, v46  }
0x25c: {  	v3 =	vadd.f32 v3, v12;
	v40 =	vpop (erf);
	v11 =	vmul.f32 v11, v60;
	v60 =	vmul.f32 $1.442695020e+00, v20  }
0x25d: {  	v10 =	vadd.f32 v10, v13;
	v58, _, _ =	vpop (xrf2);
	v63 =	vmul.f32 v40, v51;
	v35 =	vmul.f32 $1.442695020e+00, v54  }
0x25e: {  	v47 =	vpop (erf);
	v37 =	vmul.f32 $1.442695020e+00, v58;
	v6 =	vadd.f32 v57, v6;
	v32 =	vbroadcast v44, $0xF  }
0x25f: {  	v56 =	vld [tilespmem:s8+$0x8600];
	v45, _, _ =	vpop (xrf2);
	v5 =	vadd.f32 v59, v5;
	v50 =	vmul.f32 v47, v51;
	v57 =	vunpack.i.l.bf16.f32 v61  }
0x260: {  	v53 =	vld [tilespmem:s8+$0x85B0];
	v52 =	vpop (erf);
	v2 =	vadd.f32 v2, v55;
	v58 =	vmul.f32 v47, v49;
	v36 =	vmul.f32 $1.442695020e+00, v45  }
0x261: {  	v7 =	vadd.f32 v7, v11;
	v35 =	vbroadcast v35, $0xF;
	v12 =	vmul.f32 v52, v51  }
0x262: {  	[tilespmem:s8+$0xB810] =	vst v18;
	v54 =	vld [tilespmem:s8+$0x85F0];
	v0 =	vadd.f32 v0, v63;
	v11 =	vmul.f32 v52, v49;
	v18 =	vmul.f32 v52, v62  }
0x263: {  	v37 =	vbroadcast v37, $0xF;
	v9 =	vadd.f32 v9, v50;
	v4 =	vadd.f32 v4, v58  }
0x264: {  	v36 =	vbroadcast v36, $0xF;
	v6 =	vadd.f32 v6, v12;
	v12 =	vmul.f32 v40, v49  }
0x265: {  	v13 =	vunpack.i.u.bf16.f32 v53;
	v5 =	vadd.f32 v5, v11;
	v11 =	vunpack.i.u.bf16.f32 v56  }
0x266: {  	(xrf2) =	vadd.scan.msk.f32 $0xffff, v0;
	v0 =	vmul.f32 v29, v57;
	v29 =	vnsel vm0, $0x0, v29;
	(erf) = vpow2.f32 v37  }
0x267: {  	[tilespmem:s8+$0xB840] =	vst v19;
	v19 =	vld [tilespmem:s18+$0x85B0];
	v37 =	vunpack.i.u.bf16.f32 v61;
	v41 =	vunpack.i.u.bf16.f32 v54;
	v59 =	vunpack.i.l.bf16.f32 v54  }
0x268: {  	(xrf2) =	vadd.scan.msk.f32 $0xffff, v9;
	v9 =	vmul.f32 v27, v17;
	v17 =	vmul.f32 v40, v62;
	v27 =	vnsel vm0, $0x0, v27  }
0x269: {  	v61 =	vmul.f32 v52, v48;
	v29 =	vsel vm1, v29, v22;
	(erf) = vpow2.f32 v35  }
0x26a: {  	[tilespmem:s8+$0xB850] =	vst v23;
	v8 =	vadd.f32 v8, v12;
	v12 =	vmul.f32 v40, v48;
	v23 =	vmul.f32 v28, v59  }
0x26b: {  	v27 =	vsel vm1, v27, v21;
	[tilespmem:s8+$0xB770] =	vst v0;
	v0 =	vbroadcast v60, $0xF;
	v59 =	vmul.f32 v22, v37  }
0x26c: {  	v22 =	vunpack.i.u.bf16.f32 v19;
	(erf) = vpow2.f32 v32;
	v32 =	vunpack.i.l.bf16.f32 v53  }
0x26d: {  	v31 =	vadd.f32 v31, v17;
	v17 =	vmul.f32 v47, v48;
	[tilespmem:s8+$0xB720] =	vst v9;
	v9 =	vnsel vm0, $0x0, v28  }
0x26e: {  	[tilespmem:s8+$0xB820] =	vst v15;
	v58 =	vld [tilespmem:s18+$0x8600];
	v63 =	vpop (erf);
	v28 =	vmul.f32 v47, v62;
	v35 =	vadd.f32 v2, v61;
	v15 =	vsel vm2, v27, v25  }
0x26f: {  	v53 =	vld [tilespmem:s18+$0x8550];
	v25 =	vmul.f32 v25, v33;
	v48 =	vsel vm2, v29, v63;
	(erf) = vpow2.f32 v36  }
0x270: {  	(xrf2) =	vadd.scan.msk.f32 $0xffff, v6;
	v27 =	vld [tilespmem:s18+$0x85F0];
	v1 =	vadd.f32 v1, v12;
	v12 =	vunpack.i.l.bf16.f32 v56;
	v15 =	vsel vm3, v15, v26  }
0x271: {  	v56 =	vld [tilespmem:s18+$0x85A0];
	v26 =	vmul.f32 v26, v38;
	v21 =	vsel vm1, v9, v24;
	v61 =	vmul.f32 v63, v32  }
0x272: {  	v46 =	vadd.f32 v3, v17;
	v17 =	vmul.f32 $1.442695020e+00, v30;
	v30 =	vadd.f32 v7, v18;
	v18 =	vld [tilespmem:s18+$0x8560]  }
0x273: {  	v29 =	vunpack.i.l.bf16.f32 v58;
	v43 =	vadd.f32 v10, v28;
	(erf) = vpow2.f32 v0;
	v28 =	vld [tilespmem:s18+$0x8650];
	v10, _, _ =	vpop (xrf2)  }
0x274: {  	[tilespmem:s8+$0xB750] =	vst v26;
	v26 =	vmul.f32 v24, v41;
	v17 =	vbroadcast v17, $0xF;
	v57, _, _ =	vpop (xrf2);
	(xrf2) =	vadd.scan.msk.f32 $0xffff, v8  }
0x275: {  	[tilespmem:s8+$0xB7C0] =	vst v23;
	v24 =	vunpack.i.u.bf16.f32 v58;
	v23 =	vunpack.i.l.bf16.f32 v53;
	v37 =	vunpack.i.u.bf16.f32 v27  }
0x276: {  	[tilespmem:s8+$0xB730] =	vst v16;
	v27 =	vunpack.i.l.bf16.f32 v27;
	(erf) = vpow2.f32 v17;
	v16 =	vunpack.i.u.bf16.f32 v56  }
0x277: {  	[tilespmem:s8+$0xB780] =	vst v59;
	v20 =	vunpack.i.l.bf16.f32 v56;
	v54 =	vpop (erf);
	v36 =	vunpack.i.u.bf16.f32 v18;
	v17 =	vunpack.i.l.bf16.f32 v18  }
0x278: {  	[tilespmem:s8+$0xB760] =	vst v15;
	v18 =	vunpack.i.l.bf16.f32 v19;
	v33 =	vunpack.i.u.bf16.f32 v28;
	v52 =	vmul.f32 $1.442695020e+00, v10;
	v47 =	vpop (erf);
	v8 =	vld [tilespmem:s18+$0x8640]  }
0x279: {  	v40 =	vunpack.i.l.bf16.f32 v28;
	v10 =	vmul.f32 $1.442695020e+00, v34;
	v14 =	vnsel vm0, $0x0, v54;
	v42 =	vpop (erf);
	(xrf2) =	vadd.scan.msk.f32 $0xffff, v4  }
0x27a: {  	[tilespmem:s8+$0xB740] =	vst v25;
	v14 =	vsel vm1, v14, v47;
	v0 =	vmul.f32 $1.442695020e+00, v57;
	v60, _, _ =	vpop (xrf2);
	v55 =	vbroadcast v52, $0xF  }
0x27b: {  	[tilespmem:s8+$0xB790] =	vst v61;
	v14 =	vsel vm2, v14, v42;
	v34 =	vpop (erf);
	v10 =	vbroadcast v10, $0xF;
	v3 =	vmul.f32 $1.442695020e+00, v60  }
0x27c: {  	(xrf2) =	vadd.scan.msk.f32 $0xffff, v5;
	v14 =	vsel vm3, v14, v34;
	v0 =	vbroadcast v0, $0xF;
	(erf) = vpow2.f32 v55  }
0x27d: {  	(xrf2) =	vadd.scan.msk.f32 $0xffff, v1;
	v3 =	vbroadcast v3, $0xF;
	(erf) = vpow2.f32 v10;
	v62 =	vunpack.i.l.bf16.f32 v8  }
0x27e: {  	[tilespmem:s18+$0xB850] =	vst v14;
	v14 =	vunpack.i.u.bf16.f32 v53;
	(erf) = vpow2.f32 v0;
	v25 =	vmul.f32 v54, v62;
	v63, _, _ =	vpop (xrf2)  }
0x27f: {  	s15 =	simm.s32 $0x5F50;
	s17 =	simm.s32 $0xA00;
	s14 =	simm.s32 $0x4;
	v28 =	vpop (erf);
	(xrf2) =	vadd.scan.msk.f32 $0xffff, v31;
	v45 =	vunpack.i.u.bf16.f32 v8;
	(erf) = vpow2.f32 v3;
	v31 =	vmul.f32 $1.442695020e+00, v63  }
.LBB2_8:
0x280: {  	_ =	sdelay $0x1  }
0x281: {  	s20 =	sshra.s32 s17, $0x2;
	v0 =	vld [tilespmem:s15+$0x0]  }
0x282: {  	v9 =	vsel vm3, v48, v28;
	v6 =	vmul.f32 v47, v45;
	v1 =	vbroadcast v31, $0xF;
	[tilespmem:s8+$0xB7D0] =	vst v26;
	v5 =	vld [tilespmem:s20+$0x8630];
	v2, _, _ =	vpop (xrf2)  }
0x283: {  	v7 =	vmov v22;
	v49 =	vld [tilespmem:s15+$0xFFFFFF70];
	v50 =	vmul.f32 v34, v33;
	[tilespmem:s8+$0xB7B0] =	vst v9;
	v4 =	vmul.f32 v28, v13;
	v3 =	vpop (erf)  }
0x284: {  	[tilespmem:$0x1FE70] =	vst v7;
	v32 =	vld [tilespmem:s20+$0x8540];
	v2 =	vmul.f32 $1.442695020e+00, v2;
	v8 =	vpop (erf);
	(erf) = vpow2.f32 v1  }
0x285: {  	v9 =	vld [tilespmem:s20+$0x8590];
	(xrf2) =	vadd.scan.msk.f32 $0xffff, v46;
	v13 =	vmul.f32 v3, v12;
	v12, _, _ =	vpop (xrf2);
	v10 =	vnsel vm0, $0x0, v8;
	v8 =	vmul.f32 v8, v23  }
0x286: {  	v44 =	vld [tilespmem:s20+$0x85E0];
	v2 =	vbroadcast v2, $0xF;
	[tilespmem:s8+$0xB7A0] =	vst v4;
	v22 =	vmul.f32 $1.442695020e+00, v12;
	v45 =	vpop (erf)  }
0x287: {  	v41 =	vsel vm2, v21, v3;
	v23 =	vmul.f32 v42, v40;
	v0 =	vmul.f32 v5, v0;
	[tilespmem:s8+$0xB7E0] =	vst v13;
	v26 =	vld [tilespmem:s15+$0xFFFFFFA0];
	v28 =	vpop (erf)  }
0x288: {  	(xrf2) =	vadd.scan.msk.f32 $0xffff, v43;
	v46 =	vmul.f32 v45, v11;
	v47 =	vld [tilespmem:s15+$0xFFFFFFD0];
	v48 =	vbroadcast v22, $0xF;
	v11, _, _ =	vpop (xrf2);
	[tilespmem:s18+$0xB720] =	vst v8  }
0x289: {  	v1 =	vsel vm3, v41, v45;
	v8 =	vmul.f32 v28, v20;
	(xrf2) =	vadd.scan.msk.f32 $0xffff, v0;
	v22 =	vmul.f32 $1.442695020e+00, v11;
	v20 =	vld [tilespmem:s20+$0x8520]  }
0x28a: {  	(erf) = vpow2.f32 v2;
	v21 =	vnsel vm0, $0x0, v28;
	[tilespmem:s8+$0xB800] =	vst v1;
	v11 =	vmov v24;
	v24 =	vpop (erf);
	v28 =	vld [tilespmem:s15+$0xFFFFFF50]  }
0x28b: {  	[tilespmem:s8+$0xB7F0] =	vst v46;
	s8 =	smov.u32 s18;
	s18 =	smov.u32 s20;
	v61 =	vld [tilespmem:s15+$0xFFFFFF60];
	v52 =	vbroadcast v22, $0xF;
	v22 =	vmul.f32 v24, v27  }
0x28c: {  	v1 =	vmul.f32 v32, v49;
	(erf) = vpow2.f32 v48;
	v51 =	vld [tilespmem:s18+$0x8570];
	[tilespmem:s8+$0xB770] =	vst v8;
	v8 =	vnsel vm0, $0x0, v24;
	v24, _, _ =	vpop (xrf2)  }
0x28d: {  	v12 =	vmov v29;
	v27 =	vld [tilespmem:s18+$0x85C0];
	v9 =	vmul.f32 v9, v26;
	v24 =	vmul.f32 $1.442695020e+00, v24;
	[tilespmem:s8+$0xB7C0] =	vst v22;
	v39 =	vpop (erf)  }
0x28e: {  	[tilespmem:$0x1FE50] =	vst v12;
	v56 =	vunpack.i.u.bf16.f32 v20;
	v34 =	vsel vm1, v10, v39;
	v10 =	vunpack.i.l.bf16.f32 v20;
	v20 =	vld [tilespmem:s15+$0xFFFFFFB0]  }
0x28f: {  	v12 =	vld [tilespmem:$0x1FFF0];
	[tilespmem:$0x1FE60] =	vst v11;
	v3 =	vmul.f32 v44, v47;
	v55, _, _ =	vpop (xrf2);
	(erf) = vpow2.f32 v52  }
0x290: {  	[tilespmem:s8+$0xB820] =	vst v6;
	v11 =	vld [tilespmem:$0x1FFE0];
	(xrf2) =	vadd.scan.msk.f32 $0xffff, v35;
	v54 =	vbroadcast v24, $0xF;
	v6 =	vmul.f32 $1.442695020e+00, v55  }
0x291: {  	[tilespmem:s8+$0xB830] =	vst v23;
	v53 =	vld [tilespmem:s15+$0xFFFFFF80];
	v60 =	vunpack.i.u.bf16.f32 v28;
	v24 =	vunpack.i.l.bf16.f32 v28;
	v0 =	vunpack.i.l.bf16.f32 v61  }
0x292: {  	v57 =	vld [tilespmem:s18+$0x8580];
	(xrf2) =	vadd.scan.msk.f32 $0xffff, v1;
	v23 =	vunpack.i.u.bf16.f32 v51;
	v2 =	vunpack.i.l.bf16.f32 v51;
	v59, _, _ =	vpop (xrf2);
	v48 =	vmul.f32 v56, v60  }
0x293: {  	v7 =	vld [tilespmem:s18+$0x8550];
	(xrf2) =	vadd.scan.msk.f32 $0xffff, v9;
	(erf) = vpow2.f32 v54;
	v63 =	vunpack.i.u.bf16.f32 v20;
	v9 =	vunpack.i.l.bf16.f32 v20;
	v20, _, _ =	vpop (xrf2)  }
0x294: {  	v62 =	vld [tilespmem:s15+$0xFFFFFF90];
	v58 =	vunpack.i.u.bf16.f32 v27;
	v35 =	vbroadcast v6, $0xF;
	v20 =	vbroadcast v20, $0xF  }
0x295: {  	v22 =	vld [tilespmem:s18+$0x8530];
	v27 =	vunpack.i.l.bf16.f32 v27;
	v40 =	vmul.f32 $1.442695020e+00, v59;
	v33 =	vmul.f32 v10, v24  }
0x296: {  	v32 =	vld [tilespmem:s18+$0x85D0];
	v10 =	vunpack.i.u.bf16.f32 v53;
	v4 =	vunpack.i.l.bf16.f32 v53;
	(xrf2) =	vadd.scan.msk.f32 $0xffff, v3;
	v60 =	vadd.f32 v11, v20  }
0x297: {  	v29 =	vunpack.i.u.bf16.f32 v57;
	v45 =	vunpack.i.l.bf16.f32 v57;
	v42 =	vmul.f32 v2, v4  }
0x298: {  	v13 =	vpop (erf);
	v46 =	vmul.f32 v23, v10;
	v10 =	vadd.f32 v12, v20;
	v4 =	vmul.f32 v60, v60  }
0x299: {  	v57 =	vunpack.i.u.bf16.f32 v61;
	v2 =	vunpack.i.l.bf16.f32 v62;
	v38 =	vpop (erf);
	v43 =	vmul.f32 v27, v9  }
0x29a: {  	v23 =	vunpack.i.l.bf16.f32 v7;
	v9 =	vld [tilespmem:s15+$0xFFFFFFC0];
	v49, _, _ =	vpop (xrf2);
	v10 =	vmul.f32 v10, v10;
	v4 =	vmul.f32 $-5.338888760e-01, v4  }
0x29b: {  	[tilespmem:s8+$0xB840] =	vst v50;
	v41 =	vunpack.i.l.bf16.f32 v22;
	v50 =	vunpack.i.u.bf16.f32 v32;
	v47 =	vmul.f32 v58, v63;
	v31 =	vpop (erf)  }
0x29c: {  	v58 =	vunpack.i.u.bf16.f32 v62;
	v20, _, _ =	vpop (xrf2);
	v62 =	vmul.f32 $-5.338888760e-01, v10;
	v61 =	vmul.f32 $1.442695020e+00, v4  }
0x29d: {  	v51 =	vunpack.i.l.bf16.f32 v32;
	v55 =	vmul.f32 v41, v0;
	v32 =	vpop (erf);
	v20 =	vbroadcast v20, $0xF  }
0x29e: {  	v15 =	vld [tilespmem:$0x1FFB0];
	(xrf2) =	vadd.scan.msk.f32 $0xffff, v30;
	v30 =	vsel vm1, v21, v13;
	v63, _, _ =	vpop (xrf2);
	v4 =	vmul.f32 $1.442695020e+00, v62;
	(erf) = vpow2.f32 v61  }
0x29f: {  	[tilespmem:s8+$0xB810] =	vst v25;
	v3 =	vld [tilespmem:s18+$0x8560];
	v21 =	vsel vm1, v8, v38;
	v53 =	vunpack.i.u.bf16.f32 v9;
	v6 =	vbroadcast v63, $0xF  }
0x2a0: {  	v1 =	vld [tilespmem:s18+$0x85A0];
	[tilespmem:$0x1FEB0] =	vst v13;
	v56 =	vunpack.i.l.bf16.f32 v9;
	v13 =	vadd.f32 v11, v20;
	v9, _, _ =	vpop (xrf2);
	(erf) = vpow2.f32 v4  }
0x2a1: {  	v60 =	vld [tilespmem:s18+$0x8620];
	v10 =	vadd.f32 v12, v20;
	v8 =	vadd.f32 v11, v6;
	v9 =	vbroadcast v9, $0xF  }
0x2a2: {  	v6 =	vadd.f32 v12, v6;
	v41 =	vmul.f32 v13, v13;
	v13 =	vunpack.i.u.bf16.f32 v7;
	v7 =	vld [tilespmem:s15+$0xFFFFFFF0]  }
0x2a3: {  	v26 =	vmovc v14;
	v14 =	vld [tilespmem:$0x1FFA0];
	v44 =	vmul.f32 v8, v8;
	v8 =	vmul.f32 v10, v10;
	v10 =	vadd.f32 v11, v9  }
0x2a4: {  	v5 =	vld [tilespmem:s18+$0x85B0];
	v6 =	vmul.f32 v6, v6;
	v0 =	vmul.f32 $-5.338888760e-01, v41;
	v11 =	vunpack.i.u.bf16.f32 v3  }
0x2a5: {  	v4 =	vmul.f32 $-5.338888760e-01, v44;
	v3 =	vunpack.i.l.bf16.f32 v3;
	v44 =	vld [tilespmem:s18+$0x8610];
	[tilespmem:$0x1FEA0] =	vst v11;
	v41 =	vmul.f32 v10, v10  }
0x2a6: {  	v20 =	vunpack.i.l.bf16.f32 v1;
	[tilespmem:$0x1FE90] =	vst v3;
	v11 =	vunpack.i.u.bf16.f32 v1;
	v3 =	vmul.f32 $-5.338888760e-01, v6;
	v10 =	vld [tilespmem:s15+$0xFFFFFFE0]  }
0x2a7: {  	v6 =	vunpack.i.l.bf16.f32 v7;
	v1 =	vmul.f32 $-5.338888760e-01, v41;
	v41 =	vunpack.i.l.bf16.f32 v60;
	v62 =	vpop (erf)  }
0x2a8: {  	v6 =	vmul.f32 v41, v6;
	v41 =	vmul.f32 v62, v14  }
0x2a9: {  	v24 =	vunpack.i.u.bf16.f32 v22;
	v22 =	vunpack.i.u.bf16.f32 v5;
	v9 =	vadd.f32 v12, v9;
	[tilespmem:$0x1FEC0] =	vst v11;
	v11 =	vpop (erf)  }
0x2aa: {  	[tilespmem:$0x1FE80] =	vst v13;
	v8 =	vmul.f32 $-5.338888760e-01, v8;
	v13 =	vmul.f32 v11, v15;
	v6 =	vadd.f32 v6, v41  }
0x2ab: {  	v19 =	vmovc v17;
	v17 =	vld [tilespmem:$0x1FF60];
	v0 =	vmul.f32 $1.442695020e+00, v0;
	v12 =	vunpack.i.u.bf16.f32 v44;
	v63 =	vunpack.i.u.bf16.f32 v10  }
0x2ac: {  	v41 =	vunpack.i.l.bf16.f32 v5;
	v5 =	vmul.f32 v12, v63;
	v63 =	vld [tilespmem:$0x1FF80];
	v6 =	vadd.f32 v6, v13  }
0x2ad: {  	v28 =	vmov v16;
	v16 =	vld [tilespmem:$0x1FF90];
	v9 =	vmul.f32 v9, v9;
	(erf) = vpow2.f32 v0  }
0x2ae: {  	v61, _, _ =	vpop (xrf2);
	v4 =	vmul.f32 $1.442695020e+00, v4;
	(xrf2) =	vadd.scan.msk.f32 $0xffff, v6;
	v6 =	vmul.f32 $1.442695020e+00, v8;
	v8 =	vunpack.i.u.bf16.f32 v60;
	v60 =	vld [tilespmem:$0x1FFC0]  }
0x2af: {  	v25 =	vmovc v18;
	v18 =	vld [tilespmem:$0x1FF70];
	v3 =	vmul.f32 $1.442695020e+00, v3;
	v10 =	vunpack.i.l.bf16.f32 v10;
	v0 =	vunpack.i.l.bf16.f32 v44  }
0x2b0: {  	v1 =	vmul.f32 $1.442695020e+00, v1;
	v0 =	vmul.f32 v0, v10  }
0x2b1: {  	v7 =	vunpack.i.u.bf16.f32 v7;
	(erf) = vpow2.f32 v4;
	v12 =	vmul.f32 v62, v63  }
0x2b2: {  	v59 =	vld [tilespmem:s18+$0x8600];
	v34 =	vsel vm2, v34, v31;
	v10 =	vmul.f32 v62, v17;
	v7 =	vmul.f32 v8, v7  }
0x2b3: {  	v5 =	vadd.f32 v12, v5;
	v12 =	vmul.f32 v11, v16;
	v8 =	vmul.f32 v62, v60;
	v62 =	vld [tilespmem:$0x1FFD0]  }
0x2b4: {  	v9 =	vmul.f32 $-5.338888760e-01, v9;
	v0 =	vadd.f32 v10, v0;
	v10 =	vmul.f32 v11, v18  }
0x2b5: {  	v4 =	vmul.f32 v24, v57;
	(erf) = vpow2.f32 v1;
	v5 =	vadd.f32 v5, v12  }
0x2b6: {  	v1 =	vmul.f32 v29, v58;
	v0 =	vadd.f32 v0, v10;
	v58 =	vpop (erf);
	(erf) = vpow2.f32 v6  }
0x2b7: {  	v52 =	vld [tilespmem:s18+$0x8650];
	v24 =	vunpack.i.u.bf16.f32 v59;
	v13 =	vbroadcast v40, $0xF;
	v10 =	vmul.f32 v58, v60;
	(xrf2) =	vadd.scan.msk.f32 $0xffff, v5  }
0x2b8: {  	v54 =	vld [tilespmem:s18+$0x8640];
	v5 =	vmul.f32 $1.442695020e+00, v9;
	v9 =	vadd.f32 v7, v8;
	(xrf2) =	vadd.scan.msk.f32 $0xffff, v0;
	v8 =	vmul.f32 v11, v62  }
0x2b9: {  	v29 =	vunpack.i.l.bf16.f32 v59;
	v59 =	vmul.f32 v58, v63;
	(erf) = vpow2.f32 v3  }
0x2ba: {  	v4 =	vadd.f32 v4, v10;
	v10 =	vmul.f32 $1.442695020e+00, v49;
	v12 =	vpop (erf);
	v57 =	vadd.f32 v9, v8  }
0x2bb: {  	v6 =	vadd.f32 v59, v48;
	v0 =	vmul.f32 v45, v2;
	v48 =	vmul.f32 v12, v63  }
0x2bc: {  	v40 =	vunpack.i.l.bf16.f32 v52;
	(erf) = vpow2.f32 v5;
	v5 =	vmul.f32 v50, v53;
	(xrf2) =	vadd.scan.msk.f32 $0xffff, v57  }
0x2bd: {  	v45 =	vunpack.i.u.bf16.f32 v54;
	v11 =	vmul.f32 $1.442695020e+00, v61;
	v9 =	vmul.f32 v58, v17  }
0x2be: {  	v49 =	vpop (erf);
	v50 =	vunpack.i.l.bf16.f32 v54;
	(erf) = vpow2.f32 v35;
	v61 =	vmul.f32 v12, v14  }
0x2bf: {  	v54 =	vpop (erf);
	v2 =	vadd.f32 v9, v33;
	v57 =	vmul.f32 v58, v14;
	v9 =	vmul.f32 v51, v56  }
0x2c0: {  	v46 =	vadd.f32 v48, v46;
	v8, _, _ =	vpop (xrf2);
	v58 =	vmul.f32 v12, v17;
	v17 =	vmul.f32 v49, v17  }
0x2c1: {  	v33 =	vunpack.i.u.bf16.f32 v52;
	v52 =	vmul.f32 v49, v63;
	v12 =	vmul.f32 v12, v60;
	v7, _, _ =	vpop (xrf2)  }
0x2c2: {  	v8 =	vmul.f32 $1.442695020e+00, v8;
	v3 =	vadd.f32 v55, v57;
	v57 =	vmul.f32 v54, v18;
	v59, _, _ =	vpop (xrf2)  }
0x2c3: {  	v1 =	vadd.f32 v1, v12;
	v12 =	vmul.f32 v49, v60;
	v63 =	vmul.f32 $1.442695020e+00, v59  }
0x2c4: {  	v51 =	vpop (erf);
	v35 =	vadd.f32 v58, v42;
	v8 =	vbroadcast v8, $0xF;
	v7 =	vmul.f32 $1.442695020e+00, v7  }
0x2c5: {  	v2 =	vadd.f32 v2, v57;
	v57 =	vmul.f32 v51, v16;
	v58 =	vbroadcast v63, $0xF  }
0x2c6: {  	v0 =	vadd.f32 v0, v61;
	v7 =	vbroadcast v7, $0xF;
	v63 =	vmul.f32 v51, v18;
	v59, _, _ =	vpop (xrf2)  }
0x2c7: {  	v43 =	vadd.f32 v17, v43;
	v53 =	vpop (erf);
	(erf) = vpow2.f32 v58;
	v17 =	vmul.f32 $1.442695020e+00, v59  }
0x2c8: {  	v47 =	vadd.f32 v52, v47;
	v56 =	vmul.f32 v53, v18;
	(erf) = vpow2.f32 v7  }
0x2c9: {  	v52 =	vpop (erf);
	v55 =	vadd.f32 v35, v63;
	(xrf2) =	vadd.scan.msk.f32 $0xffff, v2;
	(erf) = vpow2.f32 v8;
	v61 =	vbroadcast v17, $0xF  }
0x2ca: {  	v5 =	vadd.f32 v5, v12;
	v48 =	vsel vm2, v30, v52;
	v30 =	vmul.f32 v49, v14  }
0x2cb: {  	v12 =	vmul.f32 v51, v15;
	v14 =	vadd.f32 v43, v56;
	(xrf2) =	vadd.scan.msk.f32 $0xffff, v55;
	(erf) = vpow2.f32 v61  }
0x2cc: {  	v49 =	vmul.f32 v39, v26;
	v9 =	vadd.f32 v9, v30;
	v8 =	vsel vm3, v34, v32  }
0x2cd: {  	v30 =	vmul.f32 v51, v62;
	[tilespmem:s8+$0xB760] =	vst v8;
	v8 =	vmul.f32 v54, v16;
	(xrf2) =	vadd.scan.msk.f32 $0xffff, v14  }
0x2ce: {  	v58 =	vmul.f32 v53, v16;
	v59 =	vmul.f32 v54, v15  }
0x2cf: {  	v63 =	vmul.f32 v53, v15;
	v6 =	vadd.f32 v6, v8;
	v8 =	vmul.f32 v54, v62  }
0x2d0: {  	v53 =	vmul.f32 v53, v62;
	v43 =	vadd.f32 v1, v30;
	v2 =	vadd.f32 v3, v59;
	v7 =	vpop (erf)  }
0x2d1: {  	v26 =	vmul.f32 v38, v37;
	v54 =	vadd.f32 v47, v58;
	v3 =	vadd.f32 v4, v8;
	v8 =	vld [tilespmem:$0x1FE80];
	v47 =	vpop (erf)  }
0x2d2: {  	v51 =	vmul.f32 v31, v19;
	v35 =	vadd.f32 v9, v63;
	v30 =	vadd.f32 v5, v53;
	(xrf2) =	vadd.scan.msk.f32 $0xffff, v6;
	v42 =	vpop (erf)  }
0x2d3: {  	v59 =	vbroadcast v10, $0xF;
	v61 =	vadd.f32 v46, v57;
	v14 =	vnsel vm0, $0x0, v7;
	v58, _, _ =	vpop (xrf2)  }
0x2d4: {  	v27 =	vld [tilespmem:s18+$0x85F0];
	v46 =	vadd.f32 v0, v12;
	v56 =	vsel vm1, v14, v47;
	v34 =	vpop (erf);
	(erf) = vpow2.f32 v13  }
0x2d5: {  	v53 =	vld [tilespmem:$0x1FE90];
	(xrf2) =	vadd.scan.msk.f32 $0xffff, v61;
	v61 =	vbroadcast v11, $0xF;
	v57 =	vsel vm2, v56, v42;
	v1 =	vmul.f32 $1.442695020e+00, v58;
	v63, _, _ =	vpop (xrf2)  }
0x2d6: {  	v56 =	vmul.f32 v32, v36;
	v14 =	vmovc v8;
	v8 =	vmul.f32 $1.442695020e+00, v63;
	v0 =	vsel vm3, v57, v34;
	v57 =	vld [tilespmem:$0x1FEB0]  }
0x2d7: {  	s14 =	sadd.s32 $0x4, s14;
	v58 =	vld [tilespmem:$0x1FEC0];
	v55, _, _ =	vpop (xrf2);
	v63 =	vmul.f32 v52, v25;
	v1 =	vbroadcast v1, $0xF  }
0x2d8: {  	p0 =	slt.u32 s14, $0x4C;
	[tilespmem:s8+$0xB730] =	vst v49;
	(xrf2) =	vadd.scan.msk.f32 $0xffff, v54;
	v5 =	vmul.f32 $1.442695020e+00, v55;
	v54 =	vbroadcast v8, $0xF;
	v8 =	vld [tilespmem:$0x1FEA0]  }
.Ltmp7:
0x2d9: {  	v44 =	vunpack.i.u.bf16.f32 v27;
	[tilespmem:s8+$0xB740] =	vst v51;
	v25 =	vmul.f32 v7, v50;
	(erf) = vpow2.f32 v59;
	(pc) =	sbr.rel @p0 .LBB2_8-.Ltmp7, $4  }
0x2da: {  	v27 =	vunpack.i.l.bf16.f32 v27;
	v37 =	vmovc v44;
	v18 =	vmovc v41;
	[tilespmem:s8+$0xB750] =	vst v56;
	v59 =	vbroadcast v5, $0xF;
	(erf) = vpow2.f32 v1  }
0x2db: {  	v12 =	vld [tilespmem:$0x1FE50];
	v17 =	vmovc v53;
	(xrf2) =	vadd.scan.msk.f32 $0xffff, v2;
	[tilespmem:s18+$0xB850] =	vst v0;
	(erf) = vpow2.f32 v61;
	v0 =	vmul.f32 v57, v28  }
0x2dc: {  	v11 =	vld [tilespmem:$0x1FE60];
	[tilespmem:s8+$0xB790] =	vst v63;
	v16 =	vmov v58;
	v61, _, _ =	vpop (xrf2);
	(xrf2) =	vadd.scan.msk.f32 $0xffff, v3;
	(erf) = vpow2.f32 v54  }
0x2dd: {  	s17 =	sadd.s32 $0x500, s17;
	s15 =	sadd.s32 $0xC0, s15;
	v13 =	vld [tilespmem:$0x1FE70];
	v31 =	vmul.f32 $1.442695020e+00, v61;
	v36 =	vmov v8;
	(erf) = vpow2.f32 v59;
	[tilespmem:s8+$0xB780] =	vst v0;
	v28 =	vpop (erf)  }
0x2de: {  	_ =	sdelay $0x1  }
0x2df: {  	(xrf2) =	vadd.scan.msk.f32 $0xffff, v46;
	_ =	sdelay $0x1  }
0x2e0: {  	v3 =	vmul.f32 v47, v45;
	v0 =	vbroadcast v31, $0xF;
	v1, _, _ =	vpop (xrf2);
	(xrf2) =	vadd.scan.msk.f32 $0xffff, v43  }
0x2e1: {  	v47 =	vmul.f32 v34, v33;
	v1 =	vmul.f32 $1.442695020e+00, v1;
	v4, _, _ =	vpop (xrf2);
	(xrf2) =	vadd.scan.msk.f32 $0xffff, v35  }
0x2e2: {  	(erf) = vpow2.f32 v0;
	v2 =	vmul.f32 v28, v13;
	v6 =	vpop (erf)  }
0x2e3: {  	v1 =	vbroadcast v1, $0xF;
	v9 =	vmul.f32 $1.442695020e+00, v4;
	v5, _, _ =	vpop (xrf2);
	(xrf2) =	vadd.scan.msk.f32 $0xffff, v30  }
0x2e4: {  	v19 =	vsel vm3, v48, v28;
	v28 =	vmul.f32 v6, v12;
	v10 =	vmul.f32 $1.442695020e+00, v5;
	v13, _, _ =	vpop (xrf2)  }
0x2e5: {  	v0 =	vbroadcast v9, $0xF;
	v5 =	vmul.f32 $1.442695020e+00, v13  }
0x2e6: {  	[tilespmem:s8+$0xB7D0] =	vst v26;
	v7 =	vpop (erf);
	(erf) = vpow2.f32 v1;
	v15 =	vbroadcast v10, $0xF  }
0x2e7: {  	[tilespmem:s18+$0xB810] =	vst v25;
	v8 =	vpop (erf);
	(erf) = vpow2.f32 v0;
	v26 =	vbroadcast v5, $0xF  }
0x2e8: {  	[tilespmem:s8+$0xB7B0] =	vst v19;
	v38 =	vmul.f32 v7, v23;
	v30, _, _ =	vpop (xrf2);
	(erf) = vpow2.f32 v15  }
0x2e9: {  	[tilespmem:s18+$0xB820] =	vst v3;
	v32 =	vpop (erf);
	v1 =	vmul.f32 $1.442695020e+00, v30;
	(erf) = vpow2.f32 v26  }
0x2ea: {  	[tilespmem:s18+$0xB840] =	vst v47;
	v9 =	vmul.f32 v42, v40;
	v40 =	vmul.f32 v8, v11;
	v41, _, _ =	vpop (xrf2)  }
0x2eb: {  	v31 =	vsel vm2, v21, v6;
	[tilespmem:s8+$0xB7A0] =	vst v2;
	v4 =	vmul.f32 $1.442695020e+00, v41;
	v1 =	vbroadcast v1, $0xF;
	v43, _, _ =	vpop (xrf2)  }
0x2ec: {  	[tilespmem:s8+$0xB7E0] =	vst v28;
	v39 =	vsel vm3, v31, v8;
	v35 =	vpop (erf);
	v42 =	vmul.f32 v32, v20;
	v8 =	vmul.f32 $1.442695020e+00, v43  }
0x2ed: {  	[tilespmem:s8+$0xB800] =	vst v39;
	v4 =	vbroadcast v4, $0xF;
	(erf) = vpow2.f32 v1;
	v46, _, _ =	vpop (xrf2)  }
0x2ee: {  	[tilespmem:s18+$0xB720] =	vst v38;
	v44 =	vpop (erf);
	v8 =	vbroadcast v8, $0xF;
	v6 =	vmul.f32 $1.442695020e+00, v46  }
0x2ef: {  	[tilespmem:s8+$0xB7F0] =	vst v40;
	v45 =	vmul.f32 v35, v27;
	v10 =	vpop (erf);
	(erf) = vpow2.f32 v4  }
0x2f0: {  	[tilespmem:s18+$0xB830] =	vst v9;
	v48 =	vpop (erf);
	(erf) = vpow2.f32 v8;
	v6 =	vbroadcast v6, $0xF  }
0x2f1: {  	[tilespmem:s18+$0xB770] =	vst v42;
	v5 =	vmul.f32 v44, v14;
	v50 =	vpop (erf)  }
0x2f2: {  	v7 =	vnsel vm0, $0x0, v7;
	[tilespmem:s18+$0xB7C0] =	vst v45;
	v54 =	vmul.f32 v10, v16;
	v51 =	vpop (erf);
	(erf) = vpow2.f32 v6  }
0x2f3: {  	v49 =	vsel vm1, v7, v44;
	[tilespmem:s18+$0xB730] =	vst v5;
	v56 =	vmul.f32 v48, v37  }
0x2f4: {  	[tilespmem:s18+$0xB780] =	vst v54;
	v4 =	vsel vm2, v49, v50  }
0x2f5: {  	[tilespmem:s18+$0xB7D0] =	vst v56;
	v3 =	vmul.f32 v50, v17;
	v4 =	vsel vm3, v4, v51  }
0x2f6: {  	v2 =	vnsel vm0, $0x0, v32;
	v52 =	vmul.f32 v51, v36;
	[tilespmem:s18+$0xB760] =	vst v4;
	v53 =	vpop (erf)  }
0x2f7: {  	v2 =	vsel vm1, v2, v10;
	[tilespmem:s18+$0xB740] =	vst v3;
	v55 =	vmul.f32 v53, v18  }
0x2f8: {  	[tilespmem:s18+$0xB750] =	vst v52;
	v2 =	vsel vm2, v2, v53;
	v57 =	vpop (erf)  }
0x2f9: {  	v0 =	vnsel vm0, $0x0, v35;
	v2 =	vsel vm3, v2, v57;
	v4 =	vmul.f32 v57, v22;
	[tilespmem:s18+$0xB790] =	vst v55;
	v58 =	vpop (erf)  }
0x2fa: {  	v0 =	vsel vm1, v0, v48;
	[tilespmem:s18+$0xB7B0] =	vst v2;
	v59 =	vmul.f32 v58, v29  }
.Ltmp8:
0x2fb: {  	[tilespmem:s18+$0xB7A0] =	vst v4;
	v0 =	vsel vm2, v0, v58;
	v61 =	vpop (erf);
	(pc) =	sbr.rel .LBB2_10-.Ltmp8, $4  }
0x2fc: {  	s7 =	smul.u32 $0x140, s7;
	[tilespmem:s18+$0xB7E0] =	vst v59;
	v0 =	vsel vm3, v0, v61;
	v63 =	vmul.f32 v61, v24  }
0x2fd: {  	[tilespmem:s18+$0xB800] =	vst v0  }
0x2fe: {  	s7 =	sshra.s32 s7, $0x2;
	[tilespmem:s18+$0xB7F0] =	vst v63  }
0x2ff: {  	[spmem:s3] =	stream.indirect.scatter.add.f32 [tilespmem:s31], [sflag:$0x4], $0x50, s7, s21, $0xb8;
	[tilespmem:$0x1BB00] =	vst v63  }
.LBB2_12:
0x300: {  	_ =	sfence.sel $0x180000  }
0x301: {  	[bflag:$0x0] =	sbarrier.arrive $0xFFFF  }
0x302: {  	_ =	strace $0x9000004A  }
0x303: {  	s0 =	stileid.u32;
	[bflag:$0x2] =	sbarrier.arrive $0xFFFF  }
0x304: {  	p0 =	sne.s32 s0, $0x0;
	s0 =	rddreg [dreg:$0x3]  }
0x305: {  	s0 =	sadd.s32 @!p0 $0x100000, s0  }
0x306: {  	[sflag:s0] =	ssyncadd.tile.s32 @!p0 $0x1;
	_ =	shalt  }
.Lfunc_end2:
_tile_overlayer_lowered:
.L_overlay_start_2:
0x307: {  	(tag) =	ssettag $0x2  }
0x308: {  	s0 =	rddreg [dreg:$0x0];
	s2 =	stileid.u32  }
0x309: {  	s1 =	rddreg [dreg:$0x1];
	p0 =	sne.s32 s2, $0x0  }
0x30a: {  	s3 =	rddreg [dreg:$0x2];
	[bflag:$0x3] =	sbarrier.arrive $0xFFFF;
	s2 =	simm.s32 @!p0 $0x1C05  }
0x30b: {  	[timem:s3], [sflag:s2] =	dma.local @!p0 [hbm:s0], s1  }
0x30c: {  	s0 =	simm.s32 @!p0 $0x5  }
0x30d: {  	_ =	swait.ge @!p0 [sflag:s0], s1  }
0x30e: {  	s1 =	ssub.s32 @!p0 $0x0, s1;
	[sflag:s0] =	ssyncset.done @!p0 $0x0  }
0x30f: {  	[sflag:s0] =	ssyncadd.s32 @!p0 s1  }
0x310: {  	[bflag:$0x3] =	sbarrier.arrive $0xFFFF  }
0x311: {  	_ =	shalt  }

// kernel: kernel.9.cloned.1.call-start
scs
__scs_entry_jumppad:
0x0: {  	(pc) =	sbr.rel $0x88, $3  }
0x1: {  	(tag) =	ssettag $0x0;
	lr =	simm.s32 $0x1  }
0x2: {  	[smem:$0x3F8E] =	sst lr;
	_ =	strace $0xD0000000  }
0x3: {  	_ = 	snop  }
0x4: {  	_ = 	snop  }
0x5: {  	_ = 	snop  }
0x6: {  	_ = 	snop  }
0x7: {  	_ = 	snop  }
__scs_overlays_trampoline_lowered:
0x8: {  	[smem:$0x3F9D] =	sst s0  }
0x9: {  	[smem:$0x3F9E] =	sst s1  }
0xa: {  	[smem:$0x3F9F] =	sst s2  }
0xb: {  	[smem:$0x3FA0] =	sst s3  }
0xc: {  	[smem:$0x3FA1] =	sst s4  }
0xd: {  	[smem:$0x3FA2] =	sst s5  }
0xe: {  	[smem:$0x3FA3] =	sst s6  }
0xf: {  	[smem:$0x3FA4] =	sst s7  }
0x10: {  	[smem:$0x3FA5] =	sst s8  }
0x11: {  	[smem:$0x3FA6] =	sst s9;
	s0 =	simm.s32 @!p0 $0x0  }
0x12: {  	s1 =	sld [smem:$0x3F8C];
	s0 =	simm.s32 @p0 $0x1  }
0x13: {  	[smem:$0x3FA7] =	sst s0;
	s0 =	simm.s32 @!p1 $0x0  }
0x14: {  	s2 =	sld [smem:$0x3F8B];
	s0 =	simm.s32 @p1 $0x1  }
0x15: {  	[smem:$0x3FA8] =	sst s0;
	s0 =	simm.s32 @!p2 $0x0  }
0x16: {  	s3 =	sld [smem:$0x3FDB];
	s0 =	simm.s32 @p2 $0x1  }
0x17: {  	s4 =	simm.s32 $0x1BF5;
	[smem:$0x3FAA] =	sst s0  }
0x18: {  	s0 =	sld [smem:$0x3F8D];
	_ =	swait.ge [sflag:s4], $0x0  }
0x19: {  	s7 =	sld [smem:$0x3F8E]  }
0x1a: {  	s8 =	sadd.s32 $0xFFFFE003, lr  }
0x1b: {  	s9 =	sadd.s32 $0xFFFFFEF7, lr;
	s5 =	simm.s32 $0xFFFFFFFF;
	p2 =	slt.u32 s8, $0xFFFFF086  }
0x1c: {  	p1 =	slt.u32 s9, $0xF7A;
	s5 =	simm.s32 @!p2 $0x0  }
0x1d: {  	s5 =	simm.s32 @p1 $0x1;
	p0 =	seq.s32 s7, s2  }
0x1e: {  	s7 =	smul.u32 @!p0 $0xF7A, s2;
	p2 =	seq.s32 @!p0 s5, $0x0  }
0x1f: {  	s9 =	smul.u32 $0xF7A, s1;
	s8 =	simm.s32 @!p0 $0x1BF5;
	p2 =	por !p2, p0  }
0x20: {  	[sflag:s8] =	ssyncset.s32 @!p0 $0xFFFFF086;
	s6 =	sadd.s32 @!p0 s3, s7;
	s7 =	simm.s32 @!p0 $0x108  }
0x21: {  	s3 =	sadd.s32 s3, s9;
	s6 =	sadd.s32 @!p0 $0x88, s6;
	s7 =	simm.s32 @p2 $0x1082  }
0x22: {  	[simem:s7], [sflag:s8] =	dma.local @!p0 [hbm:s6], $0xF7A  }
0x23: {  	s9 =	sor.u32 $0xD0000000, s2;
	s6 =	simm.s32 $0x108;
	_ =	swait.ge @!p0 [sflag:s8], $0x0  }
0x24: {  	s3 =	sadd.s32 $0x88, s3;
	s6 =	simm.s32 @!p1 $0x1082;
	[sflag:s4] =	ssyncset.s32 $0xFFFFF086  }
0x25: {  	[simem:s6], [sflag:s4] =	dma.local [hbm:s3], $0xF7A  }
0x26: {  	[smem:$0x3F8E] =	sst s1;
	(tag) =	ssettag s2;
	_ =	strace s9  }
0x27: {  	s1 =	sld [smem:$0x3F9E]  }
0x28: {  	s2 =	sld [smem:$0x3F9F]  }
0x29: {  	s4 =	sld [smem:$0x3FA1]  }
0x2a: {  	p0 =	seq.s32 s5, $0x0;
	s5 =	sld [smem:$0x3FA2]  }
0x2b: {  	s6 =	sld [smem:$0x3FA3]  }
0x2c: {  	s7 =	sld [smem:$0x3FA4]  }
0x2d: {  	s3 =	simm.s32 $0x108;
	s8 =	sld [smem:$0x3FA5]  }
0x2e: {  	s3 =	simm.s32 @!p0 $0x1082;
	s9 =	sld [smem:$0x3FA6]  }
0x2f: {  	lr =	sadd.s32 s0, s3;
	s0 =	sld [smem:$0x3F9D]  }
0x30: {  	s3 =	sld [smem:$0x3FA0]  }
0x31: {  	[smem:$0x3FA9] =	sst s10  }
0x32: {  	s10 =	sld [smem:$0x3FA7];
	_ =	sdelay $0x3  }
0x33: {  	p0 =	seq.s32 s10, $0x1;
	s10 =	sld [smem:$0x3FA9];
	_ =	sdelay $0x3  }
0x34: {  	[smem:$0x3FA9] =	sst s10  }
0x35: {  	s10 =	sld [smem:$0x3FA8];
	_ =	sdelay $0x3  }
0x36: {  	p1 =	seq.s32 s10, $0x1;
	s10 =	sld [smem:$0x3FA9];
	_ =	sdelay $0x3  }
0x37: {  	[smem:$0x3FA9] =	sst s10  }
0x38: {  	s10 =	sld [smem:$0x3FAA]  }
0x39: {  	_ = 	snop;
	(pc) =	sbr.ind lr, $3  }
0x3a: {  	_ = 	snop  }
0x3b: {  	_ = 	snop  }
0x3c: {  	p2 =	seq.s32 s10, $0x1;
	s10 =	sld [smem:$0x3FA9]  }
0x3d: {  	_ =	shalt  }
0x3e: {  	_ =	shalt  }
0x3f: {  	_ =	shalt  }
0x40: {  	_ =	shalt  }
0x41: {  	_ =	shalt  }
0x42: {  	_ =	shalt  }
0x43: {  	_ =	shalt  }
0x44: {  	_ =	shalt  }
0x45: {  	_ =	shalt  }
0x46: {  	_ =	shalt  }
0x47: {  	_ =	shalt  }
0x48: {  	_ =	shalt  }
0x49: {  	_ =	shalt  }
0x4a: {  	_ =	shalt  }
0x4b: {  	_ =	shalt  }
0x4c: {  	_ =	shalt  }
0x4d: {  	_ =	shalt  }
0x4e: {  	_ =	shalt  }
0x4f: {  	_ =	shalt  }
0x50: {  	_ =	shalt  }
0x51: {  	_ =	shalt  }
0x52: {  	_ =	shalt  }
0x53: {  	_ =	shalt  }
0x54: {  	_ =	shalt  }
0x55: {  	_ =	shalt  }
0x56: {  	_ =	shalt  }
0x57: {  	_ =	shalt  }
0x58: {  	_ =	shalt  }
0x59: {  	_ =	shalt  }
0x5a: {  	_ =	shalt  }
0x5b: {  	_ =	shalt  }
0x5c: {  	_ =	shalt  }
0x5d: {  	_ =	shalt  }
0x5e: {  	_ =	shalt  }
0x5f: {  	_ =	shalt  }
0x60: {  	_ =	shalt  }
0x61: {  	_ =	shalt  }
0x62: {  	_ =	shalt  }
0x63: {  	_ =	shalt  }
0x64: {  	_ =	shalt  }
0x65: {  	_ =	shalt  }
0x66: {  	_ =	shalt  }
0x67: {  	_ =	shalt  }
0x68: {  	_ =	shalt  }
0x69: {  	_ =	shalt  }
0x6a: {  	_ =	shalt  }
0x6b: {  	_ =	shalt  }
0x6c: {  	_ =	shalt  }
0x6d: {  	_ =	shalt  }
0x6e: {  	_ =	shalt  }
0x6f: {  	_ =	shalt  }
0x70: {  	_ =	shalt  }
0x71: {  	_ =	shalt  }
0x72: {  	_ =	shalt  }
0x73: {  	_ =	shalt  }
0x74: {  	_ =	shalt  }
0x75: {  	_ =	shalt  }
0x76: {  	_ =	shalt  }
0x77: {  	_ =	shalt  }
0x78: {  	_ =	shalt  }
0x79: {  	_ =	shalt  }
0x7a: {  	_ =	shalt  }
0x7b: {  	_ =	shalt  }
0x7c: {  	_ =	shalt  }
0x7d: {  	_ =	shalt  }
0x7e: {  	_ =	shalt  }
0x7f: {  	_ =	shalt  }
0x80: {  	_ =	shalt  }
0x81: {  	_ =	shalt  }
0x82: {  	_ =	shalt  }
0x83: {  	_ =	shalt  }
0x84: {  	_ =	shalt  }
0x85: {  	_ =	shalt  }
0x86: {  	_ =	shalt  }
0x87: {  	_ =	shalt  }
.Lfunc_end0:
.L_simem_size_0:
called_computation.1_lowered:
.L_overlay_start_0:
0x88: {  	s2 =	sld [smem:$0x3FD9]  }
0x89: {  	s3 =	sld [smem:$0x3FFE];
	_ =	sdelay $0x1  }
0x8a: {  	s1 =	srdreg.scid  }
0x8b: {  	s0 =	sand.u32 $0x1, s1  }
0x8c: {  	s16 =	sshll.u32 s0, $0xA;
	s2 =	sadd.s32 s3, s2  }
0x8d: {  	s2 =	sadd.s32 s2, s16  }
0x8e: {  	[smem:$0x3FB5] =	sst s2  }
0x8f: {  	_ = 	snop  }
0x90: {  	(tm) =	ssettm $0x1  }
0x91: {  	s17 =	sld [smem:$0x3FFB];
	_ =	sdelay $0x3  }
0x92: {  	_ =	strace s17  }
0x93: {  	s2 =	sld [smem:$0x3FFC];
	_ =	sdelay $0x3  }
0x94: {  	_ =	strace s2  }
0x95: {  	s2 =	sld [smem:$0x3FFD];
	_ =	sdelay $0x3  }
0x96: {  	_ =	strace s2  }
0x97: {  	_ =	strace $0x8FFFFFFF  }
0x98: {  	s18 =	sld [smem:$0x3FDB];
	_ =	sdelay $0x1  }
0x99: {  	s19 =	simm.s32 $_scs_section_size  }
0x9a: {  	s4 =	simm.s32 $_size__tile_overlayer_lowered;
	s5 =	simm.s32 $_tile_overlayer_lowered  }
0x9b: {  	s22 =	simm.s32 $0x1BFF;
	s21 =	sshll.u32 s5, $0x1;
	s2 =	sadd.s32 s19, s18  }
0x9c: {  	s6 =	simm.s32 $0x0;
	s20 =	sshll.u32 s4, $0x1;
	s4 =	sadd.s32 s21, s2  }
0x9d: {  	[timem:s6], [sflag:s22] =	dma.local [hbm:s4], s20  }
0x9e: {  	_ =	swait.ge [sflag:s22], s20  }
0x9f: {  	s3 =	ssub.s32 $0x0, s20;
	[sflag:s22] =	ssyncset.done $0x0  }
0xa0: {  	[sflag:s22] =	ssyncadd.s32 s3;
	_ =	sdelay $0x1  }
0xa1: {  	s23 =	simm.s32 $0x1B8B  }
0xa2: {  	_ =	swait.ge [sflag:s23], $0x1  }
0xa3: {  	[sflag:s23] =	ssyncset.done $0x0  }
0xa4: {  	s25 =	simm.s32 $0x1B8E;
	s24 =	sld [smem:$0x3FFE];
	[sflag:s23] =	ssyncadd.s32 $0xFFFFFFFF  }
0xa5: {  	s26 =	simm.s32 $execute0_lowered;
	[smem:$0x3FD2] =	sst s25  }
0xa6: {  	s4 =	sshll.u32 s26, $0x1;
	_ =	strace $0x80000046;
	[dreg:$0x1] =	wrdreg $0xFFFFFFFF  }
0xa7: {  	s28 =	simm.s32 $_size_execute0_lowered;
	s2 =	sadd.s32 s2, s4;
	[dreg:$0x0] =	wrdreg $0x0  }
0xa8: {  	s4 =	sshll.u32 s28, $0x1;
	[dreg:$0x2] =	wrdreg s2  }
0xa9: {  	[dreg:$0x3] =	wrdreg s4  }
0xaa: {  	[dreg:$0x4] =	wrdreg $0xC0  }
0xab: {  	_ =	task [dreg:s6], $0x5FFFF  }
0xac: {  	[dreg:$0x1] =	wrdreg $0xFFFFFFFF  }
0xad: {  	[dreg:$0x0] =	wrdreg $0x60  }
0xae: {  	[dreg:$0x2] =	wrdreg s24  }
0xaf: {  	[dreg:$0x3] =	wrdreg $0xF7B00  }
0xb0: {  	[dreg:$0x4] =	wrdreg $0xA  }
0xb1: {  	_ =	task.clear_ibuf [dreg:s6], $0x5FFFF;
	_ =	strace $0x90000046  }
0xb2: {  	s29 =	simm.s32 $0xA;
	_ =	strace $0x80000048  }
0xb3: {  	_ =	swait.ge [sflag:s29], $0x1  }
0xb4: {  	[sflag:s29] =	ssyncadd.s32 $0xFFFFFFFF  }
0xb5: {  	_ =	strace $0x90000048  }
0xb6: {  	_ =	sfence  }
0xb7: {  	s30 =	sld [smem:$0x0];
	_ =	sdelay $0x2  }
0xb8: {  	s31 =	sshll.u32 s1, $0xD;
	s1 =	sshrl.u32 s1, $0x2  }
0xb9: {  	s3 =	sand.u32 $0x4000, s31;
	s1 =	sadd.s32 s1, s30  }
0xba: {  	s0 =	sor.u32 s3, s0;
	s1 =	sshll.u32 s1, $0x11  }
0xbb: {  	s0 =	sor.u32 s1, s0  }
0xbc: {  	s0 =	sadd.s32 $0x8F2B, s0  }
0xbd: {  	[sflag:s0] =	ssyncadd.remote.s32 $0x1  }
0xbe: {  	_ =	sfence.sel $0xFFFF  }
0xbf: {  	[dreg:$0x0] =	wrdreg $0xFFFFFFFF;
	(pc) =	sbr.abs _section_cstart, $3  }
0xc0: {  	[dreg:$0x1] =	wrdreg $0xFFFFFFFF  }
0xc1: {  	_ =	task.clear_ibuf [dreg:s6], $0x2FFFF;
	_ =	strace $0x9FFFFFFF  }
0xc2: {  	(tm) =	ssettm $0x7FFFFFFF  }
0xc3: {  	_ =	shalt  }
tec
execute0_lowered:
.L_overlay_start_1:
0x0: {  	(tag) =	ssettag $0x1  }
0x1: {  	s0 =	rddreg [dreg:$0x0]  }
0x2: {  	s2 =	rddreg [dreg:$0x1];
	s1 =	srdreg.scid  }
0x3: {  	s7 =	stileid.u32;
	s3 =	simm.s32 $0x0;
	s19 =	simm.s32 $0xD020  }
0x4: {  	s28 =	simm.s32 $0x1;
	s29 =	simm.s32 $0x9E20;
	s30 =	simm.s32 $0x2  }
0x5: {  	v1 =	vimm.f32 $-1.451612850e+01;
	s31 =	simm.s32 $0xB720;
	s1 =	sand.u32 $0x1, s1;
	s4 =	sshll.u32 s7, $0x1  }
0x6: {  	vm0 =	vcmask $0x300;
	[smem:$0x7FF] =	sst s3;
	s5 =	sadd.s32 $0x2600, s0;
	s8 =	sadd.s32 $0x3D600, s0  }
0x7: {  	v2 =	vimm.f32 $-3.000000000e+01;
	vm1 =	vcmask $0x704;
	s7 =	smul.u32 $0xC350, s7;
	v1 =	vsel vm0, $0x80000000, v1;
	s4 =	sor.u32 s1, s4;
	_ =	strace $0x80000047  }
0x8: {  	v2 =	vsel vm0, $0xC177BDEF, v2;
	[dreg:$0x3] =	wrdreg s8;
	s21 =	ssub.s32 $0x2, s1;
	v1 =	vsel vm1, $0xBF77BDEF, v1;
	s1 =	smul.u32 $0xC3500, s1  }
0x9: {  	vm0 =	vcmask $0xB08;
	v2 =	vsel vm1, $0xC1839CE7, v2;
	s6 =	smul.u32 $0x4E2, s4;
	s4 =	sadd.s32 $0x1AE00, s0;
	s22 =	sadd.s32 $0x2710, s7  }
0xa: {  	vm1 =	vcmask $0xF0C;
	s9 =	sshrl.u32 s21, $0x1;
	s14 =	sadd.s32 $0x4E20, s7;
	v1 =	vsel vm0, $0xBFF7BDEF, v1;
	s15 =	sadd.s32 $0x7530, s7  }
0xb: {  	v2 =	vsel vm0, $0xC18B5AD6, v2;
	vm0 =	vcmask $0x1310;
	s16 =	sadd.s32 $0x9C40, s7;
	v1 =	vsel vm1, $0xC039CE73, v1;
	s10 =	sadd.s32 s22, s2;
	s11 =	sadd.s32 s14, s2  }
0xc: {  	v2 =	vsel vm1, $0xC19318C6, v2;
	vm1 =	vcmask $0x1714;
	s12 =	sadd.s32 s15, s2;
	s13 =	sadd.s32 s16, s2;
	s8 =	sadd.s32 s1, s22;
	v1 =	vsel vm0, $0xC077BDEF, v1  }
0xd: {  	s24 =	sadd.s32 s1, s14;
	s6 =	sadd.s32 s6, s0;
	s0 =	sadd.s32 $0x3D800, s0;
	v2 =	vsel vm0, $0xC19AD6B5, v2;
	vm0 =	vcmask $0x1B18;
	v1 =	vsel vm1, $0xC09AD6B5, v1  }
0xe: {  	s26 =	sadd.s32 s1, s15;
	s23 =	sshrl.u32 s8, $0x3;
	s20 =	sadd.s32 $0x33800, s6;
	v2 =	vsel vm1, $0xC1A294A5, v2;
	vm1 =	vcmask $0x1F1C;
	v1 =	vsel vm0, $0xC0B9CE73, v1  }
0xf: {  	s25 =	sshrl.u32 s24, $0x3;
	s6 =	sadd.s32 $0x29A00, s6;
	[dreg:$0x4] =	wrdreg s20;
	v2 =	vsel vm0, $0xC1AA5294, v2;
	vm0 =	vcmask $0x2320;
	v1 =	vsel vm1, $0xC0D8C631, v1  }
0x10: {  	s24 =	simm.s32 $0x4E20;
	[dreg:$0x5] =	wrdreg s6;
	s6 =	ssub.s32 s21, s9;
	v2 =	vsel vm1, $0xC1B21084, v2;
	vm1 =	vcmask $0x2724;
	v1 =	vsel vm0, $0xC0F7BDEF, v1  }
0x11: {  	s9 =	sadd.s32 s7, s2;
	s7 =	sadd.s32 s7, s1;
	s20 =	simm.s32 $0x2710;
	v2 =	vsel vm0, $0xC1B9CE73, v2;
	vm0 =	vcmask $0x2B28;
	v1 =	vsel vm1, $0xC10B5AD6, v1  }
0x12: {  	s1 =	sadd.s32 s1, s16;
	s21 =	simm.s32 $0x50;
	s7 =	sshrl.u32 s7, $0x3;
	v2 =	vsel vm1, $0xC1C18C63, v2;
	vm1 =	vcmask $0x2F2C;
	v1 =	vsel vm0, $0xC11AD6B5, v1  }
0x13: {  	s16 =	simm.s32 $0x0;
	s1 =	sshrl.u32 s1, $0x3;
	s7 =	sadd.s32 s0, s7;
	v2 =	vsel vm0, $0xC1C94A52, v2;
	vm0 =	vcmask $0x3330;
	v1 =	vsel vm1, $0xC12A5294, v1  }
.Ltmp0:
0x14: {  	[dreg:$0x6] =	wrdreg s7;
	s7 =	sadd.s32 s0, s23;
	v2 =	vsel vm1, $0xC1D10842, v2;
	vm1 =	vcmask $0x3734;
	v1 =	vsel vm0, $0xC139CE73, v1;
	(pc) =	sbr.rel .LBB2_1-.Ltmp0, $4  }
0x15: {  	s22 =	sadd.s32 s0, s1;
	[dreg:$0x7] =	wrdreg s7;
	s7 =	sadd.s32 s0, s25;
	v2 =	vsel vm0, $0xC1D8C631, v2;
	vm0 =	vcmask $0x3B38;
	v1 =	vsel vm1, $0xC1494A52, v1  }
0x16: {  	s1 =	simm.s32 $0x3;
	[dreg:$0x8] =	wrdreg s7;
	s7 =	sshrl.u32 s26, $0x3;
	v2 =	vsel vm1, $0xC1E08421, v2;
	v1 =	vsel vm0, $0xC158C631, v1  }
0x17: {  	v0 =	vimm.f32 $0.0e+00;
	vm2 =	vcmask $0x710;
	s23 =	smax.u32 s6, $0x1;
	s25 =	simm.s32 $0x5;
	s7 =	sadd.s32 s0, s7;
	v2 =	vsel vm0, $0xC1E84210, v2;
	[tilespmem:$0x1FFE0] =	vst v1  }
0x18: {  	vm3 =	vcmask $0xB10;
	s26 =	simm.s32 $0x6C20;
	s0 =	simm.s32 $0x4;
	[dreg:$0x9] =	wrdreg s7;
	vm1 =	vcmask $0x310;
	vm0 =	vmmov $0x1;
	[tilespmem:$0x1FFF0] =	vst v2  }
.LBB2_11:
0x19: {  	_ =	swait.ge [sflag:s0], $0x1900  }
0x1a: {  	[sflag:s0] =	ssyncset.done $0x0  }
0x1b: {  	[sflag:s0] =	ssyncadd.s32 $0xFFFFE700  }
0x1c: {  	_ =	swait.ge [sflag:s1], $0x1900  }
0x1d: {  	[sflag:s1] =	ssyncset.done $0x0  }
0x1e: {  	[sflag:s1] =	ssyncadd.s32 $0xFFFFE700  }
0x1f: {  	[bflag:$0x0] =	sbarrier.arrive $0xFFFF  }
0x20: {  	[tilespmem:s19], [sflag:$0x5] =	stream.linear.gather [spmem:s9], $0x2710, $0x38;
	[tilespmem:$0x1BB00] =	vst v63  }
0x21: {  	_ =	swait.ge [sflag:s25], $0x2710  }
0x22: {  	[sflag:s25] =	ssyncset.done $0x0  }
0x23: {  	s6 =	rddreg [dreg:$0x6];
	[sflag:s25] =	ssyncadd.s32 $0xFFFFD8F0  }
0x24: {  	[hbm4b:s6+s3] =	stream.linear.scatter [tilespmem:s19], [sflag:$0x5], $0x2710, $0x38;
	[tilespmem:$0x1BB00] =	vst v63  }
0x25: {  	_ =	swait.ge [sflag:s25], $0x2710  }
0x26: {  	[sflag:s25] =	ssyncset.done $0x0  }
0x27: {  	[sflag:s25] =	ssyncadd.s32 $0xFFFFD8F0  }
0x28: {  	[tilespmem:s19], [sflag:$0x5] =	stream.linear.gather [spmem:s10], $0x2710, $0x38;
	[tilespmem:$0x1BB00] =	vst v63  }
0x29: {  	_ =	swait.ge [sflag:s25], $0x2710  }
0x2a: {  	[sflag:s25] =	ssyncset.done $0x0  }
0x2b: {  	s17 =	rddreg [dreg:$0x7];
	[sflag:s25] =	ssyncadd.s32 $0xFFFFD8F0  }
0x2c: {  	[hbm4b:s17+s3] =	stream.linear.scatter [tilespmem:s19], [sflag:$0x5], $0x2710, $0x38;
	[tilespmem:$0x1BB00] =	vst v63  }
0x2d: {  	_ =	swait.ge [sflag:s25], $0x2710  }
0x2e: {  	[sflag:s25] =	ssyncset.done $0x0  }
0x2f: {  	[sflag:s25] =	ssyncadd.s32 $0xFFFFD8F0  }
0x30: {  	[tilespmem:s19], [sflag:$0x5] =	stream.linear.gather [spmem:s11], $0x2710, $0x38;
	[tilespmem:$0x1BB00] =	vst v63  }
0x31: {  	_ =	swait.ge [sflag:s25], $0x2710  }
0x32: {  	[sflag:s25] =	ssyncset.done $0x0  }
0x33: {  	s18 =	rddreg [dreg:$0x8];
	[sflag:s25] =	ssyncadd.s32 $0xFFFFD8F0  }
0x34: {  	[hbm4b:s18+s3] =	stream.linear.scatter [tilespmem:s19], [sflag:$0x5], $0x2710, $0x38;
	[tilespmem:$0x1BB00] =	vst v63  }
0x35: {  	_ =	swait.ge [sflag:s25], $0x2710  }
0x36: {  	[sflag:s25] =	ssyncset.done $0x0  }
0x37: {  	[sflag:s25] =	ssyncadd.s32 $0xFFFFD8F0  }
0x38: {  	[tilespmem:s19], [sflag:$0x5] =	stream.linear.gather [spmem:s12], $0x2710, $0x38;
	[tilespmem:$0x1BB00] =	vst v63  }
0x39: {  	_ =	swait.ge [sflag:s25], $0x2710  }
0x3a: {  	[sflag:s25] =	ssyncset.done $0x0  }
0x3b: {  	s20 =	rddreg [dreg:$0x9];
	[sflag:s25] =	ssyncadd.s32 $0xFFFFD8F0  }
0x3c: {  	[hbm4b:s20+s3] =	stream.linear.scatter [tilespmem:s19], [sflag:$0x5], $0x2710, $0x38;
	[tilespmem:$0x1BB00] =	vst v63  }
0x3d: {  	_ =	swait.ge [sflag:s25], $0x2710  }
0x3e: {  	[sflag:s25] =	ssyncset.done $0x0  }
0x3f: {  	[sflag:s25] =	ssyncadd.s32 $0xFFFFD8F0  }
0x40: {  	[tilespmem:s19], [sflag:$0x5] =	stream.linear.gather [spmem:s13], $0x2710, $0x38;
	[tilespmem:$0x1BB00] =	vst v63  }
0x41: {  	s16 =	sadd.s32 $0x1, s16;
	_ =	swait.ge [sflag:s25], $0x2710  }
0x42: {  	p0 =	sne.s32 s16, s23;
	[sflag:s25] =	ssyncset.done $0x0  }
.Ltmp1:
0x43: {  	[sflag:s25] =	ssyncadd.s32 $0xFFFFD8F0;
	(pc) =	sbr.rel @!p0 .LBB2_12-.Ltmp1, $4  }
0x44: {  	[hbm4b:s22+s3] =	stream.linear.scatter [tilespmem:s19], [sflag:$0x5], $0x2710, $0x38;
	[tilespmem:$0x1BB00] =	vst v63  }
0x45: {  	_ =	swait.ge [sflag:s25], $0x2710  }
0x46: {  	[sflag:s25] =	ssyncset.done $0x0  }
0x47: {  	v0 =	vimm.f32 $0.0e+00;
	s20 =	simm.s32 $0x2710;
	[sflag:s25] =	ssyncadd.s32 $0xFFFFD8F0  }
.LBB2_1:
0x48: {  	s6 =	rddreg [dreg:$0x3];
	s7 =	simm.s32 $0xF730  }
0x49: {  	[tilespmem:s7], [sflag:$0x5] =	stream.linear.gather [hbm4b:s6+s3], $0x80, $0x38;
	[tilespmem:$0x1BB00] =	vst v63  }
0x4a: {  	_ =	swait.ge [sflag:s25], $0x80  }
0x4b: {  	[sflag:s25] =	ssyncset.done $0x0  }
0x4c: {  	[sflag:s25] =	ssyncadd.s32 $0xFFFFFF80  }
0x4d: {  	v3 =	vld [tilespmem:$0xF730]  }
0x4e: {  	v4 =	vld [tilespmem:$0xF740]  }
0x4f: {  	v5 =	vld [tilespmem:$0xF750]  }
0x50: {  	v6 =	vld [tilespmem:$0xF760]  }
0x51: {  	v7 =	vld [tilespmem:$0xF770]  }
0x52: {  	v8 =	vld [tilespmem:$0xF780]  }
0x53: {  	s15 =	rddreg [dreg:$0x4];
	v60 =	vld [tilespmem:$0xF790]  }
0x54: {  	v62 =	vld [tilespmem:$0xF7A0];
	[tilespmem:s3], [sflag:$0x5] =	stream.linear.gather [hbm4b:s15+s3], $0x2710, $0x38  }
0x55: {  	_ =	swait.ge [sflag:s25], $0x2710  }
0x56: {  	[sflag:s25] =	ssyncset.done $0x0  }
0x57: {  	s18 =	smul.u32 $0xCCCD, s3;
	s17 =	rddreg [dreg:$0x5];
	[sflag:s25] =	ssyncadd.s32 $0xFFFFD8F0  }
0x58: {  	[tilespmem:s20], [sflag:$0x5] =	stream.linear.gather [hbm4b:s17+s3], $0x2710, $0x38;
	[tilespmem:$0x1BB00] =	vst v63  }
0x59: {  	_ =	swait.ge [sflag:s25], $0x2710  }
0x5a: {  	s8 =	simm.s32 $0x0;
	s7 =	sshrl.u32 s18, $0x12;
	[sflag:s25] =	ssyncset.done $0x0  }
0x5b: {  	s6 =	simm.s32 $0x1;
	s14 =	smul.u32 $0x5, s7;
	[sflag:s25] =	ssyncadd.s32 $0xFFFFD8F0  }
.LBB2_2:
0x5c: {  	s15 =	smul.u32 $0xCCCD, s6  }
0x5d: {  	s17 =	smov.u32 s6;
	s7 =	smul.u32 $0x140, s7;
	p0 =	sne.s32 s6, $0x270  }
.Ltmp2:
0x5e: {  	s8 =	ssub.s32 s8, s14;
	(pc) =	sbr.rel @p0 .LBB2_2-.Ltmp2, $4  }
0x5f: {  	s6 =	sadd.s32 $0x1, s6;
	s8 =	sand.u32 $0xFFFF, s8  }
0x60: {  	s14 =	sshrl.u32 s7, $0x2;
	s18 =	sshll.u32 s8, $0x4;
	s8 =	smov.u32 s17  }
0x61: {  	s7 =	sshrl.u32 s15, $0x12;
	s15 =	sadd.s32 s18, s14  }
0x62: {  	s14 =	smul.u32 $0x5, s7;
	[tilespmem:s15+$0xD020] =	vst v0  }
0x63: {  	_ = 	snop  }
0x64: {  	s7 =	smul.u32 $0x140, s7;
	s6 =	ssub.s32 s8, s14  }
0x65: {  	s6 =	sand.u32 $0xFFFF, s6  }
0x66: {  	s7 =	sshrl.u32 s7, $0x2;
	s6 =	sshll.u32 s6, $0x4  }
0x67: {  	s6 =	sadd.s32 s6, s7  }
0x68: {  	[tilespmem:s6+$0xD020] =	vst v0  }
0x69: {  	[spmem:s9] =	stream.linear.scatter [tilespmem:s19], [sflag:$0x5], $0x2710, $0x38;
	[tilespmem:$0x1BB00] =	vst v63  }
0x6a: {  	_ =	swait.ge [sflag:s25], $0x2710  }
0x6b: {  	[sflag:s25] =	ssyncset.done $0x0  }
0x6c: {  	[sflag:s25] =	ssyncadd.s32 $0xFFFFD8F0  }
0x6d: {  	[spmem:s10] =	stream.linear.scatter [tilespmem:s19], [sflag:$0x5], $0x2710, $0x38;
	[tilespmem:$0x1BB00] =	vst v63  }
0x6e: {  	_ =	swait.ge [sflag:s25], $0x2710  }
0x6f: {  	[sflag:s25] =	ssyncset.done $0x0  }
0x70: {  	[sflag:s25] =	ssyncadd.s32 $0xFFFFD8F0  }
0x71: {  	[spmem:s11] =	stream.linear.scatter [tilespmem:s19], [sflag:$0x5], $0x2710, $0x38;
	[tilespmem:$0x1BB00] =	vst v63  }
0x72: {  	_ =	swait.ge [sflag:s25], $0x2710  }
0x73: {  	[sflag:s25] =	ssyncset.done $0x0  }
0x74: {  	[sflag:s25] =	ssyncadd.s32 $0xFFFFD8F0  }
0x75: {  	[spmem:s12] =	stream.linear.scatter [tilespmem:s19], [sflag:$0x5], $0x2710, $0x38;
	[tilespmem:$0x1BB00] =	vst v63  }
0x76: {  	_ =	swait.ge [sflag:s25], $0x2710  }
0x77: {  	[sflag:s25] =	ssyncset.done $0x0  }
0x78: {  	[sflag:s25] =	ssyncadd.s32 $0xFFFFD8F0  }
0x79: {  	[spmem:s13] =	stream.linear.scatter [tilespmem:s19], [sflag:$0x5], $0x2710, $0x38;
	[tilespmem:$0x1BB00] =	vst v63  }
0x7a: {  	_ =	swait.ge [sflag:s25], $0x2710  }
0x7b: {  	[sflag:s25] =	ssyncset.done $0x0  }
0x7c: {  	[sflag:s25] =	ssyncadd.s32 $0xFFFFD8F0  }
0x7d: {  	s6 =	simm.s32 $0x0;
	[bflag:$0x0] =	sbarrier.arrive $0xFFFF  }
0x7e: {  	[tilespmem:s24], [sflag:$0x1] =	stream.indirect.gather [hbm4b:s4+s21], $0x30, s6, s21, $0xb8;
	[tilespmem:$0x1BB00] =	vst v63  }
0x7f: {  	[tilespmem:$0x1FF60] =	vst v3  }
0x80: {  	[tilespmem:$0x1FF70] =	vst v4  }
0x81: {  	[tilespmem:$0x1FF80] =	vst v5  }
0x82: {  	[tilespmem:$0x1FF90] =	vst v6  }
.Ltmp3:
0x83: {  	[tilespmem:$0x1FFA0] =	vst v7;
	(pc) =	sbr.rel .LBB2_4-.Ltmp3, $4  }
0x84: {  	[tilespmem:$0x1FFB0] =	vst v8  }
0x85: {  	[tilespmem:$0x1FFC0] =	vst v60  }
0x86: {  	[tilespmem:$0x1FFD0] =	vst v62  }
0x87: {  	[tilespmem:s26], [sflag:$0x1] =	stream.indirect.gather [hbm4b:s5+s21], $0x50, s20, s21, $0xb8;
	[tilespmem:$0x1BB00] =	vst v63  }
.LBB2_10:
0x88: {  	v1 =	vld [tilespmem:$0x1FFE0]  }
0x89: {  	s6 =	sadd.s32 $0x1, s6;
	v2 =	vld [tilespmem:$0x1FFF0]  }
0x8a: {  	v3 =	vld [tilespmem:$0x1FF60];
	p0 =	sne.s32 s6, $0x3F  }
.Ltmp4:
0x8b: {  	v4 =	vld [tilespmem:$0x1FF70];
	(pc) =	sbr.rel @!p0 .LBB2_11-.Ltmp4, $4  }
0x8c: {  	v5 =	vld [tilespmem:$0x1FF80]  }
0x8d: {  	v6 =	vld [tilespmem:$0x1FF90]  }
0x8e: {  	v7 =	vld [tilespmem:$0x1FFA0]  }
0x8f: {  	v8 =	vld [tilespmem:$0x1FFB0]  }
.LBB2_4:
0x90: {  	s7 =	sshllo.u32 s6, $0x1  }
0x91: {  	p1 =	sgt.u32 s7, $0x7C  }
0x92: {  	s8 =	smul.u32 @!p1 $0x50, s7  }
0x93: {  	s14 =	simm.s32 @!p1 $0x50;
	s15 =	simm.s32 @!p1 $0x5D20  }
0x94: {  	[tilespmem:s15], [sflag:$0x2] =	stream.indirect.gather @!p1 [hbm4b:s4+s14], $0x30, s8, s14, $0xb8;
	[tilespmem:$0x1BB00] =	vst v63  }
0x95: {  	s8 =	sadd.s32 @!p1 $0x2710, s8;
	s15 =	simm.s32 @!p1 $0x8520  }
0x96: {  	[tilespmem:s15], [sflag:$0x2] =	stream.indirect.gather @!p1 [hbm4b:s5+s14], $0x50, s8, s14, $0xb8;
	[tilespmem:$0x1BB00] =	vst v63  }
0x97: {  	_ =	swait.ge [sflag:s28], $0xF00  }
0x98: {  	[sflag:s28] =	ssyncset.done $0x0  }
0x99: {  	[sflag:s28] =	ssyncadd.s32 $0xFFFFF100  }
0x9a: {  	_ =	swait.ge [sflag:s28], $0x1900  }
0x9b: {  	p0 =	seq.s32 s6, $0x0;
	[sflag:s28] =	ssyncset.done $0x0  }
0x9c: {  	s8 =	simm.s32 @!p0 $0x3;
	[sflag:s28] =	ssyncadd.s32 $0xFFFFE700  }
0x9d: {  	_ =	swait.ge @!p0 [sflag:s8], $0x1900  }
0x9e: {  	[sflag:s8] =	ssyncset.done @!p0 $0x0  }
0x9f: {  	s18 =	simm.s32 $0x4E80;
	[sflag:s8] =	ssyncadd.s32 @!p0 $0xFFFFE700  }
0xa0: {  	s8 =	simm.s32 $0x0;
	v11 =	vld [tilespmem:s18+$0x50]  }
0xa1: {  	v12 =	vld [tilespmem:s8+$0x6D30];
	_ =	sdelay $0x3  }
0xa2: {  	v13 =	vld [tilespmem:s8+$0x6C90]  }
0xa3: {  	v15 =	vld [tilespmem:s8+$0x6CE0];
	v11 =	vmul.f32 v12, v11  }
0xa4: {  	v16 =	vld [tilespmem:s18+$0x20]  }
0xa5: {  	v12 =	vld [tilespmem:s8+$0x6C40];
	(xrf2) =	vadd.scan.msk.f32 $0xffff, v11  }
0xa6: {  	v11 =	vld [tilespmem:s18+$0xFFFFFFC0]  }
0xa7: {  	v14 =	vld [tilespmem:s18+$0xFFFFFFF0];
	_ =	sdelay $0x1  }
0xa8: {  	v17 =	vld [tilespmem:s18+$0xFFFFFFA0]  }
0xa9: {  	v20 =	vld [tilespmem:s18+$0x0]  }
0xaa: {  	v15 =	vmul.f32 v15, v16;
	v16 =	vld [tilespmem:s18+$0xFFFFFFD0];
	v11 =	vmul.f32 v12, v11  }
0xab: {  	v12 =	vmul.f32 v13, v14;
	v13 =	vld [tilespmem:s8+$0x6C20]  }
0xac: {  	(xrf2) =	vadd.scan.msk.f32 $0xffff, v11  }
0xad: {  	v11 =	vld [tilespmem:s8+$0x6C70];
	(xrf2) =	vadd.scan.msk.f32 $0xffff, v12  }
0xae: {  	v12 =	vld [tilespmem:s8+$0x6CC0];
	(xrf2) =	vadd.scan.msk.f32 $0xffff, v15;
	v14, _, _ =	vpop (xrf2)  }
0xaf: {  	v22 =	vunpack.i.l.bf16.f32 v17;
	v24 =	vunpack.i.l.bf16.f32 v20;
	v14 =	vbroadcast v14, $0xF  }
0xb0: {  	v23 =	vunpack.i.l.bf16.f32 v16;
	v18 =	vunpack.i.u.bf16.f32 v13;
	v13 =	vunpack.i.l.bf16.f32 v13  }
0xb1: {  	v16 =	vunpack.i.u.bf16.f32 v16;
	v13 =	vmul.f32 v13, v22;
	v15 =	vadd.f32 v1, v14  }
0xb2: {  	v19 =	vunpack.i.u.bf16.f32 v11;
	v11 =	vunpack.i.l.bf16.f32 v11;
	v14 =	vadd.f32 v2, v14  }
0xb3: {  	v21 =	vunpack.i.u.bf16.f32 v12;
	v11 =	vmul.f32 v11, v23;
	v15 =	vmul.f32 v15, v15  }
0xb4: {  	v12 =	vunpack.i.l.bf16.f32 v12;
	v16 =	vmul.f32 v19, v16;
	v14 =	vmul.f32 v14, v14  }
0xb5: {  	v20 =	vunpack.i.u.bf16.f32 v20;
	v12 =	vmul.f32 v12, v24;
	v15 =	vmul.f32 $-5.338888760e-01, v15  }
0xb6: {  	v20 =	vmul.f32 v21, v20;
	v22, _, _ =	vpop (xrf2);
	v14 =	vmul.f32 $-5.338888760e-01, v14  }
0xb7: {  	v23, _, _ =	vpop (xrf2);
	v22 =	vbroadcast v22, $0xF;
	v15 =	vmul.f32 $1.442695020e+00, v15  }
0xb8: {  	v17 =	vunpack.i.u.bf16.f32 v17;
	v23 =	vbroadcast v23, $0xF;
	v14 =	vmul.f32 $1.442695020e+00, v14;
	v19, _, _ =	vpop (xrf2)  }
0xb9: {  	v26 =	vld [tilespmem:s8+$0x6D10];
	v19 =	vbroadcast v19, $0xF;
	v21 =	vadd.f32 v2, v22;
	(erf) = vpow2.f32 v15  }
0xba: {  	v15 =	vmul.f32 v18, v17;
	v17 =	vadd.f32 v1, v22;
	v18 =	vadd.f32 v1, v23  }
0xbb: {  	v24 =	vld [tilespmem:s8+$0x6D20];
	v23 =	vadd.f32 v2, v23;
	(erf) = vpow2.f32 v14;
	v25 =	vadd.f32 v1, v19  }
0xbc: {  	v22 =	vld [tilespmem:s18+$0x30];
	v21 =	vmul.f32 v21, v21;
	v19 =	vadd.f32 v2, v19;
	v17 =	vmul.f32 v17, v17  }
0xbd: {  	v18 =	vmul.f32 v18, v18;
	v23 =	vmul.f32 v23, v23  }
0xbe: {  	v31 =	vunpack.i.u.bf16.f32 v26;
	v14 =	vld [tilespmem:s18+$0x40];
	v25 =	vmul.f32 v25, v25;
	v19 =	vmul.f32 v19, v19  }
0xbf: {  	v26 =	vunpack.i.l.bf16.f32 v26;
	v21 =	vmul.f32 $-5.338888760e-01, v21;
	v17 =	vmul.f32 $-5.338888760e-01, v17  }
0xc0: {  	v28 =	vunpack.i.l.bf16.f32 v24;
	v18 =	vmul.f32 $-5.338888760e-01, v18;
	v23 =	vmul.f32 $-5.338888760e-01, v23  }
0xc1: {  	v30 =	vunpack.i.u.bf16.f32 v22;
	v25 =	vmul.f32 $-5.338888760e-01, v25;
	v19 =	vmul.f32 $-5.338888760e-01, v19  }
0xc2: {  	v22 =	vunpack.i.l.bf16.f32 v22;
	v21 =	vmul.f32 $1.442695020e+00, v21;
	v17 =	vmul.f32 $1.442695020e+00, v17  }
0xc3: {  	v27 =	vunpack.i.l.bf16.f32 v14;
	v30 =	vmul.f32 v31, v30;
	v22 =	vmul.f32 v26, v22;
	v29 =	vpop (erf)  }
0xc4: {  	v27 =	vmul.f32 v28, v27;
	v28 =	vmul.f32 v29, v7  }
0xc5: {  	v18 =	vmul.f32 $1.442695020e+00, v18;
	v25 =	vmul.f32 $1.442695020e+00, v25;
	v32 =	vpop (erf)  }
0xc6: {  	v31 =	vmul.f32 v29, v5;
	v27 =	vadd.f32 v27, v28;
	v28 =	vmul.f32 v32, v8  }
0xc7: {  	s20 =	simm.s32 $0x4F40;
	v14 =	vunpack.i.u.bf16.f32 v14;
	v26 =	vmul.f32 v29, v3;
	(erf) = vpow2.f32 v17  }
0xc8: {  	v51 =	vld [tilespmem:s20+$0x0];
	v30 =	vadd.f32 v31, v30;
	v31 =	vmul.f32 v32, v6;
	v27 =	vadd.f32 v27, v28  }
0xc9: {  	(erf) = vpow2.f32 v18;
	v17 =	vadd.f32 v26, v22;
	v22 =	vmul.f32 v32, v4;
	v26 =	vld [tilespmem:s8+$0x6C80]  }
0xca: {  	v18 =	vunpack.i.u.bf16.f32 v24;
	(erf) = vpow2.f32 v25;
	v28 =	vadd.f32 v30, v31;
	v30 =	vld [tilespmem:s8+$0x6C30];
	(xrf2) =	vadd.scan.msk.f32 $0xffff, v27  }
0xcb: {  	v14 =	vmul.f32 v18, v14;
	v18 =	vmul.f32 $1.442695020e+00, v23;
	v17 =	vadd.f32 v17, v22;
	v22 =	vld [tilespmem:s18+$0xFFFFFFB0]  }
0xcc: {  	v49 =	vld [tilespmem:s20+$0xFFFFFFD0];
	v19 =	vmul.f32 $1.442695020e+00, v19;
	(erf) = vpow2.f32 v21;
	(xrf2) =	vadd.scan.msk.f32 $0xffff, v28  }
0xcd: {  	(erf) = vpow2.f32 v18;
	v27 =	vmul.f32 v29, v60;
	(xrf2) =	vadd.scan.msk.f32 $0xffff, v17;
	v17 =	vld [tilespmem:s18+$0xFFFFFFE0]  }
0xce: {  	v41 =	vunpack.i.u.bf16.f32 v51;
	v21 =	vld [tilespmem:s8+$0x6CD0];
	(erf) = vpow2.f32 v19;
	v25 =	vunpack.i.u.bf16.f32 v26  }
0xcf: {  	v19 =	vld [tilespmem:s18+$0x10];
	v18 =	vunpack.i.l.bf16.f32 v26;
	v14 =	vadd.f32 v14, v27;
	v27 =	vmul.f32 v32, v62  }
0xd0: {  	v23 =	vunpack.i.l.bf16.f32 v30;
	v26 =	vunpack.i.u.bf16.f32 v22;
	v22 =	vunpack.i.l.bf16.f32 v22  }
0xd1: {  	v32 =	vunpack.i.u.bf16.f32 v49;
	v24 =	vunpack.i.u.bf16.f32 v30;
	v22 =	vmul.f32 v23, v22  }
0xd2: {  	v28 =	vpop (erf);
	v24 =	vmul.f32 v24, v26;
	v14 =	vadd.f32 v14, v27;
	v29 =	vunpack.i.u.bf16.f32 v17  }
0xd3: {  	s18 =	simm.s32 $0x140;
	v26 =	vunpack.i.u.bf16.f32 v21;
	v27 =	vmul.f32 v28, v3;
	v21 =	vunpack.i.l.bf16.f32 v21  }
0xd4: {  	v48 =	vld [tilespmem:s18+$0x6C20];
	v30 =	vmul.f32 v28, v5;
	v61 =	vunpack.i.u.bf16.f32 v19;
	(xrf2) =	vadd.scan.msk.f32 $0xffff, v14;
	v14 =	vmul.f32 v28, v7;
	v23, _, _ =	vpop (xrf2)  }
0xd5: {  	v28 =	vmul.f32 v28, v60;
	v17 =	vunpack.i.l.bf16.f32 v17;
	v25 =	vmul.f32 v25, v29;
	v29 =	vpop (erf)  }
0xd6: {  	v19 =	vunpack.i.l.bf16.f32 v19;
	v17 =	vmul.f32 v18, v17;
	v18, _, _ =	vpop (xrf2);
	v33 =	vmul.f32 v29, v3  }
0xd7: {  	v13 =	vadd.f32 v27, v13;
	v31 =	vpop (erf);
	v27 =	vmul.f32 v29, v5;
	v23 =	vmul.f32 $1.442695020e+00, v23  }
0xd8: {  	v15 =	vadd.f32 v30, v15;
	v35 =	vmul.f32 v31, v3;
	v36 =	vpop (erf);
	v30 =	vmul.f32 v31, v5  }
0xd9: {  	v50 =	vunpack.i.l.bf16.f32 v48;
	v18 =	vmul.f32 $1.442695020e+00, v18;
	v37 =	vmul.f32 v36, v4;
	v38 =	vpop (erf)  }
0xda: {  	v11 =	vadd.f32 v33, v11;
	v16 =	vadd.f32 v27, v16;
	v0 =	vpop (erf);
	v39 =	vmul.f32 v38, v4  }
0xdb: {  	v34, _, _ =	vpop (xrf2);
	v12 =	vadd.f32 v35, v12;
	v13 =	vadd.f32 v13, v37;
	v42 =	vmul.f32 v0, v4  }
0xdc: {  	v63 =	vmul.f32 $1.442695020e+00, v34;
	v43 =	vmul.f32 v36, v6;
	v11 =	vadd.f32 v11, v39  }
0xdd: {  	v20 =	vadd.f32 v30, v20;
	(xrf2) =	vadd.scan.msk.f32 $0xffff, v13;
	v13 =	vmul.f32 v38, v6;
	v12 =	vadd.f32 v12, v42  }
0xde: {  	v18 =	vbroadcast v18, $0xF;
	v27 =	vmul.f32 v0, v6;
	(xrf2) =	vadd.scan.msk.f32 $0xffff, v11;
	v11 =	vadd.f32 v15, v43  }
0xdf: {  	v15 =	vmul.f32 v29, v7;
	v13 =	vadd.f32 v16, v13;
	(xrf2) =	vadd.scan.msk.f32 $0xffff, v12;
	v12 =	vbroadcast v63, $0xF;
	v16, _, _ =	vpop (xrf2)  }
0xe0: {  	(xrf2) =	vadd.scan.msk.f32 $0xffff, v11;
	v11 =	vadd.f32 v22, v14;
	v14 =	vmul.f32 $1.442695020e+00, v16;
	v16 =	vbroadcast v23, $0xF  }
0xe1: {  	v15 =	vadd.f32 v17, v15;
	v17 =	vmul.f32 v29, v60;
	v22 =	vmul.f32 v36, v62  }
0xe2: {  	v20 =	vadd.f32 v20, v27;
	(erf) = vpow2.f32 v12;
	v12 =	vmul.f32 v36, v8  }
0xe3: {  	v23 =	vld [tilespmem:s18+$0x6D30];
	(xrf2) =	vadd.scan.msk.f32 $0xffff, v13;
	v13 =	vadd.f32 v24, v28;
	v24 =	vmul.f32 v0, v8;
	(erf) = vpow2.f32 v18  }
0xe4: {  	(xrf2) =	vadd.scan.msk.f32 $0xffff, v20;
	v20 =	vld [tilespmem:s20+$0x50];
	v18 =	vmul.f32 v38, v8;
	v14 =	vbroadcast v14, $0xF;
	v11 =	vadd.f32 v11, v12  }
0xe5: {  	v12 =	vadd.f32 v25, v17;
	v17 =	vmul.f32 v38, v62;
	v13 =	vadd.f32 v13, v22;
	v22 =	vld [tilespmem:s8+$0x6C50]  }
0xe6: {  	v34 =	vunpack.i.l.bf16.f32 v51;
	(erf) = vpow2.f32 v16;
	(xrf2) =	vadd.scan.msk.f32 $0xffff, v11;
	v11 =	vmul.f32 v21, v19  }
0xe7: {  	v15 =	vadd.f32 v15, v18;
	v19 =	vmul.f32 v26, v61;
	v21 =	vmul.f32 v31, v60;
	v16, _, _ =	vpop (xrf2);
	(xrf2) =	vadd.scan.msk.f32 $0xffff, v13;
	v13 =	vld [tilespmem:s8+$0x6D40]  }
0xe8: {  	v28 =	vmul.f32 v0, v62;
	(erf) = vpow2.f32 v14;
	v12 =	vadd.f32 v12, v17  }
0xe9: {  	v21 =	vadd.f32 v19, v21;
	v17, _, _ =	vpop (xrf2);
	(xrf2) =	vadd.scan.msk.f32 $0xffff, v15;
	v15 =	vmul.f32 v23, v20;
	v16 =	vmul.f32 $1.442695020e+00, v16  }
0xea: {  	v20 =	vmul.f32 v31, v7;
	v14 =	vunpack.i.u.bf16.f32 v22;
	v18, _, _ =	vpop (xrf2);
	(xrf2) =	vadd.scan.msk.f32 $0xffff, v12;
	v12 =	vld [tilespmem:s8+$0x6D50];
	v25 =	vmul.f32 $1.442695020e+00, v17  }
0xeb: {  	v17 =	vunpack.i.l.bf16.f32 v22;
	v23, _, _ =	vpop (xrf2);
	v16 =	vbroadcast v16, $0xF;
	v18 =	vmul.f32 $1.442695020e+00, v18  }
0xec: {  	(xrf2) =	vadd.scan.msk.f32 $0xffff, v15;
	v27 =	vpop (erf);
	v25 =	vbroadcast v25, $0xF;
	v23 =	vmul.f32 $1.442695020e+00, v23;
	v22 =	vunpack.i.u.bf16.f32 v13  }
0xed: {  	v44 =	vld [tilespmem:s20+$0xFFFFFFC0];
	v29 =	vpop (erf);
	v13 =	vunpack.i.l.bf16.f32 v13;
	(erf) = vpow2.f32 v16;
	v16 =	vbroadcast v18, $0xF  }
0xee: {  	v53 =	vld [tilespmem:s18+$0x6C30];
	v11 =	vadd.f32 v11, v20;
	v15, _, _ =	vpop (xrf2);
	(erf) = vpow2.f32 v25;
	v18 =	vmul.f32 v27, v13  }
0xef: {  	v25 =	vld [tilespmem:s18+$0x6C40];
	v20 =	vmul.f32 $1.442695020e+00, v15;
	v15 =	vmul.f32 v29, v22;
	v30 =	vunpack.i.u.bf16.f32 v12  }
0xf0: {  	v46 =	vld [tilespmem:s20+$0xFFFFFFF0];
	v26, _, _ =	vpop (xrf2);
	v12 =	vunpack.i.l.bf16.f32 v12;
	(erf) = vpow2.f32 v16;
	v16 =	vbroadcast v23, $0xF  }
0xf1: {  	v31 =	vpop (erf);
	v22 =	vld [tilespmem:s18+$0x6C90];
	v19 =	vmul.f32 $1.442695020e+00, v26;
	v23 =	vnsel vm0, $0x0, v27;
	v27 =	vbroadcast v20, $0xF  }
0xf2: {  	v11 =	vadd.f32 v11, v24;
	v24 =	vld [tilespmem:s18+$0x6CE0];
	v13, _, _ =	vpop (xrf2);
	(erf) = vpow2.f32 v16;
	v16 =	vmul.f32 v31, v12  }
0xf3: {  	v23 =	vsel vm1, v23, v29;
	v29 =	vld [tilespmem:s20+$0x20];
	v12 =	vbroadcast v19, $0xF;
	v13 =	vmul.f32 $1.442695020e+00, v13;
	v45, _, _ =	vpop (xrf2)  }
0xf4: {  	v37 =	vunpack.i.l.bf16.f32 v53;
	(erf) = vpow2.f32 v27;
	v26, _, _ =	vpop (xrf2);
	v25 =	vmul.f32 v25, v44  }
0xf5: {  	v42 =	vunpack.i.u.bf16.f32 v53;
	(erf) = vpow2.f32 v12;
	v13 =	vbroadcast v13, $0xF;
	v20, _, _ =	vpop (xrf2)  }
0xf6: {  	v40 =	vld [tilespmem:s18+$0x6C80];
	v36 =	vadd.f32 v21, v28;
	(xrf2) =	vadd.scan.msk.f32 $0xffff, v11;
	v21 =	vmul.f32 v22, v46;
	v26 =	vmul.f32 $1.442695020e+00, v26;
	v19, _, _ =	vpop (xrf2)  }
0xf7: {  	v23 =	vsel vm2, v23, v31;
	v31 =	vpop (erf);
	v22 =	vld [tilespmem:s18+$0x6CC0];
	(xrf2) =	vadd.scan.msk.f32 $0xffff, v25;
	v25 =	vmul.f32 $1.442695020e+00, v45;
	v47 =	vbroadcast v19, $0xF  }
0xf8: {  	v23 =	vsel vm3, v23, v31;
	v12 =	vld [tilespmem:s18+$0x6C70];
	v24 =	vmul.f32 v24, v29;
	(erf) = vpow2.f32 v13  }
0xf9: {  	v20 =	vmul.f32 $1.442695020e+00, v20;
	v19 =	vmul.f32 v31, v30;
	v27 =	vpop (erf);
	v11 =	vadd.f32 v1, v47  }
0xfa: {  	v45 =	vld [tilespmem:s20+$0x30];
	(xrf2) =	vadd.scan.msk.f32 $0xffff, v21;
	v21 =	vbroadcast v25, $0xF;
	v17 =	vmul.f32 v27, v17;
	v13 =	vadd.f32 v2, v47  }
0xfb: {  	v46 =	vunpack.i.u.bf16.f32 v40;
	v31 =	vld [tilespmem:s20+$0xFFFFFFA0];
	v29 =	vpop (erf);
	v20 =	vbroadcast v20, $0xF;
	v11 =	vmul.f32 v11, v11  }
0xfc: {  	v28 =	vpop (erf);
	v55 =	vunpack.i.l.bf16.f32 v22;
	(erf) = vpow2.f32 v21;
	v13 =	vmul.f32 v13, v13  }
0xfd: {  	v52 =	vunpack.i.u.bf16.f32 v12;
	v34 =	vmul.f32 v55, v34;
	v11 =	vmul.f32 $-5.338888760e-01, v11  }
0xfe: {  	v54 =	vunpack.i.u.bf16.f32 v22;
	v47 =	vld [tilespmem:s18+$0x6D10];
	v32 =	vmul.f32 v52, v32;
	v13 =	vmul.f32 $-5.338888760e-01, v13  }
0xff: {  	(xrf2) =	vadd.scan.msk.f32 $0xffff, v24;
	v12 =	vunpack.i.l.bf16.f32 v12;
	v38 =	vmul.f32 v54, v41;
	v24 =	vmul.f32 $1.442695020e+00, v11  }
0x100: {  	v43 =	vld [tilespmem:s18+$0x6D20];
	v52 =	vunpack.i.u.bf16.f32 v45;
	v21 =	vpop (erf);
	v22 =	vunpack.i.l.bf16.f32 v31;
	v13 =	vmul.f32 $1.442695020e+00, v13  }
0x101: {  	[tilespmem:s8+$0x9F30] =	vst v16;
	v16 =	vmul.f32 v21, v14;
	(erf) = vpow2.f32 v24;
	v24 =	vunpack.i.l.bf16.f32 v49  }
0x102: {  	v30, _, _ =	vpop (xrf2);
	v11 =	vbroadcast v26, $0xF;
	v26 =	vunpack.i.u.bf16.f32 v31;
	(erf) = vpow2.f32 v13;
	v13 =	vld [tilespmem:s20+$0x40]  }
0x103: {  	[tilespmem:s8+$0x9F10] =	vst v18;
	v54 =	vunpack.i.u.bf16.f32 v47;
	v18 =	vmul.f32 $1.442695020e+00, v30;
	v31 =	vmul.f32 v50, v22  }
0x104: {  	v25 =	vunpack.i.u.bf16.f32 v48;
	v52 =	vmul.f32 v54, v52;
	v12 =	vmul.f32 v12, v24;
	v24, _, _ =	vpop (xrf2)  }
0x105: {  	v50 =	vunpack.i.l.bf16.f32 v43;
	v39 =	vmul.f32 v25, v26;
	v56 =	vbroadcast v24, $0xF;
	v26, _, _ =	vpop (xrf2)  }
0x106: {  	v22 =	vpop (erf);
	v43 =	vunpack.i.u.bf16.f32 v43;
	v18 =	vbroadcast v18, $0xF;
	v57 =	vbroadcast v26, $0xF  }
0x107: {  	v24 =	vpop (erf);
	v44 =	vadd.f32 v1, v56;
	v33 =	vadd.f32 v2, v56;
	v49 =	vunpack.i.l.bf16.f32 v13  }
0x108: {  	v25 =	vpop (erf);
	v13 =	vunpack.i.u.bf16.f32 v13;
	v48 =	vadd.f32 v1, v57;
	v49 =	vmul.f32 v50, v49  }
0x109: {  	v59, _, _ =	vpop (xrf2);
	v35 =	vadd.f32 v2, v57;
	v13 =	vmul.f32 v43, v13;
	v58 =	vmul.f32 v44, v44  }
0x10a: {  	v40 =	vunpack.i.l.bf16.f32 v40;
	v26 =	vpop (erf);
	v44 =	vbroadcast v59, $0xF;
	v33 =	vmul.f32 v33, v33  }
0x10b: {  	v27 =	vnsel vm0, $0x0, v27;
	v51 =	vpop (erf);
	v48 =	vmul.f32 v48, v48;
	v35 =	vmul.f32 v35, v35  }
0x10c: {  	v45 =	vunpack.i.l.bf16.f32 v45;
	v41 =	vmul.f32 $-5.338888760e-01, v58;
	v61 =	vmul.f32 v51, v7  }
0x10d: {  	v27 =	vsel vm1, v27, v21;
	v0 =	vmul.f32 v51, v5;
	v57 =	vmul.f32 v51, v3  }
0x10e: {  	[tilespmem:s8+$0x9F20] =	vst v15;
	v15 =	vsel vm2, v27, v25;
	v53 =	vpop (erf);
	v33 =	vmul.f32 $-5.338888760e-01, v33;
	v51 =	vmul.f32 v51, v60  }
0x10f: {  	v55 =	vadd.f32 v1, v44;
	v63 =	vmul.f32 v53, v8;
	v48 =	vmul.f32 $-5.338888760e-01, v48  }
0x110: {  	v44 =	vadd.f32 v2, v44;
	v2 =	vmul.f32 v53, v6;
	v59 =	vmul.f32 v53, v4  }
0x111: {  	v50 =	vld [tilespmem:s18+$0x6CD0];
	v1 =	vunpack.i.l.bf16.f32 v47;
	v35 =	vmul.f32 $-5.338888760e-01, v35;
	v41 =	vmul.f32 $1.442695020e+00, v41  }
0x112: {  	v47 =	vld [tilespmem:s20+$0xFFFFFFB0];
	v49 =	vadd.f32 v49, v61;
	v55 =	vmul.f32 v55, v55;
	v44 =	vmul.f32 v44, v44  }
0x113: {  	v52 =	vadd.f32 v0, v52;
	v0 =	vmul.f32 v53, v62;
	v33 =	vmul.f32 $1.442695020e+00, v33  }
0x114: {  	v61 =	vld [tilespmem:s20+$0xFFFFFFE0];
	v13 =	vadd.f32 v13, v51;
	v48 =	vmul.f32 $1.442695020e+00, v48;
	v35 =	vmul.f32 $1.442695020e+00, v35  }
0x115: {  	v49 =	vadd.f32 v49, v63;
	(erf) = vpow2.f32 v41;
	v41 =	vmul.f32 v1, v45  }
0x116: {  	v45 =	vunpack.i.u.bf16.f32 v50;
	v52 =	vadd.f32 v52, v2;
	v58 =	vmul.f32 $-5.338888760e-01, v55  }
0x117: {  	(xrf2) =	vadd.scan.msk.f32 $0xffff, v36;
	v1 =	vld [tilespmem:s20+$0x10];
	v63 =	vunpack.i.u.bf16.f32 v47;
	(erf) = vpow2.f32 v48;
	v47 =	vunpack.i.l.bf16.f32 v47  }
0x118: {  	v41 =	vadd.f32 v57, v41;
	v36 =	vmul.f32 $1.442695020e+00, v58;
	v2 =	vmul.f32 v37, v47  }
0x119: {  	(xrf2) =	vadd.scan.msk.f32 $0xffff, v49;
	v47 =	vmul.f32 $-5.338888760e-01, v44;
	v49 =	vunpack.i.u.bf16.f32 v61;
	v51 =	vunpack.i.l.bf16.f32 v61;
	v61 =	vld [tilespmem:s8+$0x6C60]  }
0x11a: {  	v42 =	vmul.f32 v42, v63;
	(xrf2) =	vadd.scan.msk.f32 $0xffff, v52;
	v41 =	vadd.f32 v41, v59;
	(erf) = vpow2.f32 v36  }
0x11b: {  	v13 =	vadd.f32 v13, v0;
	v37 =	vmul.f32 $1.442695020e+00, v47;
	(erf) = vpow2.f32 v33  }
0x11c: {  	v33 =	vmul.f32 v40, v51;
	v40 =	vmul.f32 v46, v49;
	v54 =	vunpack.i.u.bf16.f32 v1;
	(xrf2) =	vadd.scan.msk.f32 $0xffff, v41  }
0x11d: {  	v27 =	vld [tilespmem:s18+$0x6CA0];
	v48 =	vunpack.i.l.bf16.f32 v1;
	(erf) = vpow2.f32 v35;
	(xrf2) =	vadd.scan.msk.f32 $0xffff, v13;
	v13 =	vunpack.i.l.bf16.f32 v50  }
0x11e: {  	v13 =	vmul.f32 v13, v48;
	v49 =	vunpack.i.u.bf16.f32 v61;
	v53 =	vpop (erf);
	(erf) = vpow2.f32 v37  }
0x11f: {  	v15 =	vsel vm3, v15, v26;
	v37 =	vmul.f32 v45, v54;
	v26 =	vmul.f32 v26, v49  }
0x120: {  	[tilespmem:s8+$0x9E20] =	vst v17;
	v17 =	vnsel vm0, $0x0, v28;
	v55 =	vmul.f32 v53, v3;
	v56 =	vmul.f32 v53, v5  }
0x121: {  	v44, _, _ =	vpop (xrf2);
	v45 =	vunpack.i.l.bf16.f32 v61;
	v57 =	vmul.f32 v53, v7;
	v41 =	vmul.f32 v53, v60  }
0x122: {  	[tilespmem:s8+$0x9E30] =	vst v16;
	v16 =	vunpack.i.u.bf16.f32 v27;
	v43 =	vpop (erf);
	(erf) = vpow2.f32 v11;
	v25 =	vmul.f32 v25, v45  }
0x123: {  	v11 =	vmul.f32 v43, v3;
	v63 =	vmul.f32 v43, v5;
	v58, _, _ =	vpop (xrf2);
	v31 =	vadd.f32 v55, v31  }
0x124: {  	v61 =	vmul.f32 v43, v60;
	v39 =	vadd.f32 v56, v39;
	v35 =	vadd.f32 v2, v57;
	v59, _, _ =	vpop (xrf2)  }
0x125: {  	v41 =	vadd.f32 v42, v41;
	v36 =	vpop (erf);
	v11 =	vadd.f32 v11, v12;
	v12 =	vmul.f32 v43, v7  }
0x126: {  	v32 =	vadd.f32 v63, v32;
	v55 =	vmul.f32 $1.442695020e+00, v58;
	v0 =	vmul.f32 v36, v3;
	v51 =	vpop (erf)  }
0x127: {  	v40 =	vadd.f32 v40, v61;
	v2 =	vmul.f32 v36, v5;
	v3 =	vld [tilespmem:s8+$0x6CA0];
	v46 =	vmul.f32 $1.442695020e+00, v59;
	v57 =	vpop (erf)  }
0x128: {  	v63 =	vld [tilespmem:s8+$0x6CB0];
	v5 =	vmul.f32 v51, v4;
	v42 =	vbroadcast v55, $0xF;
	v33 =	vadd.f32 v33, v12;
	v1, _, _ =	vpop (xrf2)  }
0x129: {  	v34 =	vadd.f32 v0, v34;
	v46 =	vbroadcast v46, $0xF;
	v48 =	vmul.f32 $1.442695020e+00, v1;
	v56, _, _ =	vpop (xrf2)  }
0x12a: {  	v58 =	vmul.f32 v57, v4;
	v31 =	vadd.f32 v31, v5;
	v47 =	vmul.f32 $1.442695020e+00, v56  }
0x12b: {  	v38 =	vadd.f32 v2, v38;
	v59 =	vpop (erf);
	v56 =	vmul.f32 $1.442695020e+00, v44;
	v48 =	vbroadcast v48, $0xF  }
0x12c: {  	v0 =	vld [tilespmem:s8+$0x6CF0];
	v12 =	vmul.f32 v59, v4;
	(xrf2) =	vadd.scan.msk.f32 $0xffff, v31;
	v31 =	vunpack.i.l.bf16.f32 v3;
	v30 =	vmul.f32 v59, v62  }
0x12d: {  	v4 =	vunpack.i.l.bf16.f32 v63;
	v47 =	vbroadcast v47, $0xF;
	v31 =	vmul.f32 v29, v31  }
0x12e: {  	[tilespmem:s8+$0x9E60] =	vst v15;
	v1 =	vld [tilespmem:s8+$0x6D00];
	v29 =	vnsel vm0, $0x0, v29;
	v15 =	vbroadcast v56, $0xF;
	(erf) = vpow2.f32 v48  }
0x12f: {  	v48 =	vunpack.i.u.bf16.f32 v3;
	(erf) = vpow2.f32 v46;
	v46 =	vadd.f32 v11, v58  }
0x130: {  	v34 =	vadd.f32 v34, v12;
	v12 =	vmul.f32 v51, v6;
	v3 =	vmul.f32 v59, v6  }
0x131: {  	v5 =	vunpack.i.u.bf16.f32 v0;
	v11 =	vmul.f32 v36, v7;
	v36 =	vmul.f32 v36, v60;
	(xrf2) =	vadd.scan.msk.f32 $0xffff, v46  }
0x132: {  	v29 =	vsel vm1, v29, v22;
	[tilespmem:s8+$0x9E70] =	vst v31;
	v31 =	vmul.f32 v59, v8;
	(erf) = vpow2.f32 v42  }
0x133: {  	[tilespmem:s8+$0x9E50] =	vst v26;
	v10 =	vunpack.i.u.bf16.f32 v1;
	v26 =	vmul.f32 v24, v5;
	(erf) = vpow2.f32 v47  }
0x134: {  	v2 =	vadd.f32 v13, v11;
	v11 =	vmul.f32 v57, v6;
	v6 =	vunpack.i.l.bf16.f32 v0  }
0x135: {  	[tilespmem:s8+$0x9F50] =	vst v23;
	v9 =	vunpack.i.l.bf16.f32 v1;
	v58 =	vld [tilespmem:s18+$0x6C60];
	v23 =	vmul.f32 v28, v6;
	v28 =	vmul.f32 v57, v62  }
0x136: {  	v59 =	vld [tilespmem:s18+$0x6D50];
	v39 =	vadd.f32 v39, v12;
	v32 =	vadd.f32 v32, v11;
	v11 =	vmul.f32 v51, v8  }
0x137: {  	v12 =	vunpack.i.u.bf16.f32 v63;
	v36 =	vadd.f32 v37, v36;
	v37 =	vadd.f32 v38, v3;
	(xrf2) =	vadd.scan.msk.f32 $0xffff, v34  }
0x138: {  	v47 =	vmul.f32 v51, v62;
	v7 =	vadd.f32 v35, v11;
	v35 =	vadd.f32 v2, v31;
	v31 =	vpop (erf)  }
0x139: {  	(erf) = vpow2.f32 v20;
	v51 =	vmul.f32 v57, v8;
	v43 =	vadd.f32 v40, v28;
	[tilespmem:s8+$0x9EC0] =	vst v23;
	v23 =	vld [tilespmem:s18+$0x6C50];
	v28, _, _ =	vpop (xrf2)  }
0x13a: {  	[tilespmem:s8+$0x9F40] =	vst v19;
	v41 =	vadd.f32 v41, v47;
	v30 =	vadd.f32 v36, v30;
	v21 =	vunpack.i.l.bf16.f32 v58;
	v57 =	vpop (erf)  }
0x13b: {  	v61 =	vld [tilespmem:s18+$0x6D00];
	v40 =	vunpack.i.l.bf16.f32 v59;
	v46 =	vadd.f32 v33, v51;
	v28 =	vmul.f32 $1.442695020e+00, v28;
	v19, _, _ =	vpop (xrf2);
	(xrf2) =	vadd.scan.msk.f32 $0xffff, v39  }
0x13c: {  	v60 =	vld [tilespmem:s18+$0x6CF0];
	(erf) = vpow2.f32 v18;
	v11 =	vsel vm1, v17, v24;
	v47 =	vpop (erf);
	v14 =	vnsel vm0, $0x0, v57  }
0x13d: {  	v18 =	vld [tilespmem:s18+$0x6CB0];
	v33 =	vunpack.i.u.bf16.f32 v59;
	v20 =	vbroadcast v28, $0xF;
	v42 =	vpop (erf);
	v14 =	vsel vm1, v14, v47  }
0x13e: {  	v62 =	vmul.f32 v31, v4;
	v28 =	vld [tilespmem:s18+$0x6D40];
	v13 =	vunpack.i.u.bf16.f32 v23;
	v14 =	vsel vm2, v14, v42;
	v34 =	vpop (erf);
	(xrf2) =	vadd.scan.msk.f32 $0xffff, v32  }
0x13f: {  	(erf) = vpow2.f32 v20;
	v14 =	vsel vm3, v14, v34;
	v20 =	vunpack.i.u.bf16.f32 v58;
	(xrf2) =	vadd.scan.msk.f32 $0xffff, v37  }
0x140: {  	v19 =	vmul.f32 $1.442695020e+00, v19;
	[tilespmem:s18+$0x9F50] =	vst v14;
	(erf) = vpow2.f32 v15;
	v14 =	vunpack.i.l.bf16.f32 v27  }
0x141: {  	v27 =	vmul.f32 v22, v48;
	v0, _, _ =	vpop (xrf2);
	v48 =	vsel vm2, v29, v31;
	v29 =	vunpack.i.l.bf16.f32 v61  }
0x142: {  	[tilespmem:s8+$0x9E40] =	vst v25;
	v25 =	vmul.f32 $1.442695020e+00, v0;
	v17 =	vbroadcast v19, $0xF;
	v19 =	vunpack.i.l.bf16.f32 v23  }
0x143: {  	v23 =	vunpack.i.u.bf16.f32 v18;
	v24 =	vunpack.i.l.bf16.f32 v28;
	[tilespmem:s8+$0x9E80] =	vst v27;
	v27 =	vunpack.i.l.bf16.f32 v60  }
0x144: {  	[tilespmem:s8+$0x9E90] =	vst v62;
	v45 =	vunpack.i.u.bf16.f32 v28;
	v31 =	vbroadcast v25, $0xF;
	v25 =	vmul.f32 v57, v24  }
0x145: {  	(xrf2) =	vadd.scan.msk.f32 $0xffff, v7;
	v24 =	vunpack.i.u.bf16.f32 v61;
	(erf) = vpow2.f32 v17;
	v17 =	vunpack.i.l.bf16.f32 v18;
	v63, _, _ =	vpop (xrf2)  }
0x146: {  	s17 =	simm.s32 $0xA00;
	s14 =	simm.s32 $0x4;
	s15 =	simm.s32 $0x5000;
	v28 =	vpop (erf);
	(xrf2) =	vadd.scan.msk.f32 $0xffff, v41;
	v18 =	vunpack.i.u.bf16.f32 v60;
	(erf) = vpow2.f32 v31;
	v31 =	vmul.f32 $1.442695020e+00, v63  }
.LBB2_5:
0x147: {  	[tilespmem:$0x1FF30] =	vst v21;
	v32 =	vld [tilespmem:s15+$0x50]  }
0x148: {  	[tilespmem:$0x1FF40] =	vst v20;
	s20 =	sshra.s32 s17, $0x2;
	v36, _, _ =	vpop (xrf2);
	v0 =	vsel vm3, v48, v28;
	v38 =	vmul.f32 v47, v45;
	v60 =	vld [tilespmem:s15+$0xFFFFFFC0]  }
0x149: {  	v52 =	vmov v23;
	v40 =	vmul.f32 v42, v40;
	v31 =	vbroadcast v31, $0xF;
	[tilespmem:s8+$0x9ED0] =	vst v26;
	v26 =	vld [tilespmem:s20+$0x6D30];
	v54, _, _ =	vpop (xrf2)  }
0x14a: {  	(xrf2) =	vadd.scan.msk.f32 $0xffff, v46;
	v36 =	vmul.f32 $1.442695020e+00, v36;
	[tilespmem:s8+$0x9EB0] =	vst v0;
	v22 =	vld [tilespmem:s20+$0x6C40];
	v28 =	vmul.f32 v28, v12;
	v37 =	vpop (erf)  }
0x14b: {  	[tilespmem:$0x1FEE0] =	vst v52;
	(xrf2) =	vadd.scan.msk.f32 $0xffff, v43;
	v39 =	vpop (erf);
	(erf) = vpow2.f32 v31;
	v12 =	vmul.f32 v37, v9;
	v31 =	vld [tilespmem:s20+$0x6C90]  }
0x14c: {  	v55 =	vmovc v29;
	v62 =	vmov v24;
	v24 =	vmul.f32 v34, v33;
	v23 =	vmul.f32 v39, v19;
	[tilespmem:s8+$0x9EA0] =	vst v28;
	v28 =	vld [tilespmem:s20+$0x6CE0]  }
0x14d: {  	v36 =	vbroadcast v36, $0xF;
	v21 =	vsel vm2, v11, v37;
	v53 =	vnsel vm0, $0x0, v39;
	v41 =	vpop (erf);
	[tilespmem:s8+$0x9EE0] =	vst v12;
	v29 =	vld [tilespmem:s15+$0xFFFFFFF0]  }
0x14e: {  	v39 =	vmul.f32 $1.442695020e+00, v54;
	v56 =	vpop (erf);
	v57 =	vsel vm3, v21, v41;
	v41 =	vmul.f32 v41, v10;
	v58 =	vld [tilespmem:s15+$0x20];
	[tilespmem:s18+$0x9E20] =	vst v23  }
0x14f: {  	v1 =	vmul.f32 v26, v32;
	[tilespmem:s8+$0x9F00] =	vst v57;
	v20 =	vmul.f32 v56, v14;
	v23 =	vld [tilespmem:s20+$0x6C20]  }
0x150: {  	v22 =	vmul.f32 v22, v60;
	(erf) = vpow2.f32 v36;
	v11, _, _ =	vpop (xrf2);
	[tilespmem:s8+$0x9EF0] =	vst v41;
	s8 =	smov.u32 s18;
	s18 =	smov.u32 s20;
	v6 =	vld [tilespmem:s15+$0xFFFFFFA0]  }
0x151: {  	v59 =	vbroadcast v39, $0xF;
	v61 =	vmul.f32 $1.442695020e+00, v11;
	v26 =	vpop (erf);
	v63 =	vld [tilespmem:s18+$0x6C70];
	[tilespmem:s8+$0x9E70] =	vst v20  }
0x152: {  	(xrf2) =	vadd.scan.msk.f32 $0xffff, v1;
	v20 =	vnsel vm0, $0x0, v26;
	v26 =	vmul.f32 v26, v27;
	[tilespmem:s8+$0x9F10] =	vst v25;
	v60 =	vld [tilespmem:s18+$0x6C30]  }
0x153: {  	(erf) = vpow2.f32 v59;
	v27, _, _ =	vpop (xrf2);
	[tilespmem:s8+$0x9F20] =	vst v38;
	v29 =	vmul.f32 v31, v29;
	v31 =	vld [tilespmem:s18+$0x6CC0]  }
0x154: {  	v5 =	vmul.f32 $1.442695020e+00, v27;
	v27, _, _ =	vpop (xrf2);
	[tilespmem:s8+$0x9EC0] =	vst v26;
	v7 =	vmul.f32 v28, v58;
	v28 =	vld [tilespmem:s15+$0xFFFFFFD0]  }
0x155: {  	v21 =	vnsel vm0, $0x0, v56;
	v4 =	vbroadcast v61, $0xF;
	[tilespmem:s8+$0x9F40] =	vst v24;
	v27 =	vmul.f32 $1.442695020e+00, v27;
	v24, _, _ =	vpop (xrf2);
	v59 =	vld [tilespmem:s15+$0x0]  }
0x156: {  	(xrf2) =	vadd.scan.msk.f32 $0xffff, v35;
	[tilespmem:s8+$0x9F30] =	vst v40;
	v38 =	vld [tilespmem:s18+$0x6C50];
	v25 =	vbroadcast v5, $0xF;
	v40 =	vmul.f32 $1.442695020e+00, v24  }
0x157: {  	(xrf2) =	vadd.scan.msk.f32 $0xffff, v22;
	v22 =	vld [tilespmem:s18+$0x6C80];
	v57 =	vpop (erf);
	(erf) = vpow2.f32 v4;
	v58 =	vunpack.i.u.bf16.f32 v23;
	v23 =	vunpack.i.l.bf16.f32 v23  }
0x158: {  	[tilespmem:$0x1FEF0] =	vst v62;
	v52 =	vld [tilespmem:s15+$0xFFFFFFE0];
	v35 =	vbroadcast v27, $0xF;
	v27 =	vunpack.i.u.bf16.f32 v6;
	v62 =	vunpack.i.l.bf16.f32 v6  }
0x159: {  	(xrf2) =	vadd.scan.msk.f32 $0xffff, v29;
	v44 =	vunpack.i.u.bf16.f32 v63;
	v32 =	vunpack.i.l.bf16.f32 v63;
	v63 =	vld [tilespmem:s18+$0x6CD0];
	v2 =	vunpack.i.u.bf16.f32 v28  }
0x15a: {  	v61 =	vunpack.i.u.bf16.f32 v31;
	v3 =	vunpack.i.u.bf16.f32 v59;
	v46 =	vmul.f32 v44, v2;
	v2 =	vld [tilespmem:$0x1FFE0]  }
0x15b: {  	v34 =	vsel vm1, v53, v57;
	(erf) = vpow2.f32 v25;
	v47 =	vmul.f32 v61, v3;
	v3 =	vld [tilespmem:$0x1FFF0]  }
0x15c: {  	v33 =	vmul.f32 v23, v62;
	v23 =	vld [tilespmem:s15+$0xFFFFFFB0];
	v48 =	vmul.f32 v58, v27;
	v27 =	vunpack.i.l.bf16.f32 v60;
	v4, _, _ =	vpop (xrf2);
	(xrf2) =	vadd.scan.msk.f32 $0xffff, v7  }
0x15d: {  	v25 =	vunpack.i.l.bf16.f32 v38;
	v45 =	vunpack.i.l.bf16.f32 v22;
	v37 =	vbroadcast v4, $0xF  }
0x15e: {  	v58 =	vunpack.i.u.bf16.f32 v52;
	v31 =	vunpack.i.l.bf16.f32 v31;
	v24 =	vunpack.i.l.bf16.f32 v28  }
0x15f: {  	v0 =	vpop (erf);
	v29 =	vunpack.i.l.bf16.f32 v59;
	v42 =	vmul.f32 v32, v24;
	v5 =	vadd.f32 v2, v37  }
0x160: {  	[tilespmem:$0x1FF10] =	vst v57;
	v43 =	vmul.f32 v31, v29;
	v49, _, _ =	vpop (xrf2);
	v50 =	vunpack.i.u.bf16.f32 v63;
	v37 =	vadd.f32 v3, v37  }
0x161: {  	v51 =	vunpack.i.l.bf16.f32 v63;
	v57 =	vunpack.i.u.bf16.f32 v23;
	(xrf2) =	vadd.scan.msk.f32 $0xffff, v30;
	v30, _, _ =	vpop (xrf2);
	v6 =	vmul.f32 v5, v5  }
0x162: {  	v28 =	vpop (erf);
	v23 =	vunpack.i.l.bf16.f32 v23;
	v7 =	vbroadcast v30, $0xF;
	v37 =	vmul.f32 v37, v37  }
0x163: {  	[tilespmem:$0x1FED0] =	vst v55;
	v4 =	vsel vm1, v20, v28;
	v55 =	vmul.f32 v27, v23;
	v62, _, _ =	vpop (xrf2);
	v1 =	vmul.f32 $-5.338888760e-01, v6  }
0x164: {  	v26 =	vmovc v18;
	[tilespmem:$0x1FF00] =	vst v4;
	v4 =	vld [tilespmem:s15+$0x30];
	v63 =	vadd.f32 v2, v7;
	v36 =	vbroadcast v62, $0xF;
	v27 =	vmul.f32 $-5.338888760e-01, v37  }
0x165: {  	v41 =	vld [tilespmem:s18+$0x6C60];
	v24 =	vunpack.i.u.bf16.f32 v60;
	v26 =	vmul.f32 v28, v26;
	v31 =	vpop (erf);
	v1 =	vmul.f32 $1.442695020e+00, v1  }
0x166: {  	v20 =	vmul.f32 v63, v63;
	v5 =	vadd.f32 v2, v36;
	v23, _, _ =	vpop (xrf2);
	v27 =	vmul.f32 $1.442695020e+00, v27  }
0x167: {  	v29 =	vunpack.i.u.bf16.f32 v22;
	v22 =	vld [tilespmem:s18+$0x6CA0];
	v32 =	vpop (erf);
	v63 =	vbroadcast v23, $0xF;
	(erf) = vpow2.f32 v1  }
0x168: {  	v14 =	vld [tilespmem:$0x1FF60];
	v30 =	vsel vm1, v21, v0;
	(erf) = vpow2.f32 v27;
	v27 =	vmul.f32 v5, v5  }
0x169: {  	[tilespmem:$0x1FF50] =	vst v0;
	v0 =	vld [tilespmem:s15+$0x40];
	v39 =	vadd.f32 v3, v7;
	v11 =	vunpack.i.u.bf16.f32 v4;
	v62 =	vadd.f32 v3, v36  }
0x16a: {  	v36 =	vunpack.i.l.bf16.f32 v41;
	v7 =	vadd.f32 v2, v63;
	v2 =	vld [tilespmem:s18+$0x6D20];
	v27 =	vmul.f32 $-5.338888760e-01, v27  }
0x16b: {  	v21 =	vld [tilespmem:$0x1FFA0];
	v6 =	vunpack.i.u.bf16.f32 v38;
	v20 =	vmul.f32 $-5.338888760e-01, v20;
	v37 =	vunpack.i.u.bf16.f32 v41  }
0x16c: {  	v38 =	vunpack.i.u.bf16.f32 v22;
	[tilespmem:$0x1FF20] =	vst v6;
	v62 =	vmul.f32 v62, v62;
	v6 =	vmul.f32 $1.442695020e+00, v27;
	v27 =	vld [tilespmem:s18+$0x6D10]  }
0x16d: {  	v1 =	vmul.f32 v39, v39;
	v39 =	vunpack.i.l.bf16.f32 v22;
	v22 =	vld [tilespmem:$0x1FFB0];
	v41 =	vmul.f32 v7, v7  }
0x16e: {  	v18 =	vmovc v17;
	v63 =	vadd.f32 v3, v63;
	v62 =	vmul.f32 $-5.338888760e-01, v62;
	v5 =	vmul.f32 $1.442695020e+00, v20;
	v20 =	vld [tilespmem:$0x1FF80]  }
0x16f: {  	v44 =	vld [tilespmem:s18+$0x6CB0];
	v3, _, _ =	vpop (xrf2);
	v7 =	vunpack.i.l.bf16.f32 v0;
	v41 =	vmul.f32 $-5.338888760e-01, v41;
	v8 =	vunpack.i.l.bf16.f32 v2  }
0x170: {  	v19 =	vld [tilespmem:$0x1FF90];
	v4 =	vunpack.i.l.bf16.f32 v4;
	v3 =	vmul.f32 $1.442695020e+00, v3;
	v7 =	vmul.f32 v8, v7;
	v9 =	vpop (erf)  }
0x171: {  	v17 =	vmovc v16;
	v16 =	vmovc v13;
	v60 =	vld [tilespmem:s18+$0x6CF0];
	v10 =	vmul.f32 $1.442695020e+00, v41;
	v8 =	vmul.f32 v9, v21;
	v13 =	vunpack.i.u.bf16.f32 v27  }
0x172: {  	v15 =	vld [tilespmem:$0x1FF70];
	v12 =	vpop (erf);
	(erf) = vpow2.f32 v5;
	v5 =	vunpack.i.l.bf16.f32 v27;
	v11 =	vmul.f32 v13, v11  }
0x173: {  	v13 =	vmul.f32 v9, v20;
	v7 =	vadd.f32 v7, v8;
	v8 =	vmul.f32 v12, v22  }
0x174: {  	v23 =	vunpack.i.u.bf16.f32 v44;
	v4 =	vmul.f32 v5, v4;
	v5 =	vmul.f32 v9, v14  }
0x175: {  	v7 =	vadd.f32 v7, v8;
	v8 =	vadd.f32 v13, v11;
	v11 =	vmul.f32 v12, v19  }
0x176: {  	v54 =	vld [tilespmem:s15+$0x10];
	v41 =	vunpack.i.l.bf16.f32 v44;
	v44 =	vunpack.i.u.bf16.f32 v60;
	v27 =	vunpack.i.l.bf16.f32 v60  }
0x177: {  	v60 =	vld [tilespmem:$0x1FFC0];
	v4 =	vadd.f32 v5, v4;
	v5 =	vmul.f32 v12, v15;
	(xrf2) =	vadd.scan.msk.f32 $0xffff, v7;
	v7 =	vadd.f32 v8, v11  }
0x178: {  	v59 =	vunpack.i.l.bf16.f32 v52;
	v63 =	vmul.f32 v63, v63;
	(erf) = vpow2.f32 v6  }
0x179: {  	(erf) = vpow2.f32 v10;
	v4 =	vadd.f32 v4, v5;
	(xrf2) =	vadd.scan.msk.f32 $0xffff, v7;
	v7 =	vmul.f32 $1.442695020e+00, v62;
	v62 =	vld [tilespmem:$0x1FFD0]  }
0x17a: {  	v61 =	vld [tilespmem:s18+$0x6D00];
	v57 =	vmul.f32 v24, v57;
	v0 =	vunpack.i.u.bf16.f32 v0;
	v1 =	vmul.f32 $-5.338888760e-01, v1  }
0x17b: {  	v3 =	vbroadcast v3, $0xF;
	v63 =	vmul.f32 $-5.338888760e-01, v63;
	v2 =	vunpack.i.u.bf16.f32 v2;
	(xrf2) =	vadd.scan.msk.f32 $0xffff, v4  }
0x17c: {  	v53 =	vunpack.i.u.bf16.f32 v54;
	v0 =	vmul.f32 v2, v0;
	v2 =	vmul.f32 v9, v60  }
0x17d: {  	v56 =	vunpack.i.l.bf16.f32 v54;
	v1 =	vmul.f32 $1.442695020e+00, v1;
	v6 =	vmul.f32 v29, v58  }
0x17e: {  	v52 =	vld [tilespmem:s18+$0x6D50];
	v13 =	vbroadcast v40, $0xF;
	v0 =	vadd.f32 v0, v2;
	v9 =	vmul.f32 v12, v62  }
0x17f: {  	v54 =	vld [tilespmem:s18+$0x6D40];
	v24 =	vunpack.i.u.bf16.f32 v61;
	v8 =	vmul.f32 $1.442695020e+00, v63;
	v58 =	vpop (erf);
	(erf) = vpow2.f32 v1  }
0x180: {  	v4 =	vmul.f32 v45, v59;
	(erf) = vpow2.f32 v7;
	v0 =	vadd.f32 v0, v9  }
0x181: {  	v34 =	vsel vm2, v34, v31;
	v59 =	vmul.f32 v58, v20;
	(erf) = vpow2.f32 v8;
	v12 =	vpop (erf)  }
0x182: {  	v29 =	vunpack.i.l.bf16.f32 v61;
	v5 =	vmul.f32 v50, v53;
	v11 =	vmul.f32 $1.442695020e+00, v49;
	v49 =	vpop (erf);
	(xrf2) =	vadd.scan.msk.f32 $0xffff, v0  }
0x183: {  	v40 =	vunpack.i.l.bf16.f32 v52;
	v10 =	vmul.f32 v58, v14;
	v61 =	vmul.f32 v58, v21;
	v9, _, _ =	vpop (xrf2)  }
0x184: {  	v50 =	vunpack.i.l.bf16.f32 v54;
	v2 =	vmul.f32 v58, v60;
	(erf) = vpow2.f32 v35;
	v8, _, _ =	vpop (xrf2)  }
0x185: {  	v1 =	vadd.f32 v59, v48;
	v63 =	vmul.f32 v12, v14;
	v48 =	vmul.f32 v12, v20;
	v59, _, _ =	vpop (xrf2)  }
0x186: {  	v45 =	vunpack.i.u.bf16.f32 v54;
	v58 =	vmul.f32 v49, v20;
	v20 =	vmul.f32 $1.442695020e+00, v59  }
0x187: {  	v0 =	vadd.f32 v10, v33;
	v10 =	vmul.f32 v51, v56;
	v8 =	vmul.f32 $1.442695020e+00, v8  }
0x188: {  	v56 =	vmul.f32 v49, v14;
	v14 =	vmov v39;
	v54 =	vpop (erf);
	v39 =	vbroadcast v20, $0xF  }
0x189: {  	v35 =	vadd.f32 v63, v42;
	v63 =	vmul.f32 v54, v15;
	v51 =	vpop (erf);
	v8 =	vbroadcast v8, $0xF  }
0x18a: {  	v7 =	vadd.f32 v55, v61;
	v9 =	vmul.f32 $1.442695020e+00, v9;
	v53 =	vpop (erf);
	(erf) = vpow2.f32 v39  }
0x18b: {  	v0 =	vadd.f32 v0, v63;
	(erf) = vpow2.f32 v8;
	v8 =	vmul.f32 v51, v15  }
0x18c: {  	v61 =	vmul.f32 v12, v21;
	v43 =	vadd.f32 v56, v43;
	v9 =	vbroadcast v9, $0xF;
	v56, _, _ =	vpop (xrf2)  }
0x18d: {  	v47 =	vadd.f32 v58, v47;
	(xrf2) =	vadd.scan.msk.f32 $0xffff, v0;
	v58 =	vadd.f32 v35, v8;
	v20 =	vmul.f32 $1.442695020e+00, v56  }
0x18e: {  	v2 =	vadd.f32 v57, v2;
	v12 =	vmul.f32 v12, v60;
	(erf) = vpow2.f32 v9  }
0x18f: {  	v46 =	vadd.f32 v48, v46;
	v8 =	vmul.f32 v53, v15;
	(xrf2) =	vadd.scan.msk.f32 $0xffff, v58;
	v57 =	vbroadcast v20, $0xF  }
0x190: {  	v6 =	vadd.f32 v6, v12;
	v12 =	vmul.f32 v49, v60;
	v33 =	vunpack.i.u.bf16.f32 v52  }
0x191: {  	v52 =	vpop (erf);
	v9 =	vsel vm3, v34, v32;
	v15 =	vadd.f32 v43, v8;
	(erf) = vpow2.f32 v57  }
0x192: {  	v4 =	vadd.f32 v4, v61;
	v59 =	vmul.f32 v51, v19;
	[tilespmem:s8+$0x9E60] =	vst v9;
	v9 =	vmul.f32 v54, v19  }
0x193: {  	v5 =	vadd.f32 v5, v12;
	v12 =	vmul.f32 v51, v22;
	v61 =	vmul.f32 v53, v19;
	(xrf2) =	vadd.scan.msk.f32 $0xffff, v15  }
0x194: {  	v48 =	vsel vm2, v30, v52;
	v30 =	vmul.f32 v49, v21;
	v1 =	vadd.f32 v1, v9  }
0x195: {  	v63 =	vmul.f32 v54, v22;
	v49 =	vadd.f32 v46, v59;
	v39 =	vmul.f32 v53, v22;
	v8 =	vpop (erf)  }
0x196: {  	v10 =	vadd.f32 v10, v30;
	v9 =	vmul.f32 v54, v62;
	v54 =	vadd.f32 v47, v61;
	(xrf2) =	vadd.scan.msk.f32 $0xffff, v1;
	v47 =	vpop (erf)  }
0x197: {  	v46 =	vadd.f32 v4, v12;
	v30 =	vmul.f32 v51, v62;
	v53 =	vmul.f32 v53, v62;
	v61, _, _ =	vpop (xrf2);
	(xrf2) =	vadd.scan.msk.f32 $0xffff, v49;
	v49 =	vld [tilespmem:$0x1FF10]  }
0x198: {  	v0 =	vadd.f32 v7, v63;
	v35 =	vadd.f32 v10, v39;
	v63 =	vbroadcast v11, $0xF;
	v42 =	vpop (erf)  }
0x199: {  	v51 =	vld [tilespmem:$0x1FF20];
	v43 =	vadd.f32 v6, v30;
	v30 =	vadd.f32 v5, v53;
	v15 =	vnsel vm0, $0x0, v8;
	v39, _, _ =	vpop (xrf2)  }
0x19a: {  	v57 =	vsel vm1, v15, v47;
	v4 =	vmul.f32 $1.442695020e+00, v61;
	(xrf2) =	vadd.scan.msk.f32 $0xffff, v54;
	v54 =	vld [tilespmem:$0x1FF30];
	v34 =	vpop (erf);
	(erf) = vpow2.f32 v13  }
0x19b: {  	v19 =	vmovc v25;
	v25 =	vmul.f32 v8, v50;
	v58 =	vsel vm2, v57, v42;
	v57 =	vld [tilespmem:$0x1FF40];
	v53 =	vmul.f32 $1.442695020e+00, v39  }
0x19c: {  	v4 =	vbroadcast v4, $0xF;
	v59 =	vsel vm3, v58, v34;
	v6 =	vmul.f32 v49, v16;
	v58 =	vld [tilespmem:$0x1FF50]  }
0x19d: {  	s14 =	sadd.s32 $0x4, s14;
	v56, _, _ =	vpop (xrf2);
	(erf) = vpow2.f32 v63;
	v55 =	vbroadcast v53, $0xF  }
0x19e: {  	p2 =	slt.u32 s14, $0x4C;
	v5 =	vmul.f32 $1.442695020e+00, v56;
	v63 =	vmul.f32 v52, v18;
	[tilespmem:s18+$0x9F50] =	vst v59  }
.Ltmp5:
0x19f: {  	v2 =	vadd.f32 v2, v9;
	(erf) = vpow2.f32 v4;
	[tilespmem:s8+$0x9E30] =	vst v6;
	v1 =	vmul.f32 v31, v54;
	(pc) =	sbr.rel @p2 .LBB2_5-.Ltmp5, $4  }
0x1a0: {  	v12 =	vld [tilespmem:$0x1FEE0];
	v21 =	vmovc v36;
	v20 =	vmovc v37;
	v13 =	vmov v51;
	v6 =	vmul.f32 v32, v57;
	(erf) = vpow2.f32 v3;
	[tilespmem:s8+$0x9E90] =	vst v63  }
0x1a1: {  	v10 =	vld [tilespmem:$0x1FEF0];
	(xrf2) =	vadd.scan.msk.f32 $0xffff, v0;
	v16 =	vmovc v38;
	v59 =	vbroadcast v5, $0xF;
	[tilespmem:s8+$0x9E40] =	vst v1;
	v0 =	vmul.f32 v58, v17  }
0x1a2: {  	v11 =	vld [tilespmem:$0x1FF00];
	v61, _, _ =	vpop (xrf2);
	v18 =	vmov v44;
	(xrf2) =	vadd.scan.msk.f32 $0xffff, v2;
	(erf) = vpow2.f32 v55;
	[tilespmem:s8+$0x9E50] =	vst v6  }
0x1a3: {  	s17 =	sadd.s32 $0x500, s17;
	s15 =	sadd.s32 $0xC0, s15;
	v9 =	vld [tilespmem:$0x1FED0];
	v31 =	vmul.f32 $1.442695020e+00, v61;
	(erf) = vpow2.f32 v59;
	v17 =	vmov v41;
	[tilespmem:s8+$0x9E80] =	vst v0;
	v28 =	vpop (erf)  }
0x1a4: {  	_ =	sdelay $0x1  }
0x1a5: {  	(xrf2) =	vadd.scan.msk.f32 $0xffff, v46;
	_ =	sdelay $0x1  }
0x1a6: {  	v1, _, _ =	vpop (xrf2);
	v3 =	vmul.f32 v47, v45;
	v37 =	vmul.f32 v42, v40;
	(xrf2) =	vadd.scan.msk.f32 $0xffff, v43  }
0x1a7: {  	v47 =	vmul.f32 v34, v33;
	v0 =	vbroadcast v31, $0xF;
	v4, _, _ =	vpop (xrf2);
	(xrf2) =	vadd.scan.msk.f32 $0xffff, v35  }
0x1a8: {  	v2 =	vmul.f32 v28, v12;
	v1 =	vmul.f32 $1.442695020e+00, v1  }
0x1a9: {  	v61 =	vmul.f32 $1.442695020e+00, v4;
	(erf) = vpow2.f32 v0;
	v5, _, _ =	vpop (xrf2);
	(xrf2) =	vadd.scan.msk.f32 $0xffff, v30  }
0x1aa: {  	v1 =	vbroadcast v1, $0xF;
	v63 =	vmul.f32 $1.442695020e+00, v5;
	v12, _, _ =	vpop (xrf2)  }
0x1ab: {  	v6 =	vpop (erf);
	v0 =	vbroadcast v61, $0xF;
	v5 =	vmul.f32 $1.442695020e+00, v12  }
0x1ac: {  	[tilespmem:s8+$0x9ED0] =	vst v26;
	v7 =	vpop (erf);
	(erf) = vpow2.f32 v1;
	v15 =	vbroadcast v63, $0xF  }
0x1ad: {  	v22 =	vsel vm3, v48, v28;
	[tilespmem:s18+$0x9F10] =	vst v25;
	v8 =	vpop (erf);
	(erf) = vpow2.f32 v0;
	v26 =	vbroadcast v5, $0xF  }
0x1ae: {  	[tilespmem:s8+$0x9EB0] =	vst v22;
	v28 =	vmul.f32 v6, v9;
	v30, _, _ =	vpop (xrf2);
	(erf) = vpow2.f32 v15  }
0x1af: {  	[tilespmem:s18+$0x9F20] =	vst v3;
	v32 =	vpop (erf);
	v1 =	vmul.f32 $1.442695020e+00, v30;
	(erf) = vpow2.f32 v26  }
0x1b0: {  	[tilespmem:s18+$0x9F30] =	vst v37;
	v36 =	vmul.f32 v7, v19;
	v39 =	vmul.f32 v8, v10;
	v40, _, _ =	vpop (xrf2)  }
0x1b1: {  	[tilespmem:s18+$0x9F40] =	vst v47;
	v31 =	vsel vm2, v11, v6;
	v4 =	vmul.f32 $1.442695020e+00, v40;
	v42, _, _ =	vpop (xrf2);
	v1 =	vbroadcast v1, $0xF  }
0x1b2: {  	[tilespmem:s8+$0x9EA0] =	vst v2;
	v38 =	vsel vm3, v31, v8;
	v35 =	vpop (erf);
	v41 =	vmul.f32 v32, v14;
	v8 =	vmul.f32 $1.442695020e+00, v42  }
0x1b3: {  	[tilespmem:s8+$0x9EE0] =	vst v28;
	v4 =	vbroadcast v4, $0xF;
	(erf) = vpow2.f32 v1;
	v45, _, _ =	vpop (xrf2)  }
0x1b4: {  	[tilespmem:s8+$0x9F00] =	vst v38;
	v43 =	vpop (erf);
	v8 =	vbroadcast v8, $0xF;
	v6 =	vmul.f32 $1.442695020e+00, v45  }
0x1b5: {  	[tilespmem:s18+$0x9E20] =	vst v36;
	v44 =	vmul.f32 v35, v27;
	v46 =	vpop (erf);
	(erf) = vpow2.f32 v4  }
0x1b6: {  	[tilespmem:s8+$0x9EF0] =	vst v39;
	v48 =	vpop (erf);
	(erf) = vpow2.f32 v8;
	v6 =	vbroadcast v6, $0xF  }
0x1b7: {  	[tilespmem:s18+$0x9E70] =	vst v41;
	v5 =	vmul.f32 v43, v13;
	v50 =	vpop (erf)  }
0x1b8: {  	v7 =	vnsel vm0, $0x0, v7;
	[tilespmem:s18+$0x9EC0] =	vst v44;
	v54 =	vmul.f32 v46, v16;
	v51 =	vpop (erf);
	(erf) = vpow2.f32 v6  }
0x1b9: {  	v49 =	vsel vm1, v7, v43;
	[tilespmem:s18+$0x9E30] =	vst v5;
	v56 =	vmul.f32 v48, v18  }
0x1ba: {  	[tilespmem:s18+$0x9E80] =	vst v54;
	v4 =	vsel vm2, v49, v50  }
0x1bb: {  	[tilespmem:s18+$0x9ED0] =	vst v56;
	v3 =	vmul.f32 v50, v21;
	v4 =	vsel vm3, v4, v51  }
0x1bc: {  	v2 =	vnsel vm0, $0x0, v32;
	v52 =	vmul.f32 v51, v20;
	[tilespmem:s18+$0x9E60] =	vst v4;
	v53 =	vpop (erf)  }
0x1bd: {  	v2 =	vsel vm1, v2, v46;
	[tilespmem:s18+$0x9E40] =	vst v3;
	v55 =	vmul.f32 v53, v17  }
0x1be: {  	[tilespmem:s18+$0x9E50] =	vst v52;
	v2 =	vsel vm2, v2, v53;
	v57 =	vpop (erf)  }
0x1bf: {  	v0 =	vnsel vm0, $0x0, v35;
	v2 =	vsel vm3, v2, v57;
	v4 =	vmul.f32 v57, v23;
	v58 =	vpop (erf);
	[tilespmem:s18+$0x9E90] =	vst v55  }
0x1c0: {  	v0 =	vsel vm1, v0, v48;
	[tilespmem:s18+$0x9EB0] =	vst v2;
	v59 =	vmul.f32 v58, v29  }
.Ltmp6:
0x1c1: {  	v0 =	vsel vm2, v0, v58;
	[tilespmem:s18+$0x9EA0] =	vst v4;
	v61 =	vpop (erf);
	(pc) =	sbr.rel @p1 .LBB2_10-.Ltmp6, $4  }
0x1c2: {  	s20 =	smul.u32 $0x280, s6;
	[tilespmem:s18+$0x9EE0] =	vst v59;
	v0 =	vsel vm3, v0, v61;
	v63 =	vmul.f32 v61, v24  }
0x1c3: {  	[tilespmem:s18+$0x9F00] =	vst v0  }
0x1c4: {  	s8 =	sshra.s32 s20, $0x2;
	[tilespmem:s18+$0x9EF0] =	vst v63  }
0x1c5: {  	[spmem:s2] =	stream.indirect.scatter.add.f32 [tilespmem:s29], [sflag:$0x3], $0x50, s8, s21, $0xb8;
	[tilespmem:$0x1BB00] =	vst v63  }
0x1c6: {  	s8 =	smul.u32 $0xA0, s6;
	_ =	sdelay $0x1  }
0x1c7: {  	s14 =	sadd.s32 $0xA0, s8  }
0x1c8: {  	[tilespmem:s24], [sflag:$0x1] =	stream.indirect.gather [hbm4b:s4+s21], $0x30, s14, s21, $0xb8;
	[tilespmem:$0x1BB00] =	vst v63  }
0x1c9: {  	s8 =	sadd.s32 $0x27B0, s8  }
0x1ca: {  	[tilespmem:s26], [sflag:$0x1] =	stream.indirect.gather [hbm4b:s5+s21], $0x50, s8, s21, $0xb8;
	[tilespmem:$0x1BB00] =	vst v63  }
0x1cb: {  	_ =	swait.ge [sflag:s30], $0xF00  }
0x1cc: {  	[sflag:s30] =	ssyncset.done $0x0  }
0x1cd: {  	[sflag:s30] =	ssyncadd.s32 $0xFFFFF100  }
0x1ce: {  	_ =	swait.ge [sflag:s30], $0x1900  }
0x1cf: {  	[sflag:s30] =	ssyncset.done $0x0  }
0x1d0: {  	s8 =	simm.s32 @!p0 $0x4;
	[sflag:s30] =	ssyncadd.s32 $0xFFFFE700  }
0x1d1: {  	_ =	swait.ge @!p0 [sflag:s8], $0x1900  }
0x1d2: {  	[sflag:s8] =	ssyncset.done @!p0 $0x0  }
0x1d3: {  	s18 =	simm.s32 $0x5DD0;
	[sflag:s8] =	ssyncadd.s32 @!p0 $0xFFFFE700  }
0x1d4: {  	s8 =	simm.s32 $0x0;
	v0 =	vld [tilespmem:s18+$0x0]  }
0x1d5: {  	v1 =	vld [tilespmem:s8+$0x8630]  }
0x1d6: {  	v61 =	vld [tilespmem:s8+$0x8540]  }
0x1d7: {  	v2 =	vld [tilespmem:s8+$0x8590]  }
0x1d8: {  	v63 =	vld [tilespmem:s18+$0xFFFFFF70]  }
0x1d9: {  	v3 =	vld [tilespmem:s18+$0xFFFFFFA0]  }
0x1da: {  	v4 =	vld [tilespmem:s8+$0x85E0]  }
0x1db: {  	v5 =	vld [tilespmem:s18+$0xFFFFFFD0];
	v0 =	vmul.f32 v1, v0  }
0x1dc: {  	v33 =	vld [tilespmem:s8+$0x8520]  }
0x1dd: {  	v34 =	vld [tilespmem:s8+$0x8570];
	(xrf2) =	vadd.scan.msk.f32 $0xffff, v0  }
0x1de: {  	v35 =	vld [tilespmem:s8+$0x85C0]  }
0x1df: {  	v9 =	vld [tilespmem:s18+$0xFFFFFFB0];
	v0 =	vmul.f32 v61, v63  }
0x1e0: {  	v6 =	vld [tilespmem:s18+$0xFFFFFF50];
	v32 =	vmul.f32 v2, v3  }
0x1e1: {  	v37 =	vld [tilespmem:s18+$0xFFFFFF80];
	v4 =	vmul.f32 v4, v5;
	(xrf2) =	vadd.scan.msk.f32 $0xffff, v0  }
0x1e2: {  	(xrf2) =	vadd.scan.msk.f32 $0xffff, v32  }
0x1e3: {  	v44 =	vld [tilespmem:$0x1FFE0];
	(xrf2) =	vadd.scan.msk.f32 $0xffff, v4  }
0x1e4: {  	v42 =	vld [tilespmem:s18+$0xFFFFFFF0];
	v7 =	vunpack.i.u.bf16.f32 v33;
	v1 =	vunpack.i.l.bf16.f32 v35;
	v13 =	vunpack.i.l.bf16.f32 v9  }
0x1e5: {  	v2 =	vunpack.i.l.bf16.f32 v33;
	v8 =	vunpack.i.u.bf16.f32 v34;
	v1 =	vmul.f32 v1, v13;
	v13 =	vld [tilespmem:s8+$0x8620]  }
0x1e6: {  	v45 =	vld [tilespmem:$0x1FFF0];
	v10 =	vunpack.i.u.bf16.f32 v35;
	v11 =	vunpack.i.l.bf16.f32 v6;
	v12 =	vunpack.i.l.bf16.f32 v37  }
0x1e7: {  	v6 =	vunpack.i.u.bf16.f32 v6;
	v5 =	vunpack.i.u.bf16.f32 v37;
	v2 =	vmul.f32 v2, v11;
	v36, _, _ =	vpop (xrf2)  }
0x1e8: {  	v9 =	vunpack.i.u.bf16.f32 v9;
	v39 =	vmul.f32 v7, v6;
	v3 =	vbroadcast v36, $0xF  }
0x1e9: {  	v16 =	vunpack.i.l.bf16.f32 v42;
	v5 =	vmul.f32 v8, v5;
	v9 =	vmul.f32 v10, v9  }
0x1ea: {  	v0 =	vunpack.i.l.bf16.f32 v34;
	v17 =	vunpack.i.l.bf16.f32 v13;
	v38 =	vadd.f32 v44, v3  }
0x1eb: {  	v0 =	vmul.f32 v0, v12;
	v16 =	vmul.f32 v17, v16;
	v11, _, _ =	vpop (xrf2);
	v3 =	vadd.f32 v45, v3  }
0x1ec: {  	v12, _, _ =	vpop (xrf2);
	v11 =	vbroadcast v11, $0xF;
	v4 =	vmul.f32 v38, v38  }
0x1ed: {  	v12 =	vbroadcast v12, $0xF;
	v8, _, _ =	vpop (xrf2);
	v3 =	vmul.f32 v3, v3  }
0x1ee: {  	v40 =	vadd.f32 v44, v11;
	v8 =	vbroadcast v8, $0xF;
	v4 =	vmul.f32 $-5.338888760e-01, v4  }
0x1ef: {  	v15 =	vld [tilespmem:s8+$0x8610];
	v10 =	vadd.f32 v45, v11;
	v41 =	vadd.f32 v44, v12;
	v3 =	vmul.f32 $-5.338888760e-01, v3  }
0x1f0: {  	v6 =	vmul.f32 v40, v40;
	v4 =	vmul.f32 $1.442695020e+00, v4  }
0x1f1: {  	v11 =	vld [tilespmem:s18+$0xFFFFFFE0];
	v12 =	vadd.f32 v45, v12;
	v10 =	vmul.f32 v10, v10;
	v7 =	vmul.f32 v41, v41  }
0x1f2: {  	v14 =	vadd.f32 v44, v8;
	v3 =	vmul.f32 $1.442695020e+00, v3;
	(erf) = vpow2.f32 v4  }
0x1f3: {  	v8 =	vadd.f32 v45, v8;
	v12 =	vmul.f32 v12, v12;
	v6 =	vmul.f32 $-5.338888760e-01, v6  }
0x1f4: {  	v20 =	vunpack.i.u.bf16.f32 v15;
	v14 =	vmul.f32 v14, v14;
	(erf) = vpow2.f32 v3  }
0x1f5: {  	v15 =	vunpack.i.l.bf16.f32 v15;
	v8 =	vmul.f32 v8, v8;
	v10 =	vmul.f32 $-5.338888760e-01, v10  }
0x1f6: {  	v46 =	vld [tilespmem:$0x1FFA0];
	v7 =	vmul.f32 $-5.338888760e-01, v7;
	v19 =	vunpack.i.u.bf16.f32 v11;
	v12 =	vmul.f32 $-5.338888760e-01, v12  }
0x1f7: {  	v47 =	vld [tilespmem:$0x1FF80];
	v11 =	vunpack.i.l.bf16.f32 v11;
	v6 =	vmul.f32 $1.442695020e+00, v6;
	v19 =	vmul.f32 v20, v19  }
0x1f8: {  	v50 =	vld [tilespmem:$0x1FF60];
	v11 =	vmul.f32 v15, v11;
	v14 =	vmul.f32 $-5.338888760e-01, v14  }
0x1f9: {  	v48 =	vld [tilespmem:$0x1FFB0];
	v8 =	vmul.f32 $-5.338888760e-01, v8;
	v10 =	vmul.f32 $1.442695020e+00, v10  }
0x1fa: {  	v49 =	vld [tilespmem:$0x1FF90];
	v7 =	vmul.f32 $1.442695020e+00, v7;
	v55 =	vmul.f32 $1.442695020e+00, v12  }
0x1fb: {  	v51 =	vld [tilespmem:$0x1FF70];
	v14 =	vmul.f32 $1.442695020e+00, v14;
	v8 =	vmul.f32 $1.442695020e+00, v8;
	v18 =	vpop (erf)  }
0x1fc: {  	v17 =	vmul.f32 v18, v46;
	v20 =	vmul.f32 v18, v47  }
0x1fd: {  	v53 =	vunpack.i.u.bf16.f32 v13;
	v21 =	vpop (erf);
	v15 =	vmul.f32 v18, v50;
	(erf) = vpow2.f32 v6  }
0x1fe: {  	v54 =	vld [tilespmem:s18+$0xFFFFFF90];
	(erf) = vpow2.f32 v7;
	v16 =	vadd.f32 v16, v17;
	v17 =	vmul.f32 v21, v48  }
0x1ff: {  	v19 =	vadd.f32 v20, v19;
	v20 =	vmul.f32 v21, v49;
	v43 =	vadd.f32 v15, v11;
	v15 =	vld [tilespmem:s8+$0x8580]  }
0x200: {  	v3 =	vunpack.i.u.bf16.f32 v42;
	v11 =	vmul.f32 v21, v51;
	(erf) = vpow2.f32 v14  }
0x201: {  	(erf) = vpow2.f32 v10;
	v16 =	vadd.f32 v16, v17;
	v17 =	vadd.f32 v19, v20;
	v19 =	vld [tilespmem:s8+$0x8530]  }
0x202: {  	v3 =	vmul.f32 v53, v3;
	v6 =	vadd.f32 v43, v11;
	v11 =	vld [tilespmem:s18+$0xFFFFFF60];
	(erf) = vpow2.f32 v55  }
0x203: {  	(erf) = vpow2.f32 v8;
	(xrf2) =	vadd.scan.msk.f32 $0xffff, v16;
	v16 =	vmul.f32 v18, v60  }
0x204: {  	v10 =	vld [tilespmem:s8+$0x85D0];
	v18 =	vunpack.i.u.bf16.f32 v54;
	(xrf2) =	vadd.scan.msk.f32 $0xffff, v17;
	v14 =	vunpack.i.u.bf16.f32 v15;
	v56 =	vunpack.i.l.bf16.f32 v15  }
0x205: {  	v8 =	vld [tilespmem:s18+$0xFFFFFFC0];
	(xrf2) =	vadd.scan.msk.f32 $0xffff, v6;
	v3 =	vadd.f32 v3, v16;
	v16 =	vmul.f32 v21, v62;
	v6 =	vunpack.i.l.bf16.f32 v54  }
0x206: {  	v14 =	vmul.f32 v14, v18;
	v13 =	vunpack.i.u.bf16.f32 v19;
	v12 =	vunpack.i.l.bf16.f32 v19  }
0x207: {  	v15 =	vunpack.i.u.bf16.f32 v11;
	v11 =	vunpack.i.l.bf16.f32 v11;
	v6 =	vmul.f32 v56, v6  }
0x208: {  	v17 =	vpop (erf);
	v11 =	vmul.f32 v12, v11;
	v13 =	vmul.f32 v13, v15;
	v3 =	vadd.f32 v3, v16  }
0x209: {  	v15 =	vunpack.i.u.bf16.f32 v10;
	v16 =	vmul.f32 v17, v50;
	v10 =	vunpack.i.l.bf16.f32 v10  }
0x20a: {  	v18 =	vpop (erf);
	v19 =	vmul.f32 v17, v47;
	v58 =	vmul.f32 v17, v46;
	v21 =	vunpack.i.u.bf16.f32 v8  }
0x20b: {  	v17 =	vmul.f32 v17, v60;
	v8 =	vunpack.i.l.bf16.f32 v8;
	v20 =	vpop (erf);
	v22 =	vmul.f32 v18, v50  }
0x20c: {  	v63 =	vmul.f32 v18, v46;
	v43 =	vmul.f32 v10, v8;
	v25 =	vpop (erf)  }
0x20d: {  	v54 =	vmul.f32 v15, v21;
	v2 =	vadd.f32 v16, v2;
	v26 =	vmul.f32 v25, v51;
	v27 =	vpop (erf)  }
0x20e: {  	(xrf2) =	vadd.scan.msk.f32 $0xffff, v3;
	v16 =	vmul.f32 v18, v47;
	v0 =	vadd.f32 v22, v0;
	v28 =	vmul.f32 v27, v51  }
0x20f: {  	v24 =	vmul.f32 v20, v50;
	v4 =	vadd.f32 v19, v39;
	v2 =	vadd.f32 v2, v26;
	v12, _, _ =	vpop (xrf2)  }
0x210: {  	v19 =	vmul.f32 v20, v47;
	v34 =	vadd.f32 v11, v58;
	v0 =	vadd.f32 v0, v28;
	v57, _, _ =	vpop (xrf2)  }
0x211: {  	v37 =	vadd.f32 v13, v17;
	v39 =	vmul.f32 v18, v60;
	v11 =	vmul.f32 v25, v62;
	(xrf2) =	vadd.scan.msk.f32 $0xffff, v2;
	v23, _, _ =	vpop (xrf2)  }
0x212: {  	v1 =	vadd.f32 v24, v1;
	v59 =	vmul.f32 v27, v49;
	(xrf2) =	vadd.scan.msk.f32 $0xffff, v0;
	v22 =	vmul.f32 $1.442695020e+00, v23;
	v23 =	vpop (erf)  }
0x213: {  	v5 =	vadd.f32 v16, v5;
	v7 =	vmul.f32 $1.442695020e+00, v57;
	v24 =	vmul.f32 v23, v51  }
0x214: {  	v9 =	vadd.f32 v19, v9;
	v26 =	vmul.f32 v25, v49;
	v32 =	vbroadcast v22, $0xF  }
0x215: {  	v12 =	vmul.f32 $1.442695020e+00, v12;
	v7 =	vbroadcast v7, $0xF;
	v1 =	vadd.f32 v1, v24  }
0x216: {  	v61 =	vadd.f32 v4, v26;
	v16 =	vmul.f32 v23, v49;
	(erf) = vpow2.f32 v32  }
0x217: {  	v53 =	vld [tilespmem:s8+$0x8640];
	s18 =	simm.s32 $0x140;
	v2 =	vadd.f32 v5, v59;
	v36 =	vbroadcast v12, $0xF;
	(xrf2) =	vadd.scan.msk.f32 $0xffff, v1;
	(erf) = vpow2.f32 v7  }
0x218: {  	v38 =	vmul.f32 v25, v48;
	v40 =	vmul.f32 v27, v48;
	v12 =	vld [tilespmem:s18+$0x8630];
	v33, _, _ =	vpop (xrf2);
	v9 =	vadd.f32 v9, v16;
	(xrf2) =	vadd.scan.msk.f32 $0xffff, v61  }
0x219: {  	s20 =	simm.s32 $0x5E90;
	v35 =	vmul.f32 $1.442695020e+00, v33;
	(erf) = vpow2.f32 v36;
	(xrf2) =	vadd.scan.msk.f32 $0xffff, v2;
	v2 =	vadd.f32 v37, v11;
	v11 =	vld [tilespmem:s8+$0x8550]  }
0x21a: {  	v41 =	vadd.f32 v14, v39;
	v42 =	vmul.f32 v27, v62;
	v4 =	vadd.f32 v6, v63;
	(xrf2) =	vadd.scan.msk.f32 $0xffff, v9;
	v9 =	vld [tilespmem:s20+$0x0]  }
0x21b: {  	v0 =	vadd.f32 v34, v38;
	v57 =	vmul.f32 v20, v46;
	v3 =	vbroadcast v35, $0xF;
	v52, _, _ =	vpop (xrf2)  }
0x21c: {  	v4 =	vadd.f32 v4, v40;
	v21 =	vmul.f32 v23, v62;
	v55, _, _ =	vpop (xrf2);
	v5 =	vmul.f32 $1.442695020e+00, v52  }
0x21d: {  	v58 =	vld [tilespmem:s8+$0x8650];
	v1 =	vadd.f32 v41, v42;
	(erf) = vpow2.f32 v3;
	(xrf2) =	vadd.scan.msk.f32 $0xffff, v0;
	v7 =	vmul.f32 $1.442695020e+00, v55  }
0x21e: {  	v0 =	vadd.f32 v43, v57;
	(xrf2) =	vadd.scan.msk.f32 $0xffff, v2;
	v2 =	vunpack.i.l.bf16.f32 v53;
	v5 =	vbroadcast v5, $0xF  }
0x21f: {  	v39 =	vld [tilespmem:s18+$0x8520];
	v14 =	vunpack.i.u.bf16.f32 v11;
	v7 =	vbroadcast v7, $0xF;
	v56 =	vmul.f32 v12, v9;
	v16 =	vpop (erf)  }
0x220: {  	v24 =	vld [tilespmem:s20+$0xFFFFFFD0];
	v17 =	vunpack.i.l.bf16.f32 v11;
	v9 =	vmul.f32 v20, v60;
	(erf) = vpow2.f32 v5;
	v19 =	vpop (erf)  }
0x221: {  	v33 =	vld [tilespmem:s20+$0xFFFFFF70];
	(xrf2) =	vadd.scan.msk.f32 $0xffff, v4;
	v11 =	vunpack.i.u.bf16.f32 v53;
	v12 =	vmul.f32 v23, v48;
	(erf) = vpow2.f32 v7;
	v8, _, _ =	vpop (xrf2)  }
0x222: {  	v37 =	vld [tilespmem:s20+$0xFFFFFFA0];
	v18 =	vmul.f32 v16, v2;
	v23 =	vnsel vm0, $0x0, v16;
	(xrf2) =	vadd.scan.msk.f32 $0xffff, v1;
	v22 =	vpop (erf);
	v1 =	vunpack.i.l.bf16.f32 v58  }
0x223: {  	v6 =	vadd.f32 v54, v9;
	v15 =	vmul.f32 v19, v11;
	v9 =	vld [tilespmem:s18+$0x8590];
	v10, _, _ =	vpop (xrf2);
	(xrf2) =	vadd.scan.msk.f32 $0xffff, v56;
	v8 =	vmul.f32 $1.442695020e+00, v8  }
0x224: {  	v0 =	vadd.f32 v0, v12;
	v12 =	vld [tilespmem:s18+$0x85E0];
	v16 =	vmul.f32 v22, v1;
	v59, _, _ =	vpop (xrf2);
	v63 =	vmul.f32 $1.442695020e+00, v10  }
0x225: {  	v41 =	vld [tilespmem:s18+$0x8570];
	v13, _, _ =	vpop (xrf2);
	v61 =	vbroadcast v8, $0xF;
	v4 =	vmul.f32 $1.442695020e+00, v59  }
0x226: {  	v10 =	vld [tilespmem:s18+$0x8540];
	v34 =	vbroadcast v63, $0xF;
	v11 =	vmul.f32 $1.442695020e+00, v13  }
0x227: {  	v52 =	vld [tilespmem:s20+$0xFFFFFF80];
	v32, _, _ =	vpop (xrf2);
	(erf) = vpow2.f32 v61;
	v36 =	vbroadcast v4, $0xF  }
0x228: {  	v3 =	vunpack.i.l.bf16.f32 v39;
	v56 =	vld [tilespmem:s20+$0xFFFFFFF0];
	v2 =	vmul.f32 $1.442695020e+00, v32;
	v4 =	vmul.f32 v9, v37  }
0x229: {  	v19 =	vsel vm1, v23, v19;
	v35, _, _ =	vpop (xrf2);
	v9 =	vmul.f32 v12, v24;
	(erf) = vpow2.f32 v34  }
0x22a: {  	v1 =	vadd.f32 v6, v21;
	v38 =	vbroadcast v11, $0xF;
	v7 =	vmul.f32 $1.442695020e+00, v35  }
0x22b: {  	v8 =	vunpack.i.u.bf16.f32 v58;
	v13, _, _ =	vpop (xrf2);
	v5 =	vmul.f32 v10, v33;
	(erf) = vpow2.f32 v36  }
0x22c: {  	(xrf2) =	vadd.scan.msk.f32 $0xffff, v0;
	v12 =	vunpack.i.l.bf16.f32 v52;
	v2 =	vbroadcast v2, $0xF;
	(erf) = vpow2.f32 v38;
	v20, _, _ =	vpop (xrf2)  }
0x22d: {  	v33 =	vld [tilespmem:s18+$0x8620];
	v7 =	vbroadcast v7, $0xF;
	v38 =	vunpack.i.l.bf16.f32 v56;
	(xrf2) =	vadd.scan.msk.f32 $0xffff, v5;
	v5 =	vunpack.i.l.bf16.f32 v41;
	v11, _, _ =	vpop (xrf2)  }
0x22e: {  	v42 =	vld [tilespmem:s18+$0x85C0];
	(xrf2) =	vadd.scan.msk.f32 $0xffff, v4;
	v12 =	vmul.f32 v5, v12;
	v10 =	vbroadcast v11, $0xF;
	v11 =	vsel vm2, v19, v22;
	v22 =	vpop (erf)  }
0x22f: {  	v4 =	vunpack.i.u.bf16.f32 v52;
	(xrf2) =	vadd.scan.msk.f32 $0xffff, v9;
	v9 =	vld [tilespmem:s20+$0xFFFFFFB0];
	(erf) = vpow2.f32 v2;
	v19 =	vmul.f32 v22, v8  }
0x230: {  	v23 =	vsel vm3, v11, v22;
	v27 =	vpop (erf);
	v11 =	vmul.f32 $1.442695020e+00, v13;
	v13 =	vunpack.i.u.bf16.f32 v41  }
0x231: {  	v40 =	vadd.f32 v44, v10;
	v43 =	vadd.f32 v45, v10;
	v10 =	vunpack.i.u.bf16.f32 v39;
	v29 =	vpop (erf)  }
0x232: {  	v4 =	vmul.f32 v13, v4;
	v39 =	vunpack.i.l.bf16.f32 v33;
	v28 =	vpop (erf);
	(erf) = vpow2.f32 v7  }
0x233: {  	v6 =	vunpack.i.l.bf16.f32 v42;
	v8 =	vld [tilespmem:s20+$0xFFFFFF50];
	v11 =	vbroadcast v11, $0xF;
	v38 =	vmul.f32 v39, v38  }
0x234: {  	v0 =	vmul.f32 v40, v40;
	v57 =	vunpack.i.u.bf16.f32 v9;
	v9 =	vunpack.i.l.bf16.f32 v9  }
0x235: {  	v53 =	vunpack.i.u.bf16.f32 v42;
	v36 =	vld [tilespmem:s18+$0x8610];
	v2 =	vmul.f32 v43, v43;
	v6 =	vmul.f32 v6, v9  }
0x236: {  	v13 =	vld [tilespmem:s20+$0xFFFFFFE0];
	v21 =	vpop (erf);
	v5 =	vmul.f32 v53, v57;
	v0 =	vmul.f32 $-5.338888760e-01, v0  }
0x237: {  	[tilespmem:s8+$0xB830] =	vst v16;
	v30, _, _ =	vpop (xrf2);
	v16 =	vmul.f32 v21, v14;
	v2 =	vmul.f32 $-5.338888760e-01, v2  }
0x238: {  	v54 =	vunpack.i.l.bf16.f32 v8;
	v8 =	vunpack.i.u.bf16.f32 v8;
	v55, _, _ =	vpop (xrf2);
	v0 =	vmul.f32 $1.442695020e+00, v0  }
0x239: {  	v33 =	vunpack.i.u.bf16.f32 v33;
	v8 =	vmul.f32 v10, v8;
	v2 =	vmul.f32 $1.442695020e+00, v2;
	v9, _, _ =	vpop (xrf2)  }
0x23a: {  	v43 =	vunpack.i.u.bf16.f32 v36;
	v9 =	vbroadcast v9, $0xF;
	(erf) = vpow2.f32 v0  }
0x23b: {  	v41 =	vunpack.i.u.bf16.f32 v13;
	v0 =	vmul.f32 v3, v54;
	v3 =	vbroadcast v55, $0xF  }
0x23c: {  	v25 =	vld [tilespmem:s18+$0x8530];
	v41 =	vmul.f32 v43, v41;
	(erf) = vpow2.f32 v2;
	v37 =	vadd.f32 v44, v9  }
0x23d: {  	v9 =	vadd.f32 v45, v9;
	v2 =	vunpack.i.u.bf16.f32 v56;
	v10 =	vadd.f32 v44, v3  }
0x23e: {  	v52 =	vld [tilespmem:s20+$0xFFFFFF60];
	v3 =	vadd.f32 v45, v3;
	v2 =	vmul.f32 v33, v2;
	v37 =	vmul.f32 v37, v37  }
0x23f: {  	v9 =	vmul.f32 v9, v9;
	v58 =	vmul.f32 v10, v10  }
0x240: {  	v22 =	vpop (erf);
	v3 =	vmul.f32 v3, v3;
	v37 =	vmul.f32 $-5.338888760e-01, v37  }
0x241: {  	v32 =	vunpack.i.u.bf16.f32 v25;
	v9 =	vmul.f32 $-5.338888760e-01, v9;
	v10, _, _ =	vpop (xrf2);
	v7 =	vmul.f32 $-5.338888760e-01, v58  }
0x242: {  	v34 =	vunpack.i.l.bf16.f32 v25;
	v24 =	vpop (erf);
	v3 =	vmul.f32 $-5.338888760e-01, v3;
	v10 =	vbroadcast v10, $0xF  }
0x243: {  	v31 =	vld [tilespmem:s18+$0x8580];
	v25 =	vpop (erf);
	v58 =	vunpack.i.u.bf16.f32 v52;
	v37 =	vmul.f32 $1.442695020e+00, v37;
	v9 =	vmul.f32 $1.442695020e+00, v9  }
0x244: {  	v13 =	vunpack.i.l.bf16.f32 v13;
	v26 =	vpop (erf);
	v32 =	vmul.f32 v32, v58;
	v7 =	vmul.f32 $1.442695020e+00, v7  }
0x245: {  	v3 =	vmul.f32 $1.442695020e+00, v3;
	v40 =	vpop (erf);
	v44 =	vadd.f32 v44, v10;
	v10 =	vadd.f32 v45, v10  }
0x246: {  	v45 =	vunpack.i.l.bf16.f32 v36;
	v59 =	vmul.f32 v40, v46;
	v63 =	vmul.f32 v40, v47  }
0x247: {  	(erf) = vpow2.f32 v7;
	v7 =	vmul.f32 v45, v13  }
0x248: {  	v35 =	vunpack.i.u.bf16.f32 v31;
	v42 =	vpop (erf);
	v54 =	vmul.f32 v40, v50;
	v40 =	vmul.f32 v40, v60  }
0x249: {  	v31 =	vunpack.i.l.bf16.f32 v31;
	v61 =	vmul.f32 v42, v48;
	v53 =	vmul.f32 v42, v49  }
0x24a: {  	v57 =	vld [tilespmem:s20+$0xFFFFFF90];
	v36 =	vunpack.i.l.bf16.f32 v52;
	v44 =	vmul.f32 v44, v44;
	v10 =	vmul.f32 v10, v10  }
0x24b: {  	v39 =	vld [tilespmem:s18+$0x85D0];
	v56 =	vmul.f32 v42, v51;
	(erf) = vpow2.f32 v37;
	v38 =	vadd.f32 v38, v59  }
0x24c: {  	v41 =	vadd.f32 v63, v41;
	v7 =	vadd.f32 v54, v7;
	v55 =	vmul.f32 $-5.338888760e-01, v44  }
0x24d: {  	v2 =	vadd.f32 v2, v40;
	v59 =	vmul.f32 v42, v62;
	v38 =	vadd.f32 v38, v61  }
0x24e: {  	(xrf2) =	vadd.scan.msk.f32 $0xffff, v1;
	v63 =	vmul.f32 v34, v36;
	v41 =	vadd.f32 v41, v53;
	v1 =	vmul.f32 $1.442695020e+00, v55  }
0x24f: {  	v40 =	vmul.f32 $-5.338888760e-01, v10;
	v10 =	vunpack.i.u.bf16.f32 v57;
	v7 =	vadd.f32 v7, v56;
	v61 =	vld [tilespmem:s20+$0xFFFFFFC0];
	(xrf2) =	vadd.scan.msk.f32 $0xffff, v38  }
0x250: {  	v43 =	vunpack.i.l.bf16.f32 v39;
	v10 =	vmul.f32 v35, v10;
	(xrf2) =	vadd.scan.msk.f32 $0xffff, v41;
	(erf) = vpow2.f32 v1  }
0x251: {  	v42 =	vunpack.i.l.bf16.f32 v57;
	v55 =	vld [tilespmem:s8+$0x8560];
	(xrf2) =	vadd.scan.msk.f32 $0xffff, v7;
	(erf) = vpow2.f32 v3;
	v7 =	vmul.f32 $1.442695020e+00, v40  }
0x252: {  	v13 =	vunpack.i.u.bf16.f32 v39;
	v3 =	vmul.f32 v31, v42;
	v31 =	vpop (erf);
	(erf) = vpow2.f32 v9  }
0x253: {  	v2 =	vadd.f32 v2, v59;
	v45 =	vmul.f32 v31, v50;
	v52 =	vmul.f32 v31, v47  }
0x254: {  	v37 =	vunpack.i.l.bf16.f32 v61;
	v9 =	vmul.f32 v31, v46;
	v31 =	vmul.f32 v31, v60  }
0x255: {  	(xrf2) =	vadd.scan.msk.f32 $0xffff, v2;
	v44 =	vunpack.i.u.bf16.f32 v61;
	v2 =	vmul.f32 v43, v37;
	(erf) = vpow2.f32 v7  }
0x256: {  	v7 =	vmul.f32 v13, v44;
	v13 =	vpop (erf);
	v38 =	vunpack.i.u.bf16.f32 v55;
	v33 =	vunpack.i.l.bf16.f32 v55  }
0x257: {  	(erf) = vpow2.f32 v11;
	v1 =	vadd.f32 v63, v9;
	v9 =	vmul.f32 v13, v50  }
0x258: {  	v34, _, _ =	vpop (xrf2);
	v56 =	vmul.f32 v13, v47;
	v0 =	vadd.f32 v45, v0;
	v8 =	vadd.f32 v52, v8  }
0x259: {  	v9 =	vadd.f32 v9, v12;
	v12 =	vmul.f32 v13, v46;
	v13 =	vmul.f32 v13, v60;
	v11 =	vpop (erf)  }
0x25a: {  	v61 =	vld [tilespmem:s8+$0x85A0];
	v31 =	vadd.f32 v32, v31;
	v53, _, _ =	vpop (xrf2);
	v57 =	vmul.f32 v11, v50;
	v59 =	vmul.f32 v11, v47  }
0x25b: {  	v4 =	vadd.f32 v56, v4;
	v54, _, _ =	vpop (xrf2);
	v44 =	vmul.f32 $1.442695020e+00, v53;
	v55 =	vmul.f32 v11, v46  }
0x25c: {  	v3 =	vadd.f32 v3, v12;
	v40 =	vpop (erf);
	v11 =	vmul.f32 v11, v60;
	v60 =	vmul.f32 $1.442695020e+00, v20  }
0x25d: {  	v10 =	vadd.f32 v10, v13;
	v58, _, _ =	vpop (xrf2);
	v63 =	vmul.f32 v40, v51;
	v35 =	vmul.f32 $1.442695020e+00, v54  }
0x25e: {  	v47 =	vpop (erf);
	v37 =	vmul.f32 $1.442695020e+00, v58;
	v6 =	vadd.f32 v57, v6;
	v32 =	vbroadcast v44, $0xF  }
0x25f: {  	v56 =	vld [tilespmem:s8+$0x8600];
	v45, _, _ =	vpop (xrf2);
	v5 =	vadd.f32 v59, v5;
	v50 =	vmul.f32 v47, v51;
	v57 =	vunpack.i.l.bf16.f32 v61  }
0x260: {  	v53 =	vld [tilespmem:s8+$0x85B0];
	v52 =	vpop (erf);
	v2 =	vadd.f32 v2, v55;
	v58 =	vmul.f32 v47, v49;
	v36 =	vmul.f32 $1.442695020e+00, v45  }
0x261: {  	v7 =	vadd.f32 v7, v11;
	v35 =	vbroadcast v35, $0xF;
	v12 =	vmul.f32 v52, v51  }
0x262: {  	[tilespmem:s8+$0xB810] =	vst v18;
	v54 =	vld [tilespmem:s8+$0x85F0];
	v0 =	vadd.f32 v0, v63;
	v11 =	vmul.f32 v52, v49;
	v18 =	vmul.f32 v52, v62  }
0x263: {  	v37 =	vbroadcast v37, $0xF;
	v9 =	vadd.f32 v9, v50;
	v4 =	vadd.f32 v4, v58  }
0x264: {  	v36 =	vbroadcast v36, $0xF;
	v6 =	vadd.f32 v6, v12;
	v12 =	vmul.f32 v40, v49  }
0x265: {  	v13 =	vunpack.i.u.bf16.f32 v53;
	v5 =	vadd.f32 v5, v11;
	v11 =	vunpack.i.u.bf16.f32 v56  }
0x266: {  	(xrf2) =	vadd.scan.msk.f32 $0xffff, v0;
	v0 =	vmul.f32 v29, v57;
	v29 =	vnsel vm0, $0x0, v29;
	(erf) = vpow2.f32 v37  }
0x267: {  	[tilespmem:s8+$0xB840] =	vst v19;
	v19 =	vld [tilespmem:s18+$0x85B0];
	v37 =	vunpack.i.u.bf16.f32 v61;
	v41 =	vunpack.i.u.bf16.f32 v54;
	v59 =	vunpack.i.l.bf16.f32 v54  }
0x268: {  	(xrf2) =	vadd.scan.msk.f32 $0xffff, v9;
	v9 =	vmul.f32 v27, v17;
	v17 =	vmul.f32 v40, v62;
	v27 =	vnsel vm0, $0x0, v27  }
0x269: {  	v61 =	vmul.f32 v52, v48;
	v29 =	vsel vm1, v29, v22;
	(erf) = vpow2.f32 v35  }
0x26a: {  	[tilespmem:s8+$0xB850] =	vst v23;
	v8 =	vadd.f32 v8, v12;
	v12 =	vmul.f32 v40, v48;
	v23 =	vmul.f32 v28, v59  }
0x26b: {  	v27 =	vsel vm1, v27, v21;
	[tilespmem:s8+$0xB770] =	vst v0;
	v0 =	vbroadcast v60, $0xF;
	v59 =	vmul.f32 v22, v37  }
0x26c: {  	v22 =	vunpack.i.u.bf16.f32 v19;
	(erf) = vpow2.f32 v32;
	v32 =	vunpack.i.l.bf16.f32 v53  }
0x26d: {  	v31 =	vadd.f32 v31, v17;
	v17 =	vmul.f32 v47, v48;
	[tilespmem:s8+$0xB720] =	vst v9;
	v9 =	vnsel vm0, $0x0, v28  }
0x26e: {  	[tilespmem:s8+$0xB820] =	vst v15;
	v58 =	vld [tilespmem:s18+$0x8600];
	v63 =	vpop (erf);
	v28 =	vmul.f32 v47, v62;
	v35 =	vadd.f32 v2, v61;
	v15 =	vsel vm2, v27, v25  }
0x26f: {  	v53 =	vld [tilespmem:s18+$0x8550];
	v25 =	vmul.f32 v25, v33;
	v48 =	vsel vm2, v29, v63;
	(erf) = vpow2.f32 v36  }
0x270: {  	(xrf2) =	vadd.scan.msk.f32 $0xffff, v6;
	v27 =	vld [tilespmem:s18+$0x85F0];
	v1 =	vadd.f32 v1, v12;
	v12 =	vunpack.i.l.bf16.f32 v56;
	v15 =	vsel vm3, v15, v26  }
0x271: {  	v56 =	vld [tilespmem:s18+$0x85A0];
	v26 =	vmul.f32 v26, v38;
	v21 =	vsel vm1, v9, v24;
	v61 =	vmul.f32 v63, v32  }
0x272: {  	v46 =	vadd.f32 v3, v17;
	v17 =	vmul.f32 $1.442695020e+00, v30;
	v30 =	vadd.f32 v7, v18;
	v18 =	vld [tilespmem:s18+$0x8560]  }
0x273: {  	v29 =	vunpack.i.l.bf16.f32 v58;
	v43 =	vadd.f32 v10, v28;
	(erf) = vpow2.f32 v0;
	v28 =	vld [tilespmem:s18+$0x8650];
	v10, _, _ =	vpop (xrf2)  }
0x274: {  	[tilespmem:s8+$0xB750] =	vst v26;
	v26 =	vmul.f32 v24, v41;
	v17 =	vbroadcast v17, $0xF;
	v57, _, _ =	vpop (xrf2);
	(xrf2) =	vadd.scan.msk.f32 $0xffff, v8  }
0x275: {  	[tilespmem:s8+$0xB7C0] =	vst v23;
	v24 =	vunpack.i.u.bf16.f32 v58;
	v23 =	vunpack.i.l.bf16.f32 v53;
	v37 =	vunpack.i.u.bf16.f32 v27  }
0x276: {  	[tilespmem:s8+$0xB730] =	vst v16;
	v27 =	vunpack.i.l.bf16.f32 v27;
	(erf) = vpow2.f32 v17;
	v16 =	vunpack.i.u.bf16.f32 v56  }
0x277: {  	[tilespmem:s8+$0xB780] =	vst v59;
	v20 =	vunpack.i.l.bf16.f32 v56;
	v54 =	vpop (erf);
	v36 =	vunpack.i.u.bf16.f32 v18;
	v17 =	vunpack.i.l.bf16.f32 v18  }
0x278: {  	[tilespmem:s8+$0xB760] =	vst v15;
	v18 =	vunpack.i.l.bf16.f32 v19;
	v33 =	vunpack.i.u.bf16.f32 v28;
	v52 =	vmul.f32 $1.442695020e+00, v10;
	v47 =	vpop (erf);
	v8 =	vld [tilespmem:s18+$0x8640]  }
0x279: {  	v40 =	vunpack.i.l.bf16.f32 v28;
	v10 =	vmul.f32 $1.442695020e+00, v34;
	v14 =	vnsel vm0, $0x0, v54;
	v42 =	vpop (erf);
	(xrf2) =	vadd.scan.msk.f32 $0xffff, v4  }
0x27a: {  	[tilespmem:s8+$0xB740] =	vst v25;
	v14 =	vsel vm1, v14, v47;
	v0 =	vmul.f32 $1.442695020e+00, v57;
	v60, _, _ =	vpop (xrf2);
	v55 =	vbroadcast v52, $0xF  }
0x27b: {  	[tilespmem:s8+$0xB790] =	vst v61;
	v14 =	vsel vm2, v14, v42;
	v34 =	vpop (erf);
	v10 =	vbroadcast v10, $0xF;
	v3 =	vmul.f32 $1.442695020e+00, v60  }
0x27c: {  	(xrf2) =	vadd.scan.msk.f32 $0xffff, v5;
	v14 =	vsel vm3, v14, v34;
	v0 =	vbroadcast v0, $0xF;
	(erf) = vpow2.f32 v55  }
0x27d: {  	(xrf2) =	vadd.scan.msk.f32 $0xffff, v1;
	v3 =	vbroadcast v3, $0xF;
	(erf) = vpow2.f32 v10;
	v62 =	vunpack.i.l.bf16.f32 v8  }
0x27e: {  	[tilespmem:s18+$0xB850] =	vst v14;
	v14 =	vunpack.i.u.bf16.f32 v53;
	(erf) = vpow2.f32 v0;
	v25 =	vmul.f32 v54, v62;
	v63, _, _ =	vpop (xrf2)  }
0x27f: {  	s15 =	simm.s32 $0x5F50;
	s17 =	simm.s32 $0xA00;
	s14 =	simm.s32 $0x4;
	v28 =	vpop (erf);
	(xrf2) =	vadd.scan.msk.f32 $0xffff, v31;
	v45 =	vunpack.i.u.bf16.f32 v8;
	(erf) = vpow2.f32 v3;
	v31 =	vmul.f32 $1.442695020e+00, v63  }
.LBB2_8:
0x280: {  	_ =	sdelay $0x1  }
0x281: {  	s20 =	sshra.s32 s17, $0x2;
	v0 =	vld [tilespmem:s15+$0x0]  }
0x282: {  	v9 =	vsel vm3, v48, v28;
	v6 =	vmul.f32 v47, v45;
	v1 =	vbroadcast v31, $0xF;
	[tilespmem:s8+$0xB7D0] =	vst v26;
	v5 =	vld [tilespmem:s20+$0x8630];
	v2, _, _ =	vpop (xrf2)  }
0x283: {  	v7 =	vmov v22;
	v49 =	vld [tilespmem:s15+$0xFFFFFF70];
	v50 =	vmul.f32 v34, v33;
	[tilespmem:s8+$0xB7B0] =	vst v9;
	v4 =	vmul.f32 v28, v13;
	v3 =	vpop (erf)  }
0x284: {  	[tilespmem:$0x1FE70] =	vst v7;
	v32 =	vld [tilespmem:s20+$0x8540];
	v2 =	vmul.f32 $1.442695020e+00, v2;
	v8 =	vpop (erf);
	(erf) = vpow2.f32 v1  }
0x285: {  	v9 =	vld [tilespmem:s20+$0x8590];
	(xrf2) =	vadd.scan.msk.f32 $0xffff, v46;
	v13 =	vmul.f32 v3, v12;
	v12, _, _ =	vpop (xrf2);
	v10 =	vnsel vm0, $0x0, v8;
	v8 =	vmul.f32 v8, v23  }
0x286: {  	v44 =	vld [tilespmem:s20+$0x85E0];
	v2 =	vbroadcast v2, $0xF;
	[tilespmem:s8+$0xB7A0] =	vst v4;
	v22 =	vmul.f32 $1.442695020e+00, v12;
	v45 =	vpop (erf)  }
0x287: {  	v41 =	vsel vm2, v21, v3;
	v23 =	vmul.f32 v42, v40;
	v0 =	vmul.f32 v5, v0;
	[tilespmem:s8+$0xB7E0] =	vst v13;
	v26 =	vld [tilespmem:s15+$0xFFFFFFA0];
	v28 =	vpop (erf)  }
0x288: {  	(xrf2) =	vadd.scan.msk.f32 $0xffff, v43;
	v46 =	vmul.f32 v45, v11;
	v47 =	vld [tilespmem:s15+$0xFFFFFFD0];
	v48 =	vbroadcast v22, $0xF;
	v11, _, _ =	vpop (xrf2);
	[tilespmem:s18+$0xB720] =	vst v8  }
0x289: {  	v1 =	vsel vm3, v41, v45;
	v8 =	vmul.f32 v28, v20;
	(xrf2) =	vadd.scan.msk.f32 $0xffff, v0;
	v22 =	vmul.f32 $1.442695020e+00, v11;
	v20 =	vld [tilespmem:s20+$0x8520]  }
0x28a: {  	(erf) = vpow2.f32 v2;
	v21 =	vnsel vm0, $0x0, v28;
	[tilespmem:s8+$0xB800] =	vst v1;
	v11 =	vmov v24;
	v24 =	vpop (erf);
	v28 =	vld [tilespmem:s15+$0xFFFFFF50]  }
0x28b: {  	[tilespmem:s8+$0xB7F0] =	vst v46;
	s8 =	smov.u32 s18;
	s18 =	smov.u32 s20;
	v61 =	vld [tilespmem:s15+$0xFFFFFF60];
	v52 =	vbroadcast v22, $0xF;
	v22 =	vmul.f32 v24, v27  }
0x28c: {  	v1 =	vmul.f32 v32, v49;
	(erf) = vpow2.f32 v48;
	v51 =	vld [tilespmem:s18+$0x8570];
	[tilespmem:s8+$0xB770] =	vst v8;
	v8 =	vnsel vm0, $0x0, v24;
	v24, _, _ =	vpop (xrf2)  }
0x28d: {  	v12 =	vmov v29;
	v27 =	vld [tilespmem:s18+$0x85C0];
	v9 =	vmul.f32 v9, v26;
	v24 =	vmul.f32 $1.442695020e+00, v24;
	[tilespmem:s8+$0xB7C0] =	vst v22;
	v39 =	vpop (erf)  }
0x28e: {  	[tilespmem:$0x1FE50] =	vst v12;
	v56 =	vunpack.i.u.bf16.f32 v20;
	v34 =	vsel vm1, v10, v39;
	v10 =	vunpack.i.l.bf16.f32 v20;
	v20 =	vld [tilespmem:s15+$0xFFFFFFB0]  }
0x28f: {  	v12 =	vld [tilespmem:$0x1FFF0];
	[tilespmem:$0x1FE60] =	vst v11;
	v3 =	vmul.f32 v44, v47;
	v55, _, _ =	vpop (xrf2);
	(erf) = vpow2.f32 v52  }
0x290: {  	[tilespmem:s8+$0xB820] =	vst v6;
	v11 =	vld [tilespmem:$0x1FFE0];
	(xrf2) =	vadd.scan.msk.f32 $0xffff, v35;
	v54 =	vbroadcast v24, $0xF;
	v6 =	vmul.f32 $1.442695020e+00, v55  }
0x291: {  	[tilespmem:s8+$0xB830] =	vst v23;
	v53 =	vld [tilespmem:s15+$0xFFFFFF80];
	v60 =	vunpack.i.u.bf16.f32 v28;
	v24 =	vunpack.i.l.bf16.f32 v28;
	v0 =	vunpack.i.l.bf16.f32 v61  }
0x292: {  	v57 =	vld [tilespmem:s18+$0x8580];
	(xrf2) =	vadd.scan.msk.f32 $0xffff, v1;
	v23 =	vunpack.i.u.bf16.f32 v51;
	v2 =	vunpack.i.l.bf16.f32 v51;
	v59, _, _ =	vpop (xrf2);
	v48 =	vmul.f32 v56, v60  }
0x293: {  	v7 =	vld [tilespmem:s18+$0x8550];
	(xrf2) =	vadd.scan.msk.f32 $0xffff, v9;
	(erf) = vpow2.f32 v54;
	v63 =	vunpack.i.u.bf16.f32 v20;
	v9 =	vunpack.i.l.bf16.f32 v20;
	v20, _, _ =	vpop (xrf2)  }
0x294: {  	v62 =	vld [tilespmem:s15+$0xFFFFFF90];
	v58 =	vunpack.i.u.bf16.f32 v27;
	v35 =	vbroadcast v6, $0xF;
	v20 =	vbroadcast v20, $0xF  }
0x295: {  	v22 =	vld [tilespmem:s18+$0x8530];
	v27 =	vunpack.i.l.bf16.f32 v27;
	v40 =	vmul.f32 $1.442695020e+00, v59;
	v33 =	vmul.f32 v10, v24  }
0x296: {  	v32 =	vld [tilespmem:s18+$0x85D0];
	v10 =	vunpack.i.u.bf16.f32 v53;
	v4 =	vunpack.i.l.bf16.f32 v53;
	(xrf2) =	vadd.scan.msk.f32 $0xffff, v3;
	v60 =	vadd.f32 v11, v20  }
0x297: {  	v29 =	vunpack.i.u.bf16.f32 v57;
	v45 =	vunpack.i.l.bf16.f32 v57;
	v42 =	vmul.f32 v2, v4  }
0x298: {  	v13 =	vpop (erf);
	v46 =	vmul.f32 v23, v10;
	v10 =	vadd.f32 v12, v20;
	v4 =	vmul.f32 v60, v60  }
0x299: {  	v57 =	vunpack.i.u.bf16.f32 v61;
	v2 =	vunpack.i.l.bf16.f32 v62;
	v38 =	vpop (erf);
	v43 =	vmul.f32 v27, v9  }
0x29a: {  	v23 =	vunpack.i.l.bf16.f32 v7;
	v9 =	vld [tilespmem:s15+$0xFFFFFFC0];
	v49, _, _ =	vpop (xrf2);
	v10 =	vmul.f32 v10, v10;
	v4 =	vmul.f32 $-5.338888760e-01, v4  }
0x29b: {  	[tilespmem:s8+$0xB840] =	vst v50;
	v41 =	vunpack.i.l.bf16.f32 v22;
	v50 =	vunpack.i.u.bf16.f32 v32;
	v47 =	vmul.f32 v58, v63;
	v31 =	vpop (erf)  }
0x29c: {  	v58 =	vunpack.i.u.bf16.f32 v62;
	v20, _, _ =	vpop (xrf2);
	v62 =	vmul.f32 $-5.338888760e-01, v10;
	v61 =	vmul.f32 $1.442695020e+00, v4  }
0x29d: {  	v51 =	vunpack.i.l.bf16.f32 v32;
	v55 =	vmul.f32 v41, v0;
	v32 =	vpop (erf);
	v20 =	vbroadcast v20, $0xF  }
0x29e: {  	v15 =	vld [tilespmem:$0x1FFB0];
	(xrf2) =	vadd.scan.msk.f32 $0xffff, v30;
	v30 =	vsel vm1, v21, v13;
	v63, _, _ =	vpop (xrf2);
	v4 =	vmul.f32 $1.442695020e+00, v62;
	(erf) = vpow2.f32 v61  }
0x29f: {  	[tilespmem:s8+$0xB810] =	vst v25;
	v3 =	vld [tilespmem:s18+$0x8560];
	v21 =	vsel vm1, v8, v38;
	v53 =	vunpack.i.u.bf16.f32 v9;
	v6 =	vbroadcast v63, $0xF  }
0x2a0: {  	v1 =	vld [tilespmem:s18+$0x85A0];
	[tilespmem:$0x1FEB0] =	vst v13;
	v56 =	vunpack.i.l.bf16.f32 v9;
	v13 =	vadd.f32 v11, v20;
	v9, _, _ =	vpop (xrf2);
	(erf) = vpow2.f32 v4  }
0x2a1: {  	v60 =	vld [tilespmem:s18+$0x8620];
	v10 =	vadd.f32 v12, v20;
	v8 =	vadd.f32 v11, v6;
	v9 =	vbroadcast v9, $0xF  }
0x2a2: {  	v6 =	vadd.f32 v12, v6;
	v41 =	vmul.f32 v13, v13;
	v13 =	vunpack.i.u.bf16.f32 v7;
	v7 =	vld [tilespmem:s15+$0xFFFFFFF0]  }
0x2a3: {  	v26 =	vmovc v14;
	v14 =	vld [tilespmem:$0x1FFA0];
	v44 =	vmul.f32 v8, v8;
	v8 =	vmul.f32 v10, v10;
	v10 =	vadd.f32 v11, v9  }
0x2a4: {  	v5 =	vld [tilespmem:s18+$0x85B0];
	v6 =	vmul.f32 v6, v6;
	v0 =	vmul.f32 $-5.338888760e-01, v41;
	v11 =	vunpack.i.u.bf16.f32 v3  }
0x2a5: {  	v4 =	vmul.f32 $-5.338888760e-01, v44;
	v3 =	vunpack.i.l.bf16.f32 v3;
	v44 =	vld [tilespmem:s18+$0x8610];
	[tilespmem:$0x1FEA0] =	vst v11;
	v41 =	vmul.f32 v10, v10  }
0x2a6: {  	v20 =	vunpack.i.l.bf16.f32 v1;
	[tilespmem:$0x1FE90] =	vst v3;
	v11 =	vunpack.i.u.bf16.f32 v1;
	v3 =	vmul.f32 $-5.338888760e-01, v6;
	v10 =	vld [tilespmem:s15+$0xFFFFFFE0]  }
0x2a7: {  	v6 =	vunpack.i.l.bf16.f32 v7;
	v1 =	vmul.f32 $-5.338888760e-01, v41;
	v41 =	vunpack.i.l.bf16.f32 v60;
	v62 =	vpop (erf)  }
0x2a8: {  	v6 =	vmul.f32 v41, v6;
	v41 =	vmul.f32 v62, v14  }
0x2a9: {  	v24 =	vunpack.i.u.bf16.f32 v22;
	v22 =	vunpack.i.u.bf16.f32 v5;
	v9 =	vadd.f32 v12, v9;
	[tilespmem:$0x1FEC0] =	vst v11;
	v11 =	vpop (erf)  }
0x2aa: {  	[tilespmem:$0x1FE80] =	vst v13;
	v8 =	vmul.f32 $-5.338888760e-01, v8;
	v13 =	vmul.f32 v11, v15;
	v6 =	vadd.f32 v6, v41  }
0x2ab: {  	v19 =	vmovc v17;
	v17 =	vld [tilespmem:$0x1FF60];
	v0 =	vmul.f32 $1.442695020e+00, v0;
	v12 =	vunpack.i.u.bf16.f32 v44;
	v63 =	vunpack.i.u.bf16.f32 v10  }
0x2ac: {  	v41 =	vunpack.i.l.bf16.f32 v5;
	v5 =	vmul.f32 v12, v63;
	v63 =	vld [tilespmem:$0x1FF80];
	v6 =	vadd.f32 v6, v13  }
0x2ad: {  	v28 =	vmov v16;
	v16 =	vld [tilespmem:$0x1FF90];
	v9 =	vmul.f32 v9, v9;
	(erf) = vpow2.f32 v0  }
0x2ae: {  	v61, _, _ =	vpop (xrf2);
	v4 =	vmul.f32 $1.442695020e+00, v4;
	(xrf2) =	vadd.scan.msk.f32 $0xffff, v6;
	v6 =	vmul.f32 $1.442695020e+00, v8;
	v8 =	vunpack.i.u.bf16.f32 v60;
	v60 =	vld [tilespmem:$0x1FFC0]  }
0x2af: {  	v25 =	vmovc v18;
	v18 =	vld [tilespmem:$0x1FF70];
	v3 =	vmul.f32 $1.442695020e+00, v3;
	v10 =	vunpack.i.l.bf16.f32 v10;
	v0 =	vunpack.i.l.bf16.f32 v44  }
0x2b0: {  	v1 =	vmul.f32 $1.442695020e+00, v1;
	v0 =	vmul.f32 v0, v10  }
0x2b1: {  	v7 =	vunpack.i.u.bf16.f32 v7;
	(erf) = vpow2.f32 v4;
	v12 =	vmul.f32 v62, v63  }
0x2b2: {  	v59 =	vld [tilespmem:s18+$0x8600];
	v34 =	vsel vm2, v34, v31;
	v10 =	vmul.f32 v62, v17;
	v7 =	vmul.f32 v8, v7  }
0x2b3: {  	v5 =	vadd.f32 v12, v5;
	v12 =	vmul.f32 v11, v16;
	v8 =	vmul.f32 v62, v60;
	v62 =	vld [tilespmem:$0x1FFD0]  }
0x2b4: {  	v9 =	vmul.f32 $-5.338888760e-01, v9;
	v0 =	vadd.f32 v10, v0;
	v10 =	vmul.f32 v11, v18  }
0x2b5: {  	v4 =	vmul.f32 v24, v57;
	(erf) = vpow2.f32 v1;
	v5 =	vadd.f32 v5, v12  }
0x2b6: {  	v1 =	vmul.f32 v29, v58;
	v0 =	vadd.f32 v0, v10;
	v58 =	vpop (erf);
	(erf) = vpow2.f32 v6  }
0x2b7: {  	v52 =	vld [tilespmem:s18+$0x8650];
	v24 =	vunpack.i.u.bf16.f32 v59;
	v13 =	vbroadcast v40, $0xF;
	v10 =	vmul.f32 v58, v60;
	(xrf2) =	vadd.scan.msk.f32 $0xffff, v5  }
0x2b8: {  	v54 =	vld [tilespmem:s18+$0x8640];
	v5 =	vmul.f32 $1.442695020e+00, v9;
	v9 =	vadd.f32 v7, v8;
	(xrf2) =	vadd.scan.msk.f32 $0xffff, v0;
	v8 =	vmul.f32 v11, v62  }
0x2b9: {  	v29 =	vunpack.i.l.bf16.f32 v59;
	v59 =	vmul.f32 v58, v63;
	(erf) = vpow2.f32 v3  }
0x2ba: {  	v4 =	vadd.f32 v4, v10;
	v10 =	vmul.f32 $1.442695020e+00, v49;
	v12 =	vpop (erf);
	v57 =	vadd.f32 v9, v8  }
0x2bb: {  	v6 =	vadd.f32 v59, v48;
	v0 =	vmul.f32 v45, v2;
	v48 =	vmul.f32 v12, v63  }
0x2bc: {  	v40 =	vunpack.i.l.bf16.f32 v52;
	(erf) = vpow2.f32 v5;
	v5 =	vmul.f32 v50, v53;
	(xrf2) =	vadd.scan.msk.f32 $0xffff, v57  }
0x2bd: {  	v45 =	vunpack.i.u.bf16.f32 v54;
	v11 =	vmul.f32 $1.442695020e+00, v61;
	v9 =	vmul.f32 v58, v17  }
0x2be: {  	v49 =	vpop (erf);
	v50 =	vunpack.i.l.bf16.f32 v54;
	(erf) = vpow2.f32 v35;
	v61 =	vmul.f32 v12, v14  }
0x2bf: {  	v54 =	vpop (erf);
	v2 =	vadd.f32 v9, v33;
	v57 =	vmul.f32 v58, v14;
	v9 =	vmul.f32 v51, v56  }
0x2c0: {  	v46 =	vadd.f32 v48, v46;
	v8, _, _ =	vpop (xrf2);
	v58 =	vmul.f32 v12, v17;
	v17 =	vmul.f32 v49, v17  }
0x2c1: {  	v33 =	vunpack.i.u.bf16.f32 v52;
	v52 =	vmul.f32 v49, v63;
	v12 =	vmul.f32 v12, v60;
	v7, _, _ =	vpop (xrf2)  }
0x2c2: {  	v8 =	vmul.f32 $1.442695020e+00, v8;
	v3 =	vadd.f32 v55, v57;
	v57 =	vmul.f32 v54, v18;
	v59, _, _ =	vpop (xrf2)  }
0x2c3: {  	v1 =	vadd.f32 v1, v12;
	v12 =	vmul.f32 v49, v60;
	v63 =	vmul.f32 $1.442695020e+00, v59  }
0x2c4: {  	v51 =	vpop (erf);
	v35 =	vadd.f32 v58, v42;
	v8 =	vbroadcast v8, $0xF;
	v7 =	vmul.f32 $1.442695020e+00, v7  }
0x2c5: {  	v2 =	vadd.f32 v2, v57;
	v57 =	vmul.f32 v51, v16;
	v58 =	vbroadcast v63, $0xF  }
0x2c6: {  	v0 =	vadd.f32 v0, v61;
	v7 =	vbroadcast v7, $0xF;
	v63 =	vmul.f32 v51, v18;
	v59, _, _ =	vpop (xrf2)  }
0x2c7: {  	v43 =	vadd.f32 v17, v43;
	v53 =	vpop (erf);
	(erf) = vpow2.f32 v58;
	v17 =	vmul.f32 $1.442695020e+00, v59  }
0x2c8: {  	v47 =	vadd.f32 v52, v47;
	v56 =	vmul.f32 v53, v18;
	(erf) = vpow2.f32 v7  }
0x2c9: {  	v52 =	vpop (erf);
	v55 =	vadd.f32 v35, v63;
	(xrf2) =	vadd.scan.msk.f32 $0xffff, v2;
	(erf) = vpow2.f32 v8;
	v61 =	vbroadcast v17, $0xF  }
0x2ca: {  	v5 =	vadd.f32 v5, v12;
	v48 =	vsel vm2, v30, v52;
	v30 =	vmul.f32 v49, v14  }
0x2cb: {  	v12 =	vmul.f32 v51, v15;
	v14 =	vadd.f32 v43, v56;
	(xrf2) =	vadd.scan.msk.f32 $0xffff, v55;
	(erf) = vpow2.f32 v61  }
0x2cc: {  	v49 =	vmul.f32 v39, v26;
	v9 =	vadd.f32 v9, v30;
	v8 =	vsel vm3, v34, v32  }
0x2cd: {  	v30 =	vmul.f32 v51, v62;
	[tilespmem:s8+$0xB760] =	vst v8;
	v8 =	vmul.f32 v54, v16;
	(xrf2) =	vadd.scan.msk.f32 $0xffff, v14  }
0x2ce: {  	v58 =	vmul.f32 v53, v16;
	v59 =	vmul.f32 v54, v15  }
0x2cf: {  	v63 =	vmul.f32 v53, v15;
	v6 =	vadd.f32 v6, v8;
	v8 =	vmul.f32 v54, v62  }
0x2d0: {  	v53 =	vmul.f32 v53, v62;
	v43 =	vadd.f32 v1, v30;
	v2 =	vadd.f32 v3, v59;
	v7 =	vpop (erf)  }
0x2d1: {  	v26 =	vmul.f32 v38, v37;
	v54 =	vadd.f32 v47, v58;
	v3 =	vadd.f32 v4, v8;
	v8 =	vld [tilespmem:$0x1FE80];
	v47 =	vpop (erf)  }
0x2d2: {  	v51 =	vmul.f32 v31, v19;
	v35 =	vadd.f32 v9, v63;
	v30 =	vadd.f32 v5, v53;
	(xrf2) =	vadd.scan.msk.f32 $0xffff, v6;
	v42 =	vpop (erf)  }
0x2d3: {  	v59 =	vbroadcast v10, $0xF;
	v61 =	vadd.f32 v46, v57;
	v14 =	vnsel vm0, $0x0, v7;
	v58, _, _ =	vpop (xrf2)  }
0x2d4: {  	v27 =	vld [tilespmem:s18+$0x85F0];
	v46 =	vadd.f32 v0, v12;
	v56 =	vsel vm1, v14, v47;
	v34 =	vpop (erf);
	(erf) = vpow2.f32 v13  }
0x2d5: {  	v53 =	vld [tilespmem:$0x1FE90];
	(xrf2) =	vadd.scan.msk.f32 $0xffff, v61;
	v61 =	vbroadcast v11, $0xF;
	v57 =	vsel vm2, v56, v42;
	v1 =	vmul.f32 $1.442695020e+00, v58;
	v63, _, _ =	vpop (xrf2)  }
0x2d6: {  	v56 =	vmul.f32 v32, v36;
	v14 =	vmovc v8;
	v8 =	vmul.f32 $1.442695020e+00, v63;
	v0 =	vsel vm3, v57, v34;
	v57 =	vld [tilespmem:$0x1FEB0]  }
0x2d7: {  	s14 =	sadd.s32 $0x4, s14;
	v58 =	vld [tilespmem:$0x1FEC0];
	v55, _, _ =	vpop (xrf2);
	v63 =	vmul.f32 v52, v25;
	v1 =	vbroadcast v1, $0xF  }
0x2d8: {  	p0 =	slt.u32 s14, $0x4C;
	[tilespmem:s8+$0xB730] =	vst v49;
	(xrf2) =	vadd.scan.msk.f32 $0xffff, v54;
	v5 =	vmul.f32 $1.442695020e+00, v55;
	v54 =	vbroadcast v8, $0xF;
	v8 =	vld [tilespmem:$0x1FEA0]  }
.Ltmp7:
0x2d9: {  	v44 =	vunpack.i.u.bf16.f32 v27;
	[tilespmem:s8+$0xB740] =	vst v51;
	v25 =	vmul.f32 v7, v50;
	(erf) = vpow2.f32 v59;
	(pc) =	sbr.rel @p0 .LBB2_8-.Ltmp7, $4  }
0x2da: {  	v27 =	vunpack.i.l.bf16.f32 v27;
	v37 =	vmovc v44;
	v18 =	vmovc v41;
	[tilespmem:s8+$0xB750] =	vst v56;
	v59 =	vbroadcast v5, $0xF;
	(erf) = vpow2.f32 v1  }
0x2db: {  	v12 =	vld [tilespmem:$0x1FE50];
	v17 =	vmovc v53;
	(xrf2) =	vadd.scan.msk.f32 $0xffff, v2;
	[tilespmem:s18+$0xB850] =	vst v0;
	(erf) = vpow2.f32 v61;
	v0 =	vmul.f32 v57, v28  }
0x2dc: {  	v11 =	vld [tilespmem:$0x1FE60];
	[tilespmem:s8+$0xB790] =	vst v63;
	v16 =	vmov v58;
	v61, _, _ =	vpop (xrf2);
	(xrf2) =	vadd.scan.msk.f32 $0xffff, v3;
	(erf) = vpow2.f32 v54  }
0x2dd: {  	s17 =	sadd.s32 $0x500, s17;
	s15 =	sadd.s32 $0xC0, s15;
	v13 =	vld [tilespmem:$0x1FE70];
	v31 =	vmul.f32 $1.442695020e+00, v61;
	v36 =	vmov v8;
	(erf) = vpow2.f32 v59;
	[tilespmem:s8+$0xB780] =	vst v0;
	v28 =	vpop (erf)  }
0x2de: {  	_ =	sdelay $0x1  }
0x2df: {  	(xrf2) =	vadd.scan.msk.f32 $0xffff, v46;
	_ =	sdelay $0x1  }
0x2e0: {  	v3 =	vmul.f32 v47, v45;
	v0 =	vbroadcast v31, $0xF;
	v1, _, _ =	vpop (xrf2);
	(xrf2) =	vadd.scan.msk.f32 $0xffff, v43  }
0x2e1: {  	v47 =	vmul.f32 v34, v33;
	v1 =	vmul.f32 $1.442695020e+00, v1;
	v4, _, _ =	vpop (xrf2);
	(xrf2) =	vadd.scan.msk.f32 $0xffff, v35  }
0x2e2: {  	(erf) = vpow2.f32 v0;
	v2 =	vmul.f32 v28, v13;
	v6 =	vpop (erf)  }
0x2e3: {  	v1 =	vbroadcast v1, $0xF;
	v9 =	vmul.f32 $1.442695020e+00, v4;
	v5, _, _ =	vpop (xrf2);
	(xrf2) =	vadd.scan.msk.f32 $0xffff, v30  }
0x2e4: {  	v19 =	vsel vm3, v48, v28;
	v28 =	vmul.f32 v6, v12;
	v10 =	vmul.f32 $1.442695020e+00, v5;
	v13, _, _ =	vpop (xrf2)  }
0x2e5: {  	v0 =	vbroadcast v9, $0xF;
	v5 =	vmul.f32 $1.442695020e+00, v13  }
0x2e6: {  	[tilespmem:s8+$0xB7D0] =	vst v26;
	v7 =	vpop (erf);
	(erf) = vpow2.f32 v1;
	v15 =	vbroadcast v10, $0xF  }
0x2e7: {  	[tilespmem:s18+$0xB810] =	vst v25;
	v8 =	vpop (erf);
	(erf) = vpow2.f32 v0;
	v26 =	vbroadcast v5, $0xF  }
0x2e8: {  	[tilespmem:s8+$0xB7B0] =	vst v19;
	v38 =	vmul.f32 v7, v23;
	v30, _, _ =	vpop (xrf2);
	(erf) = vpow2.f32 v15  }
0x2e9: {  	[tilespmem:s18+$0xB820] =	vst v3;
	v32 =	vpop (erf);
	v1 =	vmul.f32 $1.442695020e+00, v30;
	(erf) = vpow2.f32 v26  }
0x2ea: {  	[tilespmem:s18+$0xB840] =	vst v47;
	v9 =	vmul.f32 v42, v40;
	v40 =	vmul.f32 v8, v11;
	v41, _, _ =	vpop (xrf2)  }
0x2eb: {  	v31 =	vsel vm2, v21, v6;
	[tilespmem:s8+$0xB7A0] =	vst v2;
	v4 =	vmul.f32 $1.442695020e+00, v41;
	v1 =	vbroadcast v1, $0xF;
	v43, _, _ =	vpop (xrf2)  }
0x2ec: {  	[tilespmem:s8+$0xB7E0] =	vst v28;
	v39 =	vsel vm3, v31, v8;
	v35 =	vpop (erf);
	v42 =	vmul.f32 v32, v20;
	v8 =	vmul.f32 $1.442695020e+00, v43  }
0x2ed: {  	[tilespmem:s8+$0xB800] =	vst v39;
	v4 =	vbroadcast v4, $0xF;
	(erf) = vpow2.f32 v1;
	v46, _, _ =	vpop (xrf2)  }
0x2ee: {  	[tilespmem:s18+$0xB720] =	vst v38;
	v44 =	vpop (erf);
	v8 =	vbroadcast v8, $0xF;
	v6 =	vmul.f32 $1.442695020e+00, v46  }
0x2ef: {  	[tilespmem:s8+$0xB7F0] =	vst v40;
	v45 =	vmul.f32 v35, v27;
	v10 =	vpop (erf);
	(erf) = vpow2.f32 v4  }
0x2f0: {  	[tilespmem:s18+$0xB830] =	vst v9;
	v48 =	vpop (erf);
	(erf) = vpow2.f32 v8;
	v6 =	vbroadcast v6, $0xF  }
0x2f1: {  	[tilespmem:s18+$0xB770] =	vst v42;
	v5 =	vmul.f32 v44, v14;
	v50 =	vpop (erf)  }
0x2f2: {  	v7 =	vnsel vm0, $0x0, v7;
	[tilespmem:s18+$0xB7C0] =	vst v45;
	v54 =	vmul.f32 v10, v16;
	v51 =	vpop (erf);
	(erf) = vpow2.f32 v6  }
0x2f3: {  	v49 =	vsel vm1, v7, v44;
	[tilespmem:s18+$0xB730] =	vst v5;
	v56 =	vmul.f32 v48, v37  }
0x2f4: {  	[tilespmem:s18+$0xB780] =	vst v54;
	v4 =	vsel vm2, v49, v50  }
0x2f5: {  	[tilespmem:s18+$0xB7D0] =	vst v56;
	v3 =	vmul.f32 v50, v17;
	v4 =	vsel vm3, v4, v51  }
0x2f6: {  	v2 =	vnsel vm0, $0x0, v32;
	v52 =	vmul.f32 v51, v36;
	[tilespmem:s18+$0xB760] =	vst v4;
	v53 =	vpop (erf)  }
0x2f7: {  	v2 =	vsel vm1, v2, v10;
	[tilespmem:s18+$0xB740] =	vst v3;
	v55 =	vmul.f32 v53, v18  }
0x2f8: {  	[tilespmem:s18+$0xB750] =	vst v52;
	v2 =	vsel vm2, v2, v53;
	v57 =	vpop (erf)  }
0x2f9: {  	v0 =	vnsel vm0, $0x0, v35;
	v2 =	vsel vm3, v2, v57;
	v4 =	vmul.f32 v57, v22;
	[tilespmem:s18+$0xB790] =	vst v55;
	v58 =	vpop (erf)  }
0x2fa: {  	v0 =	vsel vm1, v0, v48;
	[tilespmem:s18+$0xB7B0] =	vst v2;
	v59 =	vmul.f32 v58, v29  }
.Ltmp8:
0x2fb: {  	[tilespmem:s18+$0xB7A0] =	vst v4;
	v0 =	vsel vm2, v0, v58;
	v61 =	vpop (erf);
	(pc) =	sbr.rel .LBB2_10-.Ltmp8, $4  }
0x2fc: {  	s7 =	smul.u32 $0x140, s7;
	[tilespmem:s18+$0xB7E0] =	vst v59;
	v0 =	vsel vm3, v0, v61;
	v63 =	vmul.f32 v61, v24  }
0x2fd: {  	[tilespmem:s18+$0xB800] =	vst v0  }
0x2fe: {  	s7 =	sshra.s32 s7, $0x2;
	[tilespmem:s18+$0xB7F0] =	vst v63  }
0x2ff: {  	[spmem:s2] =	stream.indirect.scatter.add.f32 [tilespmem:s31], [sflag:$0x4], $0x50, s7, s21, $0xb8;
	[tilespmem:$0x1BB00] =	vst v63  }
.LBB2_12:
0x300: {  	_ =	sfence.sel $0x180000  }
0x301: {  	[bflag:$0x0] =	sbarrier.arrive $0xFFFF  }
0x302: {  	_ =	strace $0x90000047  }
0x303: {  	s0 =	stileid.u32;
	[bflag:$0x2] =	sbarrier.arrive $0xFFFF  }
0x304: {  	p0 =	sne.s32 s0, $0x0;
	s0 =	rddreg [dreg:$0x2]  }
0x305: {  	s0 =	sadd.s32 @!p0 $0x100000, s0  }
0x306: {  	[sflag:s0] =	ssyncadd.tile.s32 @!p0 $0x1;
	_ =	shalt  }
.Lfunc_end2:
_tile_overlayer_lowered:
.L_overlay_start_2:
0x307: {  	(tag) =	ssettag $0x2  }
0x308: {  	s0 =	rddreg [dreg:$0x0];
	s2 =	stileid.u32  }
0x309: {  	s1 =	rddreg [dreg:$0x1];
	p0 =	sne.s32 s2, $0x0  }
0x30a: {  	s3 =	rddreg [dreg:$0x2];
	[bflag:$0x3] =	sbarrier.arrive $0xFFFF;
	s2 =	simm.s32 @!p0 $0x1C05  }
0x30b: {  	[timem:s3], [sflag:s2] =	dma.local @!p0 [hbm:s0], s1  }
0x30c: {  	s0 =	simm.s32 @!p0 $0x5  }
0x30d: {  	_ =	swait.ge @!p0 [sflag:s0], s1  }
0x30e: {  	s1 =	ssub.s32 @!p0 $0x0, s1;
	[sflag:s0] =	ssyncset.done @!p0 $0x0  }
0x30f: {  	[sflag:s0] =	ssyncadd.s32 @!p0 s1  }
0x310: {  	[bflag:$0x3] =	sbarrier.arrive $0xFFFF  }
0x311: {  	_ =	shalt  }

</sc_bundles>
